<compile_context>
chip_gen: v7x
topology: tpu7x:2x2x1
jax: 0.10.2.dev20260603
libtpu: 0.0.44.dev20260713+nightly
codegen_flags: <defaults>
</compile_context>

<pallas_src>
import functools

import jax
import jax.numpy as jnp
from jax import lax
from jax.experimental import pallas as pl
from jax.experimental.pallas import tpu as pltpu
from jax.experimental.pallas import tpu_sc as plsc

N = 10000
E = 320000
D = 128
G = 16
NPAD = 10112
NC = 2
NS = 16
NW = NC * NS
EPT = 10112
E_PAD = NW * EPT
KC = 128
NCHUNK = EPT // KC
STRIPE = NPAD // NS
DW = 128

_MESH = dict(core_axis_name="c", subcore_axis_name="s",
             num_cores=NC, num_subcores=NS)


def _sc_deg_body(row_hbm, col_hbm, valid_hbm, zeros8_hbm, ones8_hbm,
                 degp_hbm, ceff_hbm,
                 row_v, col_v, vr, vc, ridx, ceff_v, ones_v, deg_sh, sem):
    c = lax.axis_index("c")
    s = lax.axis_index("s")
    wid = s * NC + c
    base = wid * EPT
    pltpu.sync_copy(zeros8_hbm.at[pl.ds(s * STRIPE, STRIPE)],
                    deg_sh.at[pl.ds(s * STRIPE, STRIPE)])
    pltpu.sync_copy(row_hbm.at[pl.ds(base, EPT)], row_v)
    pltpu.sync_copy(col_hbm.at[pl.ds(base, EPT)], col_v)
    pltpu.sync_copy(ones8_hbm, ones_v)
    plsc.subcore_barrier()

    lanes = lax.iota(jnp.int32, 16)

    def chunk(j, carry):
        pltpu.async_copy(valid_hbm.at[row_v.at[pl.ds(j * KC, KC)]], vr,
                         sem).wait()
        pltpu.async_copy(valid_hbm.at[col_v.at[pl.ds(j * KC, KC)]], vc,
                         sem).wait()

        def prep(i, carry2):
            off = j * KC + i * 16
            r16 = row_v[pl.ds(off, 16)]
            c16 = col_v[pl.ds(off, 16)]
            b16 = vr[pl.ds(i * 16, 16)]
            d16 = vc[pl.ds(i * 16, 16)]
            live = (r16 != c16) & (b16 > 0) & (d16 > 0)
            dummy = N + lanes + 16 * ((j + i) % 7)
            ridx[pl.ds(i * 16, 16)] = jnp.where(live, r16, dummy)
            ceff_v[pl.ds(off, 16)] = jnp.where(live, c16, dummy)
            return carry2

        lax.fori_loop(0, KC // 16, prep, 0)
        pltpu.sync_copy(ones_v, deg_sh.at[ridx], add=True)
        return carry

    lax.fori_loop(0, NCHUNK, chunk, 0)
    plsc.subcore_barrier()
    pltpu.sync_copy(deg_sh.at[pl.ds(s * STRIPE, STRIPE)],
                    degp_hbm.at[c, pl.ds(s * STRIPE, STRIPE)])
    pltpu.sync_copy(ceff_v, ceff_hbm.at[pl.ds(base, EPT)])


@functools.cache
def _sc_deg_kernel():
    return pl.kernel(
        _sc_deg_body,
        out_type=(jax.ShapeDtypeStruct((NC, NPAD, DW), jnp.float32),
                  jax.ShapeDtypeStruct((E_PAD,), jnp.int32)),
        mesh=plsc.VectorSubcoreMesh(**_MESH),
        scratch_types=[
            pltpu.VMEM((EPT,), jnp.int32),
            pltpu.VMEM((EPT,), jnp.int32),
            pltpu.VMEM((KC,), jnp.int32),
            pltpu.VMEM((KC,), jnp.int32),
            pltpu.VMEM((KC,), jnp.int32),
            pltpu.VMEM((EPT,), jnp.int32),
            pltpu.VMEM((KC, DW), jnp.float32),
            pltpu.VMEM_SHARED((NPAD, DW), jnp.float32),
            pltpu.SemaphoreType.DMA,
        ],
    )


def _sc_agg_body(y_hbm, row_hbm, ceff_hbm, zeros_hbm, zp_hbm,
                 row_v, ceff_v, cidx, gbuf, zsh, sem):
    c = lax.axis_index("c")
    s = lax.axis_index("s")
    wid = s * NC + c
    base = wid * EPT
    pltpu.sync_copy(zeros_hbm.at[pl.ds(s * STRIPE, STRIPE)],
                    zsh.at[pl.ds(s * STRIPE, STRIPE)])
    pltpu.sync_copy(row_hbm.at[pl.ds(base, EPT)], row_v)
    pltpu.sync_copy(ceff_hbm.at[pl.ds(base, EPT)], ceff_v)
    plsc.subcore_barrier()

    def chunk(j, carry):
        pltpu.async_copy(y_hbm.at[row_v.at[pl.ds(j * KC, KC)]], gbuf,
                         sem).wait()

        def cp(i, carry2):
            cidx[pl.ds(i * 16, 16)] = ceff_v[pl.ds(j * KC + i * 16, 16)]
            return carry2

        lax.fori_loop(0, KC // 16, cp, 0)
        pltpu.sync_copy(gbuf, zsh.at[cidx], add=True)
        return carry

    lax.fori_loop(0, NCHUNK, chunk, 0)
    plsc.subcore_barrier()
    pltpu.sync_copy(zsh.at[pl.ds(s * STRIPE, STRIPE)],
                    zp_hbm.at[c, pl.ds(s * STRIPE, STRIPE)])


@functools.cache
def _sc_agg_kernel():
    return pl.kernel(
        _sc_agg_body,
        out_type=jax.ShapeDtypeStruct((NC, NPAD, D), jnp.float32),
        mesh=plsc.VectorSubcoreMesh(**_MESH),
        scratch_types=[
            pltpu.VMEM((EPT,), jnp.int32),
            pltpu.VMEM((EPT,), jnp.int32),
            pltpu.VMEM((KC,), jnp.int32),
            pltpu.VMEM((KC, D), jnp.float32),
            pltpu.VMEM_SHARED((NPAD, D), jnp.float32),
            pltpu.SemaphoreType.DMA,
        ],
    )


def _tc_prep_body(x_ref, degr_ref, y_ref):
    deg = lax.transpose(degr_ref[...], (1, 0))
    dis = jnp.where(deg > 0.0, lax.rsqrt(deg), 0.0)
    y_ref[...] = x_ref[...] * dis


def _tc_prep(xp, deg_row):
    return pl.pallas_call(
        _tc_prep_body,
        out_shape=jax.ShapeDtypeStruct((NPAD, D), jnp.float32),
    )(xp, deg_row)


_BS = 128
_NB = NPAD // _BS


def _tc_select_body(x_ref, zp_ref, degr_ref, batch_ref, valid_ref, acc_ref,
                    nv_ref, out_ref, score_s):
    f32 = jnp.float32

    def ph1(b, carry):
        r0 = pl.multiple_of(b * _BS, _BS)
        xb = x_ref[pl.ds(r0, _BS), :]
        zb = zp_ref[0, pl.ds(r0, _BS), :] + zp_ref[1, pl.ds(r0, _BS), :]
        degb = lax.transpose(degr_ref[:, pl.ds(r0, _BS)], (1, 0))
        disb = jnp.where(degb > 0.0, lax.rsqrt(degb), 0.0)
        sb = jnp.sum(jnp.abs(xb - disb * zb), axis=1, keepdims=True)
        score_s[:, pl.ds(r0, _BS)] = lax.transpose(sb, (1, 0))
        return carry

    lax.fori_loop(0, _NB, ph1, 0)

    score = score_s[...]
    sbits = lax.bitcast_convert_type(score, jnp.int32)

    batch = batch_ref[...]
    vb = valid_ref[...] > 0
    gcol = lax.broadcasted_iota(jnp.int32, (G, 1), 0)
    Mi = (batch == gcol).astype(jnp.int32)
    Mf = Mi.astype(f32)
    vf = vb.astype(f32)
    vcnt = jnp.sum(Mf * vf, axis=1, keepdims=True)
    k = jnp.right_shift(vcnt.astype(jnp.int32) + 1, 1)
    kf = k.astype(f32)

    def rbody(t, prefix):
        bit = 30 - t
        cand = prefix | jnp.left_shift(jnp.int32(1), bit)
        candn = jnp.sum(Mi * cand, axis=0, keepdims=True)
        flag = (vb & (sbits >= candn)).astype(f32)
        cnt = jnp.sum(Mf * flag, axis=1, keepdims=True)
        return jnp.where(cnt >= kf, cand, prefix)

    thr = lax.fori_loop(0, 31, rbody, jnp.zeros((G, 1), jnp.int32))
    thrn = jnp.sum(Mi * thr, axis=0, keepdims=True)
    gt = vb & (sbits > thrn)
    cntgt = jnp.sum(Mf * gt.astype(f32), axis=1, keepdims=True)
    needed = kf - cntgt

    tie = vb & (sbits == thrn)
    tief = tie.astype(f32)
    cum = tief
    sh = 1
    while sh < NPAD:
        cum = cum + jnp.concatenate(
            [jnp.zeros((1, sh), f32), cum[:, :-sh]], axis=1)
        sh *= 2
    tgraph = jnp.sum(Mf * tief, axis=1, keepdims=True)
    tgrow = lax.transpose(tgraph, (1, 0))
    ic = lax.broadcasted_iota(jnp.int32, (G, G), 0)
    ir = lax.broadcasted_iota(jnp.int32, (G, G), 1)
    lower = jnp.where(ir < ic, 1.0, 0.0).astype(f32)
    offs = jnp.sum(lower * tgrow, axis=1, keepdims=True)
    offn = jnp.sum(Mf * offs, axis=0, keepdims=True)
    rank = cum - offn
    neededn = jnp.sum(Mf * needed, axis=0, keepdims=True)
    keep = vb & (gt | (tie & (rank <= neededn)))
    nv_ref[...] = keep.astype(jnp.int32)

    keepf = keep.astype(f32)
    Mv = Mf * keepf
    cnt = jnp.sum(Mv, axis=1, keepdims=True)
    sm = jnp.dot(Mv, x_ref[...], preferred_element_type=f32)

    def ph3(b, mx_c):
        r0 = pl.multiple_of(b * _BS, _BS)
        xb = x_ref[pl.ds(r0, _BS), :]
        kb = lax.transpose(nv_ref[:, pl.ds(r0, _BS)], (1, 0))
        bb = lax.transpose(
            batch_ref[:, pl.ds(r0, _BS)].astype(f32), (1, 0))
        mx_rows = []
        for g in range(G):
            mg = (kb > 0) & (bb == float(g))
            xm = jnp.where(mg, xb, -jnp.inf)
            mx_rows.append(jnp.max(xm, axis=0, keepdims=True))
        mx_b = jnp.concatenate(mx_rows, axis=0)
        return jnp.maximum(mx_c, mx_b)

    mx = lax.fori_loop(0, _NB, ph3, jnp.full((G, D), -jnp.inf, f32))
    mean = sm / jnp.maximum(cnt, 1.0)
    mx = jnp.where(cnt > 0.0, mx, 0.0)
    pooled = jnp.concatenate([mx, mean], axis=1)
    out_ref[...] = acc_ref[...] + jnp.maximum(pooled, 0.0)


def _tc_select(xp, zp, deg_row, batch_row, valid_row, acc):
    return pl.pallas_call(
        _tc_select_body,
        out_shape=[
            jax.ShapeDtypeStruct((1, NPAD), jnp.int32),
            jax.ShapeDtypeStruct((G, 2 * D), jnp.float32),
        ],
        scratch_shapes=[
            pltpu.VMEM((1, NPAD), jnp.float32),
        ],
    )(xp, zp, deg_row, batch_row, valid_row, acc)


def kernel(x, edge_index, batch):
    f32 = jnp.float32
    i32 = jnp.int32
    epad = jnp.zeros((E_PAD - E,), i32)
    row = jnp.concatenate([edge_index[0].astype(i32), epad])
    col = jnp.concatenate([edge_index[1].astype(i32), epad])
    xp = jnp.concatenate([x, jnp.zeros((NPAD - N, D), f32)], axis=0)
    bp = jnp.concatenate([batch.astype(i32), jnp.full((NPAD - N,), G, i32)])
    batch_row = bp[None, :]
    valid_flat = jnp.concatenate(
        [jnp.ones((N,), i32), jnp.zeros((NPAD - N,), i32)])
    zeros_nd = jnp.zeros((NPAD, D), f32)
    zeros8 = jnp.zeros((NPAD, DW), f32)
    ones8 = jnp.ones((KC, DW), f32)
    acc = jnp.zeros((G, 2 * D), f32)
    for _ in range(3):
        degp, ceff = _sc_deg_kernel()(row, col, valid_flat, zeros8, ones8)
        deg_row = (degp[0, :, 0] + degp[1, :, 0])[None, :]
        y = _tc_prep(xp, deg_row)
        zp = _sc_agg_kernel()(y, row, ceff, zeros_nd)
        nv_row, acc = _tc_select(xp, zp, deg_row, batch_row,
                                 valid_flat[None, :], acc)
        valid_flat = nv_row[0]
    return acc

# --- scband reference (transcript-rebuilt; emitter-appended) ---
"""Pipeline reference for scband-gpmodel-44375602102443 (READ-ONLY COPY).

The authoritative reference and input builder live on the scoring server;
editing this copy changes nothing except your own understanding.
"""

import jax, jax.numpy as jnp
import numpy as np

N_NODES = 10000
N_EDGES = 320000
D_FEAT = 128
N_GRAPHS = 16
RATIO = 0.5


def setup_inputs(seed: int = 0):
    key = jax.random.key(seed)
    k1, k2, k3 = jax.random.split(key, 3)
    x = jax.random.normal(k1, (N_NODES, D_FEAT), dtype=jnp.float32)
    edge_index = jax.random.randint(k2, (2, N_EDGES), 0, N_NODES, dtype=jnp.int32)
    b = jax.random.randint(k3, (N_NODES - N_GRAPHS,), 0, N_GRAPHS, dtype=jnp.int32)
    batch = jnp.sort(jnp.concatenate([jnp.arange(N_GRAPHS, dtype=jnp.int32), b]))
    return {"x": x, "edge_index": edge_index, "batch": batch}


def _node_info_score(x, row, col, ew):
    # NodeInformationScore: out = (I - D^-1/2 A D^-1/2) x (self loops removed, then
    # self loops re-added with weight 0 and expand_deg 1)
    num_nodes = x.shape[0]
    deg = jnp.zeros((num_nodes,), dtype=x.dtype).at[row].add(ew)
    dis = jnp.where(deg > 0, deg ** -0.5, 0.0)
    coef = -dis[row] * dis[col] * ew
    agg = jnp.zeros_like(x).at[col].add(coef[:, None] * x[row])
    return agg + x


def _topk_mask(score, batch, valid, ratio, num_graphs):
    # torch_geometric topk: per-graph, keep ceil(ratio * n_g) highest-score nodes
    n = score.shape[0]
    vcnt = jax.ops.segment_sum(valid.astype(score.dtype), batch, num_segments=num_graphs)
    k = jnp.ceil(ratio * vcnt).astype(jnp.int32)
    sort_score = jnp.where(valid, score, -jnp.inf)
    order = jnp.lexsort((-sort_score, batch))
    bsort = batch[order]
    total = jax.ops.segment_sum(jnp.ones((n,), dtype=jnp.int32), batch, num_segments=num_graphs)
    start = jnp.concatenate(
        [jnp.zeros((1,), dtype=jnp.int32), jnp.cumsum(total)[:-1].astype(jnp.int32)]
    )
    rank = jnp.arange(n, dtype=jnp.int32) - start[bsort]
    keep_sorted = valid[order] & (rank < k[bsort])
    return jnp.zeros((n,), dtype=bool).at[order].set(keep_sorted)


def _pool(x, edge_index, batch, valid, emask, ratio, num_graphs):
    # HGPSLPool forward with sample=True, sparse=True, sl=False:
    # score = sum(|info_score|, dim=1); perm = topk(score, ratio, batch);
    # node selection kept as a fixed-shape validity mask; edges kept as an
    # induced-subgraph edge mask (filter_adj equivalent)
    row, col = edge_index[0], edge_index[1]
    ew = (emask & (row != col) & valid[row] & valid[col]).astype(x.dtype)
    info = _node_info_score(x, row, col, ew)
    score = jnp.sum(jnp.abs(info), axis=1)
    new_valid = _topk_mask(score, batch, valid, ratio, num_graphs)
    new_emask = emask & new_valid[row] & new_valid[col]
    return new_valid, new_emask


def _gmp_gap(x, batch, valid, num_graphs):
    # torch.cat([global_max_pool, global_mean_pool], dim=1)
    ones = valid.astype(x.dtype)
    cnt = jax.ops.segment_sum(ones, batch, num_segments=num_graphs)
    sm = jax.ops.segment_sum(x * ones[:, None], batch, num_segments=num_graphs)
    mean = sm / jnp.maximum(cnt, 1.0)[:, None]
    xm = jnp.where(valid[:, None], x, -jnp.inf)
    mx = jax.ops.segment_max(xm, batch, num_segments=num_graphs)
    mx = jnp.where(cnt[:, None] > 0, mx, 0.0)
    return jnp.concatenate([mx, mean], axis=1)


def reference(x, edge_index, batch):
    num_graphs = N_GRAPHS
    valid = jnp.ones((x.shape[0],), dtype=bool)
    emask = jnp.ones((edge_index.shape[1],), dtype=bool)
    outs = []
    for _ in range(3):
        valid, emask = _pool(x, edge_index, batch, valid, emask, RATIO, num_graphs)
        outs.append(_gmp_gap(x, batch, valid, num_graphs))
    return jax.nn.relu(outs[0]) + jax.nn.relu(outs[1]) + jax.nn.relu(outs[2])

if __name__ == "__main__":
    import jax
    _d = setup_inputs()
    print(jax.jit(kernel)(*tuple(_d.values())))

</pallas_src>

<mosaic_0001>
#map = affine_map<(d0, d1) -> (0, 0)>
#map1 = affine_map<(d0, d1) -> (0)>
#map2 = affine_map<(d0, d1) -> (0, 0, 0)>
module attributes {stable_mosaic.version = 14 : i64} {
  func.func @_sc_agg_body(%arg0: i32, %arg1: i32, %arg2: memref<10112x128xf32, #tpu.memory_space<hbm>>, %arg3: memref<323584xi32, #tpu.memory_space<hbm>>, %arg4: memref<323584xi32, #tpu.memory_space<hbm>>, %arg5: memref<10112x128xf32, #tpu.memory_space<hbm>>, %arg6: memref<2x10112x128xf32, #tpu.memory_space<hbm>>, %arg7: memref<10112xi32, #tpu.memory_space<vmem>>, %arg8: memref<10112xi32, #tpu.memory_space<vmem>>, %arg9: memref<128xi32, #tpu.memory_space<vmem>>, %arg10: memref<128x128xf32, #tpu.memory_space<vmem>>, %arg11: memref<10112x128xf32, #tpu.memory_space<vmem_shared>>, %arg12: memref<!tpu.dma_semaphore, #tpu.memory_space<semaphore_mem>>) attributes {dimension_semantics = [#tpu.dimension_semantics<core_parallel>, #tpu.dimension_semantics<subcore_parallel>], iteration_bounds = array<i64: 2, 16>, scalar_prefetch = 0 : i64, scratch_operands = 6 : i64, tpu.core_type = #tpu.core_type<sc_vector_subcore>, window_params = [{transform_indices = #map}, {transform_indices = #map1}, {transform_indices = #map1}, {transform_indices = #map}, {transform_indices = #map2}]} {
    %mul3A = arith.constant 2 : i32
    %mul3A_0 = arith.muli %arg1, %mul3A : i32
    %add3A = arith.addi %mul3A_0, %arg0 : i32
    %mul3A_1 = arith.constant 10112 : i32
    %mul3A_2 = arith.muli %add3A, %mul3A_1 : i32
    %mul3A_3 = arith.constant 632 : i32
    %mul3A_4 = arith.muli %arg1, %mul3A_3 : i32
    %mul3A_5 = arith.constant 632 : i32
    %mul3A_6 = arith.muli %arg1, %mul3A_5 : i32
    "tpu.region"() ({
      %run_scoped3A = tpu.sem_alloc : memref<!tpu.dma_semaphore, #tpu.memory_space<semaphore_mem>>
      %dma_start3A = arith.constant 0 : i32
      %dma_start3A_17 = tpu.memref_slice %arg11[%mul3A_6, %dma_start3A] : memref<10112x128xf32, #tpu.memory_space<vmem_shared>> -> memref<632x128xf32, #tpu.memory_space<vmem_shared>>
      %dma_start3A_18 = arith.constant 0 : i32
      %dma_start3A_19 = tpu.memref_slice %arg5[%mul3A_4, %dma_start3A_18] : memref<10112x128xf32, #tpu.memory_space<hbm>> -> memref<632x128xf32, #tpu.memory_space<hbm>>
      tpu.enqueue_dma source(%dma_start3A_19 : memref<632x128xf32, #tpu.memory_space<hbm>>) target(%dma_start3A_17 : memref<632x128xf32, #tpu.memory_space<vmem_shared>>) target_semaphore(%run_scoped3A : memref<!tpu.dma_semaphore, #tpu.memory_space<semaphore_mem>>)
      %dma_wait3A = arith.constant 0 : i32
      %dma_wait3A_20 = tpu.memref_slice %arg11[%mul3A_6, %dma_wait3A] : memref<10112x128xf32, #tpu.memory_space<vmem_shared>> -> memref<632x128xf32, #tpu.memory_space<vmem_shared>>
      %dma_wait3A_21 = arith.constant 0 : i32
      %dma_wait3A_22 = tpu.memref_slice %arg5[%mul3A_4, %dma_wait3A_21] : memref<10112x128xf32, #tpu.memory_space<hbm>> -> memref<632x128xf32, #tpu.memory_space<hbm>>
      tpu.wait_dma2 semaphore(%run_scoped3A : memref<!tpu.dma_semaphore, #tpu.memory_space<semaphore_mem>>) src(%dma_wait3A_22 : memref<632x128xf32, #tpu.memory_space<hbm>>) dst(%dma_wait3A_20 : memref<632x128xf32, #tpu.memory_space<vmem_shared>>)
      tpu.yield
    }) : () -> ()
    "tpu.region"() ({
      %run_scoped3A = tpu.sem_alloc : memref<!tpu.dma_semaphore, #tpu.memory_space<semaphore_mem>>
      %dma_start3A = tpu.memref_slice %arg3[%mul3A_2] : memref<323584xi32, #tpu.memory_space<hbm>> -> memref<10112xi32, #tpu.memory_space<hbm>>
      %dma_start3A_17 = tpu.memref_slice %arg3[%mul3A_2] : memref<323584xi32, #tpu.memory_space<hbm>> -> memref<10112xi32, #tpu.memory_space<hbm>>
      tpu.enqueue_dma source(%dma_start3A_17 : memref<10112xi32, #tpu.memory_space<hbm>>) target(%arg7 : memref<10112xi32, #tpu.memory_space<vmem>>) target_semaphore(%run_scoped3A : memref<!tpu.dma_semaphore, #tpu.memory_space<semaphore_mem>>)
      %dma_wait3A = tpu.memref_slice %arg3[%mul3A_2] : memref<323584xi32, #tpu.memory_space<hbm>> -> memref<10112xi32, #tpu.memory_space<hbm>>
      %dma_wait3A_18 = tpu.memref_slice %arg3[%mul3A_2] : memref<323584xi32, #tpu.memory_space<hbm>> -> memref<10112xi32, #tpu.memory_space<hbm>>
      tpu.wait_dma2 semaphore(%run_scoped3A : memref<!tpu.dma_semaphore, #tpu.memory_space<semaphore_mem>>) src(%dma_wait3A_18 : memref<10112xi32, #tpu.memory_space<hbm>>) dst(%arg7 : memref<10112xi32, #tpu.memory_space<vmem>>)
      tpu.yield
    }) : () -> ()
    "tpu.region"() ({
      %run_scoped3A = tpu.sem_alloc : memref<!tpu.dma_semaphore, #tpu.memory_space<semaphore_mem>>
      %dma_start3A = tpu.memref_slice %arg4[%mul3A_2] : memref<323584xi32, #tpu.memory_space<hbm>> -> memref<10112xi32, #tpu.memory_space<hbm>>
      %dma_start3A_17 = tpu.memref_slice %arg4[%mul3A_2] : memref<323584xi32, #tpu.memory_space<hbm>> -> memref<10112xi32, #tpu.memory_space<hbm>>
      tpu.enqueue_dma source(%dma_start3A_17 : memref<10112xi32, #tpu.memory_space<hbm>>) target(%arg8 : memref<10112xi32, #tpu.memory_space<vmem>>) target_semaphore(%run_scoped3A : memref<!tpu.dma_semaphore, #tpu.memory_space<semaphore_mem>>)
      %dma_wait3A = tpu.memref_slice %arg4[%mul3A_2] : memref<323584xi32, #tpu.memory_space<hbm>> -> memref<10112xi32, #tpu.memory_space<hbm>>
      %dma_wait3A_18 = tpu.memref_slice %arg4[%mul3A_2] : memref<323584xi32, #tpu.memory_space<hbm>> -> memref<10112xi32, #tpu.memory_space<hbm>>
      tpu.wait_dma2 semaphore(%run_scoped3A : memref<!tpu.dma_semaphore, #tpu.memory_space<semaphore_mem>>) src(%dma_wait3A_18 : memref<10112xi32, #tpu.memory_space<hbm>>) dst(%arg8 : memref<10112xi32, #tpu.memory_space<vmem>>)
      tpu.yield
    }) : () -> ()
    %barrier3A = arith.constant 0 : index
    tpu.barrier barrier_id(%barrier3A)
    %scan3A = arith.constant 0 : i32
    %scan3A_7 = arith.constant 0 : i32
    %scan3A_8 = arith.constant 79 : i32
    %scan3A_9 = arith.addi %scan3A_7, %scan3A_8 : i32
    %scan3A_10 = arith.constant 1 : i32
    scf.for %scan3A_17 = %scan3A_7 to %scan3A_9 step %scan3A_10  : i32 {
      %mul3A_18 = arith.constant 128 : i32
      %mul3A_19 = arith.muli %scan3A_17, %mul3A_18 : i32
      %dma_start3A = tpu.memref_slice %arg7[%mul3A_19] : memref<10112xi32, #tpu.memory_space<vmem>> -> memref<128xi32, #tpu.memory_space<vmem>>
      %dma_start3A_20 = arith.constant 0 : i32
      %dma_start3A_21 = arith.constant 0 : i32
      %dma_start3A_22 = tpu.memref_slice %arg2[%dma_start3A_20, %dma_start3A_21] : memref<10112x128xf32, #tpu.memory_space<hbm>> -> memref<10112x128xf32, #tpu.memory_space<hbm>>
      tpu.enqueue_indirect_dma source(%dma_start3A_22 : memref<10112x128xf32, #tpu.memory_space<hbm>>) target(%arg10 : memref<128x128xf32, #tpu.memory_space<vmem>>) offsets(%dma_start3A : memref<128xi32, #tpu.memory_space<vmem>>) semaphore(%arg12 : memref<!tpu.dma_semaphore, #tpu.memory_space<semaphore_mem>>)
      %dma_wait3A = tpu.memref_slice %arg7[%mul3A_19] : memref<10112xi32, #tpu.memory_space<vmem>> -> memref<128xi32, #tpu.memory_space<vmem>>
      %dma_wait3A_23 = arith.constant 0 : i32
      %dma_wait3A_24 = arith.constant 0 : i32
      %dma_wait3A_25 = tpu.memref_slice %arg2[%dma_wait3A_23, %dma_wait3A_24] : memref<10112x128xf32, #tpu.memory_space<hbm>> -> memref<10112x128xf32, #tpu.memory_space<hbm>>
      tpu.wait_indirect_dma semaphore(%arg12 : memref<!tpu.dma_semaphore, #tpu.memory_space<semaphore_mem>>) src(%dma_wait3A_25 : memref<10112x128xf32, #tpu.memory_space<hbm>>) dst(%arg10 : memref<128x128xf32, #tpu.memory_space<vmem>>)
      %scan3A_26 = arith.constant 0 : i32
      %scan3A_27 = arith.constant 0 : i32
      %scan3A_28 = arith.constant 8 : i32
      %scan3A_29 = arith.addi %scan3A_27, %scan3A_28 : i32
      %scan3A_30 = arith.constant 1 : i32
      scf.for %scan3A_32 = %scan3A_27 to %scan3A_29 step %scan3A_30  : i32 {
        %mul3A_33 = arith.constant 128 : i32
        %mul3A_34 = arith.muli %scan3A_17, %mul3A_33 : i32
        %mul3A_35 = arith.constant 16 : i32
        %mul3A_36 = arith.muli %scan3A_32, %mul3A_35 : i32
        %add3A_37 = arith.addi %mul3A_34, %mul3A_36 : i32
        %get3A = arith.index_cast %add3A_37 : i32 to index
        %get3A_38 = tpu.vector_load %arg8[%get3A] {strides = array<i32>} : memref<10112xi32, #tpu.memory_space<vmem>>, vector<16xi32>,
        %get3A_39 = vector.shape_cast %get3A_38 : vector<16xi32> to vector<16xi32>
        %mul3A_40 = arith.constant 16 : i32
        %mul3A_41 = arith.muli %scan3A_32, %mul3A_40 : i32
        %swap3A = arith.index_cast %mul3A_41 : i32 to index
        %swap3A_42 = tpu.vector_load %arg9[%swap3A] {strides = array<i32>} : memref<128xi32, #tpu.memory_space<vmem>>, vector<16xi32>,
        %swap3A_43 = vector.shape_cast %swap3A_42 : vector<16xi32> to vector<16xi32>
        %swap3A_44 = vector.shape_cast %get3A_39 : vector<16xi32> to vector<16xi32>
        tpu.vector_store %arg9[%swap3A], %swap3A_44 {strides = array<i32>} : memref<128xi32, #tpu.memory_space<vmem>>, vector<16xi32>,
      }
      %scan3A_31 = arith.constant 8 : i32
      "tpu.region"() ({
        %run_scoped3A = tpu.sem_alloc : memref<!tpu.dma_semaphore, #tpu.memory_space<semaphore_mem>>
        %dma_start3A_32 = arith.constant 0 : i32
        %dma_start3A_33 = arith.constant 0 : i32
        %dma_start3A_34 = tpu.memref_slice %arg11[%dma_start3A_32, %dma_start3A_33] : memref<10112x128xf32, #tpu.memory_space<vmem_shared>> -> memref<10112x128xf32, #tpu.memory_space<vmem_shared>>
        tpu.enqueue_indirect_dma source(%arg10 : memref<128x128xf32, #tpu.memory_space<vmem>>) target(%dma_start3A_34 : memref<10112x128xf32, #tpu.memory_space<vmem_shared>>) offsets(%arg9 : memref<128xi32, #tpu.memory_space<vmem>>) semaphore(%run_scoped3A : memref<!tpu.dma_semaphore, #tpu.memory_space<semaphore_mem>>) {add = true}
        %dma_wait3A_35 = arith.constant 0 : i32
        %dma_wait3A_36 = arith.constant 0 : i32
        %dma_wait3A_37 = tpu.memref_slice %arg11[%dma_wait3A_35, %dma_wait3A_36] : memref<10112x128xf32, #tpu.memory_space<vmem_shared>> -> memref<10112x128xf32, #tpu.memory_space<vmem_shared>>
        tpu.wait_indirect_dma semaphore(%run_scoped3A : memref<!tpu.dma_semaphore, #tpu.memory_space<semaphore_mem>>) src(%arg10 : memref<128x128xf32, #tpu.memory_space<vmem>>) dst(%dma_wait3A_37 : memref<10112x128xf32, #tpu.memory_space<vmem_shared>>)
        tpu.yield
      }) : () -> ()
    }
    %scan3A_11 = arith.constant 79 : i32
    %barrier3A_12 = arith.constant 0 : index
    tpu.barrier barrier_id(%barrier3A_12)
    %mul3A_13 = arith.constant 632 : i32
    %mul3A_14 = arith.muli %arg1, %mul3A_13 : i32
    %mul3A_15 = arith.constant 632 : i32
    %mul3A_16 = arith.muli %arg1, %mul3A_15 : i32
    "tpu.region"() ({
      %run_scoped3A = tpu.sem_alloc : memref<!tpu.dma_semaphore, #tpu.memory_space<semaphore_mem>>
      %dma_start3A = arith.constant 0 : i32
      %dma_start3A_17 = tpu.memref_slice %arg6[%arg0, %mul3A_16, %dma_start3A] : memref<2x10112x128xf32, #tpu.memory_space<hbm>> -> memref<1x632x128xf32, #tpu.memory_space<hbm>>
      %dma_start3A_18 = tpu.memref_squeeze %dma_start3A_17 : memref<1x632x128xf32, #tpu.memory_space<hbm>> -> memref<632x128xf32, #tpu.memory_space<hbm>>
      %dma_start3A_19 = arith.constant 0 : i32
      %dma_start3A_20 = tpu.memref_slice %arg11[%mul3A_14, %dma_start3A_19] : memref<10112x128xf32, #tpu.memory_space<vmem_shared>> -> memref<632x128xf32, #tpu.memory_space<vmem_shared>>
      tpu.enqueue_dma source(%dma_start3A_20 : memref<632x128xf32, #tpu.memory_space<vmem_shared>>) target(%dma_start3A_18 : memref<632x128xf32, #tpu.memory_space<hbm>>) target_semaphore(%run_scoped3A : memref<!tpu.dma_semaphore, #tpu.memory_space<semaphore_mem>>)
      %dma_wait3A = arith.constant 0 : i32
      %dma_wait3A_21 = tpu.memref_slice %arg6[%arg0, %mul3A_16, %dma_wait3A] : memref<2x10112x128xf32, #tpu.memory_space<hbm>> -> memref<1x632x128xf32, #tpu.memory_space<hbm>>
      %dma_wait3A_22 = tpu.memref_squeeze %dma_wait3A_21 : memref<1x632x128xf32, #tpu.memory_space<hbm>> -> memref<632x128xf32, #tpu.memory_space<hbm>>
      %dma_wait3A_23 = arith.constant 0 : i32
      %dma_wait3A_24 = tpu.memref_slice %arg11[%mul3A_14, %dma_wait3A_23] : memref<10112x128xf32, #tpu.memory_space<vmem_shared>> -> memref<632x128xf32, #tpu.memory_space<vmem_shared>>
      tpu.wait_dma2 semaphore(%run_scoped3A : memref<!tpu.dma_semaphore, #tpu.memory_space<semaphore_mem>>) src(%dma_wait3A_24 : memref<632x128xf32, #tpu.memory_space<vmem_shared>>) dst(%dma_wait3A_22 : memref<632x128xf32, #tpu.memory_space<hbm>>)
      tpu.yield
    }) : () -> ()
    return
  }
}

#map = affine_map<(d0, d1) -> (0, 0)>
#map1 = affine_map<(d0, d1) -> (0)>
#map2 = affine_map<(d0, d1) -> (0, 0, 0)>
module attributes {stable_mosaic.version = 14 : i64} {
  func.func @_sc_agg_body(%arg0: i32, %arg1: i32, %arg2: memref<10112x128xf32, #tpu.memory_space<hbm>>, %arg3: memref<323584xi32, #tpu.memory_space<hbm>>, %arg4: memref<323584xi32, #tpu.memory_space<hbm>>, %arg5: memref<10112x128xf32, #tpu.memory_space<hbm>>, %arg6: memref<2x10112x128xf32, #tpu.memory_space<hbm>>, %arg7: memref<10112xi32, #tpu.memory_space<vmem>>, %arg8: memref<10112xi32, #tpu.memory_space<vmem>>, %arg9: memref<128xi32, #tpu.memory_space<vmem>>, %arg10: memref<128x128xf32, #tpu.memory_space<vmem>>, %arg11: memref<10112x128xf32, #tpu.memory_space<vmem_shared>>, %arg12: memref<!tpu.dma_semaphore, #tpu.memory_space<semaphore_mem>>) attributes {dimension_semantics = [#tpu.dimension_semantics<core_parallel>, #tpu.dimension_semantics<subcore_parallel>], iteration_bounds = array<i64: 2, 16>, scalar_prefetch = 0 : i64, scratch_operands = 6 : i64, tpu.core_type = #tpu.core_type<sc_vector_subcore>, window_params = [{transform_indices = #map}, {transform_indices = #map1}, {transform_indices = #map1}, {transform_indices = #map}, {transform_indices = #map2}]} {
    %mul3A = arith.constant 2 : i32
    %mul3A_0 = arith.muli %arg1, %mul3A : i32
    %add3A = arith.addi %mul3A_0, %arg0 : i32
    %mul3A_1 = arith.constant 10112 : i32
    %mul3A_2 = arith.muli %add3A, %mul3A_1 : i32
    %mul3A_3 = arith.constant 632 : i32
    %mul3A_4 = arith.muli %arg1, %mul3A_3 : i32
    %mul3A_5 = arith.constant 632 : i32
    %mul3A_6 = arith.muli %arg1, %mul3A_5 : i32
    "tpu.region"() ({
      %run_scoped3A = tpu.sem_alloc : memref<!tpu.dma_semaphore, #tpu.memory_space<semaphore_mem>>
      %dma_start3A = arith.constant 0 : i32
      %dma_start3A_17 = tpu.memref_slice %arg11[%mul3A_6, %dma_start3A] : memref<10112x128xf32, #tpu.memory_space<vmem_shared>> -> memref<632x128xf32, #tpu.memory_space<vmem_shared>>
      %dma_start3A_18 = arith.constant 0 : i32
      %dma_start3A_19 = tpu.memref_slice %arg5[%mul3A_4, %dma_start3A_18] : memref<10112x128xf32, #tpu.memory_space<hbm>> -> memref<632x128xf32, #tpu.memory_space<hbm>>
      tpu.enqueue_dma source(%dma_start3A_19 : memref<632x128xf32, #tpu.memory_space<hbm>>) target(%dma_start3A_17 : memref<632x128xf32, #tpu.memory_space<vmem_shared>>) target_semaphore(%run_scoped3A : memref<!tpu.dma_semaphore, #tpu.memory_space<semaphore_mem>>)
      %dma_wait3A = arith.constant 0 : i32
      %dma_wait3A_20 = tpu.memref_slice %arg11[%mul3A_6, %dma_wait3A] : memref<10112x128xf32, #tpu.memory_space<vmem_shared>> -> memref<632x128xf32, #tpu.memory_space<vmem_shared>>
      %dma_wait3A_21 = arith.constant 0 : i32
      %dma_wait3A_22 = tpu.memref_slice %arg5[%mul3A_4, %dma_wait3A_21] : memref<10112x128xf32, #tpu.memory_space<hbm>> -> memref<632x128xf32, #tpu.memory_space<hbm>>
      tpu.wait_dma2 semaphore(%run_scoped3A : memref<!tpu.dma_semaphore, #tpu.memory_space<semaphore_mem>>) src(%dma_wait3A_22 : memref<632x128xf32, #tpu.memory_space<hbm>>) dst(%dma_wait3A_20 : memref<632x128xf32, #tpu.memory_space<vmem_shared>>)
      tpu.yield
    }) : () -> ()
    "tpu.region"() ({
      %run_scoped3A = tpu.sem_alloc : memref<!tpu.dma_semaphore, #tpu.memory_space<semaphore_mem>>
      %dma_start3A = tpu.memref_slice %arg3[%mul3A_2] : memref<323584xi32, #tpu.memory_space<hbm>> -> memref<10112xi32, #tpu.memory_space<hbm>>
      %dma_start3A_17 = tpu.memref_slice %arg3[%mul3A_2] : memref<323584xi32, #tpu.memory_space<hbm>> -> memref<10112xi32, #tpu.memory_space<hbm>>
      tpu.enqueue_dma source(%dma_start3A_17 : memref<10112xi32, #tpu.memory_space<hbm>>) target(%arg7 : memref<10112xi32, #tpu.memory_space<vmem>>) target_semaphore(%run_scoped3A : memref<!tpu.dma_semaphore, #tpu.memory_space<semaphore_mem>>)
      %dma_wait3A = tpu.memref_slice %arg3[%mul3A_2] : memref<323584xi32, #tpu.memory_space<hbm>> -> memref<10112xi32, #tpu.memory_space<hbm>>
      %dma_wait3A_18 = tpu.memref_slice %arg3[%mul3A_2] : memref<323584xi32, #tpu.memory_space<hbm>> -> memref<10112xi32, #tpu.memory_space<hbm>>
      tpu.wait_dma2 semaphore(%run_scoped3A : memref<!tpu.dma_semaphore, #tpu.memory_space<semaphore_mem>>) src(%dma_wait3A_18 : memref<10112xi32, #tpu.memory_space<hbm>>) dst(%arg7 : memref<10112xi32, #tpu.memory_space<vmem>>)
      tpu.yield
    }) : () -> ()
    "tpu.region"() ({
      %run_scoped3A = tpu.sem_alloc : memref<!tpu.dma_semaphore, #tpu.memory_space<semaphore_mem>>
      %dma_start3A = tpu.memref_slice %arg4[%mul3A_2] : memref<323584xi32, #tpu.memory_space<hbm>> -> memref<10112xi32, #tpu.memory_space<hbm>>
      %dma_start3A_17 = tpu.memref_slice %arg4[%mul3A_2] : memref<323584xi32, #tpu.memory_space<hbm>> -> memref<10112xi32, #tpu.memory_space<hbm>>
      tpu.enqueue_dma source(%dma_start3A_17 : memref<10112xi32, #tpu.memory_space<hbm>>) target(%arg8 : memref<10112xi32, #tpu.memory_space<vmem>>) target_semaphore(%run_scoped3A : memref<!tpu.dma_semaphore, #tpu.memory_space<semaphore_mem>>)
      %dma_wait3A = tpu.memref_slice %arg4[%mul3A_2] : memref<323584xi32, #tpu.memory_space<hbm>> -> memref<10112xi32, #tpu.memory_space<hbm>>
      %dma_wait3A_18 = tpu.memref_slice %arg4[%mul3A_2] : memref<323584xi32, #tpu.memory_space<hbm>> -> memref<10112xi32, #tpu.memory_space<hbm>>
      tpu.wait_dma2 semaphore(%run_scoped3A : memref<!tpu.dma_semaphore, #tpu.memory_space<semaphore_mem>>) src(%dma_wait3A_18 : memref<10112xi32, #tpu.memory_space<hbm>>) dst(%arg8 : memref<10112xi32, #tpu.memory_space<vmem>>)
      tpu.yield
    }) : () -> ()
    %barrier3A = arith.constant 0 : index
    tpu.barrier barrier_id(%barrier3A)
    %scan3A = arith.constant 0 : i32
    %scan3A_7 = arith.constant 0 : i32
    %scan3A_8 = arith.constant 79 : i32
    %scan3A_9 = arith.addi %scan3A_7, %scan3A_8 : i32
    %scan3A_10 = arith.constant 1 : i32
    scf.for %scan3A_17 = %scan3A_7 to %scan3A_9 step %scan3A_10  : i32 {
      %mul3A_18 = arith.constant 128 : i32
      %mul3A_19 = arith.muli %scan3A_17, %mul3A_18 : i32
      %dma_start3A = tpu.memref_slice %arg7[%mul3A_19] : memref<10112xi32, #tpu.memory_space<vmem>> -> memref<128xi32, #tpu.memory_space<vmem>>
      %dma_start3A_20 = arith.constant 0 : i32
      %dma_start3A_21 = arith.constant 0 : i32
      %dma_start3A_22 = tpu.memref_slice %arg2[%dma_start3A_20, %dma_start3A_21] : memref<10112x128xf32, #tpu.memory_space<hbm>> -> memref<10112x128xf32, #tpu.memory_space<hbm>>
      tpu.enqueue_indirect_dma source(%dma_start3A_22 : memref<10112x128xf32, #tpu.memory_space<hbm>>) target(%arg10 : memref<128x128xf32, #tpu.memory_space<vmem>>) offsets(%dma_start3A : memref<128xi32, #tpu.memory_space<vmem>>) semaphore(%arg12 : memref<!tpu.dma_semaphore, #tpu.memory_space<semaphore_mem>>)
      %dma_wait3A = tpu.memref_slice %arg7[%mul3A_19] : memref<10112xi32, #tpu.memory_space<vmem>> -> memref<128xi32, #tpu.memory_space<vmem>>
      %dma_wait3A_23 = arith.constant 0 : i32
      %dma_wait3A_24 = arith.constant 0 : i32
      %dma_wait3A_25 = tpu.memref_slice %arg2[%dma_wait3A_23, %dma_wait3A_24] : memref<10112x128xf32, #tpu.memory_space<hbm>> -> memref<10112x128xf32, #tpu.memory_space<hbm>>
      tpu.wait_indirect_dma semaphore(%arg12 : memref<!tpu.dma_semaphore, #tpu.memory_space<semaphore_mem>>) src(%dma_wait3A_25 : memref<10112x128xf32, #tpu.memory_space<hbm>>) dst(%arg10 : memref<128x128xf32, #tpu.memory_space<vmem>>)
      %scan3A_26 = arith.constant 0 : i32
      %scan3A_27 = arith.constant 0 : i32
      %scan3A_28 = arith.constant 8 : i32
      %scan3A_29 = arith.addi %scan3A_27, %scan3A_28 : i32
      %scan3A_30 = arith.constant 1 : i32
      scf.for %scan3A_32 = %scan3A_27 to %scan3A_29 step %scan3A_30  : i32 {
        %mul3A_33 = arith.constant 128 : i32
        %mul3A_34 = arith.muli %scan3A_17, %mul3A_33 : i32
        %mul3A_35 = arith.constant 16 : i32
        %mul3A_36 = arith.muli %scan3A_32, %mul3A_35 : i32
        %add3A_37 = arith.addi %mul3A_34, %mul3A_36 : i32
        %get3A = arith.index_cast %add3A_37 : i32 to index
        %get3A_38 = tpu.vector_load %arg8[%get3A] {strides = array<i32>} : memref<10112xi32, #tpu.memory_space<vmem>>, vector<16xi32>,
        %get3A_39 = vector.shape_cast %get3A_38 : vector<16xi32> to vector<16xi32>
        %mul3A_40 = arith.constant 16 : i32
        %mul3A_41 = arith.muli %scan3A_32, %mul3A_40 : i32
        %swap3A = arith.index_cast %mul3A_41 : i32 to index
        %swap3A_42 = tpu.vector_load %arg9[%swap3A] {strides = array<i32>} : memref<128xi32, #tpu.memory_space<vmem>>, vector<16xi32>,
        %swap3A_43 = vector.shape_cast %swap3A_42 : vector<16xi32> to vector<16xi32>
        %swap3A_44 = vector.shape_cast %get3A_39 : vector<16xi32> to vector<16xi32>
        tpu.vector_store %arg9[%swap3A], %swap3A_44 {strides = array<i32>} : memref<128xi32, #tpu.memory_space<vmem>>, vector<16xi32>,
      }
      %scan3A_31 = arith.constant 8 : i32
      "tpu.region"() ({
        %run_scoped3A = tpu.sem_alloc : memref<!tpu.dma_semaphore, #tpu.memory_space<semaphore_mem>>
        %dma_start3A_32 = arith.constant 0 : i32
        %dma_start3A_33 = arith.constant 0 : i32
        %dma_start3A_34 = tpu.memref_slice %arg11[%dma_start3A_32, %dma_start3A_33] : memref<10112x128xf32, #tpu.memory_space<vmem_shared>> -> memref<10112x128xf32, #tpu.memory_space<vmem_shared>>
        tpu.enqueue_indirect_dma source(%arg10 : memref<128x128xf32, #tpu.memory_space<vmem>>) target(%dma_start3A_34 : memref<10112x128xf32, #tpu.memory_space<vmem_shared>>) offsets(%arg9 : memref<128xi32, #tpu.memory_space<vmem>>) semaphore(%run_scoped3A : memref<!tpu.dma_semaphore, #tpu.memory_space<semaphore_mem>>) {add = true}
        %dma_wait3A_35 = arith.constant 0 : i32
        %dma_wait3A_36 = arith.constant 0 : i32
        %dma_wait3A_37 = tpu.memref_slice %arg11[%dma_wait3A_35, %dma_wait3A_36] : memref<10112x128xf32, #tpu.memory_space<vmem_shared>> -> memref<10112x128xf32, #tpu.memory_space<vmem_shared>>
        tpu.wait_indirect_dma semaphore(%run_scoped3A : memref<!tpu.dma_semaphore, #tpu.memory_space<semaphore_mem>>) src(%arg10 : memref<128x128xf32, #tpu.memory_space<vmem>>) dst(%dma_wait3A_37 : memref<10112x128xf32, #tpu.memory_space<vmem_shared>>)
        tpu.yield
      }) : () -> ()
    }
    %scan3A_11 = arith.constant 79 : i32
    %barrier3A_12 = arith.constant 0 : index
    tpu.barrier barrier_id(%barrier3A_12)
    %mul3A_13 = arith.constant 632 : i32
    %mul3A_14 = arith.muli %arg1, %mul3A_13 : i32
    %mul3A_15 = arith.constant 632 : i32
    %mul3A_16 = arith.muli %arg1, %mul3A_15 : i32
    "tpu.region"() ({
      %run_scoped3A = tpu.sem_alloc : memref<!tpu.dma_semaphore, #tpu.memory_space<semaphore_mem>>
      %dma_start3A = arith.constant 0 : i32
      %dma_start3A_17 = tpu.memref_slice %arg6[%arg0, %mul3A_16, %dma_start3A] : memref<2x10112x128xf32, #tpu.memory_space<hbm>> -> memref<1x632x128xf32, #tpu.memory_space<hbm>>
      %dma_start3A_18 = tpu.memref_squeeze %dma_start3A_17 : memref<1x632x128xf32, #tpu.memory_space<hbm>> -> memref<632x128xf32, #tpu.memory_space<hbm>>
      %dma_start3A_19 = arith.constant 0 : i32
      %dma_start3A_20 = tpu.memref_slice %arg11[%mul3A_14, %dma_start3A_19] : memref<10112x128xf32, #tpu.memory_space<vmem_shared>> -> memref<632x128xf32, #tpu.memory_space<vmem_shared>>
      tpu.enqueue_dma source(%dma_start3A_20 : memref<632x128xf32, #tpu.memory_space<vmem_shared>>) target(%dma_start3A_18 : memref<632x128xf32, #tpu.memory_space<hbm>>) target_semaphore(%run_scoped3A : memref<!tpu.dma_semaphore, #tpu.memory_space<semaphore_mem>>)
      %dma_wait3A = arith.constant 0 : i32
      %dma_wait3A_21 = tpu.memref_slice %arg6[%arg0, %mul3A_16, %dma_wait3A] : memref<2x10112x128xf32, #tpu.memory_space<hbm>> -> memref<1x632x128xf32, #tpu.memory_space<hbm>>
      %dma_wait3A_22 = tpu.memref_squeeze %dma_wait3A_21 : memref<1x632x128xf32, #tpu.memory_space<hbm>> -> memref<632x128xf32, #tpu.memory_space<hbm>>
      %dma_wait3A_23 = arith.constant 0 : i32
      %dma_wait3A_24 = tpu.memref_slice %arg11[%mul3A_14, %dma_wait3A_23] : memref<10112x128xf32, #tpu.memory_space<vmem_shared>> -> memref<632x128xf32, #tpu.memory_space<vmem_shared>>
      tpu.wait_dma2 semaphore(%run_scoped3A : memref<!tpu.dma_semaphore, #tpu.memory_space<semaphore_mem>>) src(%dma_wait3A_24 : memref<632x128xf32, #tpu.memory_space<vmem_shared>>) dst(%dma_wait3A_22 : memref<632x128xf32, #tpu.memory_space<hbm>>)
      tpu.yield
    }) : () -> ()
    return
  }
}

#map = affine_map<(d0, d1) -> (0)>
#map1 = affine_map<(d0, d1) -> (0, 0)>
#map2 = affine_map<(d0, d1) -> (0, 0, 0)>
module attributes {stable_mosaic.version = 14 : i64} {
  func.func @_sc_deg_body(%arg0: i32, %arg1: i32, %arg2: memref<323584xi32, #tpu.memory_space<hbm>>, %arg3: memref<323584xi32, #tpu.memory_space<hbm>>, %arg4: memref<10112xi32, #tpu.memory_space<hbm>>, %arg5: memref<10112x128xf32, #tpu.memory_space<hbm>>, %arg6: memref<128x128xf32, #tpu.memory_space<hbm>>, %arg7: memref<2x10112x128xf32, #tpu.memory_space<hbm>>, %arg8: memref<323584xi32, #tpu.memory_space<hbm>>, %arg9: memref<10112xi32, #tpu.memory_space<vmem>>, %arg10: memref<10112xi32, #tpu.memory_space<vmem>>, %arg11: memref<128xi32, #tpu.memory_space<vmem>>, %arg12: memref<128xi32, #tpu.memory_space<vmem>>, %arg13: memref<128xi32, #tpu.memory_space<vmem>>, %arg14: memref<10112xi32, #tpu.memory_space<vmem>>, %arg15: memref<128x128xf32, #tpu.memory_space<vmem>>, %arg16: memref<10112x128xf32, #tpu.memory_space<vmem_shared>>, %arg17: memref<!tpu.dma_semaphore, #tpu.memory_space<semaphore_mem>>) attributes {dimension_semantics = [#tpu.dimension_semantics<core_parallel>, #tpu.dimension_semantics<subcore_parallel>], iteration_bounds = array<i64: 2, 16>, scalar_prefetch = 0 : i64, scratch_operands = 9 : i64, tpu.core_type = #tpu.core_type<sc_vector_subcore>, window_params = [{transform_indices = #map}, {transform_indices = #map}, {transform_indices = #map}, {transform_indices = #map1}, {transform_indices = #map1}, {transform_indices = #map2}, {transform_indices = #map}]} {
    %mul3A = arith.constant 2 : i32
    %mul3A_0 = arith.muli %arg1, %mul3A : i32
    %add3A = arith.addi %mul3A_0, %arg0 : i32
    %mul3A_1 = arith.constant 10112 : i32
    %mul3A_2 = arith.muli %add3A, %mul3A_1 : i32
    %mul3A_3 = arith.constant 632 : i32
    %mul3A_4 = arith.muli %arg1, %mul3A_3 : i32
    %mul3A_5 = arith.constant 632 : i32
    %mul3A_6 = arith.muli %arg1, %mul3A_5 : i32
    "tpu.region"() ({
      %run_scoped3A = tpu.sem_alloc : memref<!tpu.dma_semaphore, #tpu.memory_space<semaphore_mem>>
      %dma_start3A = arith.constant 0 : i32
      %dma_start3A_17 = tpu.memref_slice %arg16[%mul3A_6, %dma_start3A] : memref<10112x128xf32, #tpu.memory_space<vmem_shared>> -> memref<632x128xf32, #tpu.memory_space<vmem_shared>>
      %dma_start3A_18 = arith.constant 0 : i32
      %dma_start3A_19 = tpu.memref_slice %arg5[%mul3A_4, %dma_start3A_18] : memref<10112x128xf32, #tpu.memory_space<hbm>> -> memref<632x128xf32, #tpu.memory_space<hbm>>
      tpu.enqueue_dma source(%dma_start3A_19 : memref<632x128xf32, #tpu.memory_space<hbm>>) target(%dma_start3A_17 : memref<632x128xf32, #tpu.memory_space<vmem_shared>>) target_semaphore(%run_scoped3A : memref<!tpu.dma_semaphore, #tpu.memory_space<semaphore_mem>>)
      %dma_wait3A = arith.constant 0 : i32
      %dma_wait3A_20 = tpu.memref_slice %arg16[%mul3A_6, %dma_wait3A] : memref<10112x128xf32, #tpu.memory_space<vmem_shared>> -> memref<632x128xf32, #tpu.memory_space<vmem_shared>>
      %dma_wait3A_21 = arith.constant 0 : i32
      %dma_wait3A_22 = tpu.memref_slice %arg5[%mul3A_4, %dma_wait3A_21] : memref<10112x128xf32, #tpu.memory_space<hbm>> -> memref<632x128xf32, #tpu.memory_space<hbm>>
      tpu.wait_dma2 semaphore(%run_scoped3A : memref<!tpu.dma_semaphore, #tpu.memory_space<semaphore_mem>>) src(%dma_wait3A_22 : memref<632x128xf32, #tpu.memory_space<hbm>>) dst(%dma_wait3A_20 : memref<632x128xf32, #tpu.memory_space<vmem_shared>>)
      tpu.yield
    }) : () -> ()
    "tpu.region"() ({
      %run_scoped3A = tpu.sem_alloc : memref<!tpu.dma_semaphore, #tpu.memory_space<semaphore_mem>>
      %dma_start3A = tpu.memref_slice %arg2[%mul3A_2] : memref<323584xi32, #tpu.memory_space<hbm>> -> memref<10112xi32, #tpu.memory_space<hbm>>
      %dma_start3A_17 = tpu.memref_slice %arg2[%mul3A_2] : memref<323584xi32, #tpu.memory_space<hbm>> -> memref<10112xi32, #tpu.memory_space<hbm>>
      tpu.enqueue_dma source(%dma_start3A_17 : memref<10112xi32, #tpu.memory_space<hbm>>) target(%arg9 : memref<10112xi32, #tpu.memory_space<vmem>>) target_semaphore(%run_scoped3A : memref<!tpu.dma_semaphore, #tpu.memory_space<semaphore_mem>>)
      %dma_wait3A = tpu.memref_slice %arg2[%mul3A_2] : memref<323584xi32, #tpu.memory_space<hbm>> -> memref<10112xi32, #tpu.memory_space<hbm>>
      %dma_wait3A_18 = tpu.memref_slice %arg2[%mul3A_2] : memref<323584xi32, #tpu.memory_space<hbm>> -> memref<10112xi32, #tpu.memory_space<hbm>>
      tpu.wait_dma2 semaphore(%run_scoped3A : memref<!tpu.dma_semaphore, #tpu.memory_space<semaphore_mem>>) src(%dma_wait3A_18 : memref<10112xi32, #tpu.memory_space<hbm>>) dst(%arg9 : memref<10112xi32, #tpu.memory_space<vmem>>)
      tpu.yield
    }) : () -> ()
    "tpu.region"() ({
      %run_scoped3A = tpu.sem_alloc : memref<!tpu.dma_semaphore, #tpu.memory_space<semaphore_mem>>
      %dma_start3A = tpu.memref_slice %arg3[%mul3A_2] : memref<323584xi32, #tpu.memory_space<hbm>> -> memref<10112xi32, #tpu.memory_space<hbm>>
      %dma_start3A_17 = tpu.memref_slice %arg3[%mul3A_2] : memref<323584xi32, #tpu.memory_space<hbm>> -> memref<10112xi32, #tpu.memory_space<hbm>>
      tpu.enqueue_dma source(%dma_start3A_17 : memref<10112xi32, #tpu.memory_space<hbm>>) target(%arg10 : memref<10112xi32, #tpu.memory_space<vmem>>) target_semaphore(%run_scoped3A : memref<!tpu.dma_semaphore, #tpu.memory_space<semaphore_mem>>)
      %dma_wait3A = tpu.memref_slice %arg3[%mul3A_2] : memref<323584xi32, #tpu.memory_space<hbm>> -> memref<10112xi32, #tpu.memory_space<hbm>>
      %dma_wait3A_18 = tpu.memref_slice %arg3[%mul3A_2] : memref<323584xi32, #tpu.memory_space<hbm>> -> memref<10112xi32, #tpu.memory_space<hbm>>
      tpu.wait_dma2 semaphore(%run_scoped3A : memref<!tpu.dma_semaphore, #tpu.memory_space<semaphore_mem>>) src(%dma_wait3A_18 : memref<10112xi32, #tpu.memory_space<hbm>>) dst(%arg10 : memref<10112xi32, #tpu.memory_space<vmem>>)
      tpu.yield
    }) : () -> ()
    "tpu.region"() ({
      %run_scoped3A = tpu.sem_alloc : memref<!tpu.dma_semaphore, #tpu.memory_space<semaphore_mem>>
      tpu.enqueue_dma source(%arg6 : memref<128x128xf32, #tpu.memory_space<hbm>>) target(%arg15 : memref<128x128xf32, #tpu.memory_space<vmem>>) target_semaphore(%run_scoped3A : memref<!tpu.dma_semaphore, #tpu.memory_space<semaphore_mem>>)
      tpu.wait_dma2 semaphore(%run_scoped3A : memref<!tpu.dma_semaphore, #tpu.memory_space<semaphore_mem>>) src(%arg6 : memref<128x128xf32, #tpu.memory_space<hbm>>) dst(%arg15 : memref<128x128xf32, #tpu.memory_space<vmem>>)
      tpu.yield
    }) : () -> ()
    %barrier3A = arith.constant 0 : index
    tpu.barrier barrier_id(%barrier3A)
    %iota3A = tpu.iota {dimensions = array<i32: 0>} : vector<16xi32>
    %scan3A = arith.constant 0 : i32
    %scan3A_7 = arith.constant 0 : i32
    %scan3A_8 = arith.constant 79 : i32
    %scan3A_9 = arith.addi %scan3A_7, %scan3A_8 : i32
    %scan3A_10 = arith.constant 1 : i32
    scf.for %scan3A_17 = %scan3A_7 to %scan3A_9 step %scan3A_10  : i32 {
      %mul3A_18 = arith.constant 128 : i32
      %mul3A_19 = arith.muli %scan3A_17, %mul3A_18 : i32
      %dma_start3A = tpu.memref_slice %arg9[%mul3A_19] : memref<10112xi32, #tpu.memory_space<vmem>> -> memref<128xi32, #tpu.memory_space<vmem>>
      %dma_start3A_20 = arith.constant 0 : i32
      %dma_start3A_21 = tpu.memref_slice %arg4[%dma_start3A_20] : memref<10112xi32, #tpu.memory_space<hbm>> -> memref<10112xi32, #tpu.memory_space<hbm>>
      tpu.enqueue_indirect_dma source(%dma_start3A_21 : memref<10112xi32, #tpu.memory_space<hbm>>) target(%arg11 : memref<128xi32, #tpu.memory_space<vmem>>) offsets(%dma_start3A : memref<128xi32, #tpu.memory_space<vmem>>) semaphore(%arg17 : memref<!tpu.dma_semaphore, #tpu.memory_space<semaphore_mem>>)
      %dma_wait3A = tpu.memref_slice %arg9[%mul3A_19] : memref<10112xi32, #tpu.memory_space<vmem>> -> memref<128xi32, #tpu.memory_space<vmem>>
      %dma_wait3A_22 = arith.constant 0 : i32
      %dma_wait3A_23 = tpu.memref_slice %arg4[%dma_wait3A_22] : memref<10112xi32, #tpu.memory_space<hbm>> -> memref<10112xi32, #tpu.memory_space<hbm>>
      tpu.wait_indirect_dma semaphore(%arg17 : memref<!tpu.dma_semaphore, #tpu.memory_space<semaphore_mem>>) src(%dma_wait3A_23 : memref<10112xi32, #tpu.memory_space<hbm>>) dst(%arg11 : memref<128xi32, #tpu.memory_space<vmem>>)
      %mul3A_24 = arith.constant 128 : i32
      %mul3A_25 = arith.muli %scan3A_17, %mul3A_24 : i32
      %dma_start3A_26 = tpu.memref_slice %arg10[%mul3A_25] : memref<10112xi32, #tpu.memory_space<vmem>> -> memref<128xi32, #tpu.memory_space<vmem>>
      %dma_start3A_27 = arith.constant 0 : i32
      %dma_start3A_28 = tpu.memref_slice %arg4[%dma_start3A_27] : memref<10112xi32, #tpu.memory_space<hbm>> -> memref<10112xi32, #tpu.memory_space<hbm>>
      tpu.enqueue_indirect_dma source(%dma_start3A_28 : memref<10112xi32, #tpu.memory_space<hbm>>) target(%arg12 : memref<128xi32, #tpu.memory_space<vmem>>) offsets(%dma_start3A_26 : memref<128xi32, #tpu.memory_space<vmem>>) semaphore(%arg17 : memref<!tpu.dma_semaphore, #tpu.memory_space<semaphore_mem>>)
      %dma_wait3A_29 = tpu.memref_slice %arg10[%mul3A_25] : memref<10112xi32, #tpu.memory_space<vmem>> -> memref<128xi32, #tpu.memory_space<vmem>>
      %dma_wait3A_30 = arith.constant 0 : i32
      %dma_wait3A_31 = tpu.memref_slice %arg4[%dma_wait3A_30] : memref<10112xi32, #tpu.memory_space<hbm>> -> memref<10112xi32, #tpu.memory_space<hbm>>
      tpu.wait_indirect_dma semaphore(%arg17 : memref<!tpu.dma_semaphore, #tpu.memory_space<semaphore_mem>>) src(%dma_wait3A_31 : memref<10112xi32, #tpu.memory_space<hbm>>) dst(%arg12 : memref<128xi32, #tpu.memory_space<vmem>>)
      %scan3A_32 = arith.constant 0 : i32
      %scan3A_33 = arith.constant 0 : i32
      %scan3A_34 = arith.constant 8 : i32
      %scan3A_35 = arith.addi %scan3A_33, %scan3A_34 : i32
      %scan3A_36 = arith.constant 1 : i32
      scf.for %scan3A_38 = %scan3A_33 to %scan3A_35 step %scan3A_36  : i32 {
        %mul3A_39 = arith.constant 128 : i32
        %mul3A_40 = arith.muli %scan3A_17, %mul3A_39 : i32
        %mul3A_41 = arith.constant 16 : i32
        %mul3A_42 = arith.muli %scan3A_38, %mul3A_41 : i32
        %add3A_43 = arith.addi %mul3A_40, %mul3A_42 : i32
        %get3A = arith.index_cast %add3A_43 : i32 to index
        %get3A_44 = tpu.vector_load %arg9[%get3A] {strides = array<i32>} : memref<10112xi32, #tpu.memory_space<vmem>>, vector<16xi32>,
        %get3A_45 = vector.shape_cast %get3A_44 : vector<16xi32> to vector<16xi32>
        %get3A_46 = arith.index_cast %add3A_43 : i32 to index
        %get3A_47 = tpu.vector_load %arg10[%get3A_46] {strides = array<i32>} : memref<10112xi32, #tpu.memory_space<vmem>>, vector<16xi32>,
        %get3A_48 = vector.shape_cast %get3A_47 : vector<16xi32> to vector<16xi32>
        %mul3A_49 = arith.constant 16 : i32
        %mul3A_50 = arith.muli %scan3A_38, %mul3A_49 : i32
        %get3A_51 = arith.index_cast %mul3A_50 : i32 to index
        %get3A_52 = tpu.vector_load %arg11[%get3A_51] {strides = array<i32>} : memref<128xi32, #tpu.memory_space<vmem>>, vector<16xi32>,
        %get3A_53 = vector.shape_cast %get3A_52 : vector<16xi32> to vector<16xi32>
        %mul3A_54 = arith.constant 16 : i32
        %mul3A_55 = arith.muli %scan3A_38, %mul3A_54 : i32
        %get3A_56 = arith.index_cast %mul3A_55 : i32 to index
        %get3A_57 = tpu.vector_load %arg12[%get3A_56] {strides = array<i32>} : memref<128xi32, #tpu.memory_space<vmem>>, vector<16xi32>,
        %get3A_58 = vector.shape_cast %get3A_57 : vector<16xi32> to vector<16xi32>
        %ne3A = arith.cmpi ne, %get3A_45, %get3A_48 : vector<16xi32>
        %gt3A = arith.constant 0 : i32
        %gt3A_59 = vector.broadcast %gt3A : i32 to vector<16xi32>
        %gt3A_60 = arith.cmpi sgt, %get3A_53, %gt3A_59 : vector<16xi32>
        %and3A = arith.andi %ne3A, %gt3A_60 : vector<16xi1>
        %gt3A_61 = arith.constant 0 : i32
        %gt3A_62 = vector.broadcast %gt3A_61 : i32 to vector<16xi32>
        %gt3A_63 = arith.cmpi sgt, %get3A_58, %gt3A_62 : vector<16xi32>
        %and3A_64 = arith.andi %and3A, %gt3A_63 : vector<16xi1>
        %add3A_65 = arith.constant 10000 : i32
        %add3A_66 = vector.broadcast %add3A_65 : i32 to vector<16xi32>
        %add3A_67 = arith.addi %add3A_66, %iota3A : vector<16xi32>
        %add3A_68 = arith.addi %scan3A_17, %scan3A_38 : i32
        %jit3A = arith.constant 7 : i32
        %eq3A = arith.constant 0 : i32
        %eq3A_69 = arith.cmpi eq, %jit3A, %eq3A : i32
        %jit3A_70 = arith.constant 1 : i32
        %select_n3A = arith.select %eq3A_69, %jit3A_70, %jit3A : i32
        %rem3A = arith.remsi %add3A_68, %select_n3A : i32
        %ne3A_71 = arith.constant 0 : i32
        %ne3A_72 = arith.cmpi ne, %rem3A, %ne3A_71 : i32
        %lt3A = arith.constant 0 : i32
        %lt3A_73 = arith.cmpi slt, %rem3A, %lt3A : i32
        %lt3A_74 = arith.constant 0 : i32
        %lt3A_75 = arith.cmpi slt, %select_n3A, %lt3A_74 : i32
        %ne3A_76 = arith.xori %lt3A_73, %lt3A_75 : i1
        %and3A_77 = arith.andi %ne3A_76, %ne3A_72 : i1
        %add3A_78 = arith.addi %rem3A, %select_n3A : i32
        %select_n3A_79 = arith.select %and3A_77, %add3A_78, %rem3A : i32
        %mul3A_80 = arith.constant 16 : i32
        %mul3A_81 = arith.muli %mul3A_80, %select_n3A_79 : i32
        %add3A_82 = vector.broadcast %mul3A_81 : i32 to vector<16xi32>
        %add3A_83 = arith.addi %add3A_67, %add3A_82 : vector<16xi32>
        %select_n3A_84 = arith.select %and3A_64, %get3A_45, %add3A_83 : vector<16xi1>, vector<16xi32>
        %mul3A_85 = arith.constant 16 : i32
        %mul3A_86 = arith.muli %scan3A_38, %mul3A_85 : i32
        %swap3A = arith.index_cast %mul3A_86 : i32 to index
        %swap3A_87 = tpu.vector_load %arg13[%swap3A] {strides = array<i32>} : memref<128xi32, #tpu.memory_space<vmem>>, vector<16xi32>,
        %swap3A_88 = vector.shape_cast %swap3A_87 : vector<16xi32> to vector<16xi32>
        %swap3A_89 = vector.shape_cast %select_n3A_84 : vector<16xi32> to vector<16xi32>
        tpu.vector_store %arg13[%swap3A], %swap3A_89 {strides = array<i32>} : memref<128xi32, #tpu.memory_space<vmem>>, vector<16xi32>,
        %select_n3A_90 = arith.select %and3A_64, %get3A_48, %add3A_83 : vector<16xi1>, vector<16xi32>
        %swap3A_91 = arith.index_cast %add3A_43 : i32 to index
        %swap3A_92 = tpu.vector_load %arg14[%swap3A_91] {strides = array<i32>} : memref<10112xi32, #tpu.memory_space<vmem>>, vector<16xi32>,
        %swap3A_93 = vector.shape_cast %swap3A_92 : vector<16xi32> to vector<16xi32>
        %swap3A_94 = vector.shape_cast %select_n3A_90 : vector<16xi32> to vector<16xi32>
        tpu.vector_store %arg14[%swap3A_91], %swap3A_94 {strides = array<i32>} : memref<10112xi32, #tpu.memory_space<vmem>>, vector<16xi32>,
      }
      %scan3A_37 = arith.constant 8 : i32
      "tpu.region"() ({
        %run_scoped3A = tpu.sem_alloc : memref<!tpu.dma_semaphore, #tpu.memory_space<semaphore_mem>>
        %dma_start3A_38 = arith.constant 0 : i32
        %dma_start3A_39 = arith.constant 0 : i32
        %dma_start3A_40 = tpu.memref_slice %arg16[%dma_start3A_38, %dma_start3A_39] : memref<10112x128xf32, #tpu.memory_space<vmem_shared>> -> memref<10112x128xf32, #tpu.memory_space<vmem_shared>>
        tpu.enqueue_indirect_dma source(%arg15 : memref<128x128xf32, #tpu.memory_space<vmem>>) target(%dma_start3A_40 : memref<10112x128xf32, #tpu.memory_space<vmem_shared>>) offsets(%arg13 : memref<128xi32, #tpu.memory_space<vmem>>) semaphore(%run_scoped3A : memref<!tpu.dma_semaphore, #tpu.memory_space<semaphore_mem>>) {add = true}
        %dma_wait3A_41 = arith.constant 0 : i32
        %dma_wait3A_42 = arith.constant 0 : i32
        %dma_wait3A_43 = tpu.memref_slice %arg16[%dma_wait3A_41, %dma_wait3A_42] : memref<10112x128xf32, #tpu.memory_space<vmem_shared>> -> memref<10112x128xf32, #tpu.memory_space<vmem_shared>>
        tpu.wait_indirect_dma semaphore(%run_scoped3A : memref<!tpu.dma_semaphore, #tpu.memory_space<semaphore_mem>>) src(%arg15 : memref<128x128xf32, #tpu.memory_space<vmem>>) dst(%dma_wait3A_43 : memref<10112x128xf32, #tpu.memory_space<vmem_shared>>)
        tpu.yield
      }) : () -> ()
    }
    %scan3A_11 = arith.constant 79 : i32
    %barrier3A_12 = arith.constant 0 : index
    tpu.barrier barrier_id(%barrier3A_12)
    %mul3A_13 = arith.constant 632 : i32
    %mul3A_14 = arith.muli %arg1, %mul3A_13 : i32
    %mul3A_15 = arith.constant 632 : i32
    %mul3A_16 = arith.muli %arg1, %mul3A_15 : i32
    "tpu.region"() ({
      %run_scoped3A = tpu.sem_alloc : memref<!tpu.dma_semaphore, #tpu.memory_space<semaphore_mem>>
      %dma_start3A = arith.constant 0 : i32
      %dma_start3A_17 = tpu.memref_slice %arg7[%arg0, %mul3A_16, %dma_start3A] : memref<2x10112x128xf32, #tpu.memory_space<hbm>> -> memref<1x632x128xf32, #tpu.memory_space<hbm>>
      %dma_start3A_18 = tpu.memref_squeeze %dma_start3A_17 : memref<1x632x128xf32, #tpu.memory_space<hbm>> -> memref<632x128xf32, #tpu.memory_space<hbm>>
      %dma_start3A_19 = arith.constant 0 : i32
      %dma_start3A_20 = tpu.memref_slice %arg16[%mul3A_14, %dma_start3A_19] : memref<10112x128xf32, #tpu.memory_space<vmem_shared>> -> memref<632x128xf32, #tpu.memory_space<vmem_shared>>
      tpu.enqueue_dma source(%dma_start3A_20 : memref<632x128xf32, #tpu.memory_space<vmem_shared>>) target(%dma_start3A_18 : memref<632x128xf32, #tpu.memory_space<hbm>>) target_semaphore(%run_scoped3A : memref<!tpu.dma_semaphore, #tpu.memory_space<semaphore_mem>>)
      %dma_wait3A = arith.constant 0 : i32
      %dma_wait3A_21 = tpu.memref_slice %arg7[%arg0, %mul3A_16, %dma_wait3A] : memref<2x10112x128xf32, #tpu.memory_space<hbm>> -> memref<1x632x128xf32, #tpu.memory_space<hbm>>
      %dma_wait3A_22 = tpu.memref_squeeze %dma_wait3A_21 : memref<1x632x128xf32, #tpu.memory_space<hbm>> -> memref<632x128xf32, #tpu.memory_space<hbm>>
      %dma_wait3A_23 = arith.constant 0 : i32
      %dma_wait3A_24 = tpu.memref_slice %arg16[%mul3A_14, %dma_wait3A_23] : memref<10112x128xf32, #tpu.memory_space<vmem_shared>> -> memref<632x128xf32, #tpu.memory_space<vmem_shared>>
      tpu.wait_dma2 semaphore(%run_scoped3A : memref<!tpu.dma_semaphore, #tpu.memory_space<semaphore_mem>>) src(%dma_wait3A_24 : memref<632x128xf32, #tpu.memory_space<vmem_shared>>) dst(%dma_wait3A_22 : memref<632x128xf32, #tpu.memory_space<hbm>>)
      tpu.yield
    }) : () -> ()
    "tpu.region"() ({
      %run_scoped3A = tpu.sem_alloc : memref<!tpu.dma_semaphore, #tpu.memory_space<semaphore_mem>>
      %dma_start3A = tpu.memref_slice %arg8[%mul3A_2] : memref<323584xi32, #tpu.memory_space<hbm>> -> memref<10112xi32, #tpu.memory_space<hbm>>
      %dma_start3A_17 = tpu.memref_slice %arg8[%mul3A_2] : memref<323584xi32, #tpu.memory_space<hbm>> -> memref<10112xi32, #tpu.memory_space<hbm>>
      tpu.enqueue_dma source(%arg14 : memref<10112xi32, #tpu.memory_space<vmem>>) target(%dma_start3A_17 : memref<10112xi32, #tpu.memory_space<hbm>>) target_semaphore(%run_scoped3A : memref<!tpu.dma_semaphore, #tpu.memory_space<semaphore_mem>>)
      %dma_wait3A = tpu.memref_slice %arg8[%mul3A_2] : memref<323584xi32, #tpu.memory_space<hbm>> -> memref<10112xi32, #tpu.memory_space<hbm>>
      %dma_wait3A_18 = tpu.memref_slice %arg8[%mul3A_2] : memref<323584xi32, #tpu.memory_space<hbm>> -> memref<10112xi32, #tpu.memory_space<hbm>>
      tpu.wait_dma2 semaphore(%run_scoped3A : memref<!tpu.dma_semaphore, #tpu.memory_space<semaphore_mem>>) src(%arg14 : memref<10112xi32, #tpu.memory_space<vmem>>) dst(%dma_wait3A_18 : memref<10112xi32, #tpu.memory_space<hbm>>)
      tpu.yield
    }) : () -> ()
    return
  }
}

#map = affine_map<(d0, d1) -> (0)>
#map1 = affine_map<(d0, d1) -> (0, 0)>
#map2 = affine_map<(d0, d1) -> (0, 0, 0)>
module attributes {stable_mosaic.version = 14 : i64} {
  func.func @_sc_deg_body(%arg0: i32, %arg1: i32, %arg2: memref<323584xi32, #tpu.memory_space<hbm>>, %arg3: memref<323584xi32, #tpu.memory_space<hbm>>, %arg4: memref<10112xi32, #tpu.memory_space<hbm>>, %arg5: memref<10112x128xf32, #tpu.memory_space<hbm>>, %arg6: memref<128x128xf32, #tpu.memory_space<hbm>>, %arg7: memref<2x10112x128xf32, #tpu.memory_space<hbm>>, %arg8: memref<323584xi32, #tpu.memory_space<hbm>>, %arg9: memref<10112xi32, #tpu.memory_space<vmem>>, %arg10: memref<10112xi32, #tpu.memory_space<vmem>>, %arg11: memref<128xi32, #tpu.memory_space<vmem>>, %arg12: memref<128xi32, #tpu.memory_space<vmem>>, %arg13: memref<128xi32, #tpu.memory_space<vmem>>, %arg14: memref<10112xi32, #tpu.memory_space<vmem>>, %arg15: memref<128x128xf32, #tpu.memory_space<vmem>>, %arg16: memref<10112x128xf32, #tpu.memory_space<vmem_shared>>, %arg17: memref<!tpu.dma_semaphore, #tpu.memory_space<semaphore_mem>>) attributes {dimension_semantics = [#tpu.dimension_semantics<core_parallel>, #tpu.dimension_semantics<subcore_parallel>], iteration_bounds = array<i64: 2, 16>, scalar_prefetch = 0 : i64, scratch_operands = 9 : i64, tpu.core_type = #tpu.core_type<sc_vector_subcore>, window_params = [{transform_indices = #map}, {transform_indices = #map}, {transform_indices = #map}, {transform_indices = #map1}, {transform_indices = #map1}, {transform_indices = #map2}, {transform_indices = #map}]} {
    %mul3A = arith.constant 2 : i32
    %mul3A_0 = arith.muli %arg1, %mul3A : i32
    %add3A = arith.addi %mul3A_0, %arg0 : i32
    %mul3A_1 = arith.constant 10112 : i32
    %mul3A_2 = arith.muli %add3A, %mul3A_1 : i32
    %mul3A_3 = arith.constant 632 : i32
    %mul3A_4 = arith.muli %arg1, %mul3A_3 : i32
    %mul3A_5 = arith.constant 632 : i32
    %mul3A_6 = arith.muli %arg1, %mul3A_5 : i32
    "tpu.region"() ({
      %run_scoped3A = tpu.sem_alloc : memref<!tpu.dma_semaphore, #tpu.memory_space<semaphore_mem>>
      %dma_start3A = arith.constant 0 : i32
      %dma_start3A_17 = tpu.memref_slice %arg16[%mul3A_6, %dma_start3A] : memref<10112x128xf32, #tpu.memory_space<vmem_shared>> -> memref<632x128xf32, #tpu.memory_space<vmem_shared>>
      %dma_start3A_18 = arith.constant 0 : i32
      %dma_start3A_19 = tpu.memref_slice %arg5[%mul3A_4, %dma_start3A_18] : memref<10112x128xf32, #tpu.memory_space<hbm>> -> memref<632x128xf32, #tpu.memory_space<hbm>>
      tpu.enqueue_dma source(%dma_start3A_19 : memref<632x128xf32, #tpu.memory_space<hbm>>) target(%dma_start3A_17 : memref<632x128xf32, #tpu.memory_space<vmem_shared>>) target_semaphore(%run_scoped3A : memref<!tpu.dma_semaphore, #tpu.memory_space<semaphore_mem>>)
      %dma_wait3A = arith.constant 0 : i32
      %dma_wait3A_20 = tpu.memref_slice %arg16[%mul3A_6, %dma_wait3A] : memref<10112x128xf32, #tpu.memory_space<vmem_shared>> -> memref<632x128xf32, #tpu.memory_space<vmem_shared>>
      %dma_wait3A_21 = arith.constant 0 : i32
      %dma_wait3A_22 = tpu.memref_slice %arg5[%mul3A_4, %dma_wait3A_21] : memref<10112x128xf32, #tpu.memory_space<hbm>> -> memref<632x128xf32, #tpu.memory_space<hbm>>
      tpu.wait_dma2 semaphore(%run_scoped3A : memref<!tpu.dma_semaphore, #tpu.memory_space<semaphore_mem>>) src(%dma_wait3A_22 : memref<632x128xf32, #tpu.memory_space<hbm>>) dst(%dma_wait3A_20 : memref<632x128xf32, #tpu.memory_space<vmem_shared>>)
      tpu.yield
    }) : () -> ()
    "tpu.region"() ({
      %run_scoped3A = tpu.sem_alloc : memref<!tpu.dma_semaphore, #tpu.memory_space<semaphore_mem>>
      %dma_start3A = tpu.memref_slice %arg2[%mul3A_2] : memref<323584xi32, #tpu.memory_space<hbm>> -> memref<10112xi32, #tpu.memory_space<hbm>>
      %dma_start3A_17 = tpu.memref_slice %arg2[%mul3A_2] : memref<323584xi32, #tpu.memory_space<hbm>> -> memref<10112xi32, #tpu.memory_space<hbm>>
      tpu.enqueue_dma source(%dma_start3A_17 : memref<10112xi32, #tpu.memory_space<hbm>>) target(%arg9 : memref<10112xi32, #tpu.memory_space<vmem>>) target_semaphore(%run_scoped3A : memref<!tpu.dma_semaphore, #tpu.memory_space<semaphore_mem>>)
      %dma_wait3A = tpu.memref_slice %arg2[%mul3A_2] : memref<323584xi32, #tpu.memory_space<hbm>> -> memref<10112xi32, #tpu.memory_space<hbm>>
      %dma_wait3A_18 = tpu.memref_slice %arg2[%mul3A_2] : memref<323584xi32, #tpu.memory_space<hbm>> -> memref<10112xi32, #tpu.memory_space<hbm>>
      tpu.wait_dma2 semaphore(%run_scoped3A : memref<!tpu.dma_semaphore, #tpu.memory_space<semaphore_mem>>) src(%dma_wait3A_18 : memref<10112xi32, #tpu.memory_space<hbm>>) dst(%arg9 : memref<10112xi32, #tpu.memory_space<vmem>>)
      tpu.yield
    }) : () -> ()
    "tpu.region"() ({
      %run_scoped3A = tpu.sem_alloc : memref<!tpu.dma_semaphore, #tpu.memory_space<semaphore_mem>>
      %dma_start3A = tpu.memref_slice %arg3[%mul3A_2] : memref<323584xi32, #tpu.memory_space<hbm>> -> memref<10112xi32, #tpu.memory_space<hbm>>
      %dma_start3A_17 = tpu.memref_slice %arg3[%mul3A_2] : memref<323584xi32, #tpu.memory_space<hbm>> -> memref<10112xi32, #tpu.memory_space<hbm>>
      tpu.enqueue_dma source(%dma_start3A_17 : memref<10112xi32, #tpu.memory_space<hbm>>) target(%arg10 : memref<10112xi32, #tpu.memory_space<vmem>>) target_semaphore(%run_scoped3A : memref<!tpu.dma_semaphore, #tpu.memory_space<semaphore_mem>>)
      %dma_wait3A = tpu.memref_slice %arg3[%mul3A_2] : memref<323584xi32, #tpu.memory_space<hbm>> -> memref<10112xi32, #tpu.memory_space<hbm>>
      %dma_wait3A_18 = tpu.memref_slice %arg3[%mul3A_2] : memref<323584xi32, #tpu.memory_space<hbm>> -> memref<10112xi32, #tpu.memory_space<hbm>>
      tpu.wait_dma2 semaphore(%run_scoped3A : memref<!tpu.dma_semaphore, #tpu.memory_space<semaphore_mem>>) src(%dma_wait3A_18 : memref<10112xi32, #tpu.memory_space<hbm>>) dst(%arg10 : memref<10112xi32, #tpu.memory_space<vmem>>)
      tpu.yield
    }) : () -> ()
    "tpu.region"() ({
      %run_scoped3A = tpu.sem_alloc : memref<!tpu.dma_semaphore, #tpu.memory_space<semaphore_mem>>
      tpu.enqueue_dma source(%arg6 : memref<128x128xf32, #tpu.memory_space<hbm>>) target(%arg15 : memref<128x128xf32, #tpu.memory_space<vmem>>) target_semaphore(%run_scoped3A : memref<!tpu.dma_semaphore, #tpu.memory_space<semaphore_mem>>)
      tpu.wait_dma2 semaphore(%run_scoped3A : memref<!tpu.dma_semaphore, #tpu.memory_space<semaphore_mem>>) src(%arg6 : memref<128x128xf32, #tpu.memory_space<hbm>>) dst(%arg15 : memref<128x128xf32, #tpu.memory_space<vmem>>)
      tpu.yield
    }) : () -> ()
    %barrier3A = arith.constant 0 : index
    tpu.barrier barrier_id(%barrier3A)
    %iota3A = tpu.iota {dimensions = array<i32: 0>} : vector<16xi32>
    %scan3A = arith.constant 0 : i32
    %scan3A_7 = arith.constant 0 : i32
    %scan3A_8 = arith.constant 79 : i32
    %scan3A_9 = arith.addi %scan3A_7, %scan3A_8 : i32
    %scan3A_10 = arith.constant 1 : i32
    scf.for %scan3A_17 = %scan3A_7 to %scan3A_9 step %scan3A_10  : i32 {
      %mul3A_18 = arith.constant 128 : i32
      %mul3A_19 = arith.muli %scan3A_17, %mul3A_18 : i32
      %dma_start3A = tpu.memref_slice %arg9[%mul3A_19] : memref<10112xi32, #tpu.memory_space<vmem>> -> memref<128xi32, #tpu.memory_space<vmem>>
      %dma_start3A_20 = arith.constant 0 : i32
      %dma_start3A_21 = tpu.memref_slice %arg4[%dma_start3A_20] : memref<10112xi32, #tpu.memory_space<hbm>> -> memref<10112xi32, #tpu.memory_space<hbm>>
      tpu.enqueue_indirect_dma source(%dma_start3A_21 : memref<10112xi32, #tpu.memory_space<hbm>>) target(%arg11 : memref<128xi32, #tpu.memory_space<vmem>>) offsets(%dma_start3A : memref<128xi32, #tpu.memory_space<vmem>>) semaphore(%arg17 : memref<!tpu.dma_semaphore, #tpu.memory_space<semaphore_mem>>)
      %dma_wait3A = tpu.memref_slice %arg9[%mul3A_19] : memref<10112xi32, #tpu.memory_space<vmem>> -> memref<128xi32, #tpu.memory_space<vmem>>
      %dma_wait3A_22 = arith.constant 0 : i32
      %dma_wait3A_23 = tpu.memref_slice %arg4[%dma_wait3A_22] : memref<10112xi32, #tpu.memory_space<hbm>> -> memref<10112xi32, #tpu.memory_space<hbm>>
      tpu.wait_indirect_dma semaphore(%arg17 : memref<!tpu.dma_semaphore, #tpu.memory_space<semaphore_mem>>) src(%dma_wait3A_23 : memref<10112xi32, #tpu.memory_space<hbm>>) dst(%arg11 : memref<128xi32, #tpu.memory_space<vmem>>)
      %mul3A_24 = arith.constant 128 : i32
      %mul3A_25 = arith.muli %scan3A_17, %mul3A_24 : i32
      %dma_start3A_26 = tpu.memref_slice %arg10[%mul3A_25] : memref<10112xi32, #tpu.memory_space<vmem>> -> memref<128xi32, #tpu.memory_space<vmem>>
      %dma_start3A_27 = arith.constant 0 : i32
      %dma_start3A_28 = tpu.memref_slice %arg4[%dma_start3A_27] : memref<10112xi32, #tpu.memory_space<hbm>> -> memref<10112xi32, #tpu.memory_space<hbm>>
      tpu.enqueue_indirect_dma source(%dma_start3A_28 : memref<10112xi32, #tpu.memory_space<hbm>>) target(%arg12 : memref<128xi32, #tpu.memory_space<vmem>>) offsets(%dma_start3A_26 : memref<128xi32, #tpu.memory_space<vmem>>) semaphore(%arg17 : memref<!tpu.dma_semaphore, #tpu.memory_space<semaphore_mem>>)
      %dma_wait3A_29 = tpu.memref_slice %arg10[%mul3A_25] : memref<10112xi32, #tpu.memory_space<vmem>> -> memref<128xi32, #tpu.memory_space<vmem>>
      %dma_wait3A_30 = arith.constant 0 : i32
      %dma_wait3A_31 = tpu.memref_slice %arg4[%dma_wait3A_30] : memref<10112xi32, #tpu.memory_space<hbm>> -> memref<10112xi32, #tpu.memory_space<hbm>>
      tpu.wait_indirect_dma semaphore(%arg17 : memref<!tpu.dma_semaphore, #tpu.memory_space<semaphore_mem>>) src(%dma_wait3A_31 : memref<10112xi32, #tpu.memory_space<hbm>>) dst(%arg12 : memref<128xi32, #tpu.memory_space<vmem>>)
      %scan3A_32 = arith.constant 0 : i32
      %scan3A_33 = arith.constant 0 : i32
      %scan3A_34 = arith.constant 8 : i32
      %scan3A_35 = arith.addi %scan3A_33, %scan3A_34 : i32
      %scan3A_36 = arith.constant 1 : i32
      scf.for %scan3A_38 = %scan3A_33 to %scan3A_35 step %scan3A_36  : i32 {
        %mul3A_39 = arith.constant 128 : i32
        %mul3A_40 = arith.muli %scan3A_17, %mul3A_39 : i32
        %mul3A_41 = arith.constant 16 : i32
        %mul3A_42 = arith.muli %scan3A_38, %mul3A_41 : i32
        %add3A_43 = arith.addi %mul3A_40, %mul3A_42 : i32
        %get3A = arith.index_cast %add3A_43 : i32 to index
        %get3A_44 = tpu.vector_load %arg9[%get3A] {strides = array<i32>} : memref<10112xi32, #tpu.memory_space<vmem>>, vector<16xi32>,
        %get3A_45 = vector.shape_cast %get3A_44 : vector<16xi32> to vector<16xi32>
        %get3A_46 = arith.index_cast %add3A_43 : i32 to index
        %get3A_47 = tpu.vector_load %arg10[%get3A_46] {strides = array<i32>} : memref<10112xi32, #tpu.memory_space<vmem>>, vector<16xi32>,
        %get3A_48 = vector.shape_cast %get3A_47 : vector<16xi32> to vector<16xi32>
        %mul3A_49 = arith.constant 16 : i32
        %mul3A_50 = arith.muli %scan3A_38, %mul3A_49 : i32
        %get3A_51 = arith.index_cast %mul3A_50 : i32 to index
        %get3A_52 = tpu.vector_load %arg11[%get3A_51] {strides = array<i32>} : memref<128xi32, #tpu.memory_space<vmem>>, vector<16xi32>,
        %get3A_53 = vector.shape_cast %get3A_52 : vector<16xi32> to vector<16xi32>
        %mul3A_54 = arith.constant 16 : i32
        %mul3A_55 = arith.muli %scan3A_38, %mul3A_54 : i32
        %get3A_56 = arith.index_cast %mul3A_55 : i32 to index
        %get3A_57 = tpu.vector_load %arg12[%get3A_56] {strides = array<i32>} : memref<128xi32, #tpu.memory_space<vmem>>, vector<16xi32>,
        %get3A_58 = vector.shape_cast %get3A_57 : vector<16xi32> to vector<16xi32>
        %ne3A = arith.cmpi ne, %get3A_45, %get3A_48 : vector<16xi32>
        %gt3A = arith.constant 0 : i32
        %gt3A_59 = vector.broadcast %gt3A : i32 to vector<16xi32>
        %gt3A_60 = arith.cmpi sgt, %get3A_53, %gt3A_59 : vector<16xi32>
        %and3A = arith.andi %ne3A, %gt3A_60 : vector<16xi1>
        %gt3A_61 = arith.constant 0 : i32
        %gt3A_62 = vector.broadcast %gt3A_61 : i32 to vector<16xi32>
        %gt3A_63 = arith.cmpi sgt, %get3A_58, %gt3A_62 : vector<16xi32>
        %and3A_64 = arith.andi %and3A, %gt3A_63 : vector<16xi1>
        %add3A_65 = arith.constant 10000 : i32
        %add3A_66 = vector.broadcast %add3A_65 : i32 to vector<16xi32>
        %add3A_67 = arith.addi %add3A_66, %iota3A : vector<16xi32>
        %add3A_68 = arith.addi %scan3A_17, %scan3A_38 : i32
        %jit3A = arith.constant 7 : i32
        %eq3A = arith.constant 0 : i32
        %eq3A_69 = arith.cmpi eq, %jit3A, %eq3A : i32
        %jit3A_70 = arith.constant 1 : i32
        %select_n3A = arith.select %eq3A_69, %jit3A_70, %jit3A : i32
        %rem3A = arith.remsi %add3A_68, %select_n3A : i32
        %ne3A_71 = arith.constant 0 : i32
        %ne3A_72 = arith.cmpi ne, %rem3A, %ne3A_71 : i32
        %lt3A = arith.constant 0 : i32
        %lt3A_73 = arith.cmpi slt, %rem3A, %lt3A : i32
        %lt3A_74 = arith.constant 0 : i32
        %lt3A_75 = arith.cmpi slt, %select_n3A, %lt3A_74 : i32
        %ne3A_76 = arith.xori %lt3A_73, %lt3A_75 : i1
        %and3A_77 = arith.andi %ne3A_76, %ne3A_72 : i1
        %add3A_78 = arith.addi %rem3A, %select_n3A : i32
        %select_n3A_79 = arith.select %and3A_77, %add3A_78, %rem3A : i32
        %mul3A_80 = arith.constant 16 : i32
        %mul3A_81 = arith.muli %mul3A_80, %select_n3A_79 : i32
        %add3A_82 = vector.broadcast %mul3A_81 : i32 to vector<16xi32>
        %add3A_83 = arith.addi %add3A_67, %add3A_82 : vector<16xi32>
        %select_n3A_84 = arith.select %and3A_64, %get3A_45, %add3A_83 : vector<16xi1>, vector<16xi32>
        %mul3A_85 = arith.constant 16 : i32
        %mul3A_86 = arith.muli %scan3A_38, %mul3A_85 : i32
        %swap3A = arith.index_cast %mul3A_86 : i32 to index
        %swap3A_87 = tpu.vector_load %arg13[%swap3A] {strides = array<i32>} : memref<128xi32, #tpu.memory_space<vmem>>, vector<16xi32>,
        %swap3A_88 = vector.shape_cast %swap3A_87 : vector<16xi32> to vector<16xi32>
        %swap3A_89 = vector.shape_cast %select_n3A_84 : vector<16xi32> to vector<16xi32>
        tpu.vector_store %arg13[%swap3A], %swap3A_89 {strides = array<i32>} : memref<128xi32, #tpu.memory_space<vmem>>, vector<16xi32>,
        %select_n3A_90 = arith.select %and3A_64, %get3A_48, %add3A_83 : vector<16xi1>, vector<16xi32>
        %swap3A_91 = arith.index_cast %add3A_43 : i32 to index
        %swap3A_92 = tpu.vector_load %arg14[%swap3A_91] {strides = array<i32>} : memref<10112xi32, #tpu.memory_space<vmem>>, vector<16xi32>,
        %swap3A_93 = vector.shape_cast %swap3A_92 : vector<16xi32> to vector<16xi32>
        %swap3A_94 = vector.shape_cast %select_n3A_90 : vector<16xi32> to vector<16xi32>
        tpu.vector_store %arg14[%swap3A_91], %swap3A_94 {strides = array<i32>} : memref<10112xi32, #tpu.memory_space<vmem>>, vector<16xi32>,
      }
      %scan3A_37 = arith.constant 8 : i32
      "tpu.region"() ({
        %run_scoped3A = tpu.sem_alloc : memref<!tpu.dma_semaphore, #tpu.memory_space<semaphore_mem>>
        %dma_start3A_38 = arith.constant 0 : i32
        %dma_start3A_39 = arith.constant 0 : i32
        %dma_start3A_40 = tpu.memref_slice %arg16[%dma_start3A_38, %dma_start3A_39] : memref<10112x128xf32, #tpu.memory_space<vmem_shared>> -> memref<10112x128xf32, #tpu.memory_space<vmem_shared>>
        tpu.enqueue_indirect_dma source(%arg15 : memref<128x128xf32, #tpu.memory_space<vmem>>) target(%dma_start3A_40 : memref<10112x128xf32, #tpu.memory_space<vmem_shared>>) offsets(%arg13 : memref<128xi32, #tpu.memory_space<vmem>>) semaphore(%run_scoped3A : memref<!tpu.dma_semaphore, #tpu.memory_space<semaphore_mem>>) {add = true}
        %dma_wait3A_41 = arith.constant 0 : i32
        %dma_wait3A_42 = arith.constant 0 : i32
        %dma_wait3A_43 = tpu.memref_slice %arg16[%dma_wait3A_41, %dma_wait3A_42] : memref<10112x128xf32, #tpu.memory_space<vmem_shared>> -> memref<10112x128xf32, #tpu.memory_space<vmem_shared>>
        tpu.wait_indirect_dma semaphore(%run_scoped3A : memref<!tpu.dma_semaphore, #tpu.memory_space<semaphore_mem>>) src(%arg15 : memref<128x128xf32, #tpu.memory_space<vmem>>) dst(%dma_wait3A_43 : memref<10112x128xf32, #tpu.memory_space<vmem_shared>>)
        tpu.yield
      }) : () -> ()
    }
    %scan3A_11 = arith.constant 79 : i32
    %barrier3A_12 = arith.constant 0 : index
    tpu.barrier barrier_id(%barrier3A_12)
    %mul3A_13 = arith.constant 632 : i32
    %mul3A_14 = arith.muli %arg1, %mul3A_13 : i32
    %mul3A_15 = arith.constant 632 : i32
    %mul3A_16 = arith.muli %arg1, %mul3A_15 : i32
    "tpu.region"() ({
      %run_scoped3A = tpu.sem_alloc : memref<!tpu.dma_semaphore, #tpu.memory_space<semaphore_mem>>
      %dma_start3A = arith.constant 0 : i32
      %dma_start3A_17 = tpu.memref_slice %arg7[%arg0, %mul3A_16, %dma_start3A] : memref<2x10112x128xf32, #tpu.memory_space<hbm>> -> memref<1x632x128xf32, #tpu.memory_space<hbm>>
      %dma_start3A_18 = tpu.memref_squeeze %dma_start3A_17 : memref<1x632x128xf32, #tpu.memory_space<hbm>> -> memref<632x128xf32, #tpu.memory_space<hbm>>
      %dma_start3A_19 = arith.constant 0 : i32
      %dma_start3A_20 = tpu.memref_slice %arg16[%mul3A_14, %dma_start3A_19] : memref<10112x128xf32, #tpu.memory_space<vmem_shared>> -> memref<632x128xf32, #tpu.memory_space<vmem_shared>>
      tpu.enqueue_dma source(%dma_start3A_20 : memref<632x128xf32, #tpu.memory_space<vmem_shared>>) target(%dma_start3A_18 : memref<632x128xf32, #tpu.memory_space<hbm>>) target_semaphore(%run_scoped3A : memref<!tpu.dma_semaphore, #tpu.memory_space<semaphore_mem>>)
      %dma_wait3A = arith.constant 0 : i32
      %dma_wait3A_21 = tpu.memref_slice %arg7[%arg0, %mul3A_16, %dma_wait3A] : memref<2x10112x128xf32, #tpu.memory_space<hbm>> -> memref<1x632x128xf32, #tpu.memory_space<hbm>>
      %dma_wait3A_22 = tpu.memref_squeeze %dma_wait3A_21 : memref<1x632x128xf32, #tpu.memory_space<hbm>> -> memref<632x128xf32, #tpu.memory_space<hbm>>
      %dma_wait3A_23 = arith.constant 0 : i32
      %dma_wait3A_24 = tpu.memref_slice %arg16[%mul3A_14, %dma_wait3A_23] : memref<10112x128xf32, #tpu.memory_space<vmem_shared>> -> memref<632x128xf32, #tpu.memory_space<vmem_shared>>
      tpu.wait_dma2 semaphore(%run_scoped3A : memref<!tpu.dma_semaphore, #tpu.memory_space<semaphore_mem>>) src(%dma_wait3A_24 : memref<632x128xf32, #tpu.memory_space<vmem_shared>>) dst(%dma_wait3A_22 : memref<632x128xf32, #tpu.memory_space<hbm>>)
      tpu.yield
    }) : () -> ()
    "tpu.region"() ({
      %run_scoped3A = tpu.sem_alloc : memref<!tpu.dma_semaphore, #tpu.memory_space<semaphore_mem>>
      %dma_start3A = tpu.memref_slice %arg8[%mul3A_2] : memref<323584xi32, #tpu.memory_space<hbm>> -> memref<10112xi32, #tpu.memory_space<hbm>>
      %dma_start3A_17 = tpu.memref_slice %arg8[%mul3A_2] : memref<323584xi32, #tpu.memory_space<hbm>> -> memref<10112xi32, #tpu.memory_space<hbm>>
      tpu.enqueue_dma source(%arg14 : memref<10112xi32, #tpu.memory_space<vmem>>) target(%dma_start3A_17 : memref<10112xi32, #tpu.memory_space<hbm>>) target_semaphore(%run_scoped3A : memref<!tpu.dma_semaphore, #tpu.memory_space<semaphore_mem>>)
      %dma_wait3A = tpu.memref_slice %arg8[%mul3A_2] : memref<323584xi32, #tpu.memory_space<hbm>> -> memref<10112xi32, #tpu.memory_space<hbm>>
      %dma_wait3A_18 = tpu.memref_slice %arg8[%mul3A_2] : memref<323584xi32, #tpu.memory_space<hbm>> -> memref<10112xi32, #tpu.memory_space<hbm>>
      tpu.wait_dma2 semaphore(%run_scoped3A : memref<!tpu.dma_semaphore, #tpu.memory_space<semaphore_mem>>) src(%arg14 : memref<10112xi32, #tpu.memory_space<vmem>>) dst(%dma_wait3A_18 : memref<10112xi32, #tpu.memory_space<hbm>>)
      tpu.yield
    }) : () -> ()
    return
  }
}

#map = affine_map<(d0, d1) -> (0)>
#map1 = affine_map<(d0, d1) -> (0, 0)>
#map2 = affine_map<(d0, d1) -> (0, 0, 0)>
module attributes {stable_mosaic.version = 14 : i64} {
  func.func @_sc_deg_body(%arg0: i32, %arg1: i32, %arg2: memref<323584xi32, #tpu.memory_space<hbm>>, %arg3: memref<323584xi32, #tpu.memory_space<hbm>>, %arg4: memref<10112xi32, #tpu.memory_space<hbm>>, %arg5: memref<10112x128xf32, #tpu.memory_space<hbm>>, %arg6: memref<128x128xf32, #tpu.memory_space<hbm>>, %arg7: memref<2x10112x128xf32, #tpu.memory_space<hbm>>, %arg8: memref<323584xi32, #tpu.memory_space<hbm>>, %arg9: memref<10112xi32, #tpu.memory_space<vmem>>, %arg10: memref<10112xi32, #tpu.memory_space<vmem>>, %arg11: memref<128xi32, #tpu.memory_space<vmem>>, %arg12: memref<128xi32, #tpu.memory_space<vmem>>, %arg13: memref<128xi32, #tpu.memory_space<vmem>>, %arg14: memref<10112xi32, #tpu.memory_space<vmem>>, %arg15: memref<128x128xf32, #tpu.memory_space<vmem>>, %arg16: memref<10112x128xf32, #tpu.memory_space<vmem_shared>>, %arg17: memref<!tpu.dma_semaphore, #tpu.memory_space<semaphore_mem>>) attributes {dimension_semantics = [#tpu.dimension_semantics<core_parallel>, #tpu.dimension_semantics<subcore_parallel>], iteration_bounds = array<i64: 2, 16>, scalar_prefetch = 0 : i64, scratch_operands = 9 : i64, tpu.core_type = #tpu.core_type<sc_vector_subcore>, window_params = [{transform_indices = #map}, {transform_indices = #map}, {transform_indices = #map}, {transform_indices = #map1}, {transform_indices = #map1}, {transform_indices = #map2}, {transform_indices = #map}]} {
    %mul3A = arith.constant 2 : i32
    %mul3A_0 = arith.muli %arg1, %mul3A : i32
    %add3A = arith.addi %mul3A_0, %arg0 : i32
    %mul3A_1 = arith.constant 10112 : i32
    %mul3A_2 = arith.muli %add3A, %mul3A_1 : i32
    %mul3A_3 = arith.constant 632 : i32
    %mul3A_4 = arith.muli %arg1, %mul3A_3 : i32
    %mul3A_5 = arith.constant 632 : i32
    %mul3A_6 = arith.muli %arg1, %mul3A_5 : i32
    "tpu.region"() ({
      %run_scoped3A = tpu.sem_alloc : memref<!tpu.dma_semaphore, #tpu.memory_space<semaphore_mem>>
      %dma_start3A = arith.constant 0 : i32
      %dma_start3A_17 = tpu.memref_slice %arg16[%mul3A_6, %dma_start3A] : memref<10112x128xf32, #tpu.memory_space<vmem_shared>> -> memref<632x128xf32, #tpu.memory_space<vmem_shared>>
      %dma_start3A_18 = arith.constant 0 : i32
      %dma_start3A_19 = tpu.memref_slice %arg5[%mul3A_4, %dma_start3A_18] : memref<10112x128xf32, #tpu.memory_space<hbm>> -> memref<632x128xf32, #tpu.memory_space<hbm>>
      tpu.enqueue_dma source(%dma_start3A_19 : memref<632x128xf32, #tpu.memory_space<hbm>>) target(%dma_start3A_17 : memref<632x128xf32, #tpu.memory_space<vmem_shared>>) target_semaphore(%run_scoped3A : memref<!tpu.dma_semaphore, #tpu.memory_space<semaphore_mem>>)
      %dma_wait3A = arith.constant 0 : i32
      %dma_wait3A_20 = tpu.memref_slice %arg16[%mul3A_6, %dma_wait3A] : memref<10112x128xf32, #tpu.memory_space<vmem_shared>> -> memref<632x128xf32, #tpu.memory_space<vmem_shared>>
      %dma_wait3A_21 = arith.constant 0 : i32
      %dma_wait3A_22 = tpu.memref_slice %arg5[%mul3A_4, %dma_wait3A_21] : memref<10112x128xf32, #tpu.memory_space<hbm>> -> memref<632x128xf32, #tpu.memory_space<hbm>>
      tpu.wait_dma2 semaphore(%run_scoped3A : memref<!tpu.dma_semaphore, #tpu.memory_space<semaphore_mem>>) src(%dma_wait3A_22 : memref<632x128xf32, #tpu.memory_space<hbm>>) dst(%dma_wait3A_20 : memref<632x128xf32, #tpu.memory_space<vmem_shared>>)
      tpu.yield
    }) : () -> ()
    "tpu.region"() ({
      %run_scoped3A = tpu.sem_alloc : memref<!tpu.dma_semaphore, #tpu.memory_space<semaphore_mem>>
      %dma_start3A = tpu.memref_slice %arg2[%mul3A_2] : memref<323584xi32, #tpu.memory_space<hbm>> -> memref<10112xi32, #tpu.memory_space<hbm>>
      %dma_start3A_17 = tpu.memref_slice %arg2[%mul3A_2] : memref<323584xi32, #tpu.memory_space<hbm>> -> memref<10112xi32, #tpu.memory_space<hbm>>
      tpu.enqueue_dma source(%dma_start3A_17 : memref<10112xi32, #tpu.memory_space<hbm>>) target(%arg9 : memref<10112xi32, #tpu.memory_space<vmem>>) target_semaphore(%run_scoped3A : memref<!tpu.dma_semaphore, #tpu.memory_space<semaphore_mem>>)
      %dma_wait3A = tpu.memref_slice %arg2[%mul3A_2] : memref<323584xi32, #tpu.memory_space<hbm>> -> memref<10112xi32, #tpu.memory_space<hbm>>
      %dma_wait3A_18 = tpu.memref_slice %arg2[%mul3A_2] : memref<323584xi32, #tpu.memory_space<hbm>> -> memref<10112xi32, #tpu.memory_space<hbm>>
      tpu.wait_dma2 semaphore(%run_scoped3A : memref<!tpu.dma_semaphore, #tpu.memory_space<semaphore_mem>>) src(%dma_wait3A_18 : memref<10112xi32, #tpu.memory_space<hbm>>) dst(%arg9 : memref<10112xi32, #tpu.memory_space<vmem>>)
      tpu.yield
    }) : () -> ()
    "tpu.region"() ({
      %run_scoped3A = tpu.sem_alloc : memref<!tpu.dma_semaphore, #tpu.memory_space<semaphore_mem>>
      %dma_start3A = tpu.memref_slice %arg3[%mul3A_2] : memref<323584xi32, #tpu.memory_space<hbm>> -> memref<10112xi32, #tpu.memory_space<hbm>>
      %dma_start3A_17 = tpu.memref_slice %arg3[%mul3A_2] : memref<323584xi32, #tpu.memory_space<hbm>> -> memref<10112xi32, #tpu.memory_space<hbm>>
      tpu.enqueue_dma source(%dma_start3A_17 : memref<10112xi32, #tpu.memory_space<hbm>>) target(%arg10 : memref<10112xi32, #tpu.memory_space<vmem>>) target_semaphore(%run_scoped3A : memref<!tpu.dma_semaphore, #tpu.memory_space<semaphore_mem>>)
      %dma_wait3A = tpu.memref_slice %arg3[%mul3A_2] : memref<323584xi32, #tpu.memory_space<hbm>> -> memref<10112xi32, #tpu.memory_space<hbm>>
      %dma_wait3A_18 = tpu.memref_slice %arg3[%mul3A_2] : memref<323584xi32, #tpu.memory_space<hbm>> -> memref<10112xi32, #tpu.memory_space<hbm>>
      tpu.wait_dma2 semaphore(%run_scoped3A : memref<!tpu.dma_semaphore, #tpu.memory_space<semaphore_mem>>) src(%dma_wait3A_18 : memref<10112xi32, #tpu.memory_space<hbm>>) dst(%arg10 : memref<10112xi32, #tpu.memory_space<vmem>>)
      tpu.yield
    }) : () -> ()
    "tpu.region"() ({
      %run_scoped3A = tpu.sem_alloc : memref<!tpu.dma_semaphore, #tpu.memory_space<semaphore_mem>>
      tpu.enqueue_dma source(%arg6 : memref<128x128xf32, #tpu.memory_space<hbm>>) target(%arg15 : memref<128x128xf32, #tpu.memory_space<vmem>>) target_semaphore(%run_scoped3A : memref<!tpu.dma_semaphore, #tpu.memory_space<semaphore_mem>>)
      tpu.wait_dma2 semaphore(%run_scoped3A : memref<!tpu.dma_semaphore, #tpu.memory_space<semaphore_mem>>) src(%arg6 : memref<128x128xf32, #tpu.memory_space<hbm>>) dst(%arg15 : memref<128x128xf32, #tpu.memory_space<vmem>>)
      tpu.yield
    }) : () -> ()
    %barrier3A = arith.constant 0 : index
    tpu.barrier barrier_id(%barrier3A)
    %iota3A = tpu.iota {dimensions = array<i32: 0>} : vector<16xi32>
    %scan3A = arith.constant 0 : i32
    %scan3A_7 = arith.constant 0 : i32
    %scan3A_8 = arith.constant 79 : i32
    %scan3A_9 = arith.addi %scan3A_7, %scan3A_8 : i32
    %scan3A_10 = arith.constant 1 : i32
    scf.for %scan3A_17 = %scan3A_7 to %scan3A_9 step %scan3A_10  : i32 {
      %mul3A_18 = arith.constant 128 : i32
      %mul3A_19 = arith.muli %scan3A_17, %mul3A_18 : i32
      %dma_start3A = tpu.memref_slice %arg9[%mul3A_19] : memref<10112xi32, #tpu.memory_space<vmem>> -> memref<128xi32, #tpu.memory_space<vmem>>
      %dma_start3A_20 = arith.constant 0 : i32
      %dma_start3A_21 = tpu.memref_slice %arg4[%dma_start3A_20] : memref<10112xi32, #tpu.memory_space<hbm>> -> memref<10112xi32, #tpu.memory_space<hbm>>
      tpu.enqueue_indirect_dma source(%dma_start3A_21 : memref<10112xi32, #tpu.memory_space<hbm>>) target(%arg11 : memref<128xi32, #tpu.memory_space<vmem>>) offsets(%dma_start3A : memref<128xi32, #tpu.memory_space<vmem>>) semaphore(%arg17 : memref<!tpu.dma_semaphore, #tpu.memory_space<semaphore_mem>>)
      %dma_wait3A = tpu.memref_slice %arg9[%mul3A_19] : memref<10112xi32, #tpu.memory_space<vmem>> -> memref<128xi32, #tpu.memory_space<vmem>>
      %dma_wait3A_22 = arith.constant 0 : i32
      %dma_wait3A_23 = tpu.memref_slice %arg4[%dma_wait3A_22] : memref<10112xi32, #tpu.memory_space<hbm>> -> memref<10112xi32, #tpu.memory_space<hbm>>
      tpu.wait_indirect_dma semaphore(%arg17 : memref<!tpu.dma_semaphore, #tpu.memory_space<semaphore_mem>>) src(%dma_wait3A_23 : memref<10112xi32, #tpu.memory_space<hbm>>) dst(%arg11 : memref<128xi32, #tpu.memory_space<vmem>>)
      %mul3A_24 = arith.constant 128 : i32
      %mul3A_25 = arith.muli %scan3A_17, %mul3A_24 : i32
      %dma_start3A_26 = tpu.memref_slice %arg10[%mul3A_25] : memref<10112xi32, #tpu.memory_space<vmem>> -> memref<128xi32, #tpu.memory_space<vmem>>
      %dma_start3A_27 = arith.constant 0 : i32
      %dma_start3A_28 = tpu.memref_slice %arg4[%dma_start3A_27] : memref<10112xi32, #tpu.memory_space<hbm>> -> memref<10112xi32, #tpu.memory_space<hbm>>
      tpu.enqueue_indirect_dma source(%dma_start3A_28 : memref<10112xi32, #tpu.memory_space<hbm>>) target(%arg12 : memref<128xi32, #tpu.memory_space<vmem>>) offsets(%dma_start3A_26 : memref<128xi32, #tpu.memory_space<vmem>>) semaphore(%arg17 : memref<!tpu.dma_semaphore, #tpu.memory_space<semaphore_mem>>)
      %dma_wait3A_29 = tpu.memref_slice %arg10[%mul3A_25] : memref<10112xi32, #tpu.memory_space<vmem>> -> memref<128xi32, #tpu.memory_space<vmem>>
      %dma_wait3A_30 = arith.constant 0 : i32
      %dma_wait3A_31 = tpu.memref_slice %arg4[%dma_wait3A_30] : memref<10112xi32, #tpu.memory_space<hbm>> -> memref<10112xi32, #tpu.memory_space<hbm>>
      tpu.wait_indirect_dma semaphore(%arg17 : memref<!tpu.dma_semaphore, #tpu.memory_space<semaphore_mem>>) src(%dma_wait3A_31 : memref<10112xi32, #tpu.memory_space<hbm>>) dst(%arg12 : memref<128xi32, #tpu.memory_space<vmem>>)
      %scan3A_32 = arith.constant 0 : i32
      %scan3A_33 = arith.constant 0 : i32
      %scan3A_34 = arith.constant 8 : i32
      %scan3A_35 = arith.addi %scan3A_33, %scan3A_34 : i32
      %scan3A_36 = arith.constant 1 : i32
      scf.for %scan3A_38 = %scan3A_33 to %scan3A_35 step %scan3A_36  : i32 {
        %mul3A_39 = arith.constant 128 : i32
        %mul3A_40 = arith.muli %scan3A_17, %mul3A_39 : i32
        %mul3A_41 = arith.constant 16 : i32
        %mul3A_42 = arith.muli %scan3A_38, %mul3A_41 : i32
        %add3A_43 = arith.addi %mul3A_40, %mul3A_42 : i32
        %get3A = arith.index_cast %add3A_43 : i32 to index
        %get3A_44 = tpu.vector_load %arg9[%get3A] {strides = array<i32>} : memref<10112xi32, #tpu.memory_space<vmem>>, vector<16xi32>,
        %get3A_45 = vector.shape_cast %get3A_44 : vector<16xi32> to vector<16xi32>
        %get3A_46 = arith.index_cast %add3A_43 : i32 to index
        %get3A_47 = tpu.vector_load %arg10[%get3A_46] {strides = array<i32>} : memref<10112xi32, #tpu.memory_space<vmem>>, vector<16xi32>,
        %get3A_48 = vector.shape_cast %get3A_47 : vector<16xi32> to vector<16xi32>
        %mul3A_49 = arith.constant 16 : i32
        %mul3A_50 = arith.muli %scan3A_38, %mul3A_49 : i32
        %get3A_51 = arith.index_cast %mul3A_50 : i32 to index
        %get3A_52 = tpu.vector_load %arg11[%get3A_51] {strides = array<i32>} : memref<128xi32, #tpu.memory_space<vmem>>, vector<16xi32>,
        %get3A_53 = vector.shape_cast %get3A_52 : vector<16xi32> to vector<16xi32>
        %mul3A_54 = arith.constant 16 : i32
        %mul3A_55 = arith.muli %scan3A_38, %mul3A_54 : i32
        %get3A_56 = arith.index_cast %mul3A_55 : i32 to index
        %get3A_57 = tpu.vector_load %arg12[%get3A_56] {strides = array<i32>} : memref<128xi32, #tpu.memory_space<vmem>>, vector<16xi32>,
        %get3A_58 = vector.shape_cast %get3A_57 : vector<16xi32> to vector<16xi32>
        %ne3A = arith.cmpi ne, %get3A_45, %get3A_48 : vector<16xi32>
        %gt3A = arith.constant 0 : i32
        %gt3A_59 = vector.broadcast %gt3A : i32 to vector<16xi32>
        %gt3A_60 = arith.cmpi sgt, %get3A_53, %gt3A_59 : vector<16xi32>
        %and3A = arith.andi %ne3A, %gt3A_60 : vector<16xi1>
        %gt3A_61 = arith.constant 0 : i32
        %gt3A_62 = vector.broadcast %gt3A_61 : i32 to vector<16xi32>
        %gt3A_63 = arith.cmpi sgt, %get3A_58, %gt3A_62 : vector<16xi32>
        %and3A_64 = arith.andi %and3A, %gt3A_63 : vector<16xi1>
        %add3A_65 = arith.constant 10000 : i32
        %add3A_66 = vector.broadcast %add3A_65 : i32 to vector<16xi32>
        %add3A_67 = arith.addi %add3A_66, %iota3A : vector<16xi32>
        %add3A_68 = arith.addi %scan3A_17, %scan3A_38 : i32
        %jit3A = arith.constant 7 : i32
        %eq3A = arith.constant 0 : i32
        %eq3A_69 = arith.cmpi eq, %jit3A, %eq3A : i32
        %jit3A_70 = arith.constant 1 : i32
        %select_n3A = arith.select %eq3A_69, %jit3A_70, %jit3A : i32
        %rem3A = arith.remsi %add3A_68, %select_n3A : i32
        %ne3A_71 = arith.constant 0 : i32
        %ne3A_72 = arith.cmpi ne, %rem3A, %ne3A_71 : i32
        %lt3A = arith.constant 0 : i32
        %lt3A_73 = arith.cmpi slt, %rem3A, %lt3A : i32
        %lt3A_74 = arith.constant 0 : i32
        %lt3A_75 = arith.cmpi slt, %select_n3A, %lt3A_74 : i32
        %ne3A_76 = arith.xori %lt3A_73, %lt3A_75 : i1
        %and3A_77 = arith.andi %ne3A_76, %ne3A_72 : i1
        %add3A_78 = arith.addi %rem3A, %select_n3A : i32
        %select_n3A_79 = arith.select %and3A_77, %add3A_78, %rem3A : i32
        %mul3A_80 = arith.constant 16 : i32
        %mul3A_81 = arith.muli %mul3A_80, %select_n3A_79 : i32
        %add3A_82 = vector.broadcast %mul3A_81 : i32 to vector<16xi32>
        %add3A_83 = arith.addi %add3A_67, %add3A_82 : vector<16xi32>
        %select_n3A_84 = arith.select %and3A_64, %get3A_45, %add3A_83 : vector<16xi1>, vector<16xi32>
        %mul3A_85 = arith.constant 16 : i32
        %mul3A_86 = arith.muli %scan3A_38, %mul3A_85 : i32
        %swap3A = arith.index_cast %mul3A_86 : i32 to index
        %swap3A_87 = tpu.vector_load %arg13[%swap3A] {strides = array<i32>} : memref<128xi32, #tpu.memory_space<vmem>>, vector<16xi32>,
        %swap3A_88 = vector.shape_cast %swap3A_87 : vector<16xi32> to vector<16xi32>
        %swap3A_89 = vector.shape_cast %select_n3A_84 : vector<16xi32> to vector<16xi32>
        tpu.vector_store %arg13[%swap3A], %swap3A_89 {strides = array<i32>} : memref<128xi32, #tpu.memory_space<vmem>>, vector<16xi32>,
        %select_n3A_90 = arith.select %and3A_64, %get3A_48, %add3A_83 : vector<16xi1>, vector<16xi32>
        %swap3A_91 = arith.index_cast %add3A_43 : i32 to index
        %swap3A_92 = tpu.vector_load %arg14[%swap3A_91] {strides = array<i32>} : memref<10112xi32, #tpu.memory_space<vmem>>, vector<16xi32>,
        %swap3A_93 = vector.shape_cast %swap3A_92 : vector<16xi32> to vector<16xi32>
        %swap3A_94 = vector.shape_cast %select_n3A_90 : vector<16xi32> to vector<16xi32>
        tpu.vector_store %arg14[%swap3A_91], %swap3A_94 {strides = array<i32>} : memref<10112xi32, #tpu.memory_space<vmem>>, vector<16xi32>,
      }
      %scan3A_37 = arith.constant 8 : i32
      "tpu.region"() ({
        %run_scoped3A = tpu.sem_alloc : memref<!tpu.dma_semaphore, #tpu.memory_space<semaphore_mem>>
        %dma_start3A_38 = arith.constant 0 : i32
        %dma_start3A_39 = arith.constant 0 : i32
        %dma_start3A_40 = tpu.memref_slice %arg16[%dma_start3A_38, %dma_start3A_39] : memref<10112x128xf32, #tpu.memory_space<vmem_shared>> -> memref<10112x128xf32, #tpu.memory_space<vmem_shared>>
        tpu.enqueue_indirect_dma source(%arg15 : memref<128x128xf32, #tpu.memory_space<vmem>>) target(%dma_start3A_40 : memref<10112x128xf32, #tpu.memory_space<vmem_shared>>) offsets(%arg13 : memref<128xi32, #tpu.memory_space<vmem>>) semaphore(%run_scoped3A : memref<!tpu.dma_semaphore, #tpu.memory_space<semaphore_mem>>) {add = true}
        %dma_wait3A_41 = arith.constant 0 : i32
        %dma_wait3A_42 = arith.constant 0 : i32
        %dma_wait3A_43 = tpu.memref_slice %arg16[%dma_wait3A_41, %dma_wait3A_42] : memref<10112x128xf32, #tpu.memory_space<vmem_shared>> -> memref<10112x128xf32, #tpu.memory_space<vmem_shared>>
        tpu.wait_indirect_dma semaphore(%run_scoped3A : memref<!tpu.dma_semaphore, #tpu.memory_space<semaphore_mem>>) src(%arg15 : memref<128x128xf32, #tpu.memory_space<vmem>>) dst(%dma_wait3A_43 : memref<10112x128xf32, #tpu.memory_space<vmem_shared>>)
        tpu.yield
      }) : () -> ()
    }
    %scan3A_11 = arith.constant 79 : i32
    %barrier3A_12 = arith.constant 0 : index
    tpu.barrier barrier_id(%barrier3A_12)
    %mul3A_13 = arith.constant 632 : i32
    %mul3A_14 = arith.muli %arg1, %mul3A_13 : i32
    %mul3A_15 = arith.constant 632 : i32
    %mul3A_16 = arith.muli %arg1, %mul3A_15 : i32
    "tpu.region"() ({
      %run_scoped3A = tpu.sem_alloc : memref<!tpu.dma_semaphore, #tpu.memory_space<semaphore_mem>>
      %dma_start3A = arith.constant 0 : i32
      %dma_start3A_17 = tpu.memref_slice %arg7[%arg0, %mul3A_16, %dma_start3A] : memref<2x10112x128xf32, #tpu.memory_space<hbm>> -> memref<1x632x128xf32, #tpu.memory_space<hbm>>
      %dma_start3A_18 = tpu.memref_squeeze %dma_start3A_17 : memref<1x632x128xf32, #tpu.memory_space<hbm>> -> memref<632x128xf32, #tpu.memory_space<hbm>>
      %dma_start3A_19 = arith.constant 0 : i32
      %dma_start3A_20 = tpu.memref_slice %arg16[%mul3A_14, %dma_start3A_19] : memref<10112x128xf32, #tpu.memory_space<vmem_shared>> -> memref<632x128xf32, #tpu.memory_space<vmem_shared>>
      tpu.enqueue_dma source(%dma_start3A_20 : memref<632x128xf32, #tpu.memory_space<vmem_shared>>) target(%dma_start3A_18 : memref<632x128xf32, #tpu.memory_space<hbm>>) target_semaphore(%run_scoped3A : memref<!tpu.dma_semaphore, #tpu.memory_space<semaphore_mem>>)
      %dma_wait3A = arith.constant 0 : i32
      %dma_wait3A_21 = tpu.memref_slice %arg7[%arg0, %mul3A_16, %dma_wait3A] : memref<2x10112x128xf32, #tpu.memory_space<hbm>> -> memref<1x632x128xf32, #tpu.memory_space<hbm>>
      %dma_wait3A_22 = tpu.memref_squeeze %dma_wait3A_21 : memref<1x632x128xf32, #tpu.memory_space<hbm>> -> memref<632x128xf32, #tpu.memory_space<hbm>>
      %dma_wait3A_23 = arith.constant 0 : i32
      %dma_wait3A_24 = tpu.memref_slice %arg16[%mul3A_14, %dma_wait3A_23] : memref<10112x128xf32, #tpu.memory_space<vmem_shared>> -> memref<632x128xf32, #tpu.memory_space<vmem_shared>>
      tpu.wait_dma2 semaphore(%run_scoped3A : memref<!tpu.dma_semaphore, #tpu.memory_space<semaphore_mem>>) src(%dma_wait3A_24 : memref<632x128xf32, #tpu.memory_space<vmem_shared>>) dst(%dma_wait3A_22 : memref<632x128xf32, #tpu.memory_space<hbm>>)
      tpu.yield
    }) : () -> ()
    "tpu.region"() ({
      %run_scoped3A = tpu.sem_alloc : memref<!tpu.dma_semaphore, #tpu.memory_space<semaphore_mem>>
      %dma_start3A = tpu.memref_slice %arg8[%mul3A_2] : memref<323584xi32, #tpu.memory_space<hbm>> -> memref<10112xi32, #tpu.memory_space<hbm>>
      %dma_start3A_17 = tpu.memref_slice %arg8[%mul3A_2] : memref<323584xi32, #tpu.memory_space<hbm>> -> memref<10112xi32, #tpu.memory_space<hbm>>
      tpu.enqueue_dma source(%arg14 : memref<10112xi32, #tpu.memory_space<vmem>>) target(%dma_start3A_17 : memref<10112xi32, #tpu.memory_space<hbm>>) target_semaphore(%run_scoped3A : memref<!tpu.dma_semaphore, #tpu.memory_space<semaphore_mem>>)
      %dma_wait3A = tpu.memref_slice %arg8[%mul3A_2] : memref<323584xi32, #tpu.memory_space<hbm>> -> memref<10112xi32, #tpu.memory_space<hbm>>
      %dma_wait3A_18 = tpu.memref_slice %arg8[%mul3A_2] : memref<323584xi32, #tpu.memory_space<hbm>> -> memref<10112xi32, #tpu.memory_space<hbm>>
      tpu.wait_dma2 semaphore(%run_scoped3A : memref<!tpu.dma_semaphore, #tpu.memory_space<semaphore_mem>>) src(%arg14 : memref<10112xi32, #tpu.memory_space<vmem>>) dst(%dma_wait3A_18 : memref<10112xi32, #tpu.memory_space<hbm>>)
      tpu.yield
    }) : () -> ()
    return
  }
}

#map = affine_map<(d0, d1) -> (0, 0)>
#map1 = affine_map<(d0, d1) -> (0)>
#map2 = affine_map<(d0, d1) -> (0, 0, 0)>
module attributes {stable_mosaic.version = 14 : i64} {
  func.func @_sc_agg_body(%arg0: i32, %arg1: i32, %arg2: memref<10112x128xf32, #tpu.memory_space<hbm>>, %arg3: memref<323584xi32, #tpu.memory_space<hbm>>, %arg4: memref<323584xi32, #tpu.memory_space<hbm>>, %arg5: memref<10112x128xf32, #tpu.memory_space<hbm>>, %arg6: memref<2x10112x128xf32, #tpu.memory_space<hbm>>, %arg7: memref<10112xi32, #tpu.memory_space<vmem>>, %arg8: memref<10112xi32, #tpu.memory_space<vmem>>, %arg9: memref<128xi32, #tpu.memory_space<vmem>>, %arg10: memref<128x128xf32, #tpu.memory_space<vmem>>, %arg11: memref<10112x128xf32, #tpu.memory_space<vmem_shared>>, %arg12: memref<!tpu.dma_semaphore, #tpu.memory_space<semaphore_mem>>) attributes {dimension_semantics = [#tpu.dimension_semantics<core_parallel>, #tpu.dimension_semantics<subcore_parallel>], iteration_bounds = array<i64: 2, 16>, scalar_prefetch = 0 : i64, scratch_operands = 6 : i64, tpu.core_type = #tpu.core_type<sc_vector_subcore>, window_params = [{transform_indices = #map}, {transform_indices = #map1}, {transform_indices = #map1}, {transform_indices = #map}, {transform_indices = #map2}]} {
    %mul3A = arith.constant 2 : i32
    %mul3A_0 = arith.muli %arg1, %mul3A : i32
    %add3A = arith.addi %mul3A_0, %arg0 : i32
    %mul3A_1 = arith.constant 10112 : i32
    %mul3A_2 = arith.muli %add3A, %mul3A_1 : i32
    %mul3A_3 = arith.constant 632 : i32
    %mul3A_4 = arith.muli %arg1, %mul3A_3 : i32
    %mul3A_5 = arith.constant 632 : i32
    %mul3A_6 = arith.muli %arg1, %mul3A_5 : i32
    "tpu.region"() ({
      %run_scoped3A = tpu.sem_alloc : memref<!tpu.dma_semaphore, #tpu.memory_space<semaphore_mem>>
      %dma_start3A = arith.constant 0 : i32
      %dma_start3A_17 = tpu.memref_slice %arg11[%mul3A_6, %dma_start3A] : memref<10112x128xf32, #tpu.memory_space<vmem_shared>> -> memref<632x128xf32, #tpu.memory_space<vmem_shared>>
      %dma_start3A_18 = arith.constant 0 : i32
      %dma_start3A_19 = tpu.memref_slice %arg5[%mul3A_4, %dma_start3A_18] : memref<10112x128xf32, #tpu.memory_space<hbm>> -> memref<632x128xf32, #tpu.memory_space<hbm>>
      tpu.enqueue_dma source(%dma_start3A_19 : memref<632x128xf32, #tpu.memory_space<hbm>>) target(%dma_start3A_17 : memref<632x128xf32, #tpu.memory_space<vmem_shared>>) target_semaphore(%run_scoped3A : memref<!tpu.dma_semaphore, #tpu.memory_space<semaphore_mem>>)
      %dma_wait3A = arith.constant 0 : i32
      %dma_wait3A_20 = tpu.memref_slice %arg11[%mul3A_6, %dma_wait3A] : memref<10112x128xf32, #tpu.memory_space<vmem_shared>> -> memref<632x128xf32, #tpu.memory_space<vmem_shared>>
      %dma_wait3A_21 = arith.constant 0 : i32
      %dma_wait3A_22 = tpu.memref_slice %arg5[%mul3A_4, %dma_wait3A_21] : memref<10112x128xf32, #tpu.memory_space<hbm>> -> memref<632x128xf32, #tpu.memory_space<hbm>>
      tpu.wait_dma2 semaphore(%run_scoped3A : memref<!tpu.dma_semaphore, #tpu.memory_space<semaphore_mem>>) src(%dma_wait3A_22 : memref<632x128xf32, #tpu.memory_space<hbm>>) dst(%dma_wait3A_20 : memref<632x128xf32, #tpu.memory_space<vmem_shared>>)
      tpu.yield
    }) : () -> ()
    "tpu.region"() ({
      %run_scoped3A = tpu.sem_alloc : memref<!tpu.dma_semaphore, #tpu.memory_space<semaphore_mem>>
      %dma_start3A = tpu.memref_slice %arg3[%mul3A_2] : memref<323584xi32, #tpu.memory_space<hbm>> -> memref<10112xi32, #tpu.memory_space<hbm>>
      %dma_start3A_17 = tpu.memref_slice %arg3[%mul3A_2] : memref<323584xi32, #tpu.memory_space<hbm>> -> memref<10112xi32, #tpu.memory_space<hbm>>
      tpu.enqueue_dma source(%dma_start3A_17 : memref<10112xi32, #tpu.memory_space<hbm>>) target(%arg7 : memref<10112xi32, #tpu.memory_space<vmem>>) target_semaphore(%run_scoped3A : memref<!tpu.dma_semaphore, #tpu.memory_space<semaphore_mem>>)
      %dma_wait3A = tpu.memref_slice %arg3[%mul3A_2] : memref<323584xi32, #tpu.memory_space<hbm>> -> memref<10112xi32, #tpu.memory_space<hbm>>
      %dma_wait3A_18 = tpu.memref_slice %arg3[%mul3A_2] : memref<323584xi32, #tpu.memory_space<hbm>> -> memref<10112xi32, #tpu.memory_space<hbm>>
      tpu.wait_dma2 semaphore(%run_scoped3A : memref<!tpu.dma_semaphore, #tpu.memory_space<semaphore_mem>>) src(%dma_wait3A_18 : memref<10112xi32, #tpu.memory_space<hbm>>) dst(%arg7 : memref<10112xi32, #tpu.memory_space<vmem>>)
      tpu.yield
    }) : () -> ()
    "tpu.region"() ({
      %run_scoped3A = tpu.sem_alloc : memref<!tpu.dma_semaphore, #tpu.memory_space<semaphore_mem>>
      %dma_start3A = tpu.memref_slice %arg4[%mul3A_2] : memref<323584xi32, #tpu.memory_space<hbm>> -> memref<10112xi32, #tpu.memory_space<hbm>>
      %dma_start3A_17 = tpu.memref_slice %arg4[%mul3A_2] : memref<323584xi32, #tpu.memory_space<hbm>> -> memref<10112xi32, #tpu.memory_space<hbm>>
      tpu.enqueue_dma source(%dma_start3A_17 : memref<10112xi32, #tpu.memory_space<hbm>>) target(%arg8 : memref<10112xi32, #tpu.memory_space<vmem>>) target_semaphore(%run_scoped3A : memref<!tpu.dma_semaphore, #tpu.memory_space<semaphore_mem>>)
      %dma_wait3A = tpu.memref_slice %arg4[%mul3A_2] : memref<323584xi32, #tpu.memory_space<hbm>> -> memref<10112xi32, #tpu.memory_space<hbm>>
      %dma_wait3A_18 = tpu.memref_slice %arg4[%mul3A_2] : memref<323584xi32, #tpu.memory_space<hbm>> -> memref<10112xi32, #tpu.memory_space<hbm>>
      tpu.wait_dma2 semaphore(%run_scoped3A : memref<!tpu.dma_semaphore, #tpu.memory_space<semaphore_mem>>) src(%dma_wait3A_18 : memref<10112xi32, #tpu.memory_space<hbm>>) dst(%arg8 : memref<10112xi32, #tpu.memory_space<vmem>>)
      tpu.yield
    }) : () -> ()
    %barrier3A = arith.constant 0 : index
    tpu.barrier barrier_id(%barrier3A)
    %scan3A = arith.constant 0 : i32
    %scan3A_7 = arith.constant 0 : i32
    %scan3A_8 = arith.constant 79 : i32
    %scan3A_9 = arith.addi %scan3A_7, %scan3A_8 : i32
    %scan3A_10 = arith.constant 1 : i32
    scf.for %scan3A_17 = %scan3A_7 to %scan3A_9 step %scan3A_10  : i32 {
      %mul3A_18 = arith.constant 128 : i32
      %mul3A_19 = arith.muli %scan3A_17, %mul3A_18 : i32
      %dma_start3A = tpu.memref_slice %arg7[%mul3A_19] : memref<10112xi32, #tpu.memory_space<vmem>> -> memref<128xi32, #tpu.memory_space<vmem>>
      %dma_start3A_20 = arith.constant 0 : i32
      %dma_start3A_21 = arith.constant 0 : i32
      %dma_start3A_22 = tpu.memref_slice %arg2[%dma_start3A_20, %dma_start3A_21] : memref<10112x128xf32, #tpu.memory_space<hbm>> -> memref<10112x128xf32, #tpu.memory_space<hbm>>
      tpu.enqueue_indirect_dma source(%dma_start3A_22 : memref<10112x128xf32, #tpu.memory_space<hbm>>) target(%arg10 : memref<128x128xf32, #tpu.memory_space<vmem>>) offsets(%dma_start3A : memref<128xi32, #tpu.memory_space<vmem>>) semaphore(%arg12 : memref<!tpu.dma_semaphore, #tpu.memory_space<semaphore_mem>>)
      %dma_wait3A = tpu.memref_slice %arg7[%mul3A_19] : memref<10112xi32, #tpu.memory_space<vmem>> -> memref<128xi32, #tpu.memory_space<vmem>>
      %dma_wait3A_23 = arith.constant 0 : i32
      %dma_wait3A_24 = arith.constant 0 : i32
      %dma_wait3A_25 = tpu.memref_slice %arg2[%dma_wait3A_23, %dma_wait3A_24] : memref<10112x128xf32, #tpu.memory_space<hbm>> -> memref<10112x128xf32, #tpu.memory_space<hbm>>
      tpu.wait_indirect_dma semaphore(%arg12 : memref<!tpu.dma_semaphore, #tpu.memory_space<semaphore_mem>>) src(%dma_wait3A_25 : memref<10112x128xf32, #tpu.memory_space<hbm>>) dst(%arg10 : memref<128x128xf32, #tpu.memory_space<vmem>>)
      %scan3A_26 = arith.constant 0 : i32
      %scan3A_27 = arith.constant 0 : i32
      %scan3A_28 = arith.constant 8 : i32
      %scan3A_29 = arith.addi %scan3A_27, %scan3A_28 : i32
      %scan3A_30 = arith.constant 1 : i32
      scf.for %scan3A_32 = %scan3A_27 to %scan3A_29 step %scan3A_30  : i32 {
        %mul3A_33 = arith.constant 128 : i32
        %mul3A_34 = arith.muli %scan3A_17, %mul3A_33 : i32
        %mul3A_35 = arith.constant 16 : i32
        %mul3A_36 = arith.muli %scan3A_32, %mul3A_35 : i32
        %add3A_37 = arith.addi %mul3A_34, %mul3A_36 : i32
        %get3A = arith.index_cast %add3A_37 : i32 to index
        %get3A_38 = tpu.vector_load %arg8[%get3A] {strides = array<i32>} : memref<10112xi32, #tpu.memory_space<vmem>>, vector<16xi32>,
        %get3A_39 = vector.shape_cast %get3A_38 : vector<16xi32> to vector<16xi32>
        %mul3A_40 = arith.constant 16 : i32
        %mul3A_41 = arith.muli %scan3A_32, %mul3A_40 : i32
        %swap3A = arith.index_cast %mul3A_41 : i32 to index
        %swap3A_42 = tpu.vector_load %arg9[%swap3A] {strides = array<i32>} : memref<128xi32, #tpu.memory_space<vmem>>, vector<16xi32>,
        %swap3A_43 = vector.shape_cast %swap3A_42 : vector<16xi32> to vector<16xi32>
        %swap3A_44 = vector.shape_cast %get3A_39 : vector<16xi32> to vector<16xi32>
        tpu.vector_store %arg9[%swap3A], %swap3A_44 {strides = array<i32>} : memref<128xi32, #tpu.memory_space<vmem>>, vector<16xi32>,
      }
      %scan3A_31 = arith.constant 8 : i32
      "tpu.region"() ({
        %run_scoped3A = tpu.sem_alloc : memref<!tpu.dma_semaphore, #tpu.memory_space<semaphore_mem>>
        %dma_start3A_32 = arith.constant 0 : i32
        %dma_start3A_33 = arith.constant 0 : i32
        %dma_start3A_34 = tpu.memref_slice %arg11[%dma_start3A_32, %dma_start3A_33] : memref<10112x128xf32, #tpu.memory_space<vmem_shared>> -> memref<10112x128xf32, #tpu.memory_space<vmem_shared>>
        tpu.enqueue_indirect_dma source(%arg10 : memref<128x128xf32, #tpu.memory_space<vmem>>) target(%dma_start3A_34 : memref<10112x128xf32, #tpu.memory_space<vmem_shared>>) offsets(%arg9 : memref<128xi32, #tpu.memory_space<vmem>>) semaphore(%run_scoped3A : memref<!tpu.dma_semaphore, #tpu.memory_space<semaphore_mem>>) {add = true}
        %dma_wait3A_35 = arith.constant 0 : i32
        %dma_wait3A_36 = arith.constant 0 : i32
        %dma_wait3A_37 = tpu.memref_slice %arg11[%dma_wait3A_35, %dma_wait3A_36] : memref<10112x128xf32, #tpu.memory_space<vmem_shared>> -> memref<10112x128xf32, #tpu.memory_space<vmem_shared>>
        tpu.wait_indirect_dma semaphore(%run_scoped3A : memref<!tpu.dma_semaphore, #tpu.memory_space<semaphore_mem>>) src(%arg10 : memref<128x128xf32, #tpu.memory_space<vmem>>) dst(%dma_wait3A_37 : memref<10112x128xf32, #tpu.memory_space<vmem_shared>>)
        tpu.yield
      }) : () -> ()
    }
    %scan3A_11 = arith.constant 79 : i32
    %barrier3A_12 = arith.constant 0 : index
    tpu.barrier barrier_id(%barrier3A_12)
    %mul3A_13 = arith.constant 632 : i32
    %mul3A_14 = arith.muli %arg1, %mul3A_13 : i32
    %mul3A_15 = arith.constant 632 : i32
    %mul3A_16 = arith.muli %arg1, %mul3A_15 : i32
    "tpu.region"() ({
      %run_scoped3A = tpu.sem_alloc : memref<!tpu.dma_semaphore, #tpu.memory_space<semaphore_mem>>
      %dma_start3A = arith.constant 0 : i32
      %dma_start3A_17 = tpu.memref_slice %arg6[%arg0, %mul3A_16, %dma_start3A] : memref<2x10112x128xf32, #tpu.memory_space<hbm>> -> memref<1x632x128xf32, #tpu.memory_space<hbm>>
      %dma_start3A_18 = tpu.memref_squeeze %dma_start3A_17 : memref<1x632x128xf32, #tpu.memory_space<hbm>> -> memref<632x128xf32, #tpu.memory_space<hbm>>
      %dma_start3A_19 = arith.constant 0 : i32
      %dma_start3A_20 = tpu.memref_slice %arg11[%mul3A_14, %dma_start3A_19] : memref<10112x128xf32, #tpu.memory_space<vmem_shared>> -> memref<632x128xf32, #tpu.memory_space<vmem_shared>>
      tpu.enqueue_dma source(%dma_start3A_20 : memref<632x128xf32, #tpu.memory_space<vmem_shared>>) target(%dma_start3A_18 : memref<632x128xf32, #tpu.memory_space<hbm>>) target_semaphore(%run_scoped3A : memref<!tpu.dma_semaphore, #tpu.memory_space<semaphore_mem>>)
      %dma_wait3A = arith.constant 0 : i32
      %dma_wait3A_21 = tpu.memref_slice %arg6[%arg0, %mul3A_16, %dma_wait3A] : memref<2x10112x128xf32, #tpu.memory_space<hbm>> -> memref<1x632x128xf32, #tpu.memory_space<hbm>>
      %dma_wait3A_22 = tpu.memref_squeeze %dma_wait3A_21 : memref<1x632x128xf32, #tpu.memory_space<hbm>> -> memref<632x128xf32, #tpu.memory_space<hbm>>
      %dma_wait3A_23 = arith.constant 0 : i32
      %dma_wait3A_24 = tpu.memref_slice %arg11[%mul3A_14, %dma_wait3A_23] : memref<10112x128xf32, #tpu.memory_space<vmem_shared>> -> memref<632x128xf32, #tpu.memory_space<vmem_shared>>
      tpu.wait_dma2 semaphore(%run_scoped3A : memref<!tpu.dma_semaphore, #tpu.memory_space<semaphore_mem>>) src(%dma_wait3A_24 : memref<632x128xf32, #tpu.memory_space<vmem_shared>>) dst(%dma_wait3A_22 : memref<632x128xf32, #tpu.memory_space<hbm>>)
      tpu.yield
    }) : () -> ()
    return
  }
}

module attributes {stable_mosaic.version = 14 : i64} {
  func.func @_tc_prep_body(%arg0: memref<10112x128xf32, #tpu.memory_space<vmem>>, %arg1: memref<1x10112xf32, #tpu.memory_space<vmem>>, %arg2: memref<10112x128xf32, #tpu.memory_space<vmem>>) attributes {dimension_semantics = [], scalar_prefetch = 0 : i64, scratch_operands = 0 : i64, tpu.core_type = #tpu.core_type<tc>} {
    %get3A = arith.constant 0 : index
    %get3A_0 = arith.constant 0 : index
    %get3A_1 = vector.load %arg1[%get3A, %get3A_0] : memref<1x10112xf32, #tpu.memory_space<vmem>>, vector<1x10112xf32>
    %transpose3A = tpu.transpose %get3A_1, [1, 0] : vector<1x10112xf32> -> vector<10112x1xf32>
    %gt3A = arith.constant 0.000000e+00 : f32
    %gt3A_2 = vector.broadcast %gt3A : f32 to vector<10112x1xf32>
    %gt3A_3 = arith.cmpf ogt, %transpose3A, %gt3A_2 : vector<10112x1xf32>
    %rsqrt3A = math.rsqrt %transpose3A : vector<10112x1xf32>
    %jit3A = arith.constant 0.000000e+00 : f32
    %broadcast_in_dim3A = vector.broadcast %jit3A : f32 to vector<10112x1xf32>
    %select_n3A = arith.select %gt3A_3, %rsqrt3A, %broadcast_in_dim3A : vector<10112x1xi1>, vector<10112x1xf32>
    %get3A_4 = arith.constant 0 : index
    %get3A_5 = arith.constant 0 : index
    %get3A_6 = vector.load %arg0[%get3A_4, %get3A_5] : memref<10112x128xf32, #tpu.memory_space<vmem>>, vector<10112x128xf32>
    %mul3A = vector.broadcast %select_n3A : vector<10112x1xf32> to vector<10112x128xf32>
    %mul3A_7 = arith.mulf %get3A_6, %mul3A : vector<10112x128xf32>
    %swap3A = arith.constant 0 : index
    %swap3A_8 = arith.constant 0 : index
    %swap3A_9 = vector.load %arg2[%swap3A, %swap3A_8] : memref<10112x128xf32, #tpu.memory_space<vmem>>, vector<10112x128xf32>
    tpu.vector_store %arg2[%swap3A, %swap3A_8], %mul3A_7 {strides = array<i32>} : memref<10112x128xf32, #tpu.memory_space<vmem>>, vector<10112x128xf32>,
    return
  }
}

module attributes {stable_mosaic.version = 14 : i64} {
  func.func @_tc_select_body(%arg0: memref<10112x128xf32, #tpu.memory_space<vmem>>, %arg1: memref<2x10112x128xf32, #tpu.memory_space<vmem>>, %arg2: memref<1x10112xf32, #tpu.memory_space<vmem>>, %arg3: memref<1x10112xi32, #tpu.memory_space<vmem>>, %arg4: memref<1x10112xi32, #tpu.memory_space<vmem>>, %arg5: memref<16x256xf32, #tpu.memory_space<vmem>>, %arg6: memref<1x10112xi32, #tpu.memory_space<vmem>>, %arg7: memref<16x256xf32, #tpu.memory_space<vmem>>, %arg8: memref<1x10112xf32, #tpu.memory_space<vmem>>) attributes {dimension_semantics = [], scalar_prefetch = 0 : i64, scratch_operands = 1 : i64, tpu.core_type = #tpu.core_type<tc>} {
    %scan3A = arith.constant 0 : i32
    %scan3A_0 = arith.constant 79 : i32
    %scan3A_1 = arith.addi %scan3A, %scan3A_0 : i32
    %scan3A_2 = arith.constant 1 : i32
    scf.for %scan3A_192 = %scan3A to %scan3A_1 step %scan3A_2  : i32 {
      %mul3A_193 = arith.constant 128 : i32
      %mul3A_194 = arith.muli %scan3A_192, %mul3A_193 : i32
      %multiple_of3A = tpu.assume_multiple %mul3A_194, 128 : i32
      %get3A_195 = arith.index_cast %multiple_of3A : i32 to index
      %get3A_196 = arith.constant 0 : index
      %get3A_197 = vector.load %arg0[%get3A_195, %get3A_196] : memref<10112x128xf32, #tpu.memory_space<vmem>>, vector<128x128xf32>
      %get3A_198 = arith.constant 0 : index
      %get3A_199 = arith.index_cast %multiple_of3A : i32 to index
      %get3A_200 = arith.constant 0 : index
      %get3A_201 = vector.load %arg1[%get3A_198, %get3A_199, %get3A_200] : memref<2x10112x128xf32, #tpu.memory_space<vmem>>, vector<1x128x128xf32>
      %get3A_202 = vector.shape_cast %get3A_201 : vector<1x128x128xf32> to vector<128x128xf32>
      %get3A_203 = arith.constant 1 : index
      %get3A_204 = arith.index_cast %multiple_of3A : i32 to index
      %get3A_205 = arith.constant 0 : index
      %get3A_206 = vector.load %arg1[%get3A_203, %get3A_204, %get3A_205] : memref<2x10112x128xf32, #tpu.memory_space<vmem>>, vector<1x128x128xf32>
      %get3A_207 = vector.shape_cast %get3A_206 : vector<1x128x128xf32> to vector<128x128xf32>
      %add3A_208 = arith.addf %get3A_202, %get3A_207 : vector<128x128xf32>
      %get3A_209 = arith.constant 0 : index
      %get3A_210 = arith.index_cast %multiple_of3A : i32 to index
      %get3A_211 = vector.load %arg2[%get3A_209, %get3A_210] : memref<1x10112xf32, #tpu.memory_space<vmem>>, vector<1x128xf32>
      %transpose3A_212 = tpu.transpose %get3A_211, [1, 0] : vector<1x128xf32> -> vector<128x1xf32>
      %gt3A_213 = arith.constant 0.000000e+00 : f32
      %gt3A_214 = vector.broadcast %gt3A_213 : f32 to vector<128x1xf32>
      %gt3A_215 = arith.cmpf ogt, %transpose3A_212, %gt3A_214 : vector<128x1xf32>
      %rsqrt3A = math.rsqrt %transpose3A_212 : vector<128x1xf32>
      %jit3A_216 = arith.constant 0.000000e+00 : f32
      %broadcast_in_dim3A_217 = vector.broadcast %jit3A_216 : f32 to vector<128x1xf32>
      %select_n3A_218 = arith.select %gt3A_215, %rsqrt3A, %broadcast_in_dim3A_217 : vector<128x1xi1>, vector<128x1xf32>
      %mul3A_219 = vector.broadcast %select_n3A_218 : vector<128x1xf32> to vector<128x128xf32>
      %mul3A_220 = arith.mulf %mul3A_219, %add3A_208 : vector<128x128xf32>
      %sub3A_221 = arith.subf %get3A_197, %mul3A_220 : vector<128x128xf32>
      %abs3A = math.absf %sub3A_221 : vector<128x128xf32>
      %reduce_sum3A_222 = arith.constant dense<0.000000e+00> : vector<128xf32>
      %reduce_sum3A_223 = vector.multi_reduction <add>, %abs3A, %reduce_sum3A_222 [1] : vector<128x128xf32> to vector<128xf32>
      %broadcast_in_dim3A_224 = vector.shape_cast %reduce_sum3A_223 : vector<128xf32> to vector<128x1xf32>
      %transpose3A_225 = tpu.transpose %broadcast_in_dim3A_224, [1, 0] : vector<128x1xf32> -> vector<1x128xf32>
      %swap3A_226 = arith.constant 0 : index
      %swap3A_227 = arith.index_cast %multiple_of3A : i32 to index
      %swap3A_228 = vector.load %arg8[%swap3A_226, %swap3A_227] : memref<1x10112xf32, #tpu.memory_space<vmem>>, vector<1x128xf32>
      tpu.vector_store %arg8[%swap3A_226, %swap3A_227], %transpose3A_225 {strides = array<i32>} : memref<1x10112xf32, #tpu.memory_space<vmem>>, vector<1x128xf32>,
    }
    %scan3A_3 = arith.constant 79 : i32
    %get3A = arith.constant 0 : index
    %get3A_4 = arith.constant 0 : index
    %get3A_5 = vector.load %arg8[%get3A, %get3A_4] : memref<1x10112xf32, #tpu.memory_space<vmem>>, vector<1x10112xf32>
    %bitcast_convert_type3A = tpu.bitcast %get3A_5 : vector<1x10112xf32> -> vector<1x10112xi32>
    %get3A_6 = arith.constant 0 : index
    %get3A_7 = arith.constant 0 : index
    %get3A_8 = vector.load %arg3[%get3A_6, %get3A_7] : memref<1x10112xi32, #tpu.memory_space<vmem>>, vector<1x10112xi32>
    %get3A_9 = arith.constant 0 : index
    %get3A_10 = arith.constant 0 : index
    %get3A_11 = vector.load %arg4[%get3A_9, %get3A_10] : memref<1x10112xi32, #tpu.memory_space<vmem>>, vector<1x10112xi32>
    %gt3A = arith.constant 0 : i32
    %gt3A_12 = vector.broadcast %gt3A : i32 to vector<1x10112xi32>
    %gt3A_13 = arith.cmpi sgt, %get3A_11, %gt3A_12 : vector<1x10112xi32>
    %iota3A = tpu.iota {dimensions = array<i32: 0>} : vector<16x1xi32>
    %eq3A = vector.broadcast %get3A_8 : vector<1x10112xi32> to vector<16x10112xi32>
    %eq3A_14 = vector.broadcast %iota3A : vector<16x1xi32> to vector<16x10112xi32>
    %eq3A_15 = arith.cmpi eq, %eq3A, %eq3A_14 : vector<16x10112xi32>
    %convert_element_type3A = arith.extui %eq3A_15 : vector<16x10112xi1> to vector<16x10112xi32>
    %convert_element_type3A_16 = arith.sitofp %convert_element_type3A : vector<16x10112xi32> to vector<16x10112xf32>
    %convert_element_type3A_17 = arith.extui %gt3A_13 : vector<1x10112xi1> to vector<1x10112xi32>
    %convert_element_type3A_18 = arith.sitofp %convert_element_type3A_17 : vector<1x10112xi32> to vector<1x10112xf32>
    %mul3A = vector.broadcast %convert_element_type3A_18 : vector<1x10112xf32> to vector<16x10112xf32>
    %mul3A_19 = arith.mulf %convert_element_type3A_16, %mul3A : vector<16x10112xf32>
    %reduce_sum3A = arith.constant dense<0.000000e+00> : vector<16xf32>
    %reduce_sum3A_20 = vector.multi_reduction <add>, %mul3A_19, %reduce_sum3A [1] : vector<16x10112xf32> to vector<16xf32>
    %broadcast_in_dim3A = vector.shape_cast %reduce_sum3A_20 : vector<16xf32> to vector<16x1xf32>
    %convert_element_type3A_21 = arith.fptosi %broadcast_in_dim3A : vector<16x1xf32> to vector<16x1xi32>
    %add3A = arith.constant 1 : i32
    %add3A_22 = vector.broadcast %add3A : i32 to vector<16x1xi32>
    %add3A_23 = arith.addi %convert_element_type3A_21, %add3A_22 : vector<16x1xi32>
    %shift_right_arithmetic3A = arith.constant 1 : i32
    %shift_right_arithmetic3A_24 = vector.broadcast %shift_right_arithmetic3A : i32 to vector<16x1xi32>
    %shift_right_arithmetic3A_25 = arith.shrsi %add3A_23, %shift_right_arithmetic3A_24 : vector<16x1xi32>
    %convert_element_type3A_26 = arith.sitofp %shift_right_arithmetic3A_25 : vector<16x1xi32> to vector<16x1xf32>
    %broadcast_in_dim3A_27 = arith.constant 0 : i32
    %broadcast_in_dim3A_28 = vector.broadcast %broadcast_in_dim3A_27 : i32 to vector<16x1xi32>
    %scan3A_29 = arith.constant 0 : i32
    %scan3A_30 = arith.constant 31 : i32
    %scan3A_31 = arith.addi %scan3A_29, %scan3A_30 : i32
    %scan3A_32 = arith.constant 1 : i32
    %scan3A_33 = scf.for %scan3A_192 = %scan3A_29 to %scan3A_31 step %scan3A_32 iter_args(%scan3A_193 = %broadcast_in_dim3A_28) -> (vector<16x1xi32>)  : i32 {
      %sub3A_194 = arith.constant 30 : i32
      %sub3A_195 = arith.subi %sub3A_194, %scan3A_192 : i32
      %shift_left3A = arith.constant 1 : i32
      %shift_left3A_196 = arith.shli %shift_left3A, %sub3A_195 : i32
      %or3A_197 = vector.broadcast %shift_left3A_196 : i32 to vector<16x1xi32>
      %or3A_198 = arith.ori %scan3A_193, %or3A_197 : vector<16x1xi32>
      %mul3A_199 = vector.broadcast %or3A_198 : vector<16x1xi32> to vector<16x10112xi32>
      %mul3A_200 = arith.muli %convert_element_type3A, %mul3A_199 : vector<16x10112xi32>
      %reduce_sum3A_201 = arith.constant dense<0> : vector<10112xi32>
      %reduce_sum3A_202 = vector.multi_reduction <add>, %mul3A_200, %reduce_sum3A_201 [0] : vector<16x10112xi32> to vector<10112xi32>
      %broadcast_in_dim3A_203 = vector.shape_cast %reduce_sum3A_202 : vector<10112xi32> to vector<1x10112xi32>
      %ge3A = arith.cmpi sge, %bitcast_convert_type3A, %broadcast_in_dim3A_203 : vector<1x10112xi32>
      %and3A_204 = arith.andi %gt3A_13, %ge3A : vector<1x10112xi1>
      %convert_element_type3A_205 = arith.extui %and3A_204 : vector<1x10112xi1> to vector<1x10112xi32>
      %convert_element_type3A_206 = arith.sitofp %convert_element_type3A_205 : vector<1x10112xi32> to vector<1x10112xf32>
      %mul3A_207 = vector.broadcast %convert_element_type3A_206 : vector<1x10112xf32> to vector<16x10112xf32>
      %mul3A_208 = arith.mulf %convert_element_type3A_16, %mul3A_207 : vector<16x10112xf32>
      %reduce_sum3A_209 = arith.constant dense<0.000000e+00> : vector<16xf32>
      %reduce_sum3A_210 = vector.multi_reduction <add>, %mul3A_208, %reduce_sum3A_209 [1] : vector<16x10112xf32> to vector<16xf32>
      %broadcast_in_dim3A_211 = vector.shape_cast %reduce_sum3A_210 : vector<16xf32> to vector<16x1xf32>
      %ge3A_212 = arith.cmpf oge, %broadcast_in_dim3A_211, %convert_element_type3A_26 : vector<16x1xf32>
      %select_n3A_213 = arith.select %ge3A_212, %or3A_198, %scan3A_193 : vector<16x1xi1>, vector<16x1xi32>
      scf.yield %select_n3A_213 : vector<16x1xi32>
    }
    %scan3A_34 = arith.constant 31 : i32
    %mul3A_35 = vector.broadcast %scan3A_33 : vector<16x1xi32> to vector<16x10112xi32>
    %mul3A_36 = arith.muli %convert_element_type3A, %mul3A_35 : vector<16x10112xi32>
    %reduce_sum3A_37 = arith.constant dense<0> : vector<10112xi32>
    %reduce_sum3A_38 = vector.multi_reduction <add>, %mul3A_36, %reduce_sum3A_37 [0] : vector<16x10112xi32> to vector<10112xi32>
    %broadcast_in_dim3A_39 = vector.shape_cast %reduce_sum3A_38 : vector<10112xi32> to vector<1x10112xi32>
    %gt3A_40 = arith.cmpi sgt, %bitcast_convert_type3A, %broadcast_in_dim3A_39 : vector<1x10112xi32>
    %and3A = arith.andi %gt3A_13, %gt3A_40 : vector<1x10112xi1>
    %convert_element_type3A_41 = arith.extui %and3A : vector<1x10112xi1> to vector<1x10112xi32>
    %convert_element_type3A_42 = arith.sitofp %convert_element_type3A_41 : vector<1x10112xi32> to vector<1x10112xf32>
    %mul3A_43 = vector.broadcast %convert_element_type3A_42 : vector<1x10112xf32> to vector<16x10112xf32>
    %mul3A_44 = arith.mulf %convert_element_type3A_16, %mul3A_43 : vector<16x10112xf32>
    %reduce_sum3A_45 = arith.constant dense<0.000000e+00> : vector<16xf32>
    %reduce_sum3A_46 = vector.multi_reduction <add>, %mul3A_44, %reduce_sum3A_45 [1] : vector<16x10112xf32> to vector<16xf32>
    %broadcast_in_dim3A_47 = vector.shape_cast %reduce_sum3A_46 : vector<16xf32> to vector<16x1xf32>
    %sub3A = arith.subf %convert_element_type3A_26, %broadcast_in_dim3A_47 : vector<16x1xf32>
    %eq3A_48 = arith.cmpi eq, %bitcast_convert_type3A, %broadcast_in_dim3A_39 : vector<1x10112xi32>
    %and3A_49 = arith.andi %gt3A_13, %eq3A_48 : vector<1x10112xi1>
    %convert_element_type3A_50 = arith.extui %and3A_49 : vector<1x10112xi1> to vector<1x10112xi32>
    %convert_element_type3A_51 = arith.sitofp %convert_element_type3A_50 : vector<1x10112xi32> to vector<1x10112xf32>
    %broadcast_in_dim3A_52 = arith.constant 0.000000e+00 : f32
    %broadcast_in_dim3A_53 = vector.broadcast %broadcast_in_dim3A_52 : f32 to vector<1x1xf32>
    %slice3A = vector.extract_strided_slice %convert_element_type3A_51 {offsets = [0, 0], sizes = [1, 10111], strides = [1, 1]} : vector<1x10112xf32> to vector<1x10111xf32>
    %concatenate3A = tpu.concatenate %broadcast_in_dim3A_53, %slice3A in 1 : vector<1x1xf32>, vector<1x10111xf32> -> vector<1x10112xf32>
    %add3A_54 = arith.addf %convert_element_type3A_51, %concatenate3A : vector<1x10112xf32>
    %broadcast_in_dim3A_55 = arith.constant 0.000000e+00 : f32
    %broadcast_in_dim3A_56 = vector.broadcast %broadcast_in_dim3A_55 : f32 to vector<1x2xf32>
    %slice3A_57 = vector.extract_strided_slice %add3A_54 {offsets = [0, 0], sizes = [1, 10110], strides = [1, 1]} : vector<1x10112xf32> to vector<1x10110xf32>
    %concatenate3A_58 = tpu.concatenate %broadcast_in_dim3A_56, %slice3A_57 in 1 : vector<1x2xf32>, vector<1x10110xf32> -> vector<1x10112xf32>
    %add3A_59 = arith.addf %add3A_54, %concatenate3A_58 : vector<1x10112xf32>
    %broadcast_in_dim3A_60 = arith.constant 0.000000e+00 : f32
    %broadcast_in_dim3A_61 = vector.broadcast %broadcast_in_dim3A_60 : f32 to vector<1x4xf32>
    %slice3A_62 = vector.extract_strided_slice %add3A_59 {offsets = [0, 0], sizes = [1, 10108], strides = [1, 1]} : vector<1x10112xf32> to vector<1x10108xf32>
    %concatenate3A_63 = tpu.concatenate %broadcast_in_dim3A_61, %slice3A_62 in 1 : vector<1x4xf32>, vector<1x10108xf32> -> vector<1x10112xf32>
    %add3A_64 = arith.addf %add3A_59, %concatenate3A_63 : vector<1x10112xf32>
    %broadcast_in_dim3A_65 = arith.constant 0.000000e+00 : f32
    %broadcast_in_dim3A_66 = vector.broadcast %broadcast_in_dim3A_65 : f32 to vector<1x8xf32>
    %slice3A_67 = vector.extract_strided_slice %add3A_64 {offsets = [0, 0], sizes = [1, 10104], strides = [1, 1]} : vector<1x10112xf32> to vector<1x10104xf32>
    %concatenate3A_68 = tpu.concatenate %broadcast_in_dim3A_66, %slice3A_67 in 1 : vector<1x8xf32>, vector<1x10104xf32> -> vector<1x10112xf32>
    %add3A_69 = arith.addf %add3A_64, %concatenate3A_68 : vector<1x10112xf32>
    %broadcast_in_dim3A_70 = arith.constant 0.000000e+00 : f32
    %broadcast_in_dim3A_71 = vector.broadcast %broadcast_in_dim3A_70 : f32 to vector<1x16xf32>
    %slice3A_72 = vector.extract_strided_slice %add3A_69 {offsets = [0, 0], sizes = [1, 10096], strides = [1, 1]} : vector<1x10112xf32> to vector<1x10096xf32>
    %concatenate3A_73 = tpu.concatenate %broadcast_in_dim3A_71, %slice3A_72 in 1 : vector<1x16xf32>, vector<1x10096xf32> -> vector<1x10112xf32>
    %add3A_74 = arith.addf %add3A_69, %concatenate3A_73 : vector<1x10112xf32>
    %broadcast_in_dim3A_75 = arith.constant 0.000000e+00 : f32
    %broadcast_in_dim3A_76 = vector.broadcast %broadcast_in_dim3A_75 : f32 to vector<1x32xf32>
    %slice3A_77 = vector.extract_strided_slice %add3A_74 {offsets = [0, 0], sizes = [1, 10080], strides = [1, 1]} : vector<1x10112xf32> to vector<1x10080xf32>
    %concatenate3A_78 = tpu.concatenate %broadcast_in_dim3A_76, %slice3A_77 in 1 : vector<1x32xf32>, vector<1x10080xf32> -> vector<1x10112xf32>
    %add3A_79 = arith.addf %add3A_74, %concatenate3A_78 : vector<1x10112xf32>
    %broadcast_in_dim3A_80 = arith.constant 0.000000e+00 : f32
    %broadcast_in_dim3A_81 = vector.broadcast %broadcast_in_dim3A_80 : f32 to vector<1x64xf32>
    %slice3A_82 = vector.extract_strided_slice %add3A_79 {offsets = [0, 0], sizes = [1, 10048], strides = [1, 1]} : vector<1x10112xf32> to vector<1x10048xf32>
    %concatenate3A_83 = tpu.concatenate %broadcast_in_dim3A_81, %slice3A_82 in 1 : vector<1x64xf32>, vector<1x10048xf32> -> vector<1x10112xf32>
    %add3A_84 = arith.addf %add3A_79, %concatenate3A_83 : vector<1x10112xf32>
    %broadcast_in_dim3A_85 = arith.constant 0.000000e+00 : f32
    %broadcast_in_dim3A_86 = vector.broadcast %broadcast_in_dim3A_85 : f32 to vector<1x128xf32>
    %slice3A_87 = vector.extract_strided_slice %add3A_84 {offsets = [0, 0], sizes = [1, 9984], strides = [1, 1]} : vector<1x10112xf32> to vector<1x9984xf32>
    %concatenate3A_88 = tpu.concatenate %broadcast_in_dim3A_86, %slice3A_87 in 1 : vector<1x128xf32>, vector<1x9984xf32> -> vector<1x10112xf32>
    %add3A_89 = arith.addf %add3A_84, %concatenate3A_88 : vector<1x10112xf32>
    %broadcast_in_dim3A_90 = arith.constant 0.000000e+00 : f32
    %broadcast_in_dim3A_91 = vector.broadcast %broadcast_in_dim3A_90 : f32 to vector<1x256xf32>
    %slice3A_92 = vector.extract_strided_slice %add3A_89 {offsets = [0, 0], sizes = [1, 9856], strides = [1, 1]} : vector<1x10112xf32> to vector<1x9856xf32>
    %concatenate3A_93 = tpu.concatenate %broadcast_in_dim3A_91, %slice3A_92 in 1 : vector<1x256xf32>, vector<1x9856xf32> -> vector<1x10112xf32>
    %add3A_94 = arith.addf %add3A_89, %concatenate3A_93 : vector<1x10112xf32>
    %broadcast_in_dim3A_95 = arith.constant 0.000000e+00 : f32
    %broadcast_in_dim3A_96 = vector.broadcast %broadcast_in_dim3A_95 : f32 to vector<1x512xf32>
    %slice3A_97 = vector.extract_strided_slice %add3A_94 {offsets = [0, 0], sizes = [1, 9600], strides = [1, 1]} : vector<1x10112xf32> to vector<1x9600xf32>
    %concatenate3A_98 = tpu.concatenate %broadcast_in_dim3A_96, %slice3A_97 in 1 : vector<1x512xf32>, vector<1x9600xf32> -> vector<1x10112xf32>
    %add3A_99 = arith.addf %add3A_94, %concatenate3A_98 : vector<1x10112xf32>
    %broadcast_in_dim3A_100 = arith.constant 0.000000e+00 : f32
    %broadcast_in_dim3A_101 = vector.broadcast %broadcast_in_dim3A_100 : f32 to vector<1x1024xf32>
    %slice3A_102 = vector.extract_strided_slice %add3A_99 {offsets = [0, 0], sizes = [1, 9088], strides = [1, 1]} : vector<1x10112xf32> to vector<1x9088xf32>
    %concatenate3A_103 = tpu.concatenate %broadcast_in_dim3A_101, %slice3A_102 in 1 : vector<1x1024xf32>, vector<1x9088xf32> -> vector<1x10112xf32>
    %add3A_104 = arith.addf %add3A_99, %concatenate3A_103 : vector<1x10112xf32>
    %broadcast_in_dim3A_105 = arith.constant 0.000000e+00 : f32
    %broadcast_in_dim3A_106 = vector.broadcast %broadcast_in_dim3A_105 : f32 to vector<1x2048xf32>
    %slice3A_107 = vector.extract_strided_slice %add3A_104 {offsets = [0, 0], sizes = [1, 8064], strides = [1, 1]} : vector<1x10112xf32> to vector<1x8064xf32>
    %concatenate3A_108 = tpu.concatenate %broadcast_in_dim3A_106, %slice3A_107 in 1 : vector<1x2048xf32>, vector<1x8064xf32> -> vector<1x10112xf32>
    %add3A_109 = arith.addf %add3A_104, %concatenate3A_108 : vector<1x10112xf32>
    %broadcast_in_dim3A_110 = arith.constant 0.000000e+00 : f32
    %broadcast_in_dim3A_111 = vector.broadcast %broadcast_in_dim3A_110 : f32 to vector<1x4096xf32>
    %slice3A_112 = vector.extract_strided_slice %add3A_109 {offsets = [0, 0], sizes = [1, 6016], strides = [1, 1]} : vector<1x10112xf32> to vector<1x6016xf32>
    %concatenate3A_113 = tpu.concatenate %broadcast_in_dim3A_111, %slice3A_112 in 1 : vector<1x4096xf32>, vector<1x6016xf32> -> vector<1x10112xf32>
    %add3A_114 = arith.addf %add3A_109, %concatenate3A_113 : vector<1x10112xf32>
    %broadcast_in_dim3A_115 = arith.constant 0.000000e+00 : f32
    %broadcast_in_dim3A_116 = vector.broadcast %broadcast_in_dim3A_115 : f32 to vector<1x8192xf32>
    %slice3A_117 = vector.extract_strided_slice %add3A_114 {offsets = [0, 0], sizes = [1, 1920], strides = [1, 1]} : vector<1x10112xf32> to vector<1x1920xf32>
    %concatenate3A_118 = tpu.concatenate %broadcast_in_dim3A_116, %slice3A_117 in 1 : vector<1x8192xf32>, vector<1x1920xf32> -> vector<1x10112xf32>
    %add3A_119 = arith.addf %add3A_114, %concatenate3A_118 : vector<1x10112xf32>
    %mul3A_120 = vector.broadcast %convert_element_type3A_51 : vector<1x10112xf32> to vector<16x10112xf32>
    %mul3A_121 = arith.mulf %convert_element_type3A_16, %mul3A_120 : vector<16x10112xf32>
    %reduce_sum3A_122 = arith.constant dense<0.000000e+00> : vector<16xf32>
    %reduce_sum3A_123 = vector.multi_reduction <add>, %mul3A_121, %reduce_sum3A_122 [1] : vector<16x10112xf32> to vector<16xf32>
    %broadcast_in_dim3A_124 = vector.shape_cast %reduce_sum3A_123 : vector<16xf32> to vector<16x1xf32>
    %transpose3A = tpu.transpose %broadcast_in_dim3A_124, [1, 0] : vector<16x1xf32> -> vector<1x16xf32>
    %iota3A_125 = tpu.iota {dimensions = array<i32: 0>} : vector<16x16xi32>
    %iota3A_126 = tpu.iota {dimensions = array<i32: 1>} : vector<16x16xi32>
    %lt3A = arith.cmpi slt, %iota3A_126, %iota3A_125 : vector<16x16xi32>
    %jit3A = arith.constant 1.000000e+00 : f32
    %jit3A_127 = arith.constant 0.000000e+00 : f32
    %broadcast_in_dim3A_128 = vector.broadcast %jit3A : f32 to vector<16x16xf32>
    %broadcast_in_dim3A_129 = vector.broadcast %jit3A_127 : f32 to vector<16x16xf32>
    %select_n3A = arith.select %lt3A, %broadcast_in_dim3A_128, %broadcast_in_dim3A_129 : vector<16x16xi1>, vector<16x16xf32>
    %mul3A_130 = vector.broadcast %transpose3A : vector<1x16xf32> to vector<16x16xf32>
    %mul3A_131 = arith.mulf %select_n3A, %mul3A_130 : vector<16x16xf32>
    %reduce_sum3A_132 = arith.constant dense<0.000000e+00> : vector<16xf32>
    %reduce_sum3A_133 = vector.multi_reduction <add>, %mul3A_131, %reduce_sum3A_132 [1] : vector<16x16xf32> to vector<16xf32>
    %broadcast_in_dim3A_134 = vector.shape_cast %reduce_sum3A_133 : vector<16xf32> to vector<16x1xf32>
    %mul3A_135 = vector.broadcast %broadcast_in_dim3A_134 : vector<16x1xf32> to vector<16x10112xf32>
    %mul3A_136 = arith.mulf %convert_element_type3A_16, %mul3A_135 : vector<16x10112xf32>
    %reduce_sum3A_137 = arith.constant dense<0.000000e+00> : vector<10112xf32>
    %reduce_sum3A_138 = vector.multi_reduction <add>, %mul3A_136, %reduce_sum3A_137 [0] : vector<16x10112xf32> to vector<10112xf32>
    %broadcast_in_dim3A_139 = vector.shape_cast %reduce_sum3A_138 : vector<10112xf32> to vector<1x10112xf32>
    %sub3A_140 = arith.subf %add3A_119, %broadcast_in_dim3A_139 : vector<1x10112xf32>
    %mul3A_141 = vector.broadcast %sub3A : vector<16x1xf32> to vector<16x10112xf32>
    %mul3A_142 = arith.mulf %convert_element_type3A_16, %mul3A_141 : vector<16x10112xf32>
    %reduce_sum3A_143 = arith.constant dense<0.000000e+00> : vector<10112xf32>
    %reduce_sum3A_144 = vector.multi_reduction <add>, %mul3A_142, %reduce_sum3A_143 [0] : vector<16x10112xf32> to vector<10112xf32>
    %broadcast_in_dim3A_145 = vector.shape_cast %reduce_sum3A_144 : vector<10112xf32> to vector<1x10112xf32>
    %le3A = arith.cmpf ole, %sub3A_140, %broadcast_in_dim3A_145 : vector<1x10112xf32>
    %and3A_146 = arith.andi %and3A_49, %le3A : vector<1x10112xi1>
    %or3A = arith.ori %and3A, %and3A_146 : vector<1x10112xi1>
    %and3A_147 = arith.andi %gt3A_13, %or3A : vector<1x10112xi1>
    %convert_element_type3A_148 = arith.extui %and3A_147 : vector<1x10112xi1> to vector<1x10112xi32>
    %swap3A = arith.constant 0 : index
    %swap3A_149 = arith.constant 0 : index
    %swap3A_150 = vector.load %arg6[%swap3A, %swap3A_149] : memref<1x10112xi32, #tpu.memory_space<vmem>>, vector<1x10112xi32>
    tpu.vector_store %arg6[%swap3A, %swap3A_149], %convert_element_type3A_148 {strides = array<i32>} : memref<1x10112xi32, #tpu.memory_space<vmem>>, vector<1x10112xi32>,
    %convert_element_type3A_151 = arith.extui %and3A_147 : vector<1x10112xi1> to vector<1x10112xi32>
    %convert_element_type3A_152 = arith.sitofp %convert_element_type3A_151 : vector<1x10112xi32> to vector<1x10112xf32>
    %mul3A_153 = vector.broadcast %convert_element_type3A_152 : vector<1x10112xf32> to vector<16x10112xf32>
    %mul3A_154 = arith.mulf %convert_element_type3A_16, %mul3A_153 : vector<16x10112xf32>
    %reduce_sum3A_155 = arith.constant dense<0.000000e+00> : vector<16xf32>
    %reduce_sum3A_156 = vector.multi_reduction <add>, %mul3A_154, %reduce_sum3A_155 [1] : vector<16x10112xf32> to vector<16xf32>
    %broadcast_in_dim3A_157 = vector.shape_cast %reduce_sum3A_156 : vector<16xf32> to vector<16x1xf32>
    %get3A_158 = arith.constant 0 : index
    %get3A_159 = arith.constant 0 : index
    %get3A_160 = vector.load %arg0[%get3A_158, %get3A_159] : memref<10112x128xf32, #tpu.memory_space<vmem>>, vector<10112x128xf32>
    %dot_general3A = arith.constant dense<0.000000e+00> : vector<16x128xf32>
    %dot_general3A_161 = tpu.matmul %mul3A_154, %get3A_160, %dot_general3A {dimension_numbers = #tpu.dot_dimension_numbers<[1], [0], [0], [1], [0, 0, 1, 1], [], []>, transpose_lhs_hint = false} : vector<16x10112xf32>, vector<10112x128xf32>, vector<16x128xf32> -> vector<16x128xf32>
    %broadcast_in_dim3A_162 = arith.constant 0xFF800000 : f32
    %broadcast_in_dim3A_163 = vector.broadcast %broadcast_in_dim3A_162 : f32 to vector<16x128xf32>
    %scan3A_164 = arith.constant 0 : i32
    %scan3A_165 = arith.constant 79 : i32
    %scan3A_166 = arith.addi %scan3A_164, %scan3A_165 : i32
    %scan3A_167 = arith.constant 1 : i32
    %scan3A_168 = scf.for %scan3A_192 = %scan3A_164 to %scan3A_166 step %scan3A_167 iter_args(%scan3A_193 = %broadcast_in_dim3A_163) -> (vector<16x128xf32>)  : i32 {
      %mul3A_194 = arith.constant 128 : i32
      %mul3A_195 = arith.muli %scan3A_192, %mul3A_194 : i32
      %multiple_of3A = tpu.assume_multiple %mul3A_195, 128 : i32
      %get3A_196 = arith.index_cast %multiple_of3A : i32 to index
      %get3A_197 = arith.constant 0 : index
      %get3A_198 = vector.load %arg0[%get3A_196, %get3A_197] : memref<10112x128xf32, #tpu.memory_space<vmem>>, vector<128x128xf32>
      %get3A_199 = arith.constant 0 : index
      %get3A_200 = arith.index_cast %multiple_of3A : i32 to index
      %get3A_201 = vector.load %arg6[%get3A_199, %get3A_200] : memref<1x10112xi32, #tpu.memory_space<vmem>>, vector<1x128xi32>
      %transpose3A_202 = tpu.transpose %get3A_201, [1, 0] : vector<1x128xi32> -> vector<128x1xi32>
      %get3A_203 = arith.constant 0 : index
      %get3A_204 = arith.index_cast %multiple_of3A : i32 to index
      %get3A_205 = vector.load %arg3[%get3A_203, %get3A_204] : memref<1x10112xi32, #tpu.memory_space<vmem>>, vector<1x128xi32>
      %convert_element_type3A_206 = arith.sitofp %get3A_205 : vector<1x128xi32> to vector<1x128xf32>
      %transpose3A_207 = tpu.transpose %convert_element_type3A_206, [1, 0] : vector<1x128xf32> -> vector<128x1xf32>
      %gt3A_208 = arith.constant 0 : i32
      %gt3A_209 = vector.broadcast %gt3A_208 : i32 to vector<128x1xi32>
      %gt3A_210 = arith.cmpi sgt, %transpose3A_202, %gt3A_209 : vector<128x1xi32>
      %eq3A_211 = arith.constant 0.000000e+00 : f32
      %eq3A_212 = vector.broadcast %eq3A_211 : f32 to vector<128x1xf32>
      %eq3A_213 = arith.cmpf oeq, %transpose3A_207, %eq3A_212 : vector<128x1xf32>
      %and3A_214 = arith.andi %gt3A_210, %eq3A_213 : vector<128x1xi1>
      %jit3A_215 = arith.constant 0xFF800000 : f32
      %broadcast_in_dim3A_216 = vector.shape_cast %and3A_214 : vector<128x1xi1> to vector<128x1xi1>
      %broadcast_in_dim3A_217 = vector.broadcast %broadcast_in_dim3A_216 : vector<128x1xi1> to vector<128x128xi1>
      %broadcast_in_dim3A_218 = vector.broadcast %jit3A_215 : f32 to vector<128x128xf32>
      %select_n3A_219 = arith.select %broadcast_in_dim3A_217, %get3A_198, %broadcast_in_dim3A_218 : vector<128x128xi1>, vector<128x128xf32>
      %reduce_max3A = arith.constant dense<0xFF800000> : vector<128xf32>
      %reduce_max3A_220 = vector.multi_reduction <maximumf>, %select_n3A_219, %reduce_max3A [0] : vector<128x128xf32> to vector<128xf32>
      %broadcast_in_dim3A_221 = vector.shape_cast %reduce_max3A_220 : vector<128xf32> to vector<1x128xf32>
      %gt3A_222 = arith.constant 0 : i32
      %gt3A_223 = vector.broadcast %gt3A_222 : i32 to vector<128x1xi32>
      %gt3A_224 = arith.cmpi sgt, %transpose3A_202, %gt3A_223 : vector<128x1xi32>
      %eq3A_225 = arith.constant 1.000000e+00 : f32
      %eq3A_226 = vector.broadcast %eq3A_225 : f32 to vector<128x1xf32>
      %eq3A_227 = arith.cmpf oeq, %transpose3A_207, %eq3A_226 : vector<128x1xf32>
      %and3A_228 = arith.andi %gt3A_224, %eq3A_227 : vector<128x1xi1>
      %jit3A_229 = arith.constant 0xFF800000 : f32
      %broadcast_in_dim3A_230 = vector.shape_cast %and3A_228 : vector<128x1xi1> to vector<128x1xi1>
      %broadcast_in_dim3A_231 = vector.broadcast %broadcast_in_dim3A_230 : vector<128x1xi1> to vector<128x128xi1>
      %broadcast_in_dim3A_232 = vector.broadcast %jit3A_229 : f32 to vector<128x128xf32>
      %select_n3A_233 = arith.select %broadcast_in_dim3A_231, %get3A_198, %broadcast_in_dim3A_232 : vector<128x128xi1>, vector<128x128xf32>
      %reduce_max3A_234 = arith.constant dense<0xFF800000> : vector<128xf32>
      %reduce_max3A_235 = vector.multi_reduction <maximumf>, %select_n3A_233, %reduce_max3A_234 [0] : vector<128x128xf32> to vector<128xf32>
      %broadcast_in_dim3A_236 = vector.shape_cast %reduce_max3A_235 : vector<128xf32> to vector<1x128xf32>
      %gt3A_237 = arith.constant 0 : i32
      %gt3A_238 = vector.broadcast %gt3A_237 : i32 to vector<128x1xi32>
      %gt3A_239 = arith.cmpi sgt, %transpose3A_202, %gt3A_238 : vector<128x1xi32>
      %eq3A_240 = arith.constant 2.000000e+00 : f32
      %eq3A_241 = vector.broadcast %eq3A_240 : f32 to vector<128x1xf32>
      %eq3A_242 = arith.cmpf oeq, %transpose3A_207, %eq3A_241 : vector<128x1xf32>
      %and3A_243 = arith.andi %gt3A_239, %eq3A_242 : vector<128x1xi1>
      %jit3A_244 = arith.constant 0xFF800000 : f32
      %broadcast_in_dim3A_245 = vector.shape_cast %and3A_243 : vector<128x1xi1> to vector<128x1xi1>
      %broadcast_in_dim3A_246 = vector.broadcast %broadcast_in_dim3A_245 : vector<128x1xi1> to vector<128x128xi1>
      %broadcast_in_dim3A_247 = vector.broadcast %jit3A_244 : f32 to vector<128x128xf32>
      %select_n3A_248 = arith.select %broadcast_in_dim3A_246, %get3A_198, %broadcast_in_dim3A_247 : vector<128x128xi1>, vector<128x128xf32>
      %reduce_max3A_249 = arith.constant dense<0xFF800000> : vector<128xf32>
      %reduce_max3A_250 = vector.multi_reduction <maximumf>, %select_n3A_248, %reduce_max3A_249 [0] : vector<128x128xf32> to vector<128xf32>
      %broadcast_in_dim3A_251 = vector.shape_cast %reduce_max3A_250 : vector<128xf32> to vector<1x128xf32>
      %gt3A_252 = arith.constant 0 : i32
      %gt3A_253 = vector.broadcast %gt3A_252 : i32 to vector<128x1xi32>
      %gt3A_254 = arith.cmpi sgt, %transpose3A_202, %gt3A_253 : vector<128x1xi32>
      %eq3A_255 = arith.constant 3.000000e+00 : f32
      %eq3A_256 = vector.broadcast %eq3A_255 : f32 to vector<128x1xf32>
      %eq3A_257 = arith.cmpf oeq, %transpose3A_207, %eq3A_256 : vector<128x1xf32>
      %and3A_258 = arith.andi %gt3A_254, %eq3A_257 : vector<128x1xi1>
      %jit3A_259 = arith.constant 0xFF800000 : f32
      %broadcast_in_dim3A_260 = vector.shape_cast %and3A_258 : vector<128x1xi1> to vector<128x1xi1>
      %broadcast_in_dim3A_261 = vector.broadcast %broadcast_in_dim3A_260 : vector<128x1xi1> to vector<128x128xi1>
      %broadcast_in_dim3A_262 = vector.broadcast %jit3A_259 : f32 to vector<128x128xf32>
      %select_n3A_263 = arith.select %broadcast_in_dim3A_261, %get3A_198, %broadcast_in_dim3A_262 : vector<128x128xi1>, vector<128x128xf32>
      %reduce_max3A_264 = arith.constant dense<0xFF800000> : vector<128xf32>
      %reduce_max3A_265 = vector.multi_reduction <maximumf>, %select_n3A_263, %reduce_max3A_264 [0] : vector<128x128xf32> to vector<128xf32>
      %broadcast_in_dim3A_266 = vector.shape_cast %reduce_max3A_265 : vector<128xf32> to vector<1x128xf32>
      %gt3A_267 = arith.constant 0 : i32
      %gt3A_268 = vector.broadcast %gt3A_267 : i32 to vector<128x1xi32>
      %gt3A_269 = arith.cmpi sgt, %transpose3A_202, %gt3A_268 : vector<128x1xi32>
      %eq3A_270 = arith.constant 4.000000e+00 : f32
      %eq3A_271 = vector.broadcast %eq3A_270 : f32 to vector<128x1xf32>
      %eq3A_272 = arith.cmpf oeq, %transpose3A_207, %eq3A_271 : vector<128x1xf32>
      %and3A_273 = arith.andi %gt3A_269, %eq3A_272 : vector<128x1xi1>
      %jit3A_274 = arith.constant 0xFF800000 : f32
      %broadcast_in_dim3A_275 = vector.shape_cast %and3A_273 : vector<128x1xi1> to vector<128x1xi1>
      %broadcast_in_dim3A_276 = vector.broadcast %broadcast_in_dim3A_275 : vector<128x1xi1> to vector<128x128xi1>
      %broadcast_in_dim3A_277 = vector.broadcast %jit3A_274 : f32 to vector<128x128xf32>
      %select_n3A_278 = arith.select %broadcast_in_dim3A_276, %get3A_198, %broadcast_in_dim3A_277 : vector<128x128xi1>, vector<128x128xf32>
      %reduce_max3A_279 = arith.constant dense<0xFF800000> : vector<128xf32>
      %reduce_max3A_280 = vector.multi_reduction <maximumf>, %select_n3A_278, %reduce_max3A_279 [0] : vector<128x128xf32> to vector<128xf32>
      %broadcast_in_dim3A_281 = vector.shape_cast %reduce_max3A_280 : vector<128xf32> to vector<1x128xf32>
      %gt3A_282 = arith.constant 0 : i32
      %gt3A_283 = vector.broadcast %gt3A_282 : i32 to vector<128x1xi32>
      %gt3A_284 = arith.cmpi sgt, %transpose3A_202, %gt3A_283 : vector<128x1xi32>
      %eq3A_285 = arith.constant 5.000000e+00 : f32
      %eq3A_286 = vector.broadcast %eq3A_285 : f32 to vector<128x1xf32>
      %eq3A_287 = arith.cmpf oeq, %transpose3A_207, %eq3A_286 : vector<128x1xf32>
      %and3A_288 = arith.andi %gt3A_284, %eq3A_287 : vector<128x1xi1>
      %jit3A_289 = arith.constant 0xFF800000 : f32
      %broadcast_in_dim3A_290 = vector.shape_cast %and3A_288 : vector<128x1xi1> to vector<128x1xi1>
      %broadcast_in_dim3A_291 = vector.broadcast %broadcast_in_dim3A_290 : vector<128x1xi1> to vector<128x128xi1>
      %broadcast_in_dim3A_292 = vector.broadcast %jit3A_289 : f32 to vector<128x128xf32>
      %select_n3A_293 = arith.select %broadcast_in_dim3A_291, %get3A_198, %broadcast_in_dim3A_292 : vector<128x128xi1>, vector<128x128xf32>
      %reduce_max3A_294 = arith.constant dense<0xFF800000> : vector<128xf32>
      %reduce_max3A_295 = vector.multi_reduction <maximumf>, %select_n3A_293, %reduce_max3A_294 [0] : vector<128x128xf32> to vector<128xf32>
      %broadcast_in_dim3A_296 = vector.shape_cast %reduce_max3A_295 : vector<128xf32> to vector<1x128xf32>
      %gt3A_297 = arith.constant 0 : i32
      %gt3A_298 = vector.broadcast %gt3A_297 : i32 to vector<128x1xi32>
      %gt3A_299 = arith.cmpi sgt, %transpose3A_202, %gt3A_298 : vector<128x1xi32>
      %eq3A_300 = arith.constant 6.000000e+00 : f32
      %eq3A_301 = vector.broadcast %eq3A_300 : f32 to vector<128x1xf32>
      %eq3A_302 = arith.cmpf oeq, %transpose3A_207, %eq3A_301 : vector<128x1xf32>
      %and3A_303 = arith.andi %gt3A_299, %eq3A_302 : vector<128x1xi1>
      %jit3A_304 = arith.constant 0xFF800000 : f32
      %broadcast_in_dim3A_305 = vector.shape_cast %and3A_303 : vector<128x1xi1> to vector<128x1xi1>
      %broadcast_in_dim3A_306 = vector.broadcast %broadcast_in_dim3A_305 : vector<128x1xi1> to vector<128x128xi1>
      %broadcast_in_dim3A_307 = vector.broadcast %jit3A_304 : f32 to vector<128x128xf32>
      %select_n3A_308 = arith.select %broadcast_in_dim3A_306, %get3A_198, %broadcast_in_dim3A_307 : vector<128x128xi1>, vector<128x128xf32>
      %reduce_max3A_309 = arith.constant dense<0xFF800000> : vector<128xf32>
      %reduce_max3A_310 = vector.multi_reduction <maximumf>, %select_n3A_308, %reduce_max3A_309 [0] : vector<128x128xf32> to vector<128xf32>
      %broadcast_in_dim3A_311 = vector.shape_cast %reduce_max3A_310 : vector<128xf32> to vector<1x128xf32>
      %gt3A_312 = arith.constant 0 : i32
      %gt3A_313 = vector.broadcast %gt3A_312 : i32 to vector<128x1xi32>
      %gt3A_314 = arith.cmpi sgt, %transpose3A_202, %gt3A_313 : vector<128x1xi32>
      %eq3A_315 = arith.constant 7.000000e+00 : f32
      %eq3A_316 = vector.broadcast %eq3A_315 : f32 to vector<128x1xf32>
      %eq3A_317 = arith.cmpf oeq, %transpose3A_207, %eq3A_316 : vector<128x1xf32>
      %and3A_318 = arith.andi %gt3A_314, %eq3A_317 : vector<128x1xi1>
      %jit3A_319 = arith.constant 0xFF800000 : f32
      %broadcast_in_dim3A_320 = vector.shape_cast %and3A_318 : vector<128x1xi1> to vector<128x1xi1>
      %broadcast_in_dim3A_321 = vector.broadcast %broadcast_in_dim3A_320 : vector<128x1xi1> to vector<128x128xi1>
      %broadcast_in_dim3A_322 = vector.broadcast %jit3A_319 : f32 to vector<128x128xf32>
      %select_n3A_323 = arith.select %broadcast_in_dim3A_321, %get3A_198, %broadcast_in_dim3A_322 : vector<128x128xi1>, vector<128x128xf32>
      %reduce_max3A_324 = arith.constant dense<0xFF800000> : vector<128xf32>
      %reduce_max3A_325 = vector.multi_reduction <maximumf>, %select_n3A_323, %reduce_max3A_324 [0] : vector<128x128xf32> to vector<128xf32>
      %broadcast_in_dim3A_326 = vector.shape_cast %reduce_max3A_325 : vector<128xf32> to vector<1x128xf32>
      %gt3A_327 = arith.constant 0 : i32
      %gt3A_328 = vector.broadcast %gt3A_327 : i32 to vector<128x1xi32>
      %gt3A_329 = arith.cmpi sgt, %transpose3A_202, %gt3A_328 : vector<128x1xi32>
      %eq3A_330 = arith.constant 8.000000e+00 : f32
      %eq3A_331 = vector.broadcast %eq3A_330 : f32 to vector<128x1xf32>
      %eq3A_332 = arith.cmpf oeq, %transpose3A_207, %eq3A_331 : vector<128x1xf32>
      %and3A_333 = arith.andi %gt3A_329, %eq3A_332 : vector<128x1xi1>
      %jit3A_334 = arith.constant 0xFF800000 : f32
      %broadcast_in_dim3A_335 = vector.shape_cast %and3A_333 : vector<128x1xi1> to vector<128x1xi1>
      %broadcast_in_dim3A_336 = vector.broadcast %broadcast_in_dim3A_335 : vector<128x1xi1> to vector<128x128xi1>
      %broadcast_in_dim3A_337 = vector.broadcast %jit3A_334 : f32 to vector<128x128xf32>
      %select_n3A_338 = arith.select %broadcast_in_dim3A_336, %get3A_198, %broadcast_in_dim3A_337 : vector<128x128xi1>, vector<128x128xf32>
      %reduce_max3A_339 = arith.constant dense<0xFF800000> : vector<128xf32>
      %reduce_max3A_340 = vector.multi_reduction <maximumf>, %select_n3A_338, %reduce_max3A_339 [0] : vector<128x128xf32> to vector<128xf32>
      %broadcast_in_dim3A_341 = vector.shape_cast %reduce_max3A_340 : vector<128xf32> to vector<1x128xf32>
      %gt3A_342 = arith.constant 0 : i32
      %gt3A_343 = vector.broadcast %gt3A_342 : i32 to vector<128x1xi32>
      %gt3A_344 = arith.cmpi sgt, %transpose3A_202, %gt3A_343 : vector<128x1xi32>
      %eq3A_345 = arith.constant 9.000000e+00 : f32
      %eq3A_346 = vector.broadcast %eq3A_345 : f32 to vector<128x1xf32>
      %eq3A_347 = arith.cmpf oeq, %transpose3A_207, %eq3A_346 : vector<128x1xf32>
      %and3A_348 = arith.andi %gt3A_344, %eq3A_347 : vector<128x1xi1>
      %jit3A_349 = arith.constant 0xFF800000 : f32
      %broadcast_in_dim3A_350 = vector.shape_cast %and3A_348 : vector<128x1xi1> to vector<128x1xi1>
      %broadcast_in_dim3A_351 = vector.broadcast %broadcast_in_dim3A_350 : vector<128x1xi1> to vector<128x128xi1>
      %broadcast_in_dim3A_352 = vector.broadcast %jit3A_349 : f32 to vector<128x128xf32>
      %select_n3A_353 = arith.select %broadcast_in_dim3A_351, %get3A_198, %broadcast_in_dim3A_352 : vector<128x128xi1>, vector<128x128xf32>
      %reduce_max3A_354 = arith.constant dense<0xFF800000> : vector<128xf32>
      %reduce_max3A_355 = vector.multi_reduction <maximumf>, %select_n3A_353, %reduce_max3A_354 [0] : vector<128x128xf32> to vector<128xf32>
      %broadcast_in_dim3A_356 = vector.shape_cast %reduce_max3A_355 : vector<128xf32> to vector<1x128xf32>
      %gt3A_357 = arith.constant 0 : i32
      %gt3A_358 = vector.broadcast %gt3A_357 : i32 to vector<128x1xi32>
      %gt3A_359 = arith.cmpi sgt, %transpose3A_202, %gt3A_358 : vector<128x1xi32>
      %eq3A_360 = arith.constant 1.000000e+01 : f32
      %eq3A_361 = vector.broadcast %eq3A_360 : f32 to vector<128x1xf32>
      %eq3A_362 = arith.cmpf oeq, %transpose3A_207, %eq3A_361 : vector<128x1xf32>
      %and3A_363 = arith.andi %gt3A_359, %eq3A_362 : vector<128x1xi1>
      %jit3A_364 = arith.constant 0xFF800000 : f32
      %broadcast_in_dim3A_365 = vector.shape_cast %and3A_363 : vector<128x1xi1> to vector<128x1xi1>
      %broadcast_in_dim3A_366 = vector.broadcast %broadcast_in_dim3A_365 : vector<128x1xi1> to vector<128x128xi1>
      %broadcast_in_dim3A_367 = vector.broadcast %jit3A_364 : f32 to vector<128x128xf32>
      %select_n3A_368 = arith.select %broadcast_in_dim3A_366, %get3A_198, %broadcast_in_dim3A_367 : vector<128x128xi1>, vector<128x128xf32>
      %reduce_max3A_369 = arith.constant dense<0xFF800000> : vector<128xf32>
      %reduce_max3A_370 = vector.multi_reduction <maximumf>, %select_n3A_368, %reduce_max3A_369 [0] : vector<128x128xf32> to vector<128xf32>
      %broadcast_in_dim3A_371 = vector.shape_cast %reduce_max3A_370 : vector<128xf32> to vector<1x128xf32>
      %gt3A_372 = arith.constant 0 : i32
      %gt3A_373 = vector.broadcast %gt3A_372 : i32 to vector<128x1xi32>
      %gt3A_374 = arith.cmpi sgt, %transpose3A_202, %gt3A_373 : vector<128x1xi32>
      %eq3A_375 = arith.constant 1.100000e+01 : f32
      %eq3A_376 = vector.broadcast %eq3A_375 : f32 to vector<128x1xf32>
      %eq3A_377 = arith.cmpf oeq, %transpose3A_207, %eq3A_376 : vector<128x1xf32>
      %and3A_378 = arith.andi %gt3A_374, %eq3A_377 : vector<128x1xi1>
      %jit3A_379 = arith.constant 0xFF800000 : f32
      %broadcast_in_dim3A_380 = vector.shape_cast %and3A_378 : vector<128x1xi1> to vector<128x1xi1>
      %broadcast_in_dim3A_381 = vector.broadcast %broadcast_in_dim3A_380 : vector<128x1xi1> to vector<128x128xi1>
      %broadcast_in_dim3A_382 = vector.broadcast %jit3A_379 : f32 to vector<128x128xf32>
      %select_n3A_383 = arith.select %broadcast_in_dim3A_381, %get3A_198, %broadcast_in_dim3A_382 : vector<128x128xi1>, vector<128x128xf32>
      %reduce_max3A_384 = arith.constant dense<0xFF800000> : vector<128xf32>
      %reduce_max3A_385 = vector.multi_reduction <maximumf>, %select_n3A_383, %reduce_max3A_384 [0] : vector<128x128xf32> to vector<128xf32>
      %broadcast_in_dim3A_386 = vector.shape_cast %reduce_max3A_385 : vector<128xf32> to vector<1x128xf32>
      %gt3A_387 = arith.constant 0 : i32
      %gt3A_388 = vector.broadcast %gt3A_387 : i32 to vector<128x1xi32>
      %gt3A_389 = arith.cmpi sgt, %transpose3A_202, %gt3A_388 : vector<128x1xi32>
      %eq3A_390 = arith.constant 1.200000e+01 : f32
      %eq3A_391 = vector.broadcast %eq3A_390 : f32 to vector<128x1xf32>
      %eq3A_392 = arith.cmpf oeq, %transpose3A_207, %eq3A_391 : vector<128x1xf32>
      %and3A_393 = arith.andi %gt3A_389, %eq3A_392 : vector<128x1xi1>
      %jit3A_394 = arith.constant 0xFF800000 : f32
      %broadcast_in_dim3A_395 = vector.shape_cast %and3A_393 : vector<128x1xi1> to vector<128x1xi1>
      %broadcast_in_dim3A_396 = vector.broadcast %broadcast_in_dim3A_395 : vector<128x1xi1> to vector<128x128xi1>
      %broadcast_in_dim3A_397 = vector.broadcast %jit3A_394 : f32 to vector<128x128xf32>
      %select_n3A_398 = arith.select %broadcast_in_dim3A_396, %get3A_198, %broadcast_in_dim3A_397 : vector<128x128xi1>, vector<128x128xf32>
      %reduce_max3A_399 = arith.constant dense<0xFF800000> : vector<128xf32>
      %reduce_max3A_400 = vector.multi_reduction <maximumf>, %select_n3A_398, %reduce_max3A_399 [0] : vector<128x128xf32> to vector<128xf32>
      %broadcast_in_dim3A_401 = vector.shape_cast %reduce_max3A_400 : vector<128xf32> to vector<1x128xf32>
      %gt3A_402 = arith.constant 0 : i32
      %gt3A_403 = vector.broadcast %gt3A_402 : i32 to vector<128x1xi32>
      %gt3A_404 = arith.cmpi sgt, %transpose3A_202, %gt3A_403 : vector<128x1xi32>
      %eq3A_405 = arith.constant 1.300000e+01 : f32
      %eq3A_406 = vector.broadcast %eq3A_405 : f32 to vector<128x1xf32>
      %eq3A_407 = arith.cmpf oeq, %transpose3A_207, %eq3A_406 : vector<128x1xf32>
      %and3A_408 = arith.andi %gt3A_404, %eq3A_407 : vector<128x1xi1>
      %jit3A_409 = arith.constant 0xFF800000 : f32
      %broadcast_in_dim3A_410 = vector.shape_cast %and3A_408 : vector<128x1xi1> to vector<128x1xi1>
      %broadcast_in_dim3A_411 = vector.broadcast %broadcast_in_dim3A_410 : vector<128x1xi1> to vector<128x128xi1>
      %broadcast_in_dim3A_412 = vector.broadcast %jit3A_409 : f32 to vector<128x128xf32>
      %select_n3A_413 = arith.select %broadcast_in_dim3A_411, %get3A_198, %broadcast_in_dim3A_412 : vector<128x128xi1>, vector<128x128xf32>
      %reduce_max3A_414 = arith.constant dense<0xFF800000> : vector<128xf32>
      %reduce_max3A_415 = vector.multi_reduction <maximumf>, %select_n3A_413, %reduce_max3A_414 [0] : vector<128x128xf32> to vector<128xf32>
      %broadcast_in_dim3A_416 = vector.shape_cast %reduce_max3A_415 : vector<128xf32> to vector<1x128xf32>
      %gt3A_417 = arith.constant 0 : i32
      %gt3A_418 = vector.broadcast %gt3A_417 : i32 to vector<128x1xi32>
      %gt3A_419 = arith.cmpi sgt, %transpose3A_202, %gt3A_418 : vector<128x1xi32>
      %eq3A_420 = arith.constant 1.400000e+01 : f32
      %eq3A_421 = vector.broadcast %eq3A_420 : f32 to vector<128x1xf32>
      %eq3A_422 = arith.cmpf oeq, %transpose3A_207, %eq3A_421 : vector<128x1xf32>
      %and3A_423 = arith.andi %gt3A_419, %eq3A_422 : vector<128x1xi1>
      %jit3A_424 = arith.constant 0xFF800000 : f32
      %broadcast_in_dim3A_425 = vector.shape_cast %and3A_423 : vector<128x1xi1> to vector<128x1xi1>
      %broadcast_in_dim3A_426 = vector.broadcast %broadcast_in_dim3A_425 : vector<128x1xi1> to vector<128x128xi1>
      %broadcast_in_dim3A_427 = vector.broadcast %jit3A_424 : f32 to vector<128x128xf32>
      %select_n3A_428 = arith.select %broadcast_in_dim3A_426, %get3A_198, %broadcast_in_dim3A_427 : vector<128x128xi1>, vector<128x128xf32>
      %reduce_max3A_429 = arith.constant dense<0xFF800000> : vector<128xf32>
      %reduce_max3A_430 = vector.multi_reduction <maximumf>, %select_n3A_428, %reduce_max3A_429 [0] : vector<128x128xf32> to vector<128xf32>
      %broadcast_in_dim3A_431 = vector.shape_cast %reduce_max3A_430 : vector<128xf32> to vector<1x128xf32>
      %gt3A_432 = arith.constant 0 : i32
      %gt3A_433 = vector.broadcast %gt3A_432 : i32 to vector<128x1xi32>
      %gt3A_434 = arith.cmpi sgt, %transpose3A_202, %gt3A_433 : vector<128x1xi32>
      %eq3A_435 = arith.constant 1.500000e+01 : f32
      %eq3A_436 = vector.broadcast %eq3A_435 : f32 to vector<128x1xf32>
      %eq3A_437 = arith.cmpf oeq, %transpose3A_207, %eq3A_436 : vector<128x1xf32>
      %and3A_438 = arith.andi %gt3A_434, %eq3A_437 : vector<128x1xi1>
      %jit3A_439 = arith.constant 0xFF800000 : f32
      %broadcast_in_dim3A_440 = vector.shape_cast %and3A_438 : vector<128x1xi1> to vector<128x1xi1>
      %broadcast_in_dim3A_441 = vector.broadcast %broadcast_in_dim3A_440 : vector<128x1xi1> to vector<128x128xi1>
      %broadcast_in_dim3A_442 = vector.broadcast %jit3A_439 : f32 to vector<128x128xf32>
      %select_n3A_443 = arith.select %broadcast_in_dim3A_441, %get3A_198, %broadcast_in_dim3A_442 : vector<128x128xi1>, vector<128x128xf32>
      %reduce_max3A_444 = arith.constant dense<0xFF800000> : vector<128xf32>
      %reduce_max3A_445 = vector.multi_reduction <maximumf>, %select_n3A_443, %reduce_max3A_444 [0] : vector<128x128xf32> to vector<128xf32>
      %broadcast_in_dim3A_446 = vector.shape_cast %reduce_max3A_445 : vector<128xf32> to vector<1x128xf32>
      %concatenate3A_447 = tpu.concatenate %broadcast_in_dim3A_221, %broadcast_in_dim3A_236, %broadcast_in_dim3A_251, %broadcast_in_dim3A_266, %broadcast_in_dim3A_281, %broadcast_in_dim3A_296, %broadcast_in_dim3A_311, %broadcast_in_dim3A_326, %broadcast_in_dim3A_341, %broadcast_in_dim3A_356, %broadcast_in_dim3A_371, %broadcast_in_dim3A_386, %broadcast_in_dim3A_401, %broadcast_in_dim3A_416, %broadcast_in_dim3A_431, %broadcast_in_dim3A_446 in 0 : vector<1x128xf32>, vector<1x128xf32>, vector<1x128xf32>, vector<1x128xf32>, vector<1x128xf32>, vector<1x128xf32>, vector<1x128xf32>, vector<1x128xf32>, vector<1x128xf32>, vector<1x128xf32>, vector<1x128xf32>, vector<1x128xf32>, vector<1x128xf32>, vector<1x128xf32>, vector<1x128xf32>, vector<1x128xf32> -> vector<16x128xf32>
      %max3A_448 = arith.maximumf %scan3A_193, %concatenate3A_447 : vector<16x128xf32>
      scf.yield %max3A_448 : vector<16x128xf32>
    }
    %scan3A_169 = arith.constant 79 : i32
    %max3A = arith.constant 1.000000e+00 : f32
    %max3A_170 = vector.broadcast %max3A : f32 to vector<16x1xf32>
    %max3A_171 = arith.maximumf %broadcast_in_dim3A_157, %max3A_170 : vector<16x1xf32>
    %div3A = vector.broadcast %max3A_171 : vector<16x1xf32> to vector<16x128xf32>
    %div3A_172 = arith.divf %dot_general3A_161, %div3A : vector<16x128xf32>
    %gt3A_173 = arith.constant 0.000000e+00 : f32
    %gt3A_174 = vector.broadcast %gt3A_173 : f32 to vector<16x1xf32>
    %gt3A_175 = arith.cmpf ogt, %broadcast_in_dim3A_157, %gt3A_174 : vector<16x1xf32>
    %jit3A_176 = arith.constant 0.000000e+00 : f32
    %broadcast_in_dim3A_177 = vector.shape_cast %gt3A_175 : vector<16x1xi1> to vector<16x1xi1>
    %broadcast_in_dim3A_178 = vector.broadcast %broadcast_in_dim3A_177 : vector<16x1xi1> to vector<16x128xi1>
    %broadcast_in_dim3A_179 = vector.broadcast %jit3A_176 : f32 to vector<16x128xf32>
    %select_n3A_180 = arith.select %broadcast_in_dim3A_178, %scan3A_168, %broadcast_in_dim3A_179 : vector<16x128xi1>, vector<16x128xf32>
    %concatenate3A_181 = tpu.concatenate %select_n3A_180, %div3A_172 in 1 : vector<16x128xf32>, vector<16x128xf32> -> vector<16x256xf32>
    %get3A_182 = arith.constant 0 : index
    %get3A_183 = arith.constant 0 : index
    %get3A_184 = vector.load %arg5[%get3A_182, %get3A_183] : memref<16x256xf32, #tpu.memory_space<vmem>>, vector<16x256xf32>
    %max3A_185 = arith.constant 0.000000e+00 : f32
    %max3A_186 = vector.broadcast %max3A_185 : f32 to vector<16x256xf32>
    %max3A_187 = arith.maximumf %concatenate3A_181, %max3A_186 : vector<16x256xf32>
    %add3A_188 = arith.addf %get3A_184, %max3A_187 : vector<16x256xf32>
    %swap3A_189 = arith.constant 0 : index
    %swap3A_190 = arith.constant 0 : index
    %swap3A_191 = vector.load %arg7[%swap3A_189, %swap3A_190] : memref<16x256xf32, #tpu.memory_space<vmem>>, vector<16x256xf32>
    tpu.vector_store %arg7[%swap3A_189, %swap3A_190], %add3A_188 {strides = array<i32>} : memref<16x256xf32, #tpu.memory_space<vmem>>, vector<16x256xf32>,
    return
  }
}

module attributes {stable_mosaic.version = 14 : i64} {
  func.func @_tc_select_body(%arg0: memref<10112x128xf32, #tpu.memory_space<vmem>>, %arg1: memref<2x10112x128xf32, #tpu.memory_space<vmem>>, %arg2: memref<1x10112xf32, #tpu.memory_space<vmem>>, %arg3: memref<1x10112xi32, #tpu.memory_space<vmem>>, %arg4: memref<1x10112xi32, #tpu.memory_space<vmem>>, %arg5: memref<16x256xf32, #tpu.memory_space<vmem>>, %arg6: memref<1x10112xi32, #tpu.memory_space<vmem>>, %arg7: memref<16x256xf32, #tpu.memory_space<vmem>>, %arg8: memref<1x10112xf32, #tpu.memory_space<vmem>>) attributes {dimension_semantics = [], scalar_prefetch = 0 : i64, scratch_operands = 1 : i64, tpu.core_type = #tpu.core_type<tc>} {
    %scan3A = arith.constant 0 : i32
    %scan3A_0 = arith.constant 79 : i32
    %scan3A_1 = arith.addi %scan3A, %scan3A_0 : i32
    %scan3A_2 = arith.constant 1 : i32
    scf.for %scan3A_192 = %scan3A to %scan3A_1 step %scan3A_2  : i32 {
      %mul3A_193 = arith.constant 128 : i32
      %mul3A_194 = arith.muli %scan3A_192, %mul3A_193 : i32
      %multiple_of3A = tpu.assume_multiple %mul3A_194, 128 : i32
      %get3A_195 = arith.index_cast %multiple_of3A : i32 to index
      %get3A_196 = arith.constant 0 : index
      %get3A_197 = vector.load %arg0[%get3A_195, %get3A_196] : memref<10112x128xf32, #tpu.memory_space<vmem>>, vector<128x128xf32>
      %get3A_198 = arith.constant 0 : index
      %get3A_199 = arith.index_cast %multiple_of3A : i32 to index
      %get3A_200 = arith.constant 0 : index
      %get3A_201 = vector.load %arg1[%get3A_198, %get3A_199, %get3A_200] : memref<2x10112x128xf32, #tpu.memory_space<vmem>>, vector<1x128x128xf32>
      %get3A_202 = vector.shape_cast %get3A_201 : vector<1x128x128xf32> to vector<128x128xf32>
      %get3A_203 = arith.constant 1 : index
      %get3A_204 = arith.index_cast %multiple_of3A : i32 to index
      %get3A_205 = arith.constant 0 : index
      %get3A_206 = vector.load %arg1[%get3A_203, %get3A_204, %get3A_205] : memref<2x10112x128xf32, #tpu.memory_space<vmem>>, vector<1x128x128xf32>
      %get3A_207 = vector.shape_cast %get3A_206 : vector<1x128x128xf32> to vector<128x128xf32>
      %add3A_208 = arith.addf %get3A_202, %get3A_207 : vector<128x128xf32>
      %get3A_209 = arith.constant 0 : index
      %get3A_210 = arith.index_cast %multiple_of3A : i32 to index
      %get3A_211 = vector.load %arg2[%get3A_209, %get3A_210] : memref<1x10112xf32, #tpu.memory_space<vmem>>, vector<1x128xf32>
      %transpose3A_212 = tpu.transpose %get3A_211, [1, 0] : vector<1x128xf32> -> vector<128x1xf32>
      %gt3A_213 = arith.constant 0.000000e+00 : f32
      %gt3A_214 = vector.broadcast %gt3A_213 : f32 to vector<128x1xf32>
      %gt3A_215 = arith.cmpf ogt, %transpose3A_212, %gt3A_214 : vector<128x1xf32>
      %rsqrt3A = math.rsqrt %transpose3A_212 : vector<128x1xf32>
      %jit3A_216 = arith.constant 0.000000e+00 : f32
      %broadcast_in_dim3A_217 = vector.broadcast %jit3A_216 : f32 to vector<128x1xf32>
      %select_n3A_218 = arith.select %gt3A_215, %rsqrt3A, %broadcast_in_dim3A_217 : vector<128x1xi1>, vector<128x1xf32>
      %mul3A_219 = vector.broadcast %select_n3A_218 : vector<128x1xf32> to vector<128x128xf32>
      %mul3A_220 = arith.mulf %mul3A_219, %add3A_208 : vector<128x128xf32>
      %sub3A_221 = arith.subf %get3A_197, %mul3A_220 : vector<128x128xf32>
      %abs3A = math.absf %sub3A_221 : vector<128x128xf32>
      %reduce_sum3A_222 = arith.constant dense<0.000000e+00> : vector<128xf32>
      %reduce_sum3A_223 = vector.multi_reduction <add>, %abs3A, %reduce_sum3A_222 [1] : vector<128x128xf32> to vector<128xf32>
      %broadcast_in_dim3A_224 = vector.shape_cast %reduce_sum3A_223 : vector<128xf32> to vector<128x1xf32>
      %transpose3A_225 = tpu.transpose %broadcast_in_dim3A_224, [1, 0] : vector<128x1xf32> -> vector<1x128xf32>
      %swap3A_226 = arith.constant 0 : index
      %swap3A_227 = arith.index_cast %multiple_of3A : i32 to index
      %swap3A_228 = vector.load %arg8[%swap3A_226, %swap3A_227] : memref<1x10112xf32, #tpu.memory_space<vmem>>, vector<1x128xf32>
      tpu.vector_store %arg8[%swap3A_226, %swap3A_227], %transpose3A_225 {strides = array<i32>} : memref<1x10112xf32, #tpu.memory_space<vmem>>, vector<1x128xf32>,
    }
    %scan3A_3 = arith.constant 79 : i32
    %get3A = arith.constant 0 : index
    %get3A_4 = arith.constant 0 : index
    %get3A_5 = vector.load %arg8[%get3A, %get3A_4] : memref<1x10112xf32, #tpu.memory_space<vmem>>, vector<1x10112xf32>
    %bitcast_convert_type3A = tpu.bitcast %get3A_5 : vector<1x10112xf32> -> vector<1x10112xi32>
    %get3A_6 = arith.constant 0 : index
    %get3A_7 = arith.constant 0 : index
    %get3A_8 = vector.load %arg3[%get3A_6, %get3A_7] : memref<1x10112xi32, #tpu.memory_space<vmem>>, vector<1x10112xi32>
    %get3A_9 = arith.constant 0 : index
    %get3A_10 = arith.constant 0 : index
    %get3A_11 = vector.load %arg4[%get3A_9, %get3A_10] : memref<1x10112xi32, #tpu.memory_space<vmem>>, vector<1x10112xi32>
    %gt3A = arith.constant 0 : i32
    %gt3A_12 = vector.broadcast %gt3A : i32 to vector<1x10112xi32>
    %gt3A_13 = arith.cmpi sgt, %get3A_11, %gt3A_12 : vector<1x10112xi32>
    %iota3A = tpu.iota {dimensions = array<i32: 0>} : vector<16x1xi32>
    %eq3A = vector.broadcast %get3A_8 : vector<1x10112xi32> to vector<16x10112xi32>
    %eq3A_14 = vector.broadcast %iota3A : vector<16x1xi32> to vector<16x10112xi32>
    %eq3A_15 = arith.cmpi eq, %eq3A, %eq3A_14 : vector<16x10112xi32>
    %convert_element_type3A = arith.extui %eq3A_15 : vector<16x10112xi1> to vector<16x10112xi32>
    %convert_element_type3A_16 = arith.sitofp %convert_element_type3A : vector<16x10112xi32> to vector<16x10112xf32>
    %convert_element_type3A_17 = arith.extui %gt3A_13 : vector<1x10112xi1> to vector<1x10112xi32>
    %convert_element_type3A_18 = arith.sitofp %convert_element_type3A_17 : vector<1x10112xi32> to vector<1x10112xf32>
    %mul3A = vector.broadcast %convert_element_type3A_18 : vector<1x10112xf32> to vector<16x10112xf32>
    %mul3A_19 = arith.mulf %convert_element_type3A_16, %mul3A : vector<16x10112xf32>
    %reduce_sum3A = arith.constant dense<0.000000e+00> : vector<16xf32>
    %reduce_sum3A_20 = vector.multi_reduction <add>, %mul3A_19, %reduce_sum3A [1] : vector<16x10112xf32> to vector<16xf32>
    %broadcast_in_dim3A = vector.shape_cast %reduce_sum3A_20 : vector<16xf32> to vector<16x1xf32>
    %convert_element_type3A_21 = arith.fptosi %broadcast_in_dim3A : vector<16x1xf32> to vector<16x1xi32>
    %add3A = arith.constant 1 : i32
    %add3A_22 = vector.broadcast %add3A : i32 to vector<16x1xi32>
    %add3A_23 = arith.addi %convert_element_type3A_21, %add3A_22 : vector<16x1xi32>
    %shift_right_arithmetic3A = arith.constant 1 : i32
    %shift_right_arithmetic3A_24 = vector.broadcast %shift_right_arithmetic3A : i32 to vector<16x1xi32>
    %shift_right_arithmetic3A_25 = arith.shrsi %add3A_23, %shift_right_arithmetic3A_24 : vector<16x1xi32>
    %convert_element_type3A_26 = arith.sitofp %shift_right_arithmetic3A_25 : vector<16x1xi32> to vector<16x1xf32>
    %broadcast_in_dim3A_27 = arith.constant 0 : i32
    %broadcast_in_dim3A_28 = vector.broadcast %broadcast_in_dim3A_27 : i32 to vector<16x1xi32>
    %scan3A_29 = arith.constant 0 : i32
    %scan3A_30 = arith.constant 31 : i32
    %scan3A_31 = arith.addi %scan3A_29, %scan3A_30 : i32
    %scan3A_32 = arith.constant 1 : i32
    %scan3A_33 = scf.for %scan3A_192 = %scan3A_29 to %scan3A_31 step %scan3A_32 iter_args(%scan3A_193 = %broadcast_in_dim3A_28) -> (vector<16x1xi32>)  : i32 {
      %sub3A_194 = arith.constant 30 : i32
      %sub3A_195 = arith.subi %sub3A_194, %scan3A_192 : i32
      %shift_left3A = arith.constant 1 : i32
      %shift_left3A_196 = arith.shli %shift_left3A, %sub3A_195 : i32
      %or3A_197 = vector.broadcast %shift_left3A_196 : i32 to vector<16x1xi32>
      %or3A_198 = arith.ori %scan3A_193, %or3A_197 : vector<16x1xi32>
      %mul3A_199 = vector.broadcast %or3A_198 : vector<16x1xi32> to vector<16x10112xi32>
      %mul3A_200 = arith.muli %convert_element_type3A, %mul3A_199 : vector<16x10112xi32>
      %reduce_sum3A_201 = arith.constant dense<0> : vector<10112xi32>
      %reduce_sum3A_202 = vector.multi_reduction <add>, %mul3A_200, %reduce_sum3A_201 [0] : vector<16x10112xi32> to vector<10112xi32>
      %broadcast_in_dim3A_203 = vector.shape_cast %reduce_sum3A_202 : vector<10112xi32> to vector<1x10112xi32>
      %ge3A = arith.cmpi sge, %bitcast_convert_type3A, %broadcast_in_dim3A_203 : vector<1x10112xi32>
      %and3A_204 = arith.andi %gt3A_13, %ge3A : vector<1x10112xi1>
      %convert_element_type3A_205 = arith.extui %and3A_204 : vector<1x10112xi1> to vector<1x10112xi32>
      %convert_element_type3A_206 = arith.sitofp %convert_element_type3A_205 : vector<1x10112xi32> to vector<1x10112xf32>
      %mul3A_207 = vector.broadcast %convert_element_type3A_206 : vector<1x10112xf32> to vector<16x10112xf32>
      %mul3A_208 = arith.mulf %convert_element_type3A_16, %mul3A_207 : vector<16x10112xf32>
      %reduce_sum3A_209 = arith.constant dense<0.000000e+00> : vector<16xf32>
      %reduce_sum3A_210 = vector.multi_reduction <add>, %mul3A_208, %reduce_sum3A_209 [1] : vector<16x10112xf32> to vector<16xf32>
      %broadcast_in_dim3A_211 = vector.shape_cast %reduce_sum3A_210 : vector<16xf32> to vector<16x1xf32>
      %ge3A_212 = arith.cmpf oge, %broadcast_in_dim3A_211, %convert_element_type3A_26 : vector<16x1xf32>
      %select_n3A_213 = arith.select %ge3A_212, %or3A_198, %scan3A_193 : vector<16x1xi1>, vector<16x1xi32>
      scf.yield %select_n3A_213 : vector<16x1xi32>
    }
    %scan3A_34 = arith.constant 31 : i32
    %mul3A_35 = vector.broadcast %scan3A_33 : vector<16x1xi32> to vector<16x10112xi32>
    %mul3A_36 = arith.muli %convert_element_type3A, %mul3A_35 : vector<16x10112xi32>
    %reduce_sum3A_37 = arith.constant dense<0> : vector<10112xi32>
    %reduce_sum3A_38 = vector.multi_reduction <add>, %mul3A_36, %reduce_sum3A_37 [0] : vector<16x10112xi32> to vector<10112xi32>
    %broadcast_in_dim3A_39 = vector.shape_cast %reduce_sum3A_38 : vector<10112xi32> to vector<1x10112xi32>
    %gt3A_40 = arith.cmpi sgt, %bitcast_convert_type3A, %broadcast_in_dim3A_39 : vector<1x10112xi32>
    %and3A = arith.andi %gt3A_13, %gt3A_40 : vector<1x10112xi1>
    %convert_element_type3A_41 = arith.extui %and3A : vector<1x10112xi1> to vector<1x10112xi32>
    %convert_element_type3A_42 = arith.sitofp %convert_element_type3A_41 : vector<1x10112xi32> to vector<1x10112xf32>
    %mul3A_43 = vector.broadcast %convert_element_type3A_42 : vector<1x10112xf32> to vector<16x10112xf32>
    %mul3A_44 = arith.mulf %convert_element_type3A_16, %mul3A_43 : vector<16x10112xf32>
    %reduce_sum3A_45 = arith.constant dense<0.000000e+00> : vector<16xf32>
    %reduce_sum3A_46 = vector.multi_reduction <add>, %mul3A_44, %reduce_sum3A_45 [1] : vector<16x10112xf32> to vector<16xf32>
    %broadcast_in_dim3A_47 = vector.shape_cast %reduce_sum3A_46 : vector<16xf32> to vector<16x1xf32>
    %sub3A = arith.subf %convert_element_type3A_26, %broadcast_in_dim3A_47 : vector<16x1xf32>
    %eq3A_48 = arith.cmpi eq, %bitcast_convert_type3A, %broadcast_in_dim3A_39 : vector<1x10112xi32>
    %and3A_49 = arith.andi %gt3A_13, %eq3A_48 : vector<1x10112xi1>
    %convert_element_type3A_50 = arith.extui %and3A_49 : vector<1x10112xi1> to vector<1x10112xi32>
    %convert_element_type3A_51 = arith.sitofp %convert_element_type3A_50 : vector<1x10112xi32> to vector<1x10112xf32>
    %broadcast_in_dim3A_52 = arith.constant 0.000000e+00 : f32
    %broadcast_in_dim3A_53 = vector.broadcast %broadcast_in_dim3A_52 : f32 to vector<1x1xf32>
    %slice3A = vector.extract_strided_slice %convert_element_type3A_51 {offsets = [0, 0], sizes = [1, 10111], strides = [1, 1]} : vector<1x10112xf32> to vector<1x10111xf32>
    %concatenate3A = tpu.concatenate %broadcast_in_dim3A_53, %slice3A in 1 : vector<1x1xf32>, vector<1x10111xf32> -> vector<1x10112xf32>
    %add3A_54 = arith.addf %convert_element_type3A_51, %concatenate3A : vector<1x10112xf32>
    %broadcast_in_dim3A_55 = arith.constant 0.000000e+00 : f32
    %broadcast_in_dim3A_56 = vector.broadcast %broadcast_in_dim3A_55 : f32 to vector<1x2xf32>
    %slice3A_57 = vector.extract_strided_slice %add3A_54 {offsets = [0, 0], sizes = [1, 10110], strides = [1, 1]} : vector<1x10112xf32> to vector<1x10110xf32>
    %concatenate3A_58 = tpu.concatenate %broadcast_in_dim3A_56, %slice3A_57 in 1 : vector<1x2xf32>, vector<1x10110xf32> -> vector<1x10112xf32>
    %add3A_59 = arith.addf %add3A_54, %concatenate3A_58 : vector<1x10112xf32>
    %broadcast_in_dim3A_60 = arith.constant 0.000000e+00 : f32
    %broadcast_in_dim3A_61 = vector.broadcast %broadcast_in_dim3A_60 : f32 to vector<1x4xf32>
    %slice3A_62 = vector.extract_strided_slice %add3A_59 {offsets = [0, 0], sizes = [1, 10108], strides = [1, 1]} : vector<1x10112xf32> to vector<1x10108xf32>
    %concatenate3A_63 = tpu.concatenate %broadcast_in_dim3A_61, %slice3A_62 in 1 : vector<1x4xf32>, vector<1x10108xf32> -> vector<1x10112xf32>
    %add3A_64 = arith.addf %add3A_59, %concatenate3A_63 : vector<1x10112xf32>
    %broadcast_in_dim3A_65 = arith.constant 0.000000e+00 : f32
    %broadcast_in_dim3A_66 = vector.broadcast %broadcast_in_dim3A_65 : f32 to vector<1x8xf32>
    %slice3A_67 = vector.extract_strided_slice %add3A_64 {offsets = [0, 0], sizes = [1, 10104], strides = [1, 1]} : vector<1x10112xf32> to vector<1x10104xf32>
    %concatenate3A_68 = tpu.concatenate %broadcast_in_dim3A_66, %slice3A_67 in 1 : vector<1x8xf32>, vector<1x10104xf32> -> vector<1x10112xf32>
    %add3A_69 = arith.addf %add3A_64, %concatenate3A_68 : vector<1x10112xf32>
    %broadcast_in_dim3A_70 = arith.constant 0.000000e+00 : f32
    %broadcast_in_dim3A_71 = vector.broadcast %broadcast_in_dim3A_70 : f32 to vector<1x16xf32>
    %slice3A_72 = vector.extract_strided_slice %add3A_69 {offsets = [0, 0], sizes = [1, 10096], strides = [1, 1]} : vector<1x10112xf32> to vector<1x10096xf32>
    %concatenate3A_73 = tpu.concatenate %broadcast_in_dim3A_71, %slice3A_72 in 1 : vector<1x16xf32>, vector<1x10096xf32> -> vector<1x10112xf32>
    %add3A_74 = arith.addf %add3A_69, %concatenate3A_73 : vector<1x10112xf32>
    %broadcast_in_dim3A_75 = arith.constant 0.000000e+00 : f32
    %broadcast_in_dim3A_76 = vector.broadcast %broadcast_in_dim3A_75 : f32 to vector<1x32xf32>
    %slice3A_77 = vector.extract_strided_slice %add3A_74 {offsets = [0, 0], sizes = [1, 10080], strides = [1, 1]} : vector<1x10112xf32> to vector<1x10080xf32>
    %concatenate3A_78 = tpu.concatenate %broadcast_in_dim3A_76, %slice3A_77 in 1 : vector<1x32xf32>, vector<1x10080xf32> -> vector<1x10112xf32>
    %add3A_79 = arith.addf %add3A_74, %concatenate3A_78 : vector<1x10112xf32>
    %broadcast_in_dim3A_80 = arith.constant 0.000000e+00 : f32
    %broadcast_in_dim3A_81 = vector.broadcast %broadcast_in_dim3A_80 : f32 to vector<1x64xf32>
    %slice3A_82 = vector.extract_strided_slice %add3A_79 {offsets = [0, 0], sizes = [1, 10048], strides = [1, 1]} : vector<1x10112xf32> to vector<1x10048xf32>
    %concatenate3A_83 = tpu.concatenate %broadcast_in_dim3A_81, %slice3A_82 in 1 : vector<1x64xf32>, vector<1x10048xf32> -> vector<1x10112xf32>
    %add3A_84 = arith.addf %add3A_79, %concatenate3A_83 : vector<1x10112xf32>
    %broadcast_in_dim3A_85 = arith.constant 0.000000e+00 : f32
    %broadcast_in_dim3A_86 = vector.broadcast %broadcast_in_dim3A_85 : f32 to vector<1x128xf32>
    %slice3A_87 = vector.extract_strided_slice %add3A_84 {offsets = [0, 0], sizes = [1, 9984], strides = [1, 1]} : vector<1x10112xf32> to vector<1x9984xf32>
    %concatenate3A_88 = tpu.concatenate %broadcast_in_dim3A_86, %slice3A_87 in 1 : vector<1x128xf32>, vector<1x9984xf32> -> vector<1x10112xf32>
    %add3A_89 = arith.addf %add3A_84, %concatenate3A_88 : vector<1x10112xf32>
    %broadcast_in_dim3A_90 = arith.constant 0.000000e+00 : f32
    %broadcast_in_dim3A_91 = vector.broadcast %broadcast_in_dim3A_90 : f32 to vector<1x256xf32>
    %slice3A_92 = vector.extract_strided_slice %add3A_89 {offsets = [0, 0], sizes = [1, 9856], strides = [1, 1]} : vector<1x10112xf32> to vector<1x9856xf32>
    %concatenate3A_93 = tpu.concatenate %broadcast_in_dim3A_91, %slice3A_92 in 1 : vector<1x256xf32>, vector<1x9856xf32> -> vector<1x10112xf32>
    %add3A_94 = arith.addf %add3A_89, %concatenate3A_93 : vector<1x10112xf32>
    %broadcast_in_dim3A_95 = arith.constant 0.000000e+00 : f32
    %broadcast_in_dim3A_96 = vector.broadcast %broadcast_in_dim3A_95 : f32 to vector<1x512xf32>
    %slice3A_97 = vector.extract_strided_slice %add3A_94 {offsets = [0, 0], sizes = [1, 9600], strides = [1, 1]} : vector<1x10112xf32> to vector<1x9600xf32>
    %concatenate3A_98 = tpu.concatenate %broadcast_in_dim3A_96, %slice3A_97 in 1 : vector<1x512xf32>, vector<1x9600xf32> -> vector<1x10112xf32>
    %add3A_99 = arith.addf %add3A_94, %concatenate3A_98 : vector<1x10112xf32>
    %broadcast_in_dim3A_100 = arith.constant 0.000000e+00 : f32
    %broadcast_in_dim3A_101 = vector.broadcast %broadcast_in_dim3A_100 : f32 to vector<1x1024xf32>
    %slice3A_102 = vector.extract_strided_slice %add3A_99 {offsets = [0, 0], sizes = [1, 9088], strides = [1, 1]} : vector<1x10112xf32> to vector<1x9088xf32>
    %concatenate3A_103 = tpu.concatenate %broadcast_in_dim3A_101, %slice3A_102 in 1 : vector<1x1024xf32>, vector<1x9088xf32> -> vector<1x10112xf32>
    %add3A_104 = arith.addf %add3A_99, %concatenate3A_103 : vector<1x10112xf32>
    %broadcast_in_dim3A_105 = arith.constant 0.000000e+00 : f32
    %broadcast_in_dim3A_106 = vector.broadcast %broadcast_in_dim3A_105 : f32 to vector<1x2048xf32>
    %slice3A_107 = vector.extract_strided_slice %add3A_104 {offsets = [0, 0], sizes = [1, 8064], strides = [1, 1]} : vector<1x10112xf32> to vector<1x8064xf32>
    %concatenate3A_108 = tpu.concatenate %broadcast_in_dim3A_106, %slice3A_107 in 1 : vector<1x2048xf32>, vector<1x8064xf32> -> vector<1x10112xf32>
    %add3A_109 = arith.addf %add3A_104, %concatenate3A_108 : vector<1x10112xf32>
    %broadcast_in_dim3A_110 = arith.constant 0.000000e+00 : f32
    %broadcast_in_dim3A_111 = vector.broadcast %broadcast_in_dim3A_110 : f32 to vector<1x4096xf32>
    %slice3A_112 = vector.extract_strided_slice %add3A_109 {offsets = [0, 0], sizes = [1, 6016], strides = [1, 1]} : vector<1x10112xf32> to vector<1x6016xf32>
    %concatenate3A_113 = tpu.concatenate %broadcast_in_dim3A_111, %slice3A_112 in 1 : vector<1x4096xf32>, vector<1x6016xf32> -> vector<1x10112xf32>
    %add3A_114 = arith.addf %add3A_109, %concatenate3A_113 : vector<1x10112xf32>
    %broadcast_in_dim3A_115 = arith.constant 0.000000e+00 : f32
    %broadcast_in_dim3A_116 = vector.broadcast %broadcast_in_dim3A_115 : f32 to vector<1x8192xf32>
    %slice3A_117 = vector.extract_strided_slice %add3A_114 {offsets = [0, 0], sizes = [1, 1920], strides = [1, 1]} : vector<1x10112xf32> to vector<1x1920xf32>
    %concatenate3A_118 = tpu.concatenate %broadcast_in_dim3A_116, %slice3A_117 in 1 : vector<1x8192xf32>, vector<1x1920xf32> -> vector<1x10112xf32>
    %add3A_119 = arith.addf %add3A_114, %concatenate3A_118 : vector<1x10112xf32>
    %mul3A_120 = vector.broadcast %convert_element_type3A_51 : vector<1x10112xf32> to vector<16x10112xf32>
    %mul3A_121 = arith.mulf %convert_element_type3A_16, %mul3A_120 : vector<16x10112xf32>
    %reduce_sum3A_122 = arith.constant dense<0.000000e+00> : vector<16xf32>
    %reduce_sum3A_123 = vector.multi_reduction <add>, %mul3A_121, %reduce_sum3A_122 [1] : vector<16x10112xf32> to vector<16xf32>
    %broadcast_in_dim3A_124 = vector.shape_cast %reduce_sum3A_123 : vector<16xf32> to vector<16x1xf32>
    %transpose3A = tpu.transpose %broadcast_in_dim3A_124, [1, 0] : vector<16x1xf32> -> vector<1x16xf32>
    %iota3A_125 = tpu.iota {dimensions = array<i32: 0>} : vector<16x16xi32>
    %iota3A_126 = tpu.iota {dimensions = array<i32: 1>} : vector<16x16xi32>
    %lt3A = arith.cmpi slt, %iota3A_126, %iota3A_125 : vector<16x16xi32>
    %jit3A = arith.constant 1.000000e+00 : f32
    %jit3A_127 = arith.constant 0.000000e+00 : f32
    %broadcast_in_dim3A_128 = vector.broadcast %jit3A : f32 to vector<16x16xf32>
    %broadcast_in_dim3A_129 = vector.broadcast %jit3A_127 : f32 to vector<16x16xf32>
    %select_n3A = arith.select %lt3A, %broadcast_in_dim3A_128, %broadcast_in_dim3A_129 : vector<16x16xi1>, vector<16x16xf32>
    %mul3A_130 = vector.broadcast %transpose3A : vector<1x16xf32> to vector<16x16xf32>
    %mul3A_131 = arith.mulf %select_n3A, %mul3A_130 : vector<16x16xf32>
    %reduce_sum3A_132 = arith.constant dense<0.000000e+00> : vector<16xf32>
    %reduce_sum3A_133 = vector.multi_reduction <add>, %mul3A_131, %reduce_sum3A_132 [1] : vector<16x16xf32> to vector<16xf32>
    %broadcast_in_dim3A_134 = vector.shape_cast %reduce_sum3A_133 : vector<16xf32> to vector<16x1xf32>
    %mul3A_135 = vector.broadcast %broadcast_in_dim3A_134 : vector<16x1xf32> to vector<16x10112xf32>
    %mul3A_136 = arith.mulf %convert_element_type3A_16, %mul3A_135 : vector<16x10112xf32>
    %reduce_sum3A_137 = arith.constant dense<0.000000e+00> : vector<10112xf32>
    %reduce_sum3A_138 = vector.multi_reduction <add>, %mul3A_136, %reduce_sum3A_137 [0] : vector<16x10112xf32> to vector<10112xf32>
    %broadcast_in_dim3A_139 = vector.shape_cast %reduce_sum3A_138 : vector<10112xf32> to vector<1x10112xf32>
    %sub3A_140 = arith.subf %add3A_119, %broadcast_in_dim3A_139 : vector<1x10112xf32>
    %mul3A_141 = vector.broadcast %sub3A : vector<16x1xf32> to vector<16x10112xf32>
    %mul3A_142 = arith.mulf %convert_element_type3A_16, %mul3A_141 : vector<16x10112xf32>
    %reduce_sum3A_143 = arith.constant dense<0.000000e+00> : vector<10112xf32>
    %reduce_sum3A_144 = vector.multi_reduction <add>, %mul3A_142, %reduce_sum3A_143 [0] : vector<16x10112xf32> to vector<10112xf32>
    %broadcast_in_dim3A_145 = vector.shape_cast %reduce_sum3A_144 : vector<10112xf32> to vector<1x10112xf32>
    %le3A = arith.cmpf ole, %sub3A_140, %broadcast_in_dim3A_145 : vector<1x10112xf32>
    %and3A_146 = arith.andi %and3A_49, %le3A : vector<1x10112xi1>
    %or3A = arith.ori %and3A, %and3A_146 : vector<1x10112xi1>
    %and3A_147 = arith.andi %gt3A_13, %or3A : vector<1x10112xi1>
    %convert_element_type3A_148 = arith.extui %and3A_147 : vector<1x10112xi1> to vector<1x10112xi32>
    %swap3A = arith.constant 0 : index
    %swap3A_149 = arith.constant 0 : index
    %swap3A_150 = vector.load %arg6[%swap3A, %swap3A_149] : memref<1x10112xi32, #tpu.memory_space<vmem>>, vector<1x10112xi32>
    tpu.vector_store %arg6[%swap3A, %swap3A_149], %convert_element_type3A_148 {strides = array<i32>} : memref<1x10112xi32, #tpu.memory_space<vmem>>, vector<1x10112xi32>,
    %convert_element_type3A_151 = arith.extui %and3A_147 : vector<1x10112xi1> to vector<1x10112xi32>
    %convert_element_type3A_152 = arith.sitofp %convert_element_type3A_151 : vector<1x10112xi32> to vector<1x10112xf32>
    %mul3A_153 = vector.broadcast %convert_element_type3A_152 : vector<1x10112xf32> to vector<16x10112xf32>
    %mul3A_154 = arith.mulf %convert_element_type3A_16, %mul3A_153 : vector<16x10112xf32>
    %reduce_sum3A_155 = arith.constant dense<0.000000e+00> : vector<16xf32>
    %reduce_sum3A_156 = vector.multi_reduction <add>, %mul3A_154, %reduce_sum3A_155 [1] : vector<16x10112xf32> to vector<16xf32>
    %broadcast_in_dim3A_157 = vector.shape_cast %reduce_sum3A_156 : vector<16xf32> to vector<16x1xf32>
    %get3A_158 = arith.constant 0 : index
    %get3A_159 = arith.constant 0 : index
    %get3A_160 = vector.load %arg0[%get3A_158, %get3A_159] : memref<10112x128xf32, #tpu.memory_space<vmem>>, vector<10112x128xf32>
    %dot_general3A = arith.constant dense<0.000000e+00> : vector<16x128xf32>
    %dot_general3A_161 = tpu.matmul %mul3A_154, %get3A_160, %dot_general3A {dimension_numbers = #tpu.dot_dimension_numbers<[1], [0], [0], [1], [0, 0, 1, 1], [], []>, transpose_lhs_hint = false} : vector<16x10112xf32>, vector<10112x128xf32>, vector<16x128xf32> -> vector<16x128xf32>
    %broadcast_in_dim3A_162 = arith.constant 0xFF800000 : f32
    %broadcast_in_dim3A_163 = vector.broadcast %broadcast_in_dim3A_162 : f32 to vector<16x128xf32>
    %scan3A_164 = arith.constant 0 : i32
    %scan3A_165 = arith.constant 79 : i32
    %scan3A_166 = arith.addi %scan3A_164, %scan3A_165 : i32
    %scan3A_167 = arith.constant 1 : i32
    %scan3A_168 = scf.for %scan3A_192 = %scan3A_164 to %scan3A_166 step %scan3A_167 iter_args(%scan3A_193 = %broadcast_in_dim3A_163) -> (vector<16x128xf32>)  : i32 {
      %mul3A_194 = arith.constant 128 : i32
      %mul3A_195 = arith.muli %scan3A_192, %mul3A_194 : i32
      %multiple_of3A = tpu.assume_multiple %mul3A_195, 128 : i32
      %get3A_196 = arith.index_cast %multiple_of3A : i32 to index
      %get3A_197 = arith.constant 0 : index
      %get3A_198 = vector.load %arg0[%get3A_196, %get3A_197] : memref<10112x128xf32, #tpu.memory_space<vmem>>, vector<128x128xf32>
      %get3A_199 = arith.constant 0 : index
      %get3A_200 = arith.index_cast %multiple_of3A : i32 to index
      %get3A_201 = vector.load %arg6[%get3A_199, %get3A_200] : memref<1x10112xi32, #tpu.memory_space<vmem>>, vector<1x128xi32>
      %transpose3A_202 = tpu.transpose %get3A_201, [1, 0] : vector<1x128xi32> -> vector<128x1xi32>
      %get3A_203 = arith.constant 0 : index
      %get3A_204 = arith.index_cast %multiple_of3A : i32 to index
      %get3A_205 = vector.load %arg3[%get3A_203, %get3A_204] : memref<1x10112xi32, #tpu.memory_space<vmem>>, vector<1x128xi32>
      %convert_element_type3A_206 = arith.sitofp %get3A_205 : vector<1x128xi32> to vector<1x128xf32>
      %transpose3A_207 = tpu.transpose %convert_element_type3A_206, [1, 0] : vector<1x128xf32> -> vector<128x1xf32>
      %gt3A_208 = arith.constant 0 : i32
      %gt3A_209 = vector.broadcast %gt3A_208 : i32 to vector<128x1xi32>
      %gt3A_210 = arith.cmpi sgt, %transpose3A_202, %gt3A_209 : vector<128x1xi32>
      %eq3A_211 = arith.constant 0.000000e+00 : f32
      %eq3A_212 = vector.broadcast %eq3A_211 : f32 to vector<128x1xf32>
      %eq3A_213 = arith.cmpf oeq, %transpose3A_207, %eq3A_212 : vector<128x1xf32>
      %and3A_214 = arith.andi %gt3A_210, %eq3A_213 : vector<128x1xi1>
      %jit3A_215 = arith.constant 0xFF800000 : f32
      %broadcast_in_dim3A_216 = vector.shape_cast %and3A_214 : vector<128x1xi1> to vector<128x1xi1>
      %broadcast_in_dim3A_217 = vector.broadcast %broadcast_in_dim3A_216 : vector<128x1xi1> to vector<128x128xi1>
      %broadcast_in_dim3A_218 = vector.broadcast %jit3A_215 : f32 to vector<128x128xf32>
      %select_n3A_219 = arith.select %broadcast_in_dim3A_217, %get3A_198, %broadcast_in_dim3A_218 : vector<128x128xi1>, vector<128x128xf32>
      %reduce_max3A = arith.constant dense<0xFF800000> : vector<128xf32>
      %reduce_max3A_220 = vector.multi_reduction <maximumf>, %select_n3A_219, %reduce_max3A [0] : vector<128x128xf32> to vector<128xf32>
      %broadcast_in_dim3A_221 = vector.shape_cast %reduce_max3A_220 : vector<128xf32> to vector<1x128xf32>
      %gt3A_222 = arith.constant 0 : i32
      %gt3A_223 = vector.broadcast %gt3A_222 : i32 to vector<128x1xi32>
      %gt3A_224 = arith.cmpi sgt, %transpose3A_202, %gt3A_223 : vector<128x1xi32>
      %eq3A_225 = arith.constant 1.000000e+00 : f32
      %eq3A_226 = vector.broadcast %eq3A_225 : f32 to vector<128x1xf32>
      %eq3A_227 = arith.cmpf oeq, %transpose3A_207, %eq3A_226 : vector<128x1xf32>
      %and3A_228 = arith.andi %gt3A_224, %eq3A_227 : vector<128x1xi1>
      %jit3A_229 = arith.constant 0xFF800000 : f32
      %broadcast_in_dim3A_230 = vector.shape_cast %and3A_228 : vector<128x1xi1> to vector<128x1xi1>
      %broadcast_in_dim3A_231 = vector.broadcast %broadcast_in_dim3A_230 : vector<128x1xi1> to vector<128x128xi1>
      %broadcast_in_dim3A_232 = vector.broadcast %jit3A_229 : f32 to vector<128x128xf32>
      %select_n3A_233 = arith.select %broadcast_in_dim3A_231, %get3A_198, %broadcast_in_dim3A_232 : vector<128x128xi1>, vector<128x128xf32>
      %reduce_max3A_234 = arith.constant dense<0xFF800000> : vector<128xf32>
      %reduce_max3A_235 = vector.multi_reduction <maximumf>, %select_n3A_233, %reduce_max3A_234 [0] : vector<128x128xf32> to vector<128xf32>
      %broadcast_in_dim3A_236 = vector.shape_cast %reduce_max3A_235 : vector<128xf32> to vector<1x128xf32>
      %gt3A_237 = arith.constant 0 : i32
      %gt3A_238 = vector.broadcast %gt3A_237 : i32 to vector<128x1xi32>
      %gt3A_239 = arith.cmpi sgt, %transpose3A_202, %gt3A_238 : vector<128x1xi32>
      %eq3A_240 = arith.constant 2.000000e+00 : f32
      %eq3A_241 = vector.broadcast %eq3A_240 : f32 to vector<128x1xf32>
      %eq3A_242 = arith.cmpf oeq, %transpose3A_207, %eq3A_241 : vector<128x1xf32>
      %and3A_243 = arith.andi %gt3A_239, %eq3A_242 : vector<128x1xi1>
      %jit3A_244 = arith.constant 0xFF800000 : f32
      %broadcast_in_dim3A_245 = vector.shape_cast %and3A_243 : vector<128x1xi1> to vector<128x1xi1>
      %broadcast_in_dim3A_246 = vector.broadcast %broadcast_in_dim3A_245 : vector<128x1xi1> to vector<128x128xi1>
      %broadcast_in_dim3A_247 = vector.broadcast %jit3A_244 : f32 to vector<128x128xf32>
      %select_n3A_248 = arith.select %broadcast_in_dim3A_246, %get3A_198, %broadcast_in_dim3A_247 : vector<128x128xi1>, vector<128x128xf32>
      %reduce_max3A_249 = arith.constant dense<0xFF800000> : vector<128xf32>
      %reduce_max3A_250 = vector.multi_reduction <maximumf>, %select_n3A_248, %reduce_max3A_249 [0] : vector<128x128xf32> to vector<128xf32>
      %broadcast_in_dim3A_251 = vector.shape_cast %reduce_max3A_250 : vector<128xf32> to vector<1x128xf32>
      %gt3A_252 = arith.constant 0 : i32
      %gt3A_253 = vector.broadcast %gt3A_252 : i32 to vector<128x1xi32>
      %gt3A_254 = arith.cmpi sgt, %transpose3A_202, %gt3A_253 : vector<128x1xi32>
      %eq3A_255 = arith.constant 3.000000e+00 : f32
      %eq3A_256 = vector.broadcast %eq3A_255 : f32 to vector<128x1xf32>
      %eq3A_257 = arith.cmpf oeq, %transpose3A_207, %eq3A_256 : vector<128x1xf32>
      %and3A_258 = arith.andi %gt3A_254, %eq3A_257 : vector<128x1xi1>
      %jit3A_259 = arith.constant 0xFF800000 : f32
      %broadcast_in_dim3A_260 = vector.shape_cast %and3A_258 : vector<128x1xi1> to vector<128x1xi1>
      %broadcast_in_dim3A_261 = vector.broadcast %broadcast_in_dim3A_260 : vector<128x1xi1> to vector<128x128xi1>
      %broadcast_in_dim3A_262 = vector.broadcast %jit3A_259 : f32 to vector<128x128xf32>
      %select_n3A_263 = arith.select %broadcast_in_dim3A_261, %get3A_198, %broadcast_in_dim3A_262 : vector<128x128xi1>, vector<128x128xf32>
      %reduce_max3A_264 = arith.constant dense<0xFF800000> : vector<128xf32>
      %reduce_max3A_265 = vector.multi_reduction <maximumf>, %select_n3A_263, %reduce_max3A_264 [0] : vector<128x128xf32> to vector<128xf32>
      %broadcast_in_dim3A_266 = vector.shape_cast %reduce_max3A_265 : vector<128xf32> to vector<1x128xf32>
      %gt3A_267 = arith.constant 0 : i32
      %gt3A_268 = vector.broadcast %gt3A_267 : i32 to vector<128x1xi32>
      %gt3A_269 = arith.cmpi sgt, %transpose3A_202, %gt3A_268 : vector<128x1xi32>
      %eq3A_270 = arith.constant 4.000000e+00 : f32
      %eq3A_271 = vector.broadcast %eq3A_270 : f32 to vector<128x1xf32>
      %eq3A_272 = arith.cmpf oeq, %transpose3A_207, %eq3A_271 : vector<128x1xf32>
      %and3A_273 = arith.andi %gt3A_269, %eq3A_272 : vector<128x1xi1>
      %jit3A_274 = arith.constant 0xFF800000 : f32
      %broadcast_in_dim3A_275 = vector.shape_cast %and3A_273 : vector<128x1xi1> to vector<128x1xi1>
      %broadcast_in_dim3A_276 = vector.broadcast %broadcast_in_dim3A_275 : vector<128x1xi1> to vector<128x128xi1>
      %broadcast_in_dim3A_277 = vector.broadcast %jit3A_274 : f32 to vector<128x128xf32>
      %select_n3A_278 = arith.select %broadcast_in_dim3A_276, %get3A_198, %broadcast_in_dim3A_277 : vector<128x128xi1>, vector<128x128xf32>
      %reduce_max3A_279 = arith.constant dense<0xFF800000> : vector<128xf32>
      %reduce_max3A_280 = vector.multi_reduction <maximumf>, %select_n3A_278, %reduce_max3A_279 [0] : vector<128x128xf32> to vector<128xf32>
      %broadcast_in_dim3A_281 = vector.shape_cast %reduce_max3A_280 : vector<128xf32> to vector<1x128xf32>
      %gt3A_282 = arith.constant 0 : i32
      %gt3A_283 = vector.broadcast %gt3A_282 : i32 to vector<128x1xi32>
      %gt3A_284 = arith.cmpi sgt, %transpose3A_202, %gt3A_283 : vector<128x1xi32>
      %eq3A_285 = arith.constant 5.000000e+00 : f32
      %eq3A_286 = vector.broadcast %eq3A_285 : f32 to vector<128x1xf32>
      %eq3A_287 = arith.cmpf oeq, %transpose3A_207, %eq3A_286 : vector<128x1xf32>
      %and3A_288 = arith.andi %gt3A_284, %eq3A_287 : vector<128x1xi1>
      %jit3A_289 = arith.constant 0xFF800000 : f32
      %broadcast_in_dim3A_290 = vector.shape_cast %and3A_288 : vector<128x1xi1> to vector<128x1xi1>
      %broadcast_in_dim3A_291 = vector.broadcast %broadcast_in_dim3A_290 : vector<128x1xi1> to vector<128x128xi1>
      %broadcast_in_dim3A_292 = vector.broadcast %jit3A_289 : f32 to vector<128x128xf32>
      %select_n3A_293 = arith.select %broadcast_in_dim3A_291, %get3A_198, %broadcast_in_dim3A_292 : vector<128x128xi1>, vector<128x128xf32>
      %reduce_max3A_294 = arith.constant dense<0xFF800000> : vector<128xf32>
      %reduce_max3A_295 = vector.multi_reduction <maximumf>, %select_n3A_293, %reduce_max3A_294 [0] : vector<128x128xf32> to vector<128xf32>
      %broadcast_in_dim3A_296 = vector.shape_cast %reduce_max3A_295 : vector<128xf32> to vector<1x128xf32>
      %gt3A_297 = arith.constant 0 : i32
      %gt3A_298 = vector.broadcast %gt3A_297 : i32 to vector<128x1xi32>
      %gt3A_299 = arith.cmpi sgt, %transpose3A_202, %gt3A_298 : vector<128x1xi32>
      %eq3A_300 = arith.constant 6.000000e+00 : f32
      %eq3A_301 = vector.broadcast %eq3A_300 : f32 to vector<128x1xf32>
      %eq3A_302 = arith.cmpf oeq, %transpose3A_207, %eq3A_301 : vector<128x1xf32>
      %and3A_303 = arith.andi %gt3A_299, %eq3A_302 : vector<128x1xi1>
      %jit3A_304 = arith.constant 0xFF800000 : f32
      %broadcast_in_dim3A_305 = vector.shape_cast %and3A_303 : vector<128x1xi1> to vector<128x1xi1>
      %broadcast_in_dim3A_306 = vector.broadcast %broadcast_in_dim3A_305 : vector<128x1xi1> to vector<128x128xi1>
      %broadcast_in_dim3A_307 = vector.broadcast %jit3A_304 : f32 to vector<128x128xf32>
      %select_n3A_308 = arith.select %broadcast_in_dim3A_306, %get3A_198, %broadcast_in_dim3A_307 : vector<128x128xi1>, vector<128x128xf32>
      %reduce_max3A_309 = arith.constant dense<0xFF800000> : vector<128xf32>
      %reduce_max3A_310 = vector.multi_reduction <maximumf>, %select_n3A_308, %reduce_max3A_309 [0] : vector<128x128xf32> to vector<128xf32>
      %broadcast_in_dim3A_311 = vector.shape_cast %reduce_max3A_310 : vector<128xf32> to vector<1x128xf32>
      %gt3A_312 = arith.constant 0 : i32
      %gt3A_313 = vector.broadcast %gt3A_312 : i32 to vector<128x1xi32>
      %gt3A_314 = arith.cmpi sgt, %transpose3A_202, %gt3A_313 : vector<128x1xi32>
      %eq3A_315 = arith.constant 7.000000e+00 : f32
      %eq3A_316 = vector.broadcast %eq3A_315 : f32 to vector<128x1xf32>
      %eq3A_317 = arith.cmpf oeq, %transpose3A_207, %eq3A_316 : vector<128x1xf32>
      %and3A_318 = arith.andi %gt3A_314, %eq3A_317 : vector<128x1xi1>
      %jit3A_319 = arith.constant 0xFF800000 : f32
      %broadcast_in_dim3A_320 = vector.shape_cast %and3A_318 : vector<128x1xi1> to vector<128x1xi1>
      %broadcast_in_dim3A_321 = vector.broadcast %broadcast_in_dim3A_320 : vector<128x1xi1> to vector<128x128xi1>
      %broadcast_in_dim3A_322 = vector.broadcast %jit3A_319 : f32 to vector<128x128xf32>
      %select_n3A_323 = arith.select %broadcast_in_dim3A_321, %get3A_198, %broadcast_in_dim3A_322 : vector<128x128xi1>, vector<128x128xf32>
      %reduce_max3A_324 = arith.constant dense<0xFF800000> : vector<128xf32>
      %reduce_max3A_325 = vector.multi_reduction <maximumf>, %select_n3A_323, %reduce_max3A_324 [0] : vector<128x128xf32> to vector<128xf32>
      %broadcast_in_dim3A_326 = vector.shape_cast %reduce_max3A_325 : vector<128xf32> to vector<1x128xf32>
      %gt3A_327 = arith.constant 0 : i32
      %gt3A_328 = vector.broadcast %gt3A_327 : i32 to vector<128x1xi32>
      %gt3A_329 = arith.cmpi sgt, %transpose3A_202, %gt3A_328 : vector<128x1xi32>
      %eq3A_330 = arith.constant 8.000000e+00 : f32
      %eq3A_331 = vector.broadcast %eq3A_330 : f32 to vector<128x1xf32>
      %eq3A_332 = arith.cmpf oeq, %transpose3A_207, %eq3A_331 : vector<128x1xf32>
      %and3A_333 = arith.andi %gt3A_329, %eq3A_332 : vector<128x1xi1>
      %jit3A_334 = arith.constant 0xFF800000 : f32
      %broadcast_in_dim3A_335 = vector.shape_cast %and3A_333 : vector<128x1xi1> to vector<128x1xi1>
      %broadcast_in_dim3A_336 = vector.broadcast %broadcast_in_dim3A_335 : vector<128x1xi1> to vector<128x128xi1>
      %broadcast_in_dim3A_337 = vector.broadcast %jit3A_334 : f32 to vector<128x128xf32>
      %select_n3A_338 = arith.select %broadcast_in_dim3A_336, %get3A_198, %broadcast_in_dim3A_337 : vector<128x128xi1>, vector<128x128xf32>
      %reduce_max3A_339 = arith.constant dense<0xFF800000> : vector<128xf32>
      %reduce_max3A_340 = vector.multi_reduction <maximumf>, %select_n3A_338, %reduce_max3A_339 [0] : vector<128x128xf32> to vector<128xf32>
      %broadcast_in_dim3A_341 = vector.shape_cast %reduce_max3A_340 : vector<128xf32> to vector<1x128xf32>
      %gt3A_342 = arith.constant 0 : i32
      %gt3A_343 = vector.broadcast %gt3A_342 : i32 to vector<128x1xi32>
      %gt3A_344 = arith.cmpi sgt, %transpose3A_202, %gt3A_343 : vector<128x1xi32>
      %eq3A_345 = arith.constant 9.000000e+00 : f32
      %eq3A_346 = vector.broadcast %eq3A_345 : f32 to vector<128x1xf32>
      %eq3A_347 = arith.cmpf oeq, %transpose3A_207, %eq3A_346 : vector<128x1xf32>
      %and3A_348 = arith.andi %gt3A_344, %eq3A_347 : vector<128x1xi1>
      %jit3A_349 = arith.constant 0xFF800000 : f32
      %broadcast_in_dim3A_350 = vector.shape_cast %and3A_348 : vector<128x1xi1> to vector<128x1xi1>
      %broadcast_in_dim3A_351 = vector.broadcast %broadcast_in_dim3A_350 : vector<128x1xi1> to vector<128x128xi1>
      %broadcast_in_dim3A_352 = vector.broadcast %jit3A_349 : f32 to vector<128x128xf32>
      %select_n3A_353 = arith.select %broadcast_in_dim3A_351, %get3A_198, %broadcast_in_dim3A_352 : vector<128x128xi1>, vector<128x128xf32>
      %reduce_max3A_354 = arith.constant dense<0xFF800000> : vector<128xf32>
      %reduce_max3A_355 = vector.multi_reduction <maximumf>, %select_n3A_353, %reduce_max3A_354 [0] : vector<128x128xf32> to vector<128xf32>
      %broadcast_in_dim3A_356 = vector.shape_cast %reduce_max3A_355 : vector<128xf32> to vector<1x128xf32>
      %gt3A_357 = arith.constant 0 : i32
      %gt3A_358 = vector.broadcast %gt3A_357 : i32 to vector<128x1xi32>
      %gt3A_359 = arith.cmpi sgt, %transpose3A_202, %gt3A_358 : vector<128x1xi32>
      %eq3A_360 = arith.constant 1.000000e+01 : f32
      %eq3A_361 = vector.broadcast %eq3A_360 : f32 to vector<128x1xf32>
      %eq3A_362 = arith.cmpf oeq, %transpose3A_207, %eq3A_361 : vector<128x1xf32>
      %and3A_363 = arith.andi %gt3A_359, %eq3A_362 : vector<128x1xi1>
      %jit3A_364 = arith.constant 0xFF800000 : f32
      %broadcast_in_dim3A_365 = vector.shape_cast %and3A_363 : vector<128x1xi1> to vector<128x1xi1>
      %broadcast_in_dim3A_366 = vector.broadcast %broadcast_in_dim3A_365 : vector<128x1xi1> to vector<128x128xi1>
      %broadcast_in_dim3A_367 = vector.broadcast %jit3A_364 : f32 to vector<128x128xf32>
      %select_n3A_368 = arith.select %broadcast_in_dim3A_366, %get3A_198, %broadcast_in_dim3A_367 : vector<128x128xi1>, vector<128x128xf32>
      %reduce_max3A_369 = arith.constant dense<0xFF800000> : vector<128xf32>
      %reduce_max3A_370 = vector.multi_reduction <maximumf>, %select_n3A_368, %reduce_max3A_369 [0] : vector<128x128xf32> to vector<128xf32>
      %broadcast_in_dim3A_371 = vector.shape_cast %reduce_max3A_370 : vector<128xf32> to vector<1x128xf32>
      %gt3A_372 = arith.constant 0 : i32
      %gt3A_373 = vector.broadcast %gt3A_372 : i32 to vector<128x1xi32>
      %gt3A_374 = arith.cmpi sgt, %transpose3A_202, %gt3A_373 : vector<128x1xi32>
      %eq3A_375 = arith.constant 1.100000e+01 : f32
      %eq3A_376 = vector.broadcast %eq3A_375 : f32 to vector<128x1xf32>
      %eq3A_377 = arith.cmpf oeq, %transpose3A_207, %eq3A_376 : vector<128x1xf32>
      %and3A_378 = arith.andi %gt3A_374, %eq3A_377 : vector<128x1xi1>
      %jit3A_379 = arith.constant 0xFF800000 : f32
      %broadcast_in_dim3A_380 = vector.shape_cast %and3A_378 : vector<128x1xi1> to vector<128x1xi1>
      %broadcast_in_dim3A_381 = vector.broadcast %broadcast_in_dim3A_380 : vector<128x1xi1> to vector<128x128xi1>
      %broadcast_in_dim3A_382 = vector.broadcast %jit3A_379 : f32 to vector<128x128xf32>
      %select_n3A_383 = arith.select %broadcast_in_dim3A_381, %get3A_198, %broadcast_in_dim3A_382 : vector<128x128xi1>, vector<128x128xf32>
      %reduce_max3A_384 = arith.constant dense<0xFF800000> : vector<128xf32>
      %reduce_max3A_385 = vector.multi_reduction <maximumf>, %select_n3A_383, %reduce_max3A_384 [0] : vector<128x128xf32> to vector<128xf32>
      %broadcast_in_dim3A_386 = vector.shape_cast %reduce_max3A_385 : vector<128xf32> to vector<1x128xf32>
      %gt3A_387 = arith.constant 0 : i32
      %gt3A_388 = vector.broadcast %gt3A_387 : i32 to vector<128x1xi32>
      %gt3A_389 = arith.cmpi sgt, %transpose3A_202, %gt3A_388 : vector<128x1xi32>
      %eq3A_390 = arith.constant 1.200000e+01 : f32
      %eq3A_391 = vector.broadcast %eq3A_390 : f32 to vector<128x1xf32>
      %eq3A_392 = arith.cmpf oeq, %transpose3A_207, %eq3A_391 : vector<128x1xf32>
      %and3A_393 = arith.andi %gt3A_389, %eq3A_392 : vector<128x1xi1>
      %jit3A_394 = arith.constant 0xFF800000 : f32
      %broadcast_in_dim3A_395 = vector.shape_cast %and3A_393 : vector<128x1xi1> to vector<128x1xi1>
      %broadcast_in_dim3A_396 = vector.broadcast %broadcast_in_dim3A_395 : vector<128x1xi1> to vector<128x128xi1>
      %broadcast_in_dim3A_397 = vector.broadcast %jit3A_394 : f32 to vector<128x128xf32>
      %select_n3A_398 = arith.select %broadcast_in_dim3A_396, %get3A_198, %broadcast_in_dim3A_397 : vector<128x128xi1>, vector<128x128xf32>
      %reduce_max3A_399 = arith.constant dense<0xFF800000> : vector<128xf32>
      %reduce_max3A_400 = vector.multi_reduction <maximumf>, %select_n3A_398, %reduce_max3A_399 [0] : vector<128x128xf32> to vector<128xf32>
      %broadcast_in_dim3A_401 = vector.shape_cast %reduce_max3A_400 : vector<128xf32> to vector<1x128xf32>
      %gt3A_402 = arith.constant 0 : i32
      %gt3A_403 = vector.broadcast %gt3A_402 : i32 to vector<128x1xi32>
      %gt3A_404 = arith.cmpi sgt, %transpose3A_202, %gt3A_403 : vector<128x1xi32>
      %eq3A_405 = arith.constant 1.300000e+01 : f32
      %eq3A_406 = vector.broadcast %eq3A_405 : f32 to vector<128x1xf32>
      %eq3A_407 = arith.cmpf oeq, %transpose3A_207, %eq3A_406 : vector<128x1xf32>
      %and3A_408 = arith.andi %gt3A_404, %eq3A_407 : vector<128x1xi1>
      %jit3A_409 = arith.constant 0xFF800000 : f32
      %broadcast_in_dim3A_410 = vector.shape_cast %and3A_408 : vector<128x1xi1> to vector<128x1xi1>
      %broadcast_in_dim3A_411 = vector.broadcast %broadcast_in_dim3A_410 : vector<128x1xi1> to vector<128x128xi1>
      %broadcast_in_dim3A_412 = vector.broadcast %jit3A_409 : f32 to vector<128x128xf32>
      %select_n3A_413 = arith.select %broadcast_in_dim3A_411, %get3A_198, %broadcast_in_dim3A_412 : vector<128x128xi1>, vector<128x128xf32>
      %reduce_max3A_414 = arith.constant dense<0xFF800000> : vector<128xf32>
      %reduce_max3A_415 = vector.multi_reduction <maximumf>, %select_n3A_413, %reduce_max3A_414 [0] : vector<128x128xf32> to vector<128xf32>
      %broadcast_in_dim3A_416 = vector.shape_cast %reduce_max3A_415 : vector<128xf32> to vector<1x128xf32>
      %gt3A_417 = arith.constant 0 : i32
      %gt3A_418 = vector.broadcast %gt3A_417 : i32 to vector<128x1xi32>
      %gt3A_419 = arith.cmpi sgt, %transpose3A_202, %gt3A_418 : vector<128x1xi32>
      %eq3A_420 = arith.constant 1.400000e+01 : f32
      %eq3A_421 = vector.broadcast %eq3A_420 : f32 to vector<128x1xf32>
      %eq3A_422 = arith.cmpf oeq, %transpose3A_207, %eq3A_421 : vector<128x1xf32>
      %and3A_423 = arith.andi %gt3A_419, %eq3A_422 : vector<128x1xi1>
      %jit3A_424 = arith.constant 0xFF800000 : f32
      %broadcast_in_dim3A_425 = vector.shape_cast %and3A_423 : vector<128x1xi1> to vector<128x1xi1>
      %broadcast_in_dim3A_426 = vector.broadcast %broadcast_in_dim3A_425 : vector<128x1xi1> to vector<128x128xi1>
      %broadcast_in_dim3A_427 = vector.broadcast %jit3A_424 : f32 to vector<128x128xf32>
      %select_n3A_428 = arith.select %broadcast_in_dim3A_426, %get3A_198, %broadcast_in_dim3A_427 : vector<128x128xi1>, vector<128x128xf32>
      %reduce_max3A_429 = arith.constant dense<0xFF800000> : vector<128xf32>
      %reduce_max3A_430 = vector.multi_reduction <maximumf>, %select_n3A_428, %reduce_max3A_429 [0] : vector<128x128xf32> to vector<128xf32>
      %broadcast_in_dim3A_431 = vector.shape_cast %reduce_max3A_430 : vector<128xf32> to vector<1x128xf32>
      %gt3A_432 = arith.constant 0 : i32
      %gt3A_433 = vector.broadcast %gt3A_432 : i32 to vector<128x1xi32>
      %gt3A_434 = arith.cmpi sgt, %transpose3A_202, %gt3A_433 : vector<128x1xi32>
      %eq3A_435 = arith.constant 1.500000e+01 : f32
      %eq3A_436 = vector.broadcast %eq3A_435 : f32 to vector<128x1xf32>
      %eq3A_437 = arith.cmpf oeq, %transpose3A_207, %eq3A_436 : vector<128x1xf32>
      %and3A_438 = arith.andi %gt3A_434, %eq3A_437 : vector<128x1xi1>
      %jit3A_439 = arith.constant 0xFF800000 : f32
      %broadcast_in_dim3A_440 = vector.shape_cast %and3A_438 : vector<128x1xi1> to vector<128x1xi1>
      %broadcast_in_dim3A_441 = vector.broadcast %broadcast_in_dim3A_440 : vector<128x1xi1> to vector<128x128xi1>
      %broadcast_in_dim3A_442 = vector.broadcast %jit3A_439 : f32 to vector<128x128xf32>
      %select_n3A_443 = arith.select %broadcast_in_dim3A_441, %get3A_198, %broadcast_in_dim3A_442 : vector<128x128xi1>, vector<128x128xf32>
      %reduce_max3A_444 = arith.constant dense<0xFF800000> : vector<128xf32>
      %reduce_max3A_445 = vector.multi_reduction <maximumf>, %select_n3A_443, %reduce_max3A_444 [0] : vector<128x128xf32> to vector<128xf32>
      %broadcast_in_dim3A_446 = vector.shape_cast %reduce_max3A_445 : vector<128xf32> to vector<1x128xf32>
      %concatenate3A_447 = tpu.concatenate %broadcast_in_dim3A_221, %broadcast_in_dim3A_236, %broadcast_in_dim3A_251, %broadcast_in_dim3A_266, %broadcast_in_dim3A_281, %broadcast_in_dim3A_296, %broadcast_in_dim3A_311, %broadcast_in_dim3A_326, %broadcast_in_dim3A_341, %broadcast_in_dim3A_356, %broadcast_in_dim3A_371, %broadcast_in_dim3A_386, %broadcast_in_dim3A_401, %broadcast_in_dim3A_416, %broadcast_in_dim3A_431, %broadcast_in_dim3A_446 in 0 : vector<1x128xf32>, vector<1x128xf32>, vector<1x128xf32>, vector<1x128xf32>, vector<1x128xf32>, vector<1x128xf32>, vector<1x128xf32>, vector<1x128xf32>, vector<1x128xf32>, vector<1x128xf32>, vector<1x128xf32>, vector<1x128xf32>, vector<1x128xf32>, vector<1x128xf32>, vector<1x128xf32>, vector<1x128xf32> -> vector<16x128xf32>
      %max3A_448 = arith.maximumf %scan3A_193, %concatenate3A_447 : vector<16x128xf32>
      scf.yield %max3A_448 : vector<16x128xf32>
    }
    %scan3A_169 = arith.constant 79 : i32
    %max3A = arith.constant 1.000000e+00 : f32
    %max3A_170 = vector.broadcast %max3A : f32 to vector<16x1xf32>
    %max3A_171 = arith.maximumf %broadcast_in_dim3A_157, %max3A_170 : vector<16x1xf32>
    %div3A = vector.broadcast %max3A_171 : vector<16x1xf32> to vector<16x128xf32>
    %div3A_172 = arith.divf %dot_general3A_161, %div3A : vector<16x128xf32>
    %gt3A_173 = arith.constant 0.000000e+00 : f32
    %gt3A_174 = vector.broadcast %gt3A_173 : f32 to vector<16x1xf32>
    %gt3A_175 = arith.cmpf ogt, %broadcast_in_dim3A_157, %gt3A_174 : vector<16x1xf32>
    %jit3A_176 = arith.constant 0.000000e+00 : f32
    %broadcast_in_dim3A_177 = vector.shape_cast %gt3A_175 : vector<16x1xi1> to vector<16x1xi1>
    %broadcast_in_dim3A_178 = vector.broadcast %broadcast_in_dim3A_177 : vector<16x1xi1> to vector<16x128xi1>
    %broadcast_in_dim3A_179 = vector.broadcast %jit3A_176 : f32 to vector<16x128xf32>
    %select_n3A_180 = arith.select %broadcast_in_dim3A_178, %scan3A_168, %broadcast_in_dim3A_179 : vector<16x128xi1>, vector<16x128xf32>
    %concatenate3A_181 = tpu.concatenate %select_n3A_180, %div3A_172 in 1 : vector<16x128xf32>, vector<16x128xf32> -> vector<16x256xf32>
    %get3A_182 = arith.constant 0 : index
    %get3A_183 = arith.constant 0 : index
    %get3A_184 = vector.load %arg5[%get3A_182, %get3A_183] : memref<16x256xf32, #tpu.memory_space<vmem>>, vector<16x256xf32>
    %max3A_185 = arith.constant 0.000000e+00 : f32
    %max3A_186 = vector.broadcast %max3A_185 : f32 to vector<16x256xf32>
    %max3A_187 = arith.maximumf %concatenate3A_181, %max3A_186 : vector<16x256xf32>
    %add3A_188 = arith.addf %get3A_184, %max3A_187 : vector<16x256xf32>
    %swap3A_189 = arith.constant 0 : index
    %swap3A_190 = arith.constant 0 : index
    %swap3A_191 = vector.load %arg7[%swap3A_189, %swap3A_190] : memref<16x256xf32, #tpu.memory_space<vmem>>, vector<16x256xf32>
    tpu.vector_store %arg7[%swap3A_189, %swap3A_190], %add3A_188 {strides = array<i32>} : memref<16x256xf32, #tpu.memory_space<vmem>>, vector<16x256xf32>,
    return
  }
}

</mosaic_0001>

<sc_bundles>
// kernel: kernel.14.cloned.1.call-start
scs
__scs_entry_jumppad:
0x0: {  	(pc) =	sbr.rel $0x88, $3  }
0x1: {  	(tag) =	ssettag $0x0;
	lr =	simm.s32 $0x1  }
0x2: {  	[smem:$0x3F9E] =	sst lr;
	_ =	strace $0xD0000000  }
0x3: {  	_ = 	snop  }
0x4: {  	_ = 	snop  }
0x5: {  	_ = 	snop  }
0x6: {  	_ = 	snop  }
0x7: {  	_ = 	snop  }
__scs_overlays_trampoline_lowered:
0x8: {  	[smem:$0x3FAD] =	sst s0  }
0x9: {  	[smem:$0x3FAE] =	sst s1  }
0xa: {  	[smem:$0x3FAF] =	sst s2  }
0xb: {  	[smem:$0x3FB0] =	sst s3  }
0xc: {  	[smem:$0x3FB1] =	sst s4  }
0xd: {  	[smem:$0x3FB2] =	sst s5  }
0xe: {  	[smem:$0x3FB3] =	sst s6  }
0xf: {  	[smem:$0x3FB4] =	sst s7  }
0x10: {  	[smem:$0x3FB5] =	sst s8  }
0x11: {  	[smem:$0x3FB6] =	sst s9;
	s0 =	simm.s32 @!p0 $0x0  }
0x12: {  	s1 =	sld [smem:$0x3F9C];
	s0 =	simm.s32 @p0 $0x1  }
0x13: {  	[smem:$0x3FB7] =	sst s0;
	s0 =	simm.s32 @!p1 $0x0  }
0x14: {  	s2 =	sld [smem:$0x3F9B];
	s0 =	simm.s32 @p1 $0x1  }
0x15: {  	[smem:$0x3FB8] =	sst s0;
	s0 =	simm.s32 @!p2 $0x0  }
0x16: {  	s3 =	sld [smem:$0x3FDB];
	s0 =	simm.s32 @p2 $0x1  }
0x17: {  	s4 =	simm.s32 $0x1BF5;
	[smem:$0x3FBA] =	sst s0  }
0x18: {  	s0 =	sld [smem:$0x3F9D];
	_ =	swait.ge [sflag:s4], $0x0  }
0x19: {  	s7 =	sld [smem:$0x3F9E]  }
0x1a: {  	s8 =	sadd.s32 $0xFFFFE003, lr  }
0x1b: {  	s9 =	sadd.s32 $0xFFFFFEF7, lr;
	s5 =	simm.s32 $0xFFFFFFFF;
	p2 =	slt.u32 s8, $0xFFFFF086  }
0x1c: {  	p1 =	slt.u32 s9, $0xF7A;
	s5 =	simm.s32 @!p2 $0x0  }
0x1d: {  	s5 =	simm.s32 @p1 $0x1;
	p0 =	seq.s32 s7, s2  }
0x1e: {  	s7 =	smul.u32 @!p0 $0xF7A, s2;
	p2 =	seq.s32 @!p0 s5, $0x0  }
0x1f: {  	s9 =	smul.u32 $0xF7A, s1;
	s8 =	simm.s32 @!p0 $0x1BF5;
	p2 =	por !p2, p0  }
0x20: {  	[sflag:s8] =	ssyncset.s32 @!p0 $0xFFFFF086;
	s6 =	sadd.s32 @!p0 s3, s7;
	s7 =	simm.s32 @!p0 $0x108  }
0x21: {  	s3 =	sadd.s32 s3, s9;
	s6 =	sadd.s32 @!p0 $0x88, s6;
	s7 =	simm.s32 @p2 $0x1082  }
0x22: {  	[simem:s7], [sflag:s8] =	dma.local @!p0 [hbm:s6], $0xF7A  }
0x23: {  	s9 =	sor.u32 $0xD0000000, s2;
	s6 =	simm.s32 $0x108;
	_ =	swait.ge @!p0 [sflag:s8], $0x0  }
0x24: {  	s3 =	sadd.s32 $0x88, s3;
	s6 =	simm.s32 @!p1 $0x1082;
	[sflag:s4] =	ssyncset.s32 $0xFFFFF086  }
0x25: {  	[simem:s6], [sflag:s4] =	dma.local [hbm:s3], $0xF7A  }
0x26: {  	[smem:$0x3F9E] =	sst s1;
	(tag) =	ssettag s2;
	_ =	strace s9  }
0x27: {  	s1 =	sld [smem:$0x3FAE]  }
0x28: {  	s2 =	sld [smem:$0x3FAF]  }
0x29: {  	s4 =	sld [smem:$0x3FB1]  }
0x2a: {  	p0 =	seq.s32 s5, $0x0;
	s5 =	sld [smem:$0x3FB2]  }
0x2b: {  	s6 =	sld [smem:$0x3FB3]  }
0x2c: {  	s7 =	sld [smem:$0x3FB4]  }
0x2d: {  	s3 =	simm.s32 $0x108;
	s8 =	sld [smem:$0x3FB5]  }
0x2e: {  	s3 =	simm.s32 @!p0 $0x1082;
	s9 =	sld [smem:$0x3FB6]  }
0x2f: {  	lr =	sadd.s32 s0, s3;
	s0 =	sld [smem:$0x3FAD]  }
0x30: {  	s3 =	sld [smem:$0x3FB0]  }
0x31: {  	[smem:$0x3FB9] =	sst s10  }
0x32: {  	s10 =	sld [smem:$0x3FB7];
	_ =	sdelay $0x3  }
0x33: {  	p0 =	seq.s32 s10, $0x1;
	s10 =	sld [smem:$0x3FB9];
	_ =	sdelay $0x3  }
0x34: {  	[smem:$0x3FB9] =	sst s10  }
0x35: {  	s10 =	sld [smem:$0x3FB8];
	_ =	sdelay $0x3  }
0x36: {  	p1 =	seq.s32 s10, $0x1;
	s10 =	sld [smem:$0x3FB9];
	_ =	sdelay $0x3  }
0x37: {  	[smem:$0x3FB9] =	sst s10  }
0x38: {  	s10 =	sld [smem:$0x3FBA]  }
0x39: {  	_ = 	snop;
	(pc) =	sbr.ind lr, $3  }
0x3a: {  	_ = 	snop  }
0x3b: {  	_ = 	snop  }
0x3c: {  	p2 =	seq.s32 s10, $0x1;
	s10 =	sld [smem:$0x3FB9]  }
0x3d: {  	_ =	shalt  }
0x3e: {  	_ =	shalt  }
0x3f: {  	_ =	shalt  }
0x40: {  	_ =	shalt  }
0x41: {  	_ =	shalt  }
0x42: {  	_ =	shalt  }
0x43: {  	_ =	shalt  }
0x44: {  	_ =	shalt  }
0x45: {  	_ =	shalt  }
0x46: {  	_ =	shalt  }
0x47: {  	_ =	shalt  }
0x48: {  	_ =	shalt  }
0x49: {  	_ =	shalt  }
0x4a: {  	_ =	shalt  }
0x4b: {  	_ =	shalt  }
0x4c: {  	_ =	shalt  }
0x4d: {  	_ =	shalt  }
0x4e: {  	_ =	shalt  }
0x4f: {  	_ =	shalt  }
0x50: {  	_ =	shalt  }
0x51: {  	_ =	shalt  }
0x52: {  	_ =	shalt  }
0x53: {  	_ =	shalt  }
0x54: {  	_ =	shalt  }
0x55: {  	_ =	shalt  }
0x56: {  	_ =	shalt  }
0x57: {  	_ =	shalt  }
0x58: {  	_ =	shalt  }
0x59: {  	_ =	shalt  }
0x5a: {  	_ =	shalt  }
0x5b: {  	_ =	shalt  }
0x5c: {  	_ =	shalt  }
0x5d: {  	_ =	shalt  }
0x5e: {  	_ =	shalt  }
0x5f: {  	_ =	shalt  }
0x60: {  	_ =	shalt  }
0x61: {  	_ =	shalt  }
0x62: {  	_ =	shalt  }
0x63: {  	_ =	shalt  }
0x64: {  	_ =	shalt  }
0x65: {  	_ =	shalt  }
0x66: {  	_ =	shalt  }
0x67: {  	_ =	shalt  }
0x68: {  	_ =	shalt  }
0x69: {  	_ =	shalt  }
0x6a: {  	_ =	shalt  }
0x6b: {  	_ =	shalt  }
0x6c: {  	_ =	shalt  }
0x6d: {  	_ =	shalt  }
0x6e: {  	_ =	shalt  }
0x6f: {  	_ =	shalt  }
0x70: {  	_ =	shalt  }
0x71: {  	_ =	shalt  }
0x72: {  	_ =	shalt  }
0x73: {  	_ =	shalt  }
0x74: {  	_ =	shalt  }
0x75: {  	_ =	shalt  }
0x76: {  	_ =	shalt  }
0x77: {  	_ =	shalt  }
0x78: {  	_ =	shalt  }
0x79: {  	_ =	shalt  }
0x7a: {  	_ =	shalt  }
0x7b: {  	_ =	shalt  }
0x7c: {  	_ =	shalt  }
0x7d: {  	_ =	shalt  }
0x7e: {  	_ =	shalt  }
0x7f: {  	_ =	shalt  }
0x80: {  	_ =	shalt  }
0x81: {  	_ =	shalt  }
0x82: {  	_ =	shalt  }
0x83: {  	_ =	shalt  }
0x84: {  	_ =	shalt  }
0x85: {  	_ =	shalt  }
0x86: {  	_ =	shalt  }
0x87: {  	_ =	shalt  }
.Lfunc_end0:
.L_simem_size_0:
called_computation_lowered:
.L_overlay_start_0:
0x88: {  	s2 =	sld [smem:$0x3FD9]  }
0x89: {  	s3 =	sld [smem:$0x3FFE];
	_ =	sdelay $0x1  }
0x8a: {  	s1 =	srdreg.scid  }
0x8b: {  	s0 =	sand.u32 $0x1, s1  }
0x8c: {  	s16 =	sshll.u32 s0, $0xA;
	s2 =	sadd.s32 s3, s2  }
0x8d: {  	s2 =	sadd.s32 s2, s16  }
0x8e: {  	[smem:$0x3FC5] =	sst s2  }
0x8f: {  	_ = 	snop  }
0x90: {  	(tm) =	ssettm $0x1  }
0x91: {  	s17 =	sld [smem:$0x3FFB];
	_ =	sdelay $0x3  }
0x92: {  	_ =	strace s17  }
0x93: {  	s2 =	sld [smem:$0x3FFC];
	_ =	sdelay $0x3  }
0x94: {  	_ =	strace s2  }
0x95: {  	s2 =	sld [smem:$0x3FFD];
	_ =	sdelay $0x3  }
0x96: {  	_ =	strace s2  }
0x97: {  	_ =	strace $0x8FFFFFFF  }
0x98: {  	s18 =	sld [smem:$0x3FDB];
	_ =	sdelay $0x1  }
0x99: {  	s19 =	simm.s32 $_scs_section_size  }
0x9a: {  	s4 =	simm.s32 $_size__tile_overlayer_lowered;
	s5 =	simm.s32 $_tile_overlayer_lowered  }
0x9b: {  	s22 =	simm.s32 $0x1BFF;
	s21 =	sshll.u32 s5, $0x1;
	s2 =	sadd.s32 s19, s18  }
0x9c: {  	s6 =	simm.s32 $0x0;
	s20 =	sshll.u32 s4, $0x1;
	s4 =	sadd.s32 s21, s2  }
0x9d: {  	[timem:s6], [sflag:s22] =	dma.local [hbm:s4], s20  }
0x9e: {  	_ =	swait.ge [sflag:s22], s20  }
0x9f: {  	s3 =	ssub.s32 $0x0, s20;
	[sflag:s22] =	ssyncset.done $0x0  }
0xa0: {  	[sflag:s22] =	ssyncadd.s32 s3;
	_ =	sdelay $0x1  }
0xa1: {  	s23 =	simm.s32 $0x1B8B  }
0xa2: {  	_ =	swait.ge [sflag:s23], $0x1  }
0xa3: {  	[sflag:s23] =	ssyncset.done $0x0  }
0xa4: {  	s25 =	simm.s32 $0x1B8E;
	s24 =	sld [smem:$0x3FFE];
	[sflag:s23] =	ssyncadd.s32 $0xFFFFFFFF  }
0xa5: {  	s26 =	simm.s32 $execute0_lowered;
	[smem:$0x3FD2] =	sst s25  }
0xa6: {  	s4 =	sshll.u32 s26, $0x1;
	_ =	strace $0x80000046;
	[dreg:$0x1] =	wrdreg $0xFFFFFFFF  }
0xa7: {  	s28 =	simm.s32 $_size_execute0_lowered;
	s2 =	sadd.s32 s2, s4;
	[dreg:$0x0] =	wrdreg $0x0  }
0xa8: {  	s4 =	sshll.u32 s28, $0x1;
	[dreg:$0x2] =	wrdreg s2  }
0xa9: {  	[dreg:$0x3] =	wrdreg s4  }
0xaa: {  	[dreg:$0x4] =	wrdreg $0xC0  }
0xab: {  	_ =	task [dreg:s6], $0x5FFFF  }
0xac: {  	[dreg:$0x1] =	wrdreg $0xFFFFFFFF  }
0xad: {  	[dreg:$0x0] =	wrdreg $0x60  }
0xae: {  	[dreg:$0x2] =	wrdreg s24  }
0xaf: {  	[dreg:$0x3] =	wrdreg $0xB8000  }
0xb0: {  	[dreg:$0x4] =	wrdreg $0x9  }
0xb1: {  	_ =	task.clear_ibuf [dreg:s6], $0x5FFFF;
	_ =	strace $0x90000046  }
0xb2: {  	s29 =	simm.s32 $0x9;
	_ =	strace $0x80000048  }
0xb3: {  	_ =	swait.ge [sflag:s29], $0x1  }
0xb4: {  	[sflag:s29] =	ssyncadd.s32 $0xFFFFFFFF  }
0xb5: {  	_ =	strace $0x90000048  }
0xb6: {  	_ =	sfence  }
0xb7: {  	s30 =	sld [smem:$0x0];
	_ =	sdelay $0x2  }
0xb8: {  	s31 =	sshll.u32 s1, $0xD;
	s1 =	sshrl.u32 s1, $0x2  }
0xb9: {  	s3 =	sand.u32 $0x4000, s31;
	s1 =	sadd.s32 s1, s30  }
0xba: {  	s0 =	sor.u32 s3, s0;
	s1 =	sshll.u32 s1, $0x11  }
0xbb: {  	s0 =	sor.u32 s1, s0  }
0xbc: {  	s0 =	sadd.s32 $0x8F2B, s0  }
0xbd: {  	[sflag:s0] =	ssyncadd.remote.s32 $0x1  }
0xbe: {  	_ =	sfence.sel $0xFFFF  }
0xbf: {  	[dreg:$0x0] =	wrdreg $0xFFFFFFFF;
	(pc) =	sbr.abs _section_cstart, $3  }
0xc0: {  	[dreg:$0x1] =	wrdreg $0xFFFFFFFF  }
0xc1: {  	_ =	task.clear_ibuf [dreg:s6], $0x2FFFF;
	_ =	strace $0x9FFFFFFF  }
0xc2: {  	(tm) =	ssettm $0x7FFFFFFF  }
0xc3: {  	_ =	shalt  }
tec
execute0_lowered:
.L_overlay_start_1:
0x0: {  	(tag) =	ssettag $0x1  }
0x1: {  	s0 =	rddreg [dreg:$0x0]  }
0x2: {  	s2 =	rddreg [dreg:$0x1]  }
0x3: {  	s3 =	simm.s32 $0x0;
	s10 =	stileid.u32;
	s4 =	srdreg.scid  }
0x4: {  	s14 =	simm.s32 $0x2;
	s15 =	simm.s32 $0x7800;
	s16 =	simm.s32 $0x80  }
0x5: {  	s17 =	simm.s32 $0x4F00;
	s18 =	simm.s32 $0x1;
	s19 =	simm.s32 $0x4F80  }
0x6: {  	s20 =	simm.s32 $0x5000;
	s22 =	simm.s32 $0x0;
	[smem:$0x7FF] =	sst s3  }
0x7: {  	s1 =	smul.u32 $0x13C00, s10;
	s6 =	sand.u32 $0x1, s4;
	s8 =	sshll.u32 s10, $0x1  }
0x8: {  	s4 =	sadd.s32 $0x15A00, s0;
	s28 =	smul.u32 $0x4F000, s10;
	s31 =	sshll.u32 s10, $0x6  }
0x9: {  	_ =	strace $0x80000047;
	s7 =	smul.u32 $0x13C000, s6;
	s8 =	sor.u32 s6, s8  }
0xa: {  	s6 =	ssub.s32 $0x2, s6;
	s5 =	sshrl.u32 s1, $0x3;
	s26 =	smul.u32 $0x4F0, s8  }
0xb: {  	s29 =	sshrl.u32 s6, $0x1;
	s30 =	sshrl.u32 s28, $0x2;
	s9 =	sadd.s32 s5, s0  }
0xc: {  	s5 =	sadd.s32 $0x16000, s0;
	s1 =	sadd.s32 s1, s7;
	s12 =	ssub.s32 s6, s29  }
0xd: {  	s13 =	sadd.s32 s30, s2;
	s7 =	sor.u32 $0x1C02, s31;
	s1 =	sshrl.u32 s1, $0x3  }
0xe: {  	s6 =	sadd.s32 $0x16800, s9;
	s1 =	sadd.s32 s1, s0;
	s0 =	sadd.s32 s26, s0  }
0xf: {  	v0 =	vlaneseq.u32;
	s12 =	smax.u32 s12, $0x1;
	s13 =	sshrl.u32 s13, $0x3;
	s8 =	sadd.s32 $0xBC00, s0  }
0x10: {  	v0 =	vor.u32 $0x2710, v0;
	s9 =	sadd.s32 $0x1E00, s0;
	s10 =	sadd.s32 $0x3E000, s1;
	s11 =	sadd.s32 $0x8D000, s0  }
.LBB2_1:
0x11: {  	[spmem:s13], [sflag:s7] =	dma.local [hbm:s6], $0x2780  }
0x12: {  	_ =	swait.ge [sflag:s14], $0x2780  }
0x13: {  	[sflag:s14] =	ssyncset.done $0x0  }
0x14: {  	[sflag:s14] =	ssyncadd.s32 $0xFFFFD880  }
0x15: {  	[tilespmem:s3], [sflag:$0x2] =	stream.linear.gather [hbm4b:s8+s3], $0x2780, $0x38;
	[tilespmem:$0x1F400] =	vst v63  }
0x16: {  	_ =	swait.ge [sflag:s14], $0x2780  }
0x17: {  	[sflag:s14] =	ssyncset.done $0x0  }
0x18: {  	s23 =	simm.s32 $0x2780;
	[sflag:s14] =	ssyncadd.s32 $0xFFFFD880  }
0x19: {  	[tilespmem:s23], [sflag:$0x2] =	stream.linear.gather [hbm4b:s9+s3], $0x2780, $0x38;
	[tilespmem:$0x1F400] =	vst v63  }
0x1a: {  	_ =	swait.ge [sflag:s14], $0x2780  }
0x1b: {  	[sflag:s14] =	ssyncset.done $0x0  }
0x1c: {  	[sflag:s14] =	ssyncadd.s32 $0xFFFFD880  }
0x1d: {  	[tilespmem:s15], [sflag:$0x2] =	stream.linear.gather [hbm4b:s5+s3], $0x4000, $0x38;
	[tilespmem:$0x1F400] =	vst v63  }
0x1e: {  	_ =	swait.ge [sflag:s14], $0x4000  }
0x1f: {  	[sflag:s14] =	ssyncset.done $0x0  }
0x20: {  	s24 =	simm.s32 $0x5080;
	s25 =	simm.s32 $0x0;
	[sflag:s14] =	ssyncadd.s32 $0xFFFFC000  }
0x21: {  	s26 =	simm.s32 $0x0;
	s28 =	simm.s32 $0x0;
	[bflag:$0x0] =	sbarrier.arrive $0xFFFF  }
.LBB2_2:
0x22: {  	s0 =	sshll.u32 s28, $0x7  }
0x23: {  	[tilespmem:s17], [sflag:$0x1] =	stream.indirect.gather [hbm4b:s4+s16], $0x1, s0, s16, $0xb8;
	[tilespmem:$0x1F400] =	vst v63  }
0x24: {  	_ =	swait.ge [sflag:s18], $0x80  }
0x25: {  	[sflag:s18] =	ssyncset.done $0x0  }
0x26: {  	v2 =	vmov s23;
	s0 =	sadd.s32 $0x2780, s0;
	[sflag:s18] =	ssyncadd.s32 $0xFFFFFF80  }
0x27: {  	[tilespmem:s19], [sflag:$0x1] =	stream.indirect.gather [hbm4b:s4+s16], $0x1, s0, s16, $0xb8;
	[tilespmem:$0x1F400] =	vst v63  }
0x28: {  	_ =	swait.ge [sflag:s18], $0x80  }
0x29: {  	v3 =	vmov s25;
	[sflag:s18] =	ssyncset.done $0x0  }
0x2a: {  	s21 =	simm.s32 $0x0;
	[sflag:s18] =	ssyncadd.s32 $0xFFFFFF80  }
0x2b: {  	s1 =	smulhi.u32 $0x24924925, s28;
	v4 =	vld.idx.msk [tilespmem:v2+s21+$0x0 ss:$0x1], $0xffff  }
0x2c: {  	v5 =	vld [tilespmem:s21+$0x4F80]  }
0x2d: {  	s29 =	ssub.s32 s28, s1;
	v6 =	vld [tilespmem:s21+$0x4F00]  }
0x2e: {  	s29 =	sshrl.u32 s29, $0x1;
	v7 =	vld.idx.msk [tilespmem:v3+s21+$0x0 ss:$0x1], $0xffff  }
0x2f: {  	s1 =	sadd.s32 s1, s29  }
0x30: {  	s1 =	sshrl.u32 s1, $0x2  }
0x31: {  	s1 =	smul.u32 $0x70, s1  }
0x32: {  	v1 =	vmov s24;
	vm0 =	vgt.s32 v6, $0x0;
	vm1 =	vgt.s32 v5, $0x0  }
0x33: {  	s1 =	ssub.s32 s26, s1;
	vm2 =	vne.s32 v7, v4;
	vm0 =	vmand vm0, vm1  }
0x34: {  	v5 =	vadd.s32 s1, v0;
	vm0 =	vmand vm0, vm2  }
0x35: {  	v6 =	vsel vm0, v7, v5  }
0x36: {  	v4 =	vsel vm0, v4, v5;
	[tilespmem:s21+$0x5000] =	vst v6  }
0x37: {  	s29 =	simm.s32 $0x10;
	[tilespmem:v1+s21+$0x0 ss:$0x1] =	vst.idx.msk $0xffff, v4  }
0x38: {  	s31 =	sadd.s32 $0x1, s28;
	v4 =	vld.idx.msk [tilespmem:v2+s29+$0x0 ss:$0x1], $0xffff  }
0x39: {  	s1 =	smulhi.u32 $0x24924925, s31;
	v5 =	vld.idx.msk [tilespmem:v3+s29+$0x0 ss:$0x1], $0xffff  }
0x3a: {  	s30 =	smov.u32 s26;
	s0 =	simm.s32 $0x80;
	v6 =	vld [tilespmem:s29+$0x4F80]  }
.LBB2_3:
0x3b: {  	p0 =	sne.s32 s0, $0x1C0;
	s21 =	ssub.s32 s31, s1;
	v7 =	vld [tilespmem:s29+$0x4F00]  }
0x3c: {  	s21 =	sshrl.u32 s21, $0x1  }
0x3d: {  	s1 =	sadd.s32 s1, s21  }
0x3e: {  	s1 =	sshrl.u32 s1, $0x2  }
0x3f: {  	s1 =	smul.u32 $0x70, s1  }
0x40: {  	s30 =	sadd.s32 $0x10, s30;
	vm1 =	vgt.s32 v6, $0x0;
	vm0 =	vgt.s32 v7, $0x0  }
0x41: {  	vm2 =	vne.s32 v5, v4;
	s1 =	ssub.s32 s30, s1;
	vm0 =	vmand vm0, vm1  }
0x42: {  	vm0 =	vmand vm0, vm2;
	v6 =	vadd.s32 s1, v0  }
0x43: {  	v5 =	vsel vm0, v5, v6  }
.Ltmp0:
0x44: {  	v4 =	vsel vm0, v4, v6;
	[tilespmem:s29+$0x5000] =	vst v5;
	(pc) =	sbr.rel @p0 .LBB2_3-.Ltmp0, $4  }
0x45: {  	[tilespmem:v1+s29+$0x0 ss:$0x1] =	vst.idx.msk $0xffff, v4;
	s29 =	sshra.s32 s0, $0x2  }
0x46: {  	s31 =	sadd.s32 $0x1, s31;
	v4 =	vld.idx.msk [tilespmem:v2+s29+$0x0 ss:$0x1], $0xffff  }
0x47: {  	s1 =	smulhi.u32 $0x24924925, s31;
	v5 =	vld.idx.msk [tilespmem:v3+s29+$0x0 ss:$0x1], $0xffff  }
0x48: {  	s0 =	sadd.s32 $0x40, s0;
	v6 =	vld [tilespmem:s29+$0x4F80]  }
0x49: {  	s0 =	ssub.s32 s31, s1;
	v2 =	vld [tilespmem:s29+$0x4F00]  }
0x4a: {  	s0 =	sshrl.u32 s0, $0x1  }
0x4b: {  	s0 =	sadd.s32 s1, s0  }
0x4c: {  	s0 =	sshrl.u32 s0, $0x2  }
0x4d: {  	s0 =	smul.u32 $0x70, s0  }
0x4e: {  	s31 =	sadd.s32 $0x10, s30;
	vm1 =	vgt.s32 v6, $0x0;
	vm0 =	vgt.s32 v2, $0x0  }
0x4f: {  	vm2 =	vne.s32 v5, v4;
	s0 =	ssub.s32 s31, s0;
	vm0 =	vmand vm0, vm1  }
0x50: {  	vm0 =	vmand vm0, vm2;
	v2 =	vadd.s32 s0, v0  }
0x51: {  	s28 =	sadd.s32 $0x1, s28;
	v3 =	vsel vm0, v5, v2  }
0x52: {  	p0 =	sne.s32 s28, $0x4F;
	v2 =	vsel vm0, v4, v2;
	[tilespmem:s29+$0x5000] =	vst v3  }
.Ltmp1:
0x53: {  	[tilespmem:v1+s29+$0x0 ss:$0x1] =	vst.idx.msk $0xffff, v2;
	(pc) =	sbr.rel @p0 .LBB2_2-.Ltmp1, $4  }
0x54: {  	[spmem:s2] =	stream.indirect.scatter.add.f32 [tilespmem:s15], [sflag:$0x2], $0x80, s20, s16, $0xb8;
	[tilespmem:$0x1F400] =	vst v63  }
0x55: {  	_ =	swait.ge [sflag:s14], $0x4000  }
0x56: {  	s26 =	sadd.s32 $0x10, s26;
	s25 =	sadd.s32 $0x80, s25;
	[sflag:s14] =	ssyncset.done $0x0  }
0x57: {  	s23 =	sadd.s32 $0x80, s23;
	s24 =	sadd.s32 $0x80, s24;
	[sflag:s14] =	ssyncadd.s32 $0xFFFFC000  }
0x58: {  	[bflag:$0x0] =	sbarrier.arrive $0xFFFF  }
0x59: {  	[hbm:s10], [sflag:s7] =	dma.local [spmem:s13], $0x2780  }
0x5a: {  	s22 =	sadd.s32 $0x1, s22;
	_ =	swait.ge [sflag:s14], $0x2780  }
0x5b: {  	p0 =	sne.s32 s22, s12;
	[sflag:s14] =	ssyncset.done $0x0  }
.Ltmp2:
0x5c: {  	s0 =	simm.s32 $0x5080;
	[sflag:s14] =	ssyncadd.s32 $0xFFFFD880;
	(pc) =	sbr.rel @p0 .LBB2_1-.Ltmp2, $4  }
0x5d: {  	[hbm4b:s11+s3] =	stream.linear.scatter [tilespmem:s0], [sflag:$0x2], $0x2780, $0x38;
	[tilespmem:$0x1F400] =	vst v63  }
0x5e: {  	_ =	swait.ge [sflag:s14], $0x2780  }
0x5f: {  	[sflag:s14] =	ssyncset.done $0x0  }
0x60: {  	[sflag:s14] =	ssyncadd.s32 $0xFFFFD880  }
0x61: {  	_ =	sfence.sel $0x180000  }
0x62: {  	[bflag:$0x0] =	sbarrier.arrive $0xFFFF  }
0x63: {  	_ =	strace $0x90000047  }
0x64: {  	s0 =	stileid.u32;
	[bflag:$0x2] =	sbarrier.arrive $0xFFFF  }
0x65: {  	p0 =	sne.s32 s0, $0x0;
	s0 =	rddreg [dreg:$0x2]  }
0x66: {  	s0 =	sadd.s32 @!p0 $0x100000, s0  }
0x67: {  	[sflag:s0] =	ssyncadd.tile.s32 @!p0 $0x1;
	_ =	shalt  }
.Lfunc_end2:
_tile_overlayer_lowered:
.L_overlay_start_2:
0x68: {  	(tag) =	ssettag $0x2  }
0x69: {  	s0 =	rddreg [dreg:$0x0];
	s2 =	stileid.u32  }
0x6a: {  	s1 =	rddreg [dreg:$0x1];
	p0 =	sne.s32 s2, $0x0  }
0x6b: {  	s3 =	rddreg [dreg:$0x2];
	[bflag:$0x3] =	sbarrier.arrive $0xFFFF;
	s2 =	simm.s32 @!p0 $0x1C02  }
0x6c: {  	[timem:s3], [sflag:s2] =	dma.local @!p0 [hbm:s0], s1  }
0x6d: {  	s0 =	simm.s32 @!p0 $0x2  }
0x6e: {  	_ =	swait.ge @!p0 [sflag:s0], s1  }
0x6f: {  	s1 =	ssub.s32 @!p0 $0x0, s1;
	[sflag:s0] =	ssyncset.done @!p0 $0x0  }
0x70: {  	[sflag:s0] =	ssyncadd.s32 @!p0 s1  }
0x71: {  	[bflag:$0x3] =	sbarrier.arrive $0xFFFF  }
0x72: {  	_ =	shalt  }

// kernel: kernel.17.cloned.1.call-start
scs
__scs_entry_jumppad:
0x0: {  	(pc) =	sbr.rel $0x88, $3  }
0x1: {  	(tag) =	ssettag $0x0;
	lr =	simm.s32 $0x1  }
0x2: {  	[smem:$0x3F9E] =	sst lr;
	_ =	strace $0xD0000000  }
0x3: {  	_ = 	snop  }
0x4: {  	_ = 	snop  }
0x5: {  	_ = 	snop  }
0x6: {  	_ = 	snop  }
0x7: {  	_ = 	snop  }
__scs_overlays_trampoline_lowered:
0x8: {  	[smem:$0x3FAD] =	sst s0  }
0x9: {  	[smem:$0x3FAE] =	sst s1  }
0xa: {  	[smem:$0x3FAF] =	sst s2  }
0xb: {  	[smem:$0x3FB0] =	sst s3  }
0xc: {  	[smem:$0x3FB1] =	sst s4  }
0xd: {  	[smem:$0x3FB2] =	sst s5  }
0xe: {  	[smem:$0x3FB3] =	sst s6  }
0xf: {  	[smem:$0x3FB4] =	sst s7  }
0x10: {  	[smem:$0x3FB5] =	sst s8  }
0x11: {  	[smem:$0x3FB6] =	sst s9;
	s0 =	simm.s32 @!p0 $0x0  }
0x12: {  	s1 =	sld [smem:$0x3F9C];
	s0 =	simm.s32 @p0 $0x1  }
0x13: {  	[smem:$0x3FB7] =	sst s0;
	s0 =	simm.s32 @!p1 $0x0  }
0x14: {  	s2 =	sld [smem:$0x3F9B];
	s0 =	simm.s32 @p1 $0x1  }
0x15: {  	[smem:$0x3FB8] =	sst s0;
	s0 =	simm.s32 @!p2 $0x0  }
0x16: {  	s3 =	sld [smem:$0x3FDB];
	s0 =	simm.s32 @p2 $0x1  }
0x17: {  	s4 =	simm.s32 $0x1BF5;
	[smem:$0x3FBA] =	sst s0  }
0x18: {  	s0 =	sld [smem:$0x3F9D];
	_ =	swait.ge [sflag:s4], $0x0  }
0x19: {  	s7 =	sld [smem:$0x3F9E]  }
0x1a: {  	s8 =	sadd.s32 $0xFFFFE003, lr  }
0x1b: {  	s9 =	sadd.s32 $0xFFFFFEF7, lr;
	s5 =	simm.s32 $0xFFFFFFFF;
	p2 =	slt.u32 s8, $0xFFFFF086  }
0x1c: {  	p1 =	slt.u32 s9, $0xF7A;
	s5 =	simm.s32 @!p2 $0x0  }
0x1d: {  	s5 =	simm.s32 @p1 $0x1;
	p0 =	seq.s32 s7, s2  }
0x1e: {  	s7 =	smul.u32 @!p0 $0xF7A, s2;
	p2 =	seq.s32 @!p0 s5, $0x0  }
0x1f: {  	s9 =	smul.u32 $0xF7A, s1;
	s8 =	simm.s32 @!p0 $0x1BF5;
	p2 =	por !p2, p0  }
0x20: {  	[sflag:s8] =	ssyncset.s32 @!p0 $0xFFFFF086;
	s6 =	sadd.s32 @!p0 s3, s7;
	s7 =	simm.s32 @!p0 $0x108  }
0x21: {  	s3 =	sadd.s32 s3, s9;
	s6 =	sadd.s32 @!p0 $0x88, s6;
	s7 =	simm.s32 @p2 $0x1082  }
0x22: {  	[simem:s7], [sflag:s8] =	dma.local @!p0 [hbm:s6], $0xF7A  }
0x23: {  	s9 =	sor.u32 $0xD0000000, s2;
	s6 =	simm.s32 $0x108;
	_ =	swait.ge @!p0 [sflag:s8], $0x0  }
0x24: {  	s3 =	sadd.s32 $0x88, s3;
	s6 =	simm.s32 @!p1 $0x1082;
	[sflag:s4] =	ssyncset.s32 $0xFFFFF086  }
0x25: {  	[simem:s6], [sflag:s4] =	dma.local [hbm:s3], $0xF7A  }
0x26: {  	[smem:$0x3F9E] =	sst s1;
	(tag) =	ssettag s2;
	_ =	strace s9  }
0x27: {  	s1 =	sld [smem:$0x3FAE]  }
0x28: {  	s2 =	sld [smem:$0x3FAF]  }
0x29: {  	s4 =	sld [smem:$0x3FB1]  }
0x2a: {  	p0 =	seq.s32 s5, $0x0;
	s5 =	sld [smem:$0x3FB2]  }
0x2b: {  	s6 =	sld [smem:$0x3FB3]  }
0x2c: {  	s7 =	sld [smem:$0x3FB4]  }
0x2d: {  	s3 =	simm.s32 $0x108;
	s8 =	sld [smem:$0x3FB5]  }
0x2e: {  	s3 =	simm.s32 @!p0 $0x1082;
	s9 =	sld [smem:$0x3FB6]  }
0x2f: {  	lr =	sadd.s32 s0, s3;
	s0 =	sld [smem:$0x3FAD]  }
0x30: {  	s3 =	sld [smem:$0x3FB0]  }
0x31: {  	[smem:$0x3FB9] =	sst s10  }
0x32: {  	s10 =	sld [smem:$0x3FB7];
	_ =	sdelay $0x3  }
0x33: {  	p0 =	seq.s32 s10, $0x1;
	s10 =	sld [smem:$0x3FB9];
	_ =	sdelay $0x3  }
0x34: {  	[smem:$0x3FB9] =	sst s10  }
0x35: {  	s10 =	sld [smem:$0x3FB8];
	_ =	sdelay $0x3  }
0x36: {  	p1 =	seq.s32 s10, $0x1;
	s10 =	sld [smem:$0x3FB9];
	_ =	sdelay $0x3  }
0x37: {  	[smem:$0x3FB9] =	sst s10  }
0x38: {  	s10 =	sld [smem:$0x3FBA]  }
0x39: {  	_ = 	snop;
	(pc) =	sbr.ind lr, $3  }
0x3a: {  	_ = 	snop  }
0x3b: {  	_ = 	snop  }
0x3c: {  	p2 =	seq.s32 s10, $0x1;
	s10 =	sld [smem:$0x3FB9]  }
0x3d: {  	_ =	shalt  }
0x3e: {  	_ =	shalt  }
0x3f: {  	_ =	shalt  }
0x40: {  	_ =	shalt  }
0x41: {  	_ =	shalt  }
0x42: {  	_ =	shalt  }
0x43: {  	_ =	shalt  }
0x44: {  	_ =	shalt  }
0x45: {  	_ =	shalt  }
0x46: {  	_ =	shalt  }
0x47: {  	_ =	shalt  }
0x48: {  	_ =	shalt  }
0x49: {  	_ =	shalt  }
0x4a: {  	_ =	shalt  }
0x4b: {  	_ =	shalt  }
0x4c: {  	_ =	shalt  }
0x4d: {  	_ =	shalt  }
0x4e: {  	_ =	shalt  }
0x4f: {  	_ =	shalt  }
0x50: {  	_ =	shalt  }
0x51: {  	_ =	shalt  }
0x52: {  	_ =	shalt  }
0x53: {  	_ =	shalt  }
0x54: {  	_ =	shalt  }
0x55: {  	_ =	shalt  }
0x56: {  	_ =	shalt  }
0x57: {  	_ =	shalt  }
0x58: {  	_ =	shalt  }
0x59: {  	_ =	shalt  }
0x5a: {  	_ =	shalt  }
0x5b: {  	_ =	shalt  }
0x5c: {  	_ =	shalt  }
0x5d: {  	_ =	shalt  }
0x5e: {  	_ =	shalt  }
0x5f: {  	_ =	shalt  }
0x60: {  	_ =	shalt  }
0x61: {  	_ =	shalt  }
0x62: {  	_ =	shalt  }
0x63: {  	_ =	shalt  }
0x64: {  	_ =	shalt  }
0x65: {  	_ =	shalt  }
0x66: {  	_ =	shalt  }
0x67: {  	_ =	shalt  }
0x68: {  	_ =	shalt  }
0x69: {  	_ =	shalt  }
0x6a: {  	_ =	shalt  }
0x6b: {  	_ =	shalt  }
0x6c: {  	_ =	shalt  }
0x6d: {  	_ =	shalt  }
0x6e: {  	_ =	shalt  }
0x6f: {  	_ =	shalt  }
0x70: {  	_ =	shalt  }
0x71: {  	_ =	shalt  }
0x72: {  	_ =	shalt  }
0x73: {  	_ =	shalt  }
0x74: {  	_ =	shalt  }
0x75: {  	_ =	shalt  }
0x76: {  	_ =	shalt  }
0x77: {  	_ =	shalt  }
0x78: {  	_ =	shalt  }
0x79: {  	_ =	shalt  }
0x7a: {  	_ =	shalt  }
0x7b: {  	_ =	shalt  }
0x7c: {  	_ =	shalt  }
0x7d: {  	_ =	shalt  }
0x7e: {  	_ =	shalt  }
0x7f: {  	_ =	shalt  }
0x80: {  	_ =	shalt  }
0x81: {  	_ =	shalt  }
0x82: {  	_ =	shalt  }
0x83: {  	_ =	shalt  }
0x84: {  	_ =	shalt  }
0x85: {  	_ =	shalt  }
0x86: {  	_ =	shalt  }
0x87: {  	_ =	shalt  }
.Lfunc_end0:
.L_simem_size_0:
called_computation.1_lowered:
.L_overlay_start_0:
0x88: {  	s2 =	sld [smem:$0x3FD9]  }
0x89: {  	s3 =	sld [smem:$0x3FFE];
	_ =	sdelay $0x1  }
0x8a: {  	s1 =	srdreg.scid  }
0x8b: {  	s0 =	sand.u32 $0x1, s1  }
0x8c: {  	s16 =	sshll.u32 s0, $0xA;
	s2 =	sadd.s32 s3, s2  }
0x8d: {  	s2 =	sadd.s32 s2, s16  }
0x8e: {  	[smem:$0x3FC5] =	sst s2  }
0x8f: {  	_ = 	snop  }
0x90: {  	(tm) =	ssettm $0x1  }
0x91: {  	s17 =	sld [smem:$0x3FFB];
	_ =	sdelay $0x3  }
0x92: {  	_ =	strace s17  }
0x93: {  	s2 =	sld [smem:$0x3FFC];
	_ =	sdelay $0x3  }
0x94: {  	_ =	strace s2  }
0x95: {  	s2 =	sld [smem:$0x3FFD];
	_ =	sdelay $0x3  }
0x96: {  	_ =	strace s2  }
0x97: {  	_ =	strace $0x8FFFFFFF  }
0x98: {  	s18 =	sld [smem:$0x3FDB];
	_ =	sdelay $0x1  }
0x99: {  	s19 =	simm.s32 $_scs_section_size  }
0x9a: {  	s4 =	simm.s32 $_size__tile_overlayer_lowered;
	s5 =	simm.s32 $_tile_overlayer_lowered  }
0x9b: {  	s22 =	simm.s32 $0x1BFF;
	s21 =	sshll.u32 s5, $0x1;
	s2 =	sadd.s32 s19, s18  }
0x9c: {  	s6 =	simm.s32 $0x0;
	s20 =	sshll.u32 s4, $0x1;
	s4 =	sadd.s32 s21, s2  }
0x9d: {  	[timem:s6], [sflag:s22] =	dma.local [hbm:s4], s20  }
0x9e: {  	_ =	swait.ge [sflag:s22], s20  }
0x9f: {  	s3 =	ssub.s32 $0x0, s20;
	[sflag:s22] =	ssyncset.done $0x0  }
0xa0: {  	[sflag:s22] =	ssyncadd.s32 s3;
	_ =	sdelay $0x1  }
0xa1: {  	s23 =	simm.s32 $0x1B8B  }
0xa2: {  	_ =	swait.ge [sflag:s23], $0x1  }
0xa3: {  	[sflag:s23] =	ssyncset.done $0x0  }
0xa4: {  	s25 =	simm.s32 $0x1B8E;
	s24 =	sld [smem:$0x3FFE];
	[sflag:s23] =	ssyncadd.s32 $0xFFFFFFFF  }
0xa5: {  	s26 =	simm.s32 $execute0_lowered;
	[smem:$0x3FD2] =	sst s25  }
0xa6: {  	s4 =	sshll.u32 s26, $0x1;
	_ =	strace $0x80000049;
	[dreg:$0x1] =	wrdreg $0xFFFFFFFF  }
0xa7: {  	s28 =	simm.s32 $_size_execute0_lowered;
	s2 =	sadd.s32 s2, s4;
	[dreg:$0x0] =	wrdreg $0x0  }
0xa8: {  	s4 =	sshll.u32 s28, $0x1;
	[dreg:$0x2] =	wrdreg s2  }
0xa9: {  	[dreg:$0x3] =	wrdreg s4  }
0xaa: {  	[dreg:$0x4] =	wrdreg $0xC0  }
0xab: {  	_ =	task [dreg:s6], $0x5FFFF  }
0xac: {  	[dreg:$0x1] =	wrdreg $0xFFFFFFFF  }
0xad: {  	[dreg:$0x0] =	wrdreg $0x60  }
0xae: {  	[dreg:$0x2] =	wrdreg s24  }
0xaf: {  	[dreg:$0x3] =	wrdreg $0x8F800  }
0xb0: {  	[dreg:$0x4] =	wrdreg $0x9  }
0xb1: {  	_ =	task.clear_ibuf [dreg:s6], $0x5FFFF;
	_ =	strace $0x90000049  }
0xb2: {  	s29 =	simm.s32 $0x9;
	_ =	strace $0x8000004B  }
0xb3: {  	_ =	swait.ge [sflag:s29], $0x1  }
0xb4: {  	[sflag:s29] =	ssyncadd.s32 $0xFFFFFFFF  }
0xb5: {  	_ =	strace $0x9000004B  }
0xb6: {  	_ =	sfence  }
0xb7: {  	s30 =	sld [smem:$0x0];
	_ =	sdelay $0x2  }
0xb8: {  	s31 =	sshll.u32 s1, $0xD;
	s1 =	sshrl.u32 s1, $0x2  }
0xb9: {  	s3 =	sand.u32 $0x4000, s31;
	s1 =	sadd.s32 s1, s30  }
0xba: {  	s0 =	sor.u32 s3, s0;
	s1 =	sshll.u32 s1, $0x11  }
0xbb: {  	s0 =	sor.u32 s1, s0  }
0xbc: {  	s0 =	sadd.s32 $0x8F2B, s0  }
0xbd: {  	[sflag:s0] =	ssyncadd.remote.s32 $0x1  }
0xbe: {  	_ =	sfence.sel $0xFFFF  }
0xbf: {  	[dreg:$0x0] =	wrdreg $0xFFFFFFFF;
	(pc) =	sbr.abs _section_cstart, $3  }
0xc0: {  	[dreg:$0x1] =	wrdreg $0xFFFFFFFF  }
0xc1: {  	_ =	task.clear_ibuf [dreg:s6], $0x2FFFF;
	_ =	strace $0x9FFFFFFF  }
0xc2: {  	(tm) =	ssettm $0x7FFFFFFF  }
0xc3: {  	_ =	shalt  }
tec
execute0_lowered:
.L_overlay_start_1:
0x0: {  	(tag) =	ssettag $0x1  }
0x1: {  	s1 =	srdreg.scid  }
0x2: {  	s0 =	stileid.u32;
	s6 =	rddreg [dreg:$0x0]  }
0x3: {  	s2 =	rddreg [dreg:$0x1];
	s3 =	simm.s32 $0x0;
	s14 =	simm.s32 $0x80  }
0x4: {  	s15 =	simm.s32 $0x4F80;
	s16 =	simm.s32 $0x1;
	s17 =	simm.s32 $0x4F00  }
0x5: {  	s18 =	simm.s32 $0x0;
	s5 =	sand.u32 $0x1, s1;
	s8 =	smul.u32 $0x13C00, s0  }
0x6: {  	s25 =	sshll.u32 s0, $0x1;
	[smem:$0x7FF] =	sst s3;
	s28 =	smul.u32 $0x4F000, s0  }
0x7: {  	s4 =	sadd.s32 $0x3E000, s6;
	s1 =	sor.u32 s5, s25;
	s9 =	smul.u32 $0x13C000, s5  }
0x8: {  	s31 =	sshll.u32 s0, $0x6;
	s5 =	ssub.s32 $0x2, s5;
	s7 =	smul.u32 $0x4F0, s1  }
0x9: {  	s1 =	rddreg [dreg:$0x2];
	_ =	strace $0x8000004A;
	s26 =	sshrl.u32 s8, $0x3  }
0xa: {  	s29 =	sshrl.u32 s5, $0x1;
	s30 =	sshrl.u32 s28, $0x2;
	s8 =	sadd.s32 s8, s9  }
0xb: {  	s12 =	ssub.s32 s5, s29;
	s13 =	sadd.s32 s30, s2;
	s8 =	sshrl.u32 s8, $0x3  }
0xc: {  	s10 =	sadd.s32 s7, s6;
	s7 =	sadd.s32 s26, s6;
	s11 =	sadd.s32 s8, s6  }
0xd: {  	s5 =	sadd.s32 $0x16800, s7;
	s6 =	sor.u32 $0x1C02, s31;
	s7 =	sadd.s32 $0xBC00, s10  }
0xe: {  	s8 =	sadd.s32 $0x8D000, s10;
	s10 =	smax.u32 s12, $0x1;
	s12 =	simm.s32 $0x2  }
0xf: {  	s9 =	sadd.s32 $0x96E00, s11;
	s11 =	sshrl.u32 s13, $0x3;
	s13 =	simm.s32 $0x2780  }
.LBB2_1:
0x10: {  	[spmem:s11], [sflag:s6] =	dma.local [hbm:s5], $0x2780  }
0x11: {  	_ =	swait.ge [sflag:s12], $0x2780  }
0x12: {  	[sflag:s12] =	ssyncset.done $0x0  }
0x13: {  	[sflag:s12] =	ssyncadd.s32 $0xFFFFD880  }
0x14: {  	[tilespmem:s3], [sflag:$0x2] =	stream.linear.gather [hbm4b:s7+s3], $0x2780, $0x38;
	[tilespmem:$0x1CB80] =	vst v63  }
0x15: {  	_ =	swait.ge [sflag:s12], $0x2780  }
0x16: {  	[sflag:s12] =	ssyncset.done $0x0  }
0x17: {  	[sflag:s12] =	ssyncadd.s32 $0xFFFFD880  }
0x18: {  	[tilespmem:s13], [sflag:$0x2] =	stream.linear.gather [hbm4b:s8+s3], $0x2780, $0x38;
	[tilespmem:$0x1CB80] =	vst v63  }
0x19: {  	_ =	swait.ge [sflag:s12], $0x2780  }
0x1a: {  	[sflag:s12] =	ssyncset.done $0x0  }
0x1b: {  	[sflag:s12] =	ssyncadd.s32 $0xFFFFD880  }
0x1c: {  	s19 =	simm.s32 $0x0;
	[bflag:$0x0] =	sbarrier.arrive $0xFFFF  }
0x1d: {  	[tilespmem:s15], [sflag:$0x1] =	stream.indirect.gather [hbm4b:s4+s14], $0x80, s19, s14, $0xb8;
	[tilespmem:$0x1CB80] =	vst v63  }
0x1e: {  	_ =	swait.ge [sflag:s16], $0x4000  }
0x1f: {  	[sflag:s16] =	ssyncset.done $0x0  }
0x20: {  	[sflag:s16] =	ssyncadd.s32 $0xFFFFC000  }
0x21: {  	v0 =	vld [tilespmem:s19+$0x2780];
	_ =	sdelay $0x4  }
0x22: {  	[tilespmem:$0x4F00] =	vst v0  }
0x23: {  	v0 =	vld [tilespmem:s19+$0x2790];
	_ =	sdelay $0x4  }
0x24: {  	[tilespmem:$0x4F10] =	vst v0  }
0x25: {  	v0 =	vld [tilespmem:s19+$0x27A0];
	_ =	sdelay $0x4  }
0x26: {  	[tilespmem:$0x4F20] =	vst v0  }
0x27: {  	v0 =	vld [tilespmem:s19+$0x27B0];
	_ =	sdelay $0x4  }
0x28: {  	[tilespmem:$0x4F30] =	vst v0  }
0x29: {  	v0 =	vld [tilespmem:s19+$0x27C0];
	_ =	sdelay $0x4  }
0x2a: {  	[tilespmem:$0x4F40] =	vst v0  }
0x2b: {  	v0 =	vld [tilespmem:s19+$0x27D0];
	_ =	sdelay $0x4  }
0x2c: {  	[tilespmem:$0x4F50] =	vst v0  }
0x2d: {  	v0 =	vld [tilespmem:s19+$0x27E0];
	_ =	sdelay $0x4  }
0x2e: {  	[tilespmem:$0x4F60] =	vst v0  }
0x2f: {  	v0 =	vld [tilespmem:s19+$0x27F0];
	_ =	sdelay $0x4  }
0x30: {  	[tilespmem:$0x4F70] =	vst v0  }
0x31: {  	[spmem:s2] =	stream.indirect.scatter.add.f32 [tilespmem:s15], [sflag:$0x2], $0x80, s17, s14, $0xb8;
	[tilespmem:$0x1CB80] =	vst v63  }
0x32: {  	_ =	swait.ge [sflag:s12], $0x4000  }
0x33: {  	s22 =	simm.s32 $0x400;
	s19 =	simm.s32 $0x200;
	[sflag:s12] =	ssyncset.done $0x0  }
.LBB2_2:
0x34: {  	s21 =	sshra.s32 s19, $0x2  }
0x35: {  	[sflag:s12] =	ssyncadd.s32 $0xFFFFC000;
	s19 =	smov.u32 s22;
	s20 =	sadd.s32 $0x200, s22  }
0x36: {  	[tilespmem:s15], [sflag:$0x1] =	stream.indirect.gather [hbm4b:s4+s14], $0x80, s21, s14, $0xb8;
	[tilespmem:$0x1CB80] =	vst v63  }
0x37: {  	p0 =	sne.s32 s22, $0x9C00;
	_ =	swait.ge [sflag:s16], $0x4000  }
0x38: {  	[sflag:s16] =	ssyncset.done $0x0  }
0x39: {  	[sflag:s16] =	ssyncadd.s32 $0xFFFFC000  }
0x3a: {  	v0 =	vld [tilespmem:s21+$0x2780];
	_ =	sdelay $0x4  }
0x3b: {  	[tilespmem:$0x4F00] =	vst v0  }
0x3c: {  	v0 =	vld [tilespmem:s21+$0x2790];
	_ =	sdelay $0x4  }
0x3d: {  	[tilespmem:$0x4F10] =	vst v0  }
0x3e: {  	v0 =	vld [tilespmem:s21+$0x27A0];
	_ =	sdelay $0x4  }
0x3f: {  	[tilespmem:$0x4F20] =	vst v0  }
0x40: {  	v0 =	vld [tilespmem:s21+$0x27B0];
	_ =	sdelay $0x4  }
0x41: {  	[tilespmem:$0x4F30] =	vst v0  }
0x42: {  	v0 =	vld [tilespmem:s21+$0x27C0];
	_ =	sdelay $0x4  }
0x43: {  	[tilespmem:$0x4F40] =	vst v0  }
0x44: {  	v0 =	vld [tilespmem:s21+$0x27D0];
	_ =	sdelay $0x4  }
0x45: {  	[tilespmem:$0x4F50] =	vst v0  }
0x46: {  	v0 =	vld [tilespmem:s21+$0x27E0];
	_ =	sdelay $0x4  }
0x47: {  	[tilespmem:$0x4F60] =	vst v0  }
0x48: {  	v0 =	vld [tilespmem:s21+$0x27F0];
	_ =	sdelay $0x3  }
.Ltmp0:
0x49: {  	(pc) =	sbr.rel @p0 .LBB2_2-.Ltmp0, $4  }
0x4a: {  	[tilespmem:$0x4F70] =	vst v0  }
0x4b: {  	[spmem:s2] =	stream.indirect.scatter.add.f32 [tilespmem:s15], [sflag:$0x2], $0x80, s17, s14, $0xb8;
	[tilespmem:$0x1CB80] =	vst v63  }
0x4c: {  	_ =	swait.ge [sflag:s12], $0x4000  }
0x4d: {  	s22 =	smov.u32 s20;
	[sflag:s12] =	ssyncset.done $0x0  }
0x4e: {  	s19 =	sshra.s32 s19, $0x2;
	[sflag:s12] =	ssyncadd.s32 $0xFFFFC000  }
0x4f: {  	[tilespmem:s15], [sflag:$0x1] =	stream.indirect.gather [hbm4b:s4+s14], $0x80, s19, s14, $0xb8;
	[tilespmem:$0x1CB80] =	vst v63  }
0x50: {  	_ =	swait.ge [sflag:s16], $0x4000  }
0x51: {  	[sflag:s16] =	ssyncset.done $0x0  }
0x52: {  	[sflag:s16] =	ssyncadd.s32 $0xFFFFC000  }
0x53: {  	v0 =	vld [tilespmem:s19+$0x2780];
	_ =	sdelay $0x4  }
0x54: {  	[tilespmem:$0x4F00] =	vst v0  }
0x55: {  	v0 =	vld [tilespmem:s19+$0x2790];
	_ =	sdelay $0x4  }
0x56: {  	[tilespmem:$0x4F10] =	vst v0  }
0x57: {  	v0 =	vld [tilespmem:s19+$0x27A0];
	_ =	sdelay $0x4  }
0x58: {  	[tilespmem:$0x4F20] =	vst v0  }
0x59: {  	v0 =	vld [tilespmem:s19+$0x27B0];
	_ =	sdelay $0x4  }
0x5a: {  	[tilespmem:$0x4F30] =	vst v0  }
0x5b: {  	v0 =	vld [tilespmem:s19+$0x27C0];
	_ =	sdelay $0x4  }
0x5c: {  	[tilespmem:$0x4F40] =	vst v0  }
0x5d: {  	v0 =	vld [tilespmem:s19+$0x27D0];
	_ =	sdelay $0x4  }
0x5e: {  	[tilespmem:$0x4F50] =	vst v0  }
0x5f: {  	v0 =	vld [tilespmem:s19+$0x27E0];
	_ =	sdelay $0x4  }
0x60: {  	[tilespmem:$0x4F60] =	vst v0  }
0x61: {  	v0 =	vld [tilespmem:s19+$0x27F0];
	_ =	sdelay $0x4  }
0x62: {  	[tilespmem:$0x4F70] =	vst v0  }
0x63: {  	[spmem:s2] =	stream.indirect.scatter.add.f32 [tilespmem:s15], [sflag:$0x2], $0x80, s17, s14, $0xb8;
	[tilespmem:$0x1CB80] =	vst v63  }
0x64: {  	_ =	swait.ge [sflag:s12], $0x4000  }
0x65: {  	s18 =	sadd.s32 $0x1, s18;
	[sflag:s12] =	ssyncset.done $0x0  }
0x66: {  	p0 =	sne.s32 s18, s10;
	[sflag:s12] =	ssyncadd.s32 $0xFFFFC000  }
.Ltmp1:
0x67: {  	[bflag:$0x0] =	sbarrier.arrive $0xFFFF;
	(pc) =	sbr.rel @p0 .LBB2_1-.Ltmp1, $4  }
0x68: {  	[hbm:s9], [sflag:s6] =	dma.local [spmem:s11], $0x2780  }
0x69: {  	_ =	swait.ge [sflag:s12], $0x2780  }
0x6a: {  	[sflag:s12] =	ssyncset.done $0x0  }
0x6b: {  	[sflag:s12] =	ssyncadd.s32 $0xFFFFD880  }
0x6c: {  	_ =	sfence.sel $0x180000  }
0x6d: {  	[bflag:$0x0] =	sbarrier.arrive $0xFFFF  }
0x6e: {  	p0 =	sne.s32 s0, $0x0;
	_ =	strace $0x9000004A  }
0x6f: {  	s0 =	sadd.s32 @!p0 $0x100000, s1;
	[bflag:$0x2] =	sbarrier.arrive $0xFFFF  }
0x70: {  	[sflag:s0] =	ssyncadd.tile.s32 @!p0 $0x1;
	_ =	shalt  }
.Lfunc_end2:
_tile_overlayer_lowered:
.L_overlay_start_2:
0x71: {  	(tag) =	ssettag $0x2  }
0x72: {  	s0 =	rddreg [dreg:$0x0];
	s2 =	stileid.u32  }
0x73: {  	s1 =	rddreg [dreg:$0x1];
	p0 =	sne.s32 s2, $0x0  }
0x74: {  	s3 =	rddreg [dreg:$0x2];
	[bflag:$0x3] =	sbarrier.arrive $0xFFFF;
	s2 =	simm.s32 @!p0 $0x1C02  }
0x75: {  	[timem:s3], [sflag:s2] =	dma.local @!p0 [hbm:s0], s1  }
0x76: {  	s0 =	simm.s32 @!p0 $0x2  }
0x77: {  	_ =	swait.ge @!p0 [sflag:s0], s1  }
0x78: {  	s1 =	ssub.s32 @!p0 $0x0, s1;
	[sflag:s0] =	ssyncset.done @!p0 $0x0  }
0x79: {  	[sflag:s0] =	ssyncadd.s32 @!p0 s1  }
0x7a: {  	[bflag:$0x3] =	sbarrier.arrive $0xFFFF  }
0x7b: {  	_ =	shalt  }

// kernel: kernel.20.cloned.1.call-start
scs
__scs_entry_jumppad:
0x0: {  	(pc) =	sbr.rel $0x88, $3  }
0x1: {  	(tag) =	ssettag $0x0;
	lr =	simm.s32 $0x1  }
0x2: {  	[smem:$0x3F9E] =	sst lr;
	_ =	strace $0xD0000000  }
0x3: {  	_ = 	snop  }
0x4: {  	_ = 	snop  }
0x5: {  	_ = 	snop  }
0x6: {  	_ = 	snop  }
0x7: {  	_ = 	snop  }
__scs_overlays_trampoline_lowered:
0x8: {  	[smem:$0x3FAD] =	sst s0  }
0x9: {  	[smem:$0x3FAE] =	sst s1  }
0xa: {  	[smem:$0x3FAF] =	sst s2  }
0xb: {  	[smem:$0x3FB0] =	sst s3  }
0xc: {  	[smem:$0x3FB1] =	sst s4  }
0xd: {  	[smem:$0x3FB2] =	sst s5  }
0xe: {  	[smem:$0x3FB3] =	sst s6  }
0xf: {  	[smem:$0x3FB4] =	sst s7  }
0x10: {  	[smem:$0x3FB5] =	sst s8  }
0x11: {  	[smem:$0x3FB6] =	sst s9;
	s0 =	simm.s32 @!p0 $0x0  }
0x12: {  	s1 =	sld [smem:$0x3F9C];
	s0 =	simm.s32 @p0 $0x1  }
0x13: {  	[smem:$0x3FB7] =	sst s0;
	s0 =	simm.s32 @!p1 $0x0  }
0x14: {  	s2 =	sld [smem:$0x3F9B];
	s0 =	simm.s32 @p1 $0x1  }
0x15: {  	[smem:$0x3FB8] =	sst s0;
	s0 =	simm.s32 @!p2 $0x0  }
0x16: {  	s3 =	sld [smem:$0x3FDB];
	s0 =	simm.s32 @p2 $0x1  }
0x17: {  	s4 =	simm.s32 $0x1BF5;
	[smem:$0x3FBA] =	sst s0  }
0x18: {  	s0 =	sld [smem:$0x3F9D];
	_ =	swait.ge [sflag:s4], $0x0  }
0x19: {  	s7 =	sld [smem:$0x3F9E]  }
0x1a: {  	s8 =	sadd.s32 $0xFFFFE003, lr  }
0x1b: {  	s9 =	sadd.s32 $0xFFFFFEF7, lr;
	s5 =	simm.s32 $0xFFFFFFFF;
	p2 =	slt.u32 s8, $0xFFFFF086  }
0x1c: {  	p1 =	slt.u32 s9, $0xF7A;
	s5 =	simm.s32 @!p2 $0x0  }
0x1d: {  	s5 =	simm.s32 @p1 $0x1;
	p0 =	seq.s32 s7, s2  }
0x1e: {  	s7 =	smul.u32 @!p0 $0xF7A, s2;
	p2 =	seq.s32 @!p0 s5, $0x0  }
0x1f: {  	s9 =	smul.u32 $0xF7A, s1;
	s8 =	simm.s32 @!p0 $0x1BF5;
	p2 =	por !p2, p0  }
0x20: {  	[sflag:s8] =	ssyncset.s32 @!p0 $0xFFFFF086;
	s6 =	sadd.s32 @!p0 s3, s7;
	s7 =	simm.s32 @!p0 $0x108  }
0x21: {  	s3 =	sadd.s32 s3, s9;
	s6 =	sadd.s32 @!p0 $0x88, s6;
	s7 =	simm.s32 @p2 $0x1082  }
0x22: {  	[simem:s7], [sflag:s8] =	dma.local @!p0 [hbm:s6], $0xF7A  }
0x23: {  	s9 =	sor.u32 $0xD0000000, s2;
	s6 =	simm.s32 $0x108;
	_ =	swait.ge @!p0 [sflag:s8], $0x0  }
0x24: {  	s3 =	sadd.s32 $0x88, s3;
	s6 =	simm.s32 @!p1 $0x1082;
	[sflag:s4] =	ssyncset.s32 $0xFFFFF086  }
0x25: {  	[simem:s6], [sflag:s4] =	dma.local [hbm:s3], $0xF7A  }
0x26: {  	[smem:$0x3F9E] =	sst s1;
	(tag) =	ssettag s2;
	_ =	strace s9  }
0x27: {  	s1 =	sld [smem:$0x3FAE]  }
0x28: {  	s2 =	sld [smem:$0x3FAF]  }
0x29: {  	s4 =	sld [smem:$0x3FB1]  }
0x2a: {  	p0 =	seq.s32 s5, $0x0;
	s5 =	sld [smem:$0x3FB2]  }
0x2b: {  	s6 =	sld [smem:$0x3FB3]  }
0x2c: {  	s7 =	sld [smem:$0x3FB4]  }
0x2d: {  	s3 =	simm.s32 $0x108;
	s8 =	sld [smem:$0x3FB5]  }
0x2e: {  	s3 =	simm.s32 @!p0 $0x1082;
	s9 =	sld [smem:$0x3FB6]  }
0x2f: {  	lr =	sadd.s32 s0, s3;
	s0 =	sld [smem:$0x3FAD]  }
0x30: {  	s3 =	sld [smem:$0x3FB0]  }
0x31: {  	[smem:$0x3FB9] =	sst s10  }
0x32: {  	s10 =	sld [smem:$0x3FB7];
	_ =	sdelay $0x3  }
0x33: {  	p0 =	seq.s32 s10, $0x1;
	s10 =	sld [smem:$0x3FB9];
	_ =	sdelay $0x3  }
0x34: {  	[smem:$0x3FB9] =	sst s10  }
0x35: {  	s10 =	sld [smem:$0x3FB8];
	_ =	sdelay $0x3  }
0x36: {  	p1 =	seq.s32 s10, $0x1;
	s10 =	sld [smem:$0x3FB9];
	_ =	sdelay $0x3  }
0x37: {  	[smem:$0x3FB9] =	sst s10  }
0x38: {  	s10 =	sld [smem:$0x3FBA]  }
0x39: {  	_ = 	snop;
	(pc) =	sbr.ind lr, $3  }
0x3a: {  	_ = 	snop  }
0x3b: {  	_ = 	snop  }
0x3c: {  	p2 =	seq.s32 s10, $0x1;
	s10 =	sld [smem:$0x3FB9]  }
0x3d: {  	_ =	shalt  }
0x3e: {  	_ =	shalt  }
0x3f: {  	_ =	shalt  }
0x40: {  	_ =	shalt  }
0x41: {  	_ =	shalt  }
0x42: {  	_ =	shalt  }
0x43: {  	_ =	shalt  }
0x44: {  	_ =	shalt  }
0x45: {  	_ =	shalt  }
0x46: {  	_ =	shalt  }
0x47: {  	_ =	shalt  }
0x48: {  	_ =	shalt  }
0x49: {  	_ =	shalt  }
0x4a: {  	_ =	shalt  }
0x4b: {  	_ =	shalt  }
0x4c: {  	_ =	shalt  }
0x4d: {  	_ =	shalt  }
0x4e: {  	_ =	shalt  }
0x4f: {  	_ =	shalt  }
0x50: {  	_ =	shalt  }
0x51: {  	_ =	shalt  }
0x52: {  	_ =	shalt  }
0x53: {  	_ =	shalt  }
0x54: {  	_ =	shalt  }
0x55: {  	_ =	shalt  }
0x56: {  	_ =	shalt  }
0x57: {  	_ =	shalt  }
0x58: {  	_ =	shalt  }
0x59: {  	_ =	shalt  }
0x5a: {  	_ =	shalt  }
0x5b: {  	_ =	shalt  }
0x5c: {  	_ =	shalt  }
0x5d: {  	_ =	shalt  }
0x5e: {  	_ =	shalt  }
0x5f: {  	_ =	shalt  }
0x60: {  	_ =	shalt  }
0x61: {  	_ =	shalt  }
0x62: {  	_ =	shalt  }
0x63: {  	_ =	shalt  }
0x64: {  	_ =	shalt  }
0x65: {  	_ =	shalt  }
0x66: {  	_ =	shalt  }
0x67: {  	_ =	shalt  }
0x68: {  	_ =	shalt  }
0x69: {  	_ =	shalt  }
0x6a: {  	_ =	shalt  }
0x6b: {  	_ =	shalt  }
0x6c: {  	_ =	shalt  }
0x6d: {  	_ =	shalt  }
0x6e: {  	_ =	shalt  }
0x6f: {  	_ =	shalt  }
0x70: {  	_ =	shalt  }
0x71: {  	_ =	shalt  }
0x72: {  	_ =	shalt  }
0x73: {  	_ =	shalt  }
0x74: {  	_ =	shalt  }
0x75: {  	_ =	shalt  }
0x76: {  	_ =	shalt  }
0x77: {  	_ =	shalt  }
0x78: {  	_ =	shalt  }
0x79: {  	_ =	shalt  }
0x7a: {  	_ =	shalt  }
0x7b: {  	_ =	shalt  }
0x7c: {  	_ =	shalt  }
0x7d: {  	_ =	shalt  }
0x7e: {  	_ =	shalt  }
0x7f: {  	_ =	shalt  }
0x80: {  	_ =	shalt  }
0x81: {  	_ =	shalt  }
0x82: {  	_ =	shalt  }
0x83: {  	_ =	shalt  }
0x84: {  	_ =	shalt  }
0x85: {  	_ =	shalt  }
0x86: {  	_ =	shalt  }
0x87: {  	_ =	shalt  }
.Lfunc_end0:
.L_simem_size_0:
called_computation.2_lowered:
.L_overlay_start_0:
0x88: {  	s2 =	sld [smem:$0x3FD9]  }
0x89: {  	s3 =	sld [smem:$0x3FFE];
	_ =	sdelay $0x1  }
0x8a: {  	s1 =	srdreg.scid  }
0x8b: {  	s0 =	sand.u32 $0x1, s1  }
0x8c: {  	s16 =	sshll.u32 s0, $0xA;
	s2 =	sadd.s32 s3, s2  }
0x8d: {  	s2 =	sadd.s32 s2, s16  }
0x8e: {  	[smem:$0x3FC5] =	sst s2  }
0x8f: {  	_ = 	snop  }
0x90: {  	(tm) =	ssettm $0x1  }
0x91: {  	s17 =	sld [smem:$0x3FFB];
	_ =	sdelay $0x3  }
0x92: {  	_ =	strace s17  }
0x93: {  	s2 =	sld [smem:$0x3FFC];
	_ =	sdelay $0x3  }
0x94: {  	_ =	strace s2  }
0x95: {  	s2 =	sld [smem:$0x3FFD];
	_ =	sdelay $0x3  }
0x96: {  	_ =	strace s2  }
0x97: {  	_ =	strace $0x8FFFFFFF  }
0x98: {  	s18 =	sld [smem:$0x3FDB];
	_ =	sdelay $0x1  }
0x99: {  	s19 =	simm.s32 $_scs_section_size  }
0x9a: {  	s4 =	simm.s32 $_size__tile_overlayer_lowered;
	s5 =	simm.s32 $_tile_overlayer_lowered  }
0x9b: {  	s22 =	simm.s32 $0x1BFF;
	s21 =	sshll.u32 s5, $0x1;
	s2 =	sadd.s32 s19, s18  }
0x9c: {  	s6 =	simm.s32 $0x0;
	s20 =	sshll.u32 s4, $0x1;
	s4 =	sadd.s32 s21, s2  }
0x9d: {  	[timem:s6], [sflag:s22] =	dma.local [hbm:s4], s20  }
0x9e: {  	_ =	swait.ge [sflag:s22], s20  }
0x9f: {  	s3 =	ssub.s32 $0x0, s20;
	[sflag:s22] =	ssyncset.done $0x0  }
0xa0: {  	[sflag:s22] =	ssyncadd.s32 s3;
	_ =	sdelay $0x1  }
0xa1: {  	s23 =	simm.s32 $0x1B8B  }
0xa2: {  	_ =	swait.ge [sflag:s23], $0x1  }
0xa3: {  	[sflag:s23] =	ssyncset.done $0x0  }
0xa4: {  	s25 =	simm.s32 $0x1B8E;
	s24 =	sld [smem:$0x3FFE];
	[sflag:s23] =	ssyncadd.s32 $0xFFFFFFFF  }
0xa5: {  	s26 =	simm.s32 $execute0_lowered;
	[smem:$0x3FD2] =	sst s25  }
0xa6: {  	s4 =	sshll.u32 s26, $0x1;
	_ =	strace $0x8000004C;
	[dreg:$0x1] =	wrdreg $0xFFFFFFFF  }
0xa7: {  	s28 =	simm.s32 $_size_execute0_lowered;
	s2 =	sadd.s32 s2, s4;
	[dreg:$0x0] =	wrdreg $0x0  }
0xa8: {  	s4 =	sshll.u32 s28, $0x1;
	[dreg:$0x2] =	wrdreg s2  }
0xa9: {  	[dreg:$0x3] =	wrdreg s4  }
0xaa: {  	[dreg:$0x4] =	wrdreg $0xC0  }
0xab: {  	_ =	task [dreg:s6], $0x5FFFF  }
0xac: {  	[dreg:$0x1] =	wrdreg $0xFFFFFFFF  }
0xad: {  	[dreg:$0x0] =	wrdreg $0x60  }
0xae: {  	[dreg:$0x2] =	wrdreg s24  }
0xaf: {  	[dreg:$0x3] =	wrdreg $0xB8000  }
0xb0: {  	[dreg:$0x4] =	wrdreg $0x9  }
0xb1: {  	_ =	task.clear_ibuf [dreg:s6], $0x5FFFF;
	_ =	strace $0x9000004C  }
0xb2: {  	s29 =	simm.s32 $0x9;
	_ =	strace $0x8000004E  }
0xb3: {  	_ =	swait.ge [sflag:s29], $0x1  }
0xb4: {  	[sflag:s29] =	ssyncadd.s32 $0xFFFFFFFF  }
0xb5: {  	_ =	strace $0x9000004E  }
0xb6: {  	_ =	sfence  }
0xb7: {  	s30 =	sld [smem:$0x0];
	_ =	sdelay $0x2  }
0xb8: {  	s31 =	sshll.u32 s1, $0xD;
	s1 =	sshrl.u32 s1, $0x2  }
0xb9: {  	s3 =	sand.u32 $0x4000, s31;
	s1 =	sadd.s32 s1, s30  }
0xba: {  	s0 =	sor.u32 s3, s0;
	s1 =	sshll.u32 s1, $0x11  }
0xbb: {  	s0 =	sor.u32 s1, s0  }
0xbc: {  	s0 =	sadd.s32 $0x8F2B, s0  }
0xbd: {  	[sflag:s0] =	ssyncadd.remote.s32 $0x1  }
0xbe: {  	_ =	sfence.sel $0xFFFF  }
0xbf: {  	[dreg:$0x0] =	wrdreg $0xFFFFFFFF;
	(pc) =	sbr.abs _section_cstart, $3  }
0xc0: {  	[dreg:$0x1] =	wrdreg $0xFFFFFFFF  }
0xc1: {  	_ =	task.clear_ibuf [dreg:s6], $0x2FFFF;
	_ =	strace $0x9FFFFFFF  }
0xc2: {  	(tm) =	ssettm $0x7FFFFFFF  }
0xc3: {  	_ =	shalt  }
tec
execute0_lowered:
.L_overlay_start_1:
0x0: {  	(tag) =	ssettag $0x1  }
0x1: {  	s0 =	rddreg [dreg:$0x0]  }
0x2: {  	s2 =	rddreg [dreg:$0x1]  }
0x3: {  	s3 =	simm.s32 $0x0;
	s10 =	stileid.u32;
	s4 =	srdreg.scid  }
0x4: {  	s14 =	simm.s32 $0x2;
	s15 =	simm.s32 $0x7800;
	s16 =	simm.s32 $0x80  }
0x5: {  	s17 =	simm.s32 $0x4F00;
	s18 =	simm.s32 $0x1;
	s19 =	simm.s32 $0x4F80  }
0x6: {  	s20 =	simm.s32 $0x5000;
	s22 =	simm.s32 $0x0;
	[smem:$0x7FF] =	sst s3  }
0x7: {  	s1 =	smul.u32 $0x13C00, s10;
	s6 =	sand.u32 $0x1, s4;
	s8 =	sshll.u32 s10, $0x1  }
0x8: {  	s4 =	sadd.s32 $0x15A00, s0;
	s28 =	smul.u32 $0x4F000, s10;
	s31 =	sshll.u32 s10, $0x6  }
0x9: {  	_ =	strace $0x8000004D;
	s7 =	smul.u32 $0x13C000, s6;
	s8 =	sor.u32 s6, s8  }
0xa: {  	s6 =	ssub.s32 $0x2, s6;
	s5 =	sshrl.u32 s1, $0x3;
	s26 =	smul.u32 $0x4F0, s8  }
0xb: {  	s29 =	sshrl.u32 s6, $0x1;
	s30 =	sshrl.u32 s28, $0x2;
	s9 =	sadd.s32 s5, s0  }
0xc: {  	s5 =	sadd.s32 $0x16000, s0;
	s1 =	sadd.s32 s1, s7;
	s12 =	ssub.s32 s6, s29  }
0xd: {  	s13 =	sadd.s32 s30, s2;
	s7 =	sor.u32 $0x1C02, s31;
	s1 =	sshrl.u32 s1, $0x3  }
0xe: {  	s6 =	sadd.s32 $0x16800, s9;
	s1 =	sadd.s32 s1, s0;
	s0 =	sadd.s32 s26, s0  }
0xf: {  	v0 =	vlaneseq.u32;
	s12 =	smax.u32 s12, $0x1;
	s13 =	sshrl.u32 s13, $0x3;
	s8 =	sadd.s32 $0xBC00, s0  }
0x10: {  	v0 =	vor.u32 $0x2710, v0;
	s9 =	sadd.s32 $0x1E00, s0;
	s10 =	sadd.s32 $0x3E000, s1;
	s11 =	sadd.s32 $0x8D000, s0  }
.LBB2_1:
0x11: {  	[spmem:s13], [sflag:s7] =	dma.local [hbm:s6], $0x2780  }
0x12: {  	_ =	swait.ge [sflag:s14], $0x2780  }
0x13: {  	[sflag:s14] =	ssyncset.done $0x0  }
0x14: {  	[sflag:s14] =	ssyncadd.s32 $0xFFFFD880  }
0x15: {  	[tilespmem:s3], [sflag:$0x2] =	stream.linear.gather [hbm4b:s8+s3], $0x2780, $0x38;
	[tilespmem:$0x1F400] =	vst v63  }
0x16: {  	_ =	swait.ge [sflag:s14], $0x2780  }
0x17: {  	[sflag:s14] =	ssyncset.done $0x0  }
0x18: {  	s23 =	simm.s32 $0x2780;
	[sflag:s14] =	ssyncadd.s32 $0xFFFFD880  }
0x19: {  	[tilespmem:s23], [sflag:$0x2] =	stream.linear.gather [hbm4b:s9+s3], $0x2780, $0x38;
	[tilespmem:$0x1F400] =	vst v63  }
0x1a: {  	_ =	swait.ge [sflag:s14], $0x2780  }
0x1b: {  	[sflag:s14] =	ssyncset.done $0x0  }
0x1c: {  	[sflag:s14] =	ssyncadd.s32 $0xFFFFD880  }
0x1d: {  	[tilespmem:s15], [sflag:$0x2] =	stream.linear.gather [hbm4b:s5+s3], $0x4000, $0x38;
	[tilespmem:$0x1F400] =	vst v63  }
0x1e: {  	_ =	swait.ge [sflag:s14], $0x4000  }
0x1f: {  	[sflag:s14] =	ssyncset.done $0x0  }
0x20: {  	s24 =	simm.s32 $0x5080;
	s25 =	simm.s32 $0x0;
	[sflag:s14] =	ssyncadd.s32 $0xFFFFC000  }
0x21: {  	s26 =	simm.s32 $0x0;
	s28 =	simm.s32 $0x0;
	[bflag:$0x0] =	sbarrier.arrive $0xFFFF  }
.LBB2_2:
0x22: {  	s0 =	sshll.u32 s28, $0x7  }
0x23: {  	[tilespmem:s17], [sflag:$0x1] =	stream.indirect.gather [hbm4b:s4+s16], $0x1, s0, s16, $0xb8;
	[tilespmem:$0x1F400] =	vst v63  }
0x24: {  	_ =	swait.ge [sflag:s18], $0x80  }
0x25: {  	[sflag:s18] =	ssyncset.done $0x0  }
0x26: {  	v2 =	vmov s23;
	s0 =	sadd.s32 $0x2780, s0;
	[sflag:s18] =	ssyncadd.s32 $0xFFFFFF80  }
0x27: {  	[tilespmem:s19], [sflag:$0x1] =	stream.indirect.gather [hbm4b:s4+s16], $0x1, s0, s16, $0xb8;
	[tilespmem:$0x1F400] =	vst v63  }
0x28: {  	_ =	swait.ge [sflag:s18], $0x80  }
0x29: {  	v3 =	vmov s25;
	[sflag:s18] =	ssyncset.done $0x0  }
0x2a: {  	s21 =	simm.s32 $0x0;
	[sflag:s18] =	ssyncadd.s32 $0xFFFFFF80  }
0x2b: {  	s1 =	smulhi.u32 $0x24924925, s28;
	v4 =	vld.idx.msk [tilespmem:v2+s21+$0x0 ss:$0x1], $0xffff  }
0x2c: {  	v5 =	vld [tilespmem:s21+$0x4F80]  }
0x2d: {  	s29 =	ssub.s32 s28, s1;
	v6 =	vld [tilespmem:s21+$0x4F00]  }
0x2e: {  	s29 =	sshrl.u32 s29, $0x1;
	v7 =	vld.idx.msk [tilespmem:v3+s21+$0x0 ss:$0x1], $0xffff  }
0x2f: {  	s1 =	sadd.s32 s1, s29  }
0x30: {  	s1 =	sshrl.u32 s1, $0x2  }
0x31: {  	s1 =	smul.u32 $0x70, s1  }
0x32: {  	v1 =	vmov s24;
	vm0 =	vgt.s32 v6, $0x0;
	vm1 =	vgt.s32 v5, $0x0  }
0x33: {  	s1 =	ssub.s32 s26, s1;
	vm2 =	vne.s32 v7, v4;
	vm0 =	vmand vm0, vm1  }
0x34: {  	v5 =	vadd.s32 s1, v0;
	vm0 =	vmand vm0, vm2  }
0x35: {  	v6 =	vsel vm0, v7, v5  }
0x36: {  	v4 =	vsel vm0, v4, v5;
	[tilespmem:s21+$0x5000] =	vst v6  }
0x37: {  	s29 =	simm.s32 $0x10;
	[tilespmem:v1+s21+$0x0 ss:$0x1] =	vst.idx.msk $0xffff, v4  }
0x38: {  	s31 =	sadd.s32 $0x1, s28;
	v4 =	vld.idx.msk [tilespmem:v2+s29+$0x0 ss:$0x1], $0xffff  }
0x39: {  	s1 =	smulhi.u32 $0x24924925, s31;
	v5 =	vld.idx.msk [tilespmem:v3+s29+$0x0 ss:$0x1], $0xffff  }
0x3a: {  	s30 =	smov.u32 s26;
	s0 =	simm.s32 $0x80;
	v6 =	vld [tilespmem:s29+$0x4F80]  }
.LBB2_3:
0x3b: {  	p0 =	sne.s32 s0, $0x1C0;
	s21 =	ssub.s32 s31, s1;
	v7 =	vld [tilespmem:s29+$0x4F00]  }
0x3c: {  	s21 =	sshrl.u32 s21, $0x1  }
0x3d: {  	s1 =	sadd.s32 s1, s21  }
0x3e: {  	s1 =	sshrl.u32 s1, $0x2  }
0x3f: {  	s1 =	smul.u32 $0x70, s1  }
0x40: {  	s30 =	sadd.s32 $0x10, s30;
	vm1 =	vgt.s32 v6, $0x0;
	vm0 =	vgt.s32 v7, $0x0  }
0x41: {  	vm2 =	vne.s32 v5, v4;
	s1 =	ssub.s32 s30, s1;
	vm0 =	vmand vm0, vm1  }
0x42: {  	vm0 =	vmand vm0, vm2;
	v6 =	vadd.s32 s1, v0  }
0x43: {  	v5 =	vsel vm0, v5, v6  }
.Ltmp0:
0x44: {  	v4 =	vsel vm0, v4, v6;
	[tilespmem:s29+$0x5000] =	vst v5;
	(pc) =	sbr.rel @p0 .LBB2_3-.Ltmp0, $4  }
0x45: {  	[tilespmem:v1+s29+$0x0 ss:$0x1] =	vst.idx.msk $0xffff, v4;
	s29 =	sshra.s32 s0, $0x2  }
0x46: {  	s31 =	sadd.s32 $0x1, s31;
	v4 =	vld.idx.msk [tilespmem:v2+s29+$0x0 ss:$0x1], $0xffff  }
0x47: {  	s1 =	smulhi.u32 $0x24924925, s31;
	v5 =	vld.idx.msk [tilespmem:v3+s29+$0x0 ss:$0x1], $0xffff  }
0x48: {  	s0 =	sadd.s32 $0x40, s0;
	v6 =	vld [tilespmem:s29+$0x4F80]  }
0x49: {  	s0 =	ssub.s32 s31, s1;
	v2 =	vld [tilespmem:s29+$0x4F00]  }
0x4a: {  	s0 =	sshrl.u32 s0, $0x1  }
0x4b: {  	s0 =	sadd.s32 s1, s0  }
0x4c: {  	s0 =	sshrl.u32 s0, $0x2  }
0x4d: {  	s0 =	smul.u32 $0x70, s0  }
0x4e: {  	s31 =	sadd.s32 $0x10, s30;
	vm1 =	vgt.s32 v6, $0x0;
	vm0 =	vgt.s32 v2, $0x0  }
0x4f: {  	vm2 =	vne.s32 v5, v4;
	s0 =	ssub.s32 s31, s0;
	vm0 =	vmand vm0, vm1  }
0x50: {  	vm0 =	vmand vm0, vm2;
	v2 =	vadd.s32 s0, v0  }
0x51: {  	s28 =	sadd.s32 $0x1, s28;
	v3 =	vsel vm0, v5, v2  }
0x52: {  	p0 =	sne.s32 s28, $0x4F;
	v2 =	vsel vm0, v4, v2;
	[tilespmem:s29+$0x5000] =	vst v3  }
.Ltmp1:
0x53: {  	[tilespmem:v1+s29+$0x0 ss:$0x1] =	vst.idx.msk $0xffff, v2;
	(pc) =	sbr.rel @p0 .LBB2_2-.Ltmp1, $4  }
0x54: {  	[spmem:s2] =	stream.indirect.scatter.add.f32 [tilespmem:s15], [sflag:$0x2], $0x80, s20, s16, $0xb8;
	[tilespmem:$0x1F400] =	vst v63  }
0x55: {  	_ =	swait.ge [sflag:s14], $0x4000  }
0x56: {  	s26 =	sadd.s32 $0x10, s26;
	s25 =	sadd.s32 $0x80, s25;
	[sflag:s14] =	ssyncset.done $0x0  }
0x57: {  	s23 =	sadd.s32 $0x80, s23;
	s24 =	sadd.s32 $0x80, s24;
	[sflag:s14] =	ssyncadd.s32 $0xFFFFC000  }
0x58: {  	[bflag:$0x0] =	sbarrier.arrive $0xFFFF  }
0x59: {  	[hbm:s10], [sflag:s7] =	dma.local [spmem:s13], $0x2780  }
0x5a: {  	s22 =	sadd.s32 $0x1, s22;
	_ =	swait.ge [sflag:s14], $0x2780  }
0x5b: {  	p0 =	sne.s32 s22, s12;
	[sflag:s14] =	ssyncset.done $0x0  }
.Ltmp2:
0x5c: {  	s0 =	simm.s32 $0x5080;
	[sflag:s14] =	ssyncadd.s32 $0xFFFFD880;
	(pc) =	sbr.rel @p0 .LBB2_1-.Ltmp2, $4  }
0x5d: {  	[hbm4b:s11+s3] =	stream.linear.scatter [tilespmem:s0], [sflag:$0x2], $0x2780, $0x38;
	[tilespmem:$0x1F400] =	vst v63  }
0x5e: {  	_ =	swait.ge [sflag:s14], $0x2780  }
0x5f: {  	[sflag:s14] =	ssyncset.done $0x0  }
0x60: {  	[sflag:s14] =	ssyncadd.s32 $0xFFFFD880  }
0x61: {  	_ =	sfence.sel $0x180000  }
0x62: {  	[bflag:$0x0] =	sbarrier.arrive $0xFFFF  }
0x63: {  	_ =	strace $0x9000004D  }
0x64: {  	s0 =	stileid.u32;
	[bflag:$0x2] =	sbarrier.arrive $0xFFFF  }
0x65: {  	p0 =	sne.s32 s0, $0x0;
	s0 =	rddreg [dreg:$0x2]  }
0x66: {  	s0 =	sadd.s32 @!p0 $0x100000, s0  }
0x67: {  	[sflag:s0] =	ssyncadd.tile.s32 @!p0 $0x1;
	_ =	shalt  }
.Lfunc_end2:
_tile_overlayer_lowered:
.L_overlay_start_2:
0x68: {  	(tag) =	ssettag $0x2  }
0x69: {  	s0 =	rddreg [dreg:$0x0];
	s2 =	stileid.u32  }
0x6a: {  	s1 =	rddreg [dreg:$0x1];
	p0 =	sne.s32 s2, $0x0  }
0x6b: {  	s3 =	rddreg [dreg:$0x2];
	[bflag:$0x3] =	sbarrier.arrive $0xFFFF;
	s2 =	simm.s32 @!p0 $0x1C02  }
0x6c: {  	[timem:s3], [sflag:s2] =	dma.local @!p0 [hbm:s0], s1  }
0x6d: {  	s0 =	simm.s32 @!p0 $0x2  }
0x6e: {  	_ =	swait.ge @!p0 [sflag:s0], s1  }
0x6f: {  	s1 =	ssub.s32 @!p0 $0x0, s1;
	[sflag:s0] =	ssyncset.done @!p0 $0x0  }
0x70: {  	[sflag:s0] =	ssyncadd.s32 @!p0 s1  }
0x71: {  	[bflag:$0x3] =	sbarrier.arrive $0xFFFF  }
0x72: {  	_ =	shalt  }

// kernel: kernel.23.cloned.1.call-start
scs
__scs_entry_jumppad:
0x0: {  	(pc) =	sbr.rel $0x88, $3  }
0x1: {  	(tag) =	ssettag $0x0;
	lr =	simm.s32 $0x1  }
0x2: {  	[smem:$0x3F9E] =	sst lr;
	_ =	strace $0xD0000000  }
0x3: {  	_ = 	snop  }
0x4: {  	_ = 	snop  }
0x5: {  	_ = 	snop  }
0x6: {  	_ = 	snop  }
0x7: {  	_ = 	snop  }
__scs_overlays_trampoline_lowered:
0x8: {  	[smem:$0x3FAD] =	sst s0  }
0x9: {  	[smem:$0x3FAE] =	sst s1  }
0xa: {  	[smem:$0x3FAF] =	sst s2  }
0xb: {  	[smem:$0x3FB0] =	sst s3  }
0xc: {  	[smem:$0x3FB1] =	sst s4  }
0xd: {  	[smem:$0x3FB2] =	sst s5  }
0xe: {  	[smem:$0x3FB3] =	sst s6  }
0xf: {  	[smem:$0x3FB4] =	sst s7  }
0x10: {  	[smem:$0x3FB5] =	sst s8  }
0x11: {  	[smem:$0x3FB6] =	sst s9;
	s0 =	simm.s32 @!p0 $0x0  }
0x12: {  	s1 =	sld [smem:$0x3F9C];
	s0 =	simm.s32 @p0 $0x1  }
0x13: {  	[smem:$0x3FB7] =	sst s0;
	s0 =	simm.s32 @!p1 $0x0  }
0x14: {  	s2 =	sld [smem:$0x3F9B];
	s0 =	simm.s32 @p1 $0x1  }
0x15: {  	[smem:$0x3FB8] =	sst s0;
	s0 =	simm.s32 @!p2 $0x0  }
0x16: {  	s3 =	sld [smem:$0x3FDB];
	s0 =	simm.s32 @p2 $0x1  }
0x17: {  	s4 =	simm.s32 $0x1BF5;
	[smem:$0x3FBA] =	sst s0  }
0x18: {  	s0 =	sld [smem:$0x3F9D];
	_ =	swait.ge [sflag:s4], $0x0  }
0x19: {  	s7 =	sld [smem:$0x3F9E]  }
0x1a: {  	s8 =	sadd.s32 $0xFFFFE003, lr  }
0x1b: {  	s9 =	sadd.s32 $0xFFFFFEF7, lr;
	s5 =	simm.s32 $0xFFFFFFFF;
	p2 =	slt.u32 s8, $0xFFFFF086  }
0x1c: {  	p1 =	slt.u32 s9, $0xF7A;
	s5 =	simm.s32 @!p2 $0x0  }
0x1d: {  	s5 =	simm.s32 @p1 $0x1;
	p0 =	seq.s32 s7, s2  }
0x1e: {  	s7 =	smul.u32 @!p0 $0xF7A, s2;
	p2 =	seq.s32 @!p0 s5, $0x0  }
0x1f: {  	s9 =	smul.u32 $0xF7A, s1;
	s8 =	simm.s32 @!p0 $0x1BF5;
	p2 =	por !p2, p0  }
0x20: {  	[sflag:s8] =	ssyncset.s32 @!p0 $0xFFFFF086;
	s6 =	sadd.s32 @!p0 s3, s7;
	s7 =	simm.s32 @!p0 $0x108  }
0x21: {  	s3 =	sadd.s32 s3, s9;
	s6 =	sadd.s32 @!p0 $0x88, s6;
	s7 =	simm.s32 @p2 $0x1082  }
0x22: {  	[simem:s7], [sflag:s8] =	dma.local @!p0 [hbm:s6], $0xF7A  }
0x23: {  	s9 =	sor.u32 $0xD0000000, s2;
	s6 =	simm.s32 $0x108;
	_ =	swait.ge @!p0 [sflag:s8], $0x0  }
0x24: {  	s3 =	sadd.s32 $0x88, s3;
	s6 =	simm.s32 @!p1 $0x1082;
	[sflag:s4] =	ssyncset.s32 $0xFFFFF086  }
0x25: {  	[simem:s6], [sflag:s4] =	dma.local [hbm:s3], $0xF7A  }
0x26: {  	[smem:$0x3F9E] =	sst s1;
	(tag) =	ssettag s2;
	_ =	strace s9  }
0x27: {  	s1 =	sld [smem:$0x3FAE]  }
0x28: {  	s2 =	sld [smem:$0x3FAF]  }
0x29: {  	s4 =	sld [smem:$0x3FB1]  }
0x2a: {  	p0 =	seq.s32 s5, $0x0;
	s5 =	sld [smem:$0x3FB2]  }
0x2b: {  	s6 =	sld [smem:$0x3FB3]  }
0x2c: {  	s7 =	sld [smem:$0x3FB4]  }
0x2d: {  	s3 =	simm.s32 $0x108;
	s8 =	sld [smem:$0x3FB5]  }
0x2e: {  	s3 =	simm.s32 @!p0 $0x1082;
	s9 =	sld [smem:$0x3FB6]  }
0x2f: {  	lr =	sadd.s32 s0, s3;
	s0 =	sld [smem:$0x3FAD]  }
0x30: {  	s3 =	sld [smem:$0x3FB0]  }
0x31: {  	[smem:$0x3FB9] =	sst s10  }
0x32: {  	s10 =	sld [smem:$0x3FB7];
	_ =	sdelay $0x3  }
0x33: {  	p0 =	seq.s32 s10, $0x1;
	s10 =	sld [smem:$0x3FB9];
	_ =	sdelay $0x3  }
0x34: {  	[smem:$0x3FB9] =	sst s10  }
0x35: {  	s10 =	sld [smem:$0x3FB8];
	_ =	sdelay $0x3  }
0x36: {  	p1 =	seq.s32 s10, $0x1;
	s10 =	sld [smem:$0x3FB9];
	_ =	sdelay $0x3  }
0x37: {  	[smem:$0x3FB9] =	sst s10  }
0x38: {  	s10 =	sld [smem:$0x3FBA]  }
0x39: {  	_ = 	snop;
	(pc) =	sbr.ind lr, $3  }
0x3a: {  	_ = 	snop  }
0x3b: {  	_ = 	snop  }
0x3c: {  	p2 =	seq.s32 s10, $0x1;
	s10 =	sld [smem:$0x3FB9]  }
0x3d: {  	_ =	shalt  }
0x3e: {  	_ =	shalt  }
0x3f: {  	_ =	shalt  }
0x40: {  	_ =	shalt  }
0x41: {  	_ =	shalt  }
0x42: {  	_ =	shalt  }
0x43: {  	_ =	shalt  }
0x44: {  	_ =	shalt  }
0x45: {  	_ =	shalt  }
0x46: {  	_ =	shalt  }
0x47: {  	_ =	shalt  }
0x48: {  	_ =	shalt  }
0x49: {  	_ =	shalt  }
0x4a: {  	_ =	shalt  }
0x4b: {  	_ =	shalt  }
0x4c: {  	_ =	shalt  }
0x4d: {  	_ =	shalt  }
0x4e: {  	_ =	shalt  }
0x4f: {  	_ =	shalt  }
0x50: {  	_ =	shalt  }
0x51: {  	_ =	shalt  }
0x52: {  	_ =	shalt  }
0x53: {  	_ =	shalt  }
0x54: {  	_ =	shalt  }
0x55: {  	_ =	shalt  }
0x56: {  	_ =	shalt  }
0x57: {  	_ =	shalt  }
0x58: {  	_ =	shalt  }
0x59: {  	_ =	shalt  }
0x5a: {  	_ =	shalt  }
0x5b: {  	_ =	shalt  }
0x5c: {  	_ =	shalt  }
0x5d: {  	_ =	shalt  }
0x5e: {  	_ =	shalt  }
0x5f: {  	_ =	shalt  }
0x60: {  	_ =	shalt  }
0x61: {  	_ =	shalt  }
0x62: {  	_ =	shalt  }
0x63: {  	_ =	shalt  }
0x64: {  	_ =	shalt  }
0x65: {  	_ =	shalt  }
0x66: {  	_ =	shalt  }
0x67: {  	_ =	shalt  }
0x68: {  	_ =	shalt  }
0x69: {  	_ =	shalt  }
0x6a: {  	_ =	shalt  }
0x6b: {  	_ =	shalt  }
0x6c: {  	_ =	shalt  }
0x6d: {  	_ =	shalt  }
0x6e: {  	_ =	shalt  }
0x6f: {  	_ =	shalt  }
0x70: {  	_ =	shalt  }
0x71: {  	_ =	shalt  }
0x72: {  	_ =	shalt  }
0x73: {  	_ =	shalt  }
0x74: {  	_ =	shalt  }
0x75: {  	_ =	shalt  }
0x76: {  	_ =	shalt  }
0x77: {  	_ =	shalt  }
0x78: {  	_ =	shalt  }
0x79: {  	_ =	shalt  }
0x7a: {  	_ =	shalt  }
0x7b: {  	_ =	shalt  }
0x7c: {  	_ =	shalt  }
0x7d: {  	_ =	shalt  }
0x7e: {  	_ =	shalt  }
0x7f: {  	_ =	shalt  }
0x80: {  	_ =	shalt  }
0x81: {  	_ =	shalt  }
0x82: {  	_ =	shalt  }
0x83: {  	_ =	shalt  }
0x84: {  	_ =	shalt  }
0x85: {  	_ =	shalt  }
0x86: {  	_ =	shalt  }
0x87: {  	_ =	shalt  }
.Lfunc_end0:
.L_simem_size_0:
called_computation.3_lowered:
.L_overlay_start_0:
0x88: {  	s2 =	sld [smem:$0x3FD9]  }
0x89: {  	s3 =	sld [smem:$0x3FFE];
	_ =	sdelay $0x1  }
0x8a: {  	s1 =	srdreg.scid  }
0x8b: {  	s0 =	sand.u32 $0x1, s1  }
0x8c: {  	s16 =	sshll.u32 s0, $0xA;
	s2 =	sadd.s32 s3, s2  }
0x8d: {  	s2 =	sadd.s32 s2, s16  }
0x8e: {  	[smem:$0x3FC5] =	sst s2  }
0x8f: {  	_ = 	snop  }
0x90: {  	(tm) =	ssettm $0x1  }
0x91: {  	s17 =	sld [smem:$0x3FFB];
	_ =	sdelay $0x3  }
0x92: {  	_ =	strace s17  }
0x93: {  	s2 =	sld [smem:$0x3FFC];
	_ =	sdelay $0x3  }
0x94: {  	_ =	strace s2  }
0x95: {  	s2 =	sld [smem:$0x3FFD];
	_ =	sdelay $0x3  }
0x96: {  	_ =	strace s2  }
0x97: {  	_ =	strace $0x8FFFFFFF  }
0x98: {  	s18 =	sld [smem:$0x3FDB];
	_ =	sdelay $0x1  }
0x99: {  	s19 =	simm.s32 $_scs_section_size  }
0x9a: {  	s4 =	simm.s32 $_size__tile_overlayer_lowered;
	s5 =	simm.s32 $_tile_overlayer_lowered  }
0x9b: {  	s22 =	simm.s32 $0x1BFF;
	s21 =	sshll.u32 s5, $0x1;
	s2 =	sadd.s32 s19, s18  }
0x9c: {  	s6 =	simm.s32 $0x0;
	s20 =	sshll.u32 s4, $0x1;
	s4 =	sadd.s32 s21, s2  }
0x9d: {  	[timem:s6], [sflag:s22] =	dma.local [hbm:s4], s20  }
0x9e: {  	_ =	swait.ge [sflag:s22], s20  }
0x9f: {  	s3 =	ssub.s32 $0x0, s20;
	[sflag:s22] =	ssyncset.done $0x0  }
0xa0: {  	[sflag:s22] =	ssyncadd.s32 s3;
	_ =	sdelay $0x1  }
0xa1: {  	s23 =	simm.s32 $0x1B8B  }
0xa2: {  	_ =	swait.ge [sflag:s23], $0x1  }
0xa3: {  	[sflag:s23] =	ssyncset.done $0x0  }
0xa4: {  	s25 =	simm.s32 $0x1B8E;
	s24 =	sld [smem:$0x3FFE];
	[sflag:s23] =	ssyncadd.s32 $0xFFFFFFFF  }
0xa5: {  	s26 =	simm.s32 $execute0_lowered;
	[smem:$0x3FD2] =	sst s25  }
0xa6: {  	s4 =	sshll.u32 s26, $0x1;
	_ =	strace $0x8000004F;
	[dreg:$0x1] =	wrdreg $0xFFFFFFFF  }
0xa7: {  	s28 =	simm.s32 $_size_execute0_lowered;
	s2 =	sadd.s32 s2, s4;
	[dreg:$0x0] =	wrdreg $0x0  }
0xa8: {  	s4 =	sshll.u32 s28, $0x1;
	[dreg:$0x2] =	wrdreg s2  }
0xa9: {  	[dreg:$0x3] =	wrdreg s4  }
0xaa: {  	[dreg:$0x4] =	wrdreg $0xC0  }
0xab: {  	_ =	task [dreg:s6], $0x5FFFF  }
0xac: {  	[dreg:$0x1] =	wrdreg $0xFFFFFFFF  }
0xad: {  	[dreg:$0x0] =	wrdreg $0x60  }
0xae: {  	[dreg:$0x2] =	wrdreg s24  }
0xaf: {  	[dreg:$0x3] =	wrdreg $0x8F800  }
0xb0: {  	[dreg:$0x4] =	wrdreg $0x9  }
0xb1: {  	_ =	task.clear_ibuf [dreg:s6], $0x5FFFF;
	_ =	strace $0x9000004F  }
0xb2: {  	s29 =	simm.s32 $0x9;
	_ =	strace $0x80000051  }
0xb3: {  	_ =	swait.ge [sflag:s29], $0x1  }
0xb4: {  	[sflag:s29] =	ssyncadd.s32 $0xFFFFFFFF  }
0xb5: {  	_ =	strace $0x90000051  }
0xb6: {  	_ =	sfence  }
0xb7: {  	s30 =	sld [smem:$0x0];
	_ =	sdelay $0x2  }
0xb8: {  	s31 =	sshll.u32 s1, $0xD;
	s1 =	sshrl.u32 s1, $0x2  }
0xb9: {  	s3 =	sand.u32 $0x4000, s31;
	s1 =	sadd.s32 s1, s30  }
0xba: {  	s0 =	sor.u32 s3, s0;
	s1 =	sshll.u32 s1, $0x11  }
0xbb: {  	s0 =	sor.u32 s1, s0  }
0xbc: {  	s0 =	sadd.s32 $0x8F2B, s0  }
0xbd: {  	[sflag:s0] =	ssyncadd.remote.s32 $0x1  }
0xbe: {  	_ =	sfence.sel $0xFFFF  }
0xbf: {  	[dreg:$0x0] =	wrdreg $0xFFFFFFFF;
	(pc) =	sbr.abs _section_cstart, $3  }
0xc0: {  	[dreg:$0x1] =	wrdreg $0xFFFFFFFF  }
0xc1: {  	_ =	task.clear_ibuf [dreg:s6], $0x2FFFF;
	_ =	strace $0x9FFFFFFF  }
0xc2: {  	(tm) =	ssettm $0x7FFFFFFF  }
0xc3: {  	_ =	shalt  }
tec
execute0_lowered:
.L_overlay_start_1:
0x0: {  	(tag) =	ssettag $0x1  }
0x1: {  	s1 =	srdreg.scid  }
0x2: {  	s0 =	stileid.u32;
	s6 =	rddreg [dreg:$0x0]  }
0x3: {  	s2 =	rddreg [dreg:$0x1];
	s3 =	simm.s32 $0x0;
	s14 =	simm.s32 $0x80  }
0x4: {  	s15 =	simm.s32 $0x4F80;
	s16 =	simm.s32 $0x1;
	s17 =	simm.s32 $0x4F00  }
0x5: {  	s18 =	simm.s32 $0x0;
	s5 =	sand.u32 $0x1, s1;
	s8 =	smul.u32 $0x13C00, s0  }
0x6: {  	s25 =	sshll.u32 s0, $0x1;
	[smem:$0x7FF] =	sst s3;
	s28 =	smul.u32 $0x4F000, s0  }
0x7: {  	s4 =	sadd.s32 $0x3E000, s6;
	s1 =	sor.u32 s5, s25;
	s9 =	smul.u32 $0x13C000, s5  }
0x8: {  	s31 =	sshll.u32 s0, $0x6;
	s5 =	ssub.s32 $0x2, s5;
	s7 =	smul.u32 $0x4F0, s1  }
0x9: {  	s1 =	rddreg [dreg:$0x2];
	_ =	strace $0x80000050;
	s26 =	sshrl.u32 s8, $0x3  }
0xa: {  	s29 =	sshrl.u32 s5, $0x1;
	s30 =	sshrl.u32 s28, $0x2;
	s8 =	sadd.s32 s8, s9  }
0xb: {  	s12 =	ssub.s32 s5, s29;
	s13 =	sadd.s32 s30, s2;
	s8 =	sshrl.u32 s8, $0x3  }
0xc: {  	s10 =	sadd.s32 s7, s6;
	s7 =	sadd.s32 s26, s6;
	s11 =	sadd.s32 s8, s6  }
0xd: {  	s5 =	sadd.s32 $0x16800, s7;
	s6 =	sor.u32 $0x1C02, s31;
	s7 =	sadd.s32 $0xBC00, s10  }
0xe: {  	s8 =	sadd.s32 $0x8D000, s10;
	s10 =	smax.u32 s12, $0x1;
	s12 =	simm.s32 $0x2  }
0xf: {  	s9 =	sadd.s32 $0x96E00, s11;
	s11 =	sshrl.u32 s13, $0x3;
	s13 =	simm.s32 $0x2780  }
.LBB2_1:
0x10: {  	[spmem:s11], [sflag:s6] =	dma.local [hbm:s5], $0x2780  }
0x11: {  	_ =	swait.ge [sflag:s12], $0x2780  }
0x12: {  	[sflag:s12] =	ssyncset.done $0x0  }
0x13: {  	[sflag:s12] =	ssyncadd.s32 $0xFFFFD880  }
0x14: {  	[tilespmem:s3], [sflag:$0x2] =	stream.linear.gather [hbm4b:s7+s3], $0x2780, $0x38;
	[tilespmem:$0x1CB80] =	vst v63  }
0x15: {  	_ =	swait.ge [sflag:s12], $0x2780  }
0x16: {  	[sflag:s12] =	ssyncset.done $0x0  }
0x17: {  	[sflag:s12] =	ssyncadd.s32 $0xFFFFD880  }
0x18: {  	[tilespmem:s13], [sflag:$0x2] =	stream.linear.gather [hbm4b:s8+s3], $0x2780, $0x38;
	[tilespmem:$0x1CB80] =	vst v63  }
0x19: {  	_ =	swait.ge [sflag:s12], $0x2780  }
0x1a: {  	[sflag:s12] =	ssyncset.done $0x0  }
0x1b: {  	[sflag:s12] =	ssyncadd.s32 $0xFFFFD880  }
0x1c: {  	s19 =	simm.s32 $0x0;
	[bflag:$0x0] =	sbarrier.arrive $0xFFFF  }
0x1d: {  	[tilespmem:s15], [sflag:$0x1] =	stream.indirect.gather [hbm4b:s4+s14], $0x80, s19, s14, $0xb8;
	[tilespmem:$0x1CB80] =	vst v63  }
0x1e: {  	_ =	swait.ge [sflag:s16], $0x4000  }
0x1f: {  	[sflag:s16] =	ssyncset.done $0x0  }
0x20: {  	[sflag:s16] =	ssyncadd.s32 $0xFFFFC000  }
0x21: {  	v0 =	vld [tilespmem:s19+$0x2780];
	_ =	sdelay $0x4  }
0x22: {  	[tilespmem:$0x4F00] =	vst v0  }
0x23: {  	v0 =	vld [tilespmem:s19+$0x2790];
	_ =	sdelay $0x4  }
0x24: {  	[tilespmem:$0x4F10] =	vst v0  }
0x25: {  	v0 =	vld [tilespmem:s19+$0x27A0];
	_ =	sdelay $0x4  }
0x26: {  	[tilespmem:$0x4F20] =	vst v0  }
0x27: {  	v0 =	vld [tilespmem:s19+$0x27B0];
	_ =	sdelay $0x4  }
0x28: {  	[tilespmem:$0x4F30] =	vst v0  }
0x29: {  	v0 =	vld [tilespmem:s19+$0x27C0];
	_ =	sdelay $0x4  }
0x2a: {  	[tilespmem:$0x4F40] =	vst v0  }
0x2b: {  	v0 =	vld [tilespmem:s19+$0x27D0];
	_ =	sdelay $0x4  }
0x2c: {  	[tilespmem:$0x4F50] =	vst v0  }
0x2d: {  	v0 =	vld [tilespmem:s19+$0x27E0];
	_ =	sdelay $0x4  }
0x2e: {  	[tilespmem:$0x4F60] =	vst v0  }
0x2f: {  	v0 =	vld [tilespmem:s19+$0x27F0];
	_ =	sdelay $0x4  }
0x30: {  	[tilespmem:$0x4F70] =	vst v0  }
0x31: {  	[spmem:s2] =	stream.indirect.scatter.add.f32 [tilespmem:s15], [sflag:$0x2], $0x80, s17, s14, $0xb8;
	[tilespmem:$0x1CB80] =	vst v63  }
0x32: {  	_ =	swait.ge [sflag:s12], $0x4000  }
0x33: {  	s22 =	simm.s32 $0x400;
	s19 =	simm.s32 $0x200;
	[sflag:s12] =	ssyncset.done $0x0  }
.LBB2_2:
0x34: {  	s21 =	sshra.s32 s19, $0x2  }
0x35: {  	[sflag:s12] =	ssyncadd.s32 $0xFFFFC000;
	s19 =	smov.u32 s22;
	s20 =	sadd.s32 $0x200, s22  }
0x36: {  	[tilespmem:s15], [sflag:$0x1] =	stream.indirect.gather [hbm4b:s4+s14], $0x80, s21, s14, $0xb8;
	[tilespmem:$0x1CB80] =	vst v63  }
0x37: {  	p0 =	sne.s32 s22, $0x9C00;
	_ =	swait.ge [sflag:s16], $0x4000  }
0x38: {  	[sflag:s16] =	ssyncset.done $0x0  }
0x39: {  	[sflag:s16] =	ssyncadd.s32 $0xFFFFC000  }
0x3a: {  	v0 =	vld [tilespmem:s21+$0x2780];
	_ =	sdelay $0x4  }
0x3b: {  	[tilespmem:$0x4F00] =	vst v0  }
0x3c: {  	v0 =	vld [tilespmem:s21+$0x2790];
	_ =	sdelay $0x4  }
0x3d: {  	[tilespmem:$0x4F10] =	vst v0  }
0x3e: {  	v0 =	vld [tilespmem:s21+$0x27A0];
	_ =	sdelay $0x4  }
0x3f: {  	[tilespmem:$0x4F20] =	vst v0  }
0x40: {  	v0 =	vld [tilespmem:s21+$0x27B0];
	_ =	sdelay $0x4  }
0x41: {  	[tilespmem:$0x4F30] =	vst v0  }
0x42: {  	v0 =	vld [tilespmem:s21+$0x27C0];
	_ =	sdelay $0x4  }
0x43: {  	[tilespmem:$0x4F40] =	vst v0  }
0x44: {  	v0 =	vld [tilespmem:s21+$0x27D0];
	_ =	sdelay $0x4  }
0x45: {  	[tilespmem:$0x4F50] =	vst v0  }
0x46: {  	v0 =	vld [tilespmem:s21+$0x27E0];
	_ =	sdelay $0x4  }
0x47: {  	[tilespmem:$0x4F60] =	vst v0  }
0x48: {  	v0 =	vld [tilespmem:s21+$0x27F0];
	_ =	sdelay $0x3  }
.Ltmp0:
0x49: {  	(pc) =	sbr.rel @p0 .LBB2_2-.Ltmp0, $4  }
0x4a: {  	[tilespmem:$0x4F70] =	vst v0  }
0x4b: {  	[spmem:s2] =	stream.indirect.scatter.add.f32 [tilespmem:s15], [sflag:$0x2], $0x80, s17, s14, $0xb8;
	[tilespmem:$0x1CB80] =	vst v63  }
0x4c: {  	_ =	swait.ge [sflag:s12], $0x4000  }
0x4d: {  	s22 =	smov.u32 s20;
	[sflag:s12] =	ssyncset.done $0x0  }
0x4e: {  	s19 =	sshra.s32 s19, $0x2;
	[sflag:s12] =	ssyncadd.s32 $0xFFFFC000  }
0x4f: {  	[tilespmem:s15], [sflag:$0x1] =	stream.indirect.gather [hbm4b:s4+s14], $0x80, s19, s14, $0xb8;
	[tilespmem:$0x1CB80] =	vst v63  }
0x50: {  	_ =	swait.ge [sflag:s16], $0x4000  }
0x51: {  	[sflag:s16] =	ssyncset.done $0x0  }
0x52: {  	[sflag:s16] =	ssyncadd.s32 $0xFFFFC000  }
0x53: {  	v0 =	vld [tilespmem:s19+$0x2780];
	_ =	sdelay $0x4  }
0x54: {  	[tilespmem:$0x4F00] =	vst v0  }
0x55: {  	v0 =	vld [tilespmem:s19+$0x2790];
	_ =	sdelay $0x4  }
0x56: {  	[tilespmem:$0x4F10] =	vst v0  }
0x57: {  	v0 =	vld [tilespmem:s19+$0x27A0];
	_ =	sdelay $0x4  }
0x58: {  	[tilespmem:$0x4F20] =	vst v0  }
0x59: {  	v0 =	vld [tilespmem:s19+$0x27B0];
	_ =	sdelay $0x4  }
0x5a: {  	[tilespmem:$0x4F30] =	vst v0  }
0x5b: {  	v0 =	vld [tilespmem:s19+$0x27C0];
	_ =	sdelay $0x4  }
0x5c: {  	[tilespmem:$0x4F40] =	vst v0  }
0x5d: {  	v0 =	vld [tilespmem:s19+$0x27D0];
	_ =	sdelay $0x4  }
0x5e: {  	[tilespmem:$0x4F50] =	vst v0  }
0x5f: {  	v0 =	vld [tilespmem:s19+$0x27E0];
	_ =	sdelay $0x4  }
0x60: {  	[tilespmem:$0x4F60] =	vst v0  }
0x61: {  	v0 =	vld [tilespmem:s19+$0x27F0];
	_ =	sdelay $0x4  }
0x62: {  	[tilespmem:$0x4F70] =	vst v0  }
0x63: {  	[spmem:s2] =	stream.indirect.scatter.add.f32 [tilespmem:s15], [sflag:$0x2], $0x80, s17, s14, $0xb8;
	[tilespmem:$0x1CB80] =	vst v63  }
0x64: {  	_ =	swait.ge [sflag:s12], $0x4000  }
0x65: {  	s18 =	sadd.s32 $0x1, s18;
	[sflag:s12] =	ssyncset.done $0x0  }
0x66: {  	p0 =	sne.s32 s18, s10;
	[sflag:s12] =	ssyncadd.s32 $0xFFFFC000  }
.Ltmp1:
0x67: {  	[bflag:$0x0] =	sbarrier.arrive $0xFFFF;
	(pc) =	sbr.rel @p0 .LBB2_1-.Ltmp1, $4  }
0x68: {  	[hbm:s9], [sflag:s6] =	dma.local [spmem:s11], $0x2780  }
0x69: {  	_ =	swait.ge [sflag:s12], $0x2780  }
0x6a: {  	[sflag:s12] =	ssyncset.done $0x0  }
0x6b: {  	[sflag:s12] =	ssyncadd.s32 $0xFFFFD880  }
0x6c: {  	_ =	sfence.sel $0x180000  }
0x6d: {  	[bflag:$0x0] =	sbarrier.arrive $0xFFFF  }
0x6e: {  	p0 =	sne.s32 s0, $0x0;
	_ =	strace $0x90000050  }
0x6f: {  	s0 =	sadd.s32 @!p0 $0x100000, s1;
	[bflag:$0x2] =	sbarrier.arrive $0xFFFF  }
0x70: {  	[sflag:s0] =	ssyncadd.tile.s32 @!p0 $0x1;
	_ =	shalt  }
.Lfunc_end2:
_tile_overlayer_lowered:
.L_overlay_start_2:
0x71: {  	(tag) =	ssettag $0x2  }
0x72: {  	s0 =	rddreg [dreg:$0x0];
	s2 =	stileid.u32  }
0x73: {  	s1 =	rddreg [dreg:$0x1];
	p0 =	sne.s32 s2, $0x0  }
0x74: {  	s3 =	rddreg [dreg:$0x2];
	[bflag:$0x3] =	sbarrier.arrive $0xFFFF;
	s2 =	simm.s32 @!p0 $0x1C02  }
0x75: {  	[timem:s3], [sflag:s2] =	dma.local @!p0 [hbm:s0], s1  }
0x76: {  	s0 =	simm.s32 @!p0 $0x2  }
0x77: {  	_ =	swait.ge @!p0 [sflag:s0], s1  }
0x78: {  	s1 =	ssub.s32 @!p0 $0x0, s1;
	[sflag:s0] =	ssyncset.done @!p0 $0x0  }
0x79: {  	[sflag:s0] =	ssyncadd.s32 @!p0 s1  }
0x7a: {  	[bflag:$0x3] =	sbarrier.arrive $0xFFFF  }
0x7b: {  	_ =	shalt  }

// kernel: kernel.26.cloned.1.call-start
scs
__scs_entry_jumppad:
0x0: {  	(pc) =	sbr.rel $0x88, $3  }
0x1: {  	(tag) =	ssettag $0x0;
	lr =	simm.s32 $0x1  }
0x2: {  	[smem:$0x3F9E] =	sst lr;
	_ =	strace $0xD0000000  }
0x3: {  	_ = 	snop  }
0x4: {  	_ = 	snop  }
0x5: {  	_ = 	snop  }
0x6: {  	_ = 	snop  }
0x7: {  	_ = 	snop  }
__scs_overlays_trampoline_lowered:
0x8: {  	[smem:$0x3FAD] =	sst s0  }
0x9: {  	[smem:$0x3FAE] =	sst s1  }
0xa: {  	[smem:$0x3FAF] =	sst s2  }
0xb: {  	[smem:$0x3FB0] =	sst s3  }
0xc: {  	[smem:$0x3FB1] =	sst s4  }
0xd: {  	[smem:$0x3FB2] =	sst s5  }
0xe: {  	[smem:$0x3FB3] =	sst s6  }
0xf: {  	[smem:$0x3FB4] =	sst s7  }
0x10: {  	[smem:$0x3FB5] =	sst s8  }
0x11: {  	[smem:$0x3FB6] =	sst s9;
	s0 =	simm.s32 @!p0 $0x0  }
0x12: {  	s1 =	sld [smem:$0x3F9C];
	s0 =	simm.s32 @p0 $0x1  }
0x13: {  	[smem:$0x3FB7] =	sst s0;
	s0 =	simm.s32 @!p1 $0x0  }
0x14: {  	s2 =	sld [smem:$0x3F9B];
	s0 =	simm.s32 @p1 $0x1  }
0x15: {  	[smem:$0x3FB8] =	sst s0;
	s0 =	simm.s32 @!p2 $0x0  }
0x16: {  	s3 =	sld [smem:$0x3FDB];
	s0 =	simm.s32 @p2 $0x1  }
0x17: {  	s4 =	simm.s32 $0x1BF5;
	[smem:$0x3FBA] =	sst s0  }
0x18: {  	s0 =	sld [smem:$0x3F9D];
	_ =	swait.ge [sflag:s4], $0x0  }
0x19: {  	s7 =	sld [smem:$0x3F9E]  }
0x1a: {  	s8 =	sadd.s32 $0xFFFFE003, lr  }
0x1b: {  	s9 =	sadd.s32 $0xFFFFFEF7, lr;
	s5 =	simm.s32 $0xFFFFFFFF;
	p2 =	slt.u32 s8, $0xFFFFF086  }
0x1c: {  	p1 =	slt.u32 s9, $0xF7A;
	s5 =	simm.s32 @!p2 $0x0  }
0x1d: {  	s5 =	simm.s32 @p1 $0x1;
	p0 =	seq.s32 s7, s2  }
0x1e: {  	s7 =	smul.u32 @!p0 $0xF7A, s2;
	p2 =	seq.s32 @!p0 s5, $0x0  }
0x1f: {  	s9 =	smul.u32 $0xF7A, s1;
	s8 =	simm.s32 @!p0 $0x1BF5;
	p2 =	por !p2, p0  }
0x20: {  	[sflag:s8] =	ssyncset.s32 @!p0 $0xFFFFF086;
	s6 =	sadd.s32 @!p0 s3, s7;
	s7 =	simm.s32 @!p0 $0x108  }
0x21: {  	s3 =	sadd.s32 s3, s9;
	s6 =	sadd.s32 @!p0 $0x88, s6;
	s7 =	simm.s32 @p2 $0x1082  }
0x22: {  	[simem:s7], [sflag:s8] =	dma.local @!p0 [hbm:s6], $0xF7A  }
0x23: {  	s9 =	sor.u32 $0xD0000000, s2;
	s6 =	simm.s32 $0x108;
	_ =	swait.ge @!p0 [sflag:s8], $0x0  }
0x24: {  	s3 =	sadd.s32 $0x88, s3;
	s6 =	simm.s32 @!p1 $0x1082;
	[sflag:s4] =	ssyncset.s32 $0xFFFFF086  }
0x25: {  	[simem:s6], [sflag:s4] =	dma.local [hbm:s3], $0xF7A  }
0x26: {  	[smem:$0x3F9E] =	sst s1;
	(tag) =	ssettag s2;
	_ =	strace s9  }
0x27: {  	s1 =	sld [smem:$0x3FAE]  }
0x28: {  	s2 =	sld [smem:$0x3FAF]  }
0x29: {  	s4 =	sld [smem:$0x3FB1]  }
0x2a: {  	p0 =	seq.s32 s5, $0x0;
	s5 =	sld [smem:$0x3FB2]  }
0x2b: {  	s6 =	sld [smem:$0x3FB3]  }
0x2c: {  	s7 =	sld [smem:$0x3FB4]  }
0x2d: {  	s3 =	simm.s32 $0x108;
	s8 =	sld [smem:$0x3FB5]  }
0x2e: {  	s3 =	simm.s32 @!p0 $0x1082;
	s9 =	sld [smem:$0x3FB6]  }
0x2f: {  	lr =	sadd.s32 s0, s3;
	s0 =	sld [smem:$0x3FAD]  }
0x30: {  	s3 =	sld [smem:$0x3FB0]  }
0x31: {  	[smem:$0x3FB9] =	sst s10  }
0x32: {  	s10 =	sld [smem:$0x3FB7];
	_ =	sdelay $0x3  }
0x33: {  	p0 =	seq.s32 s10, $0x1;
	s10 =	sld [smem:$0x3FB9];
	_ =	sdelay $0x3  }
0x34: {  	[smem:$0x3FB9] =	sst s10  }
0x35: {  	s10 =	sld [smem:$0x3FB8];
	_ =	sdelay $0x3  }
0x36: {  	p1 =	seq.s32 s10, $0x1;
	s10 =	sld [smem:$0x3FB9];
	_ =	sdelay $0x3  }
0x37: {  	[smem:$0x3FB9] =	sst s10  }
0x38: {  	s10 =	sld [smem:$0x3FBA]  }
0x39: {  	_ = 	snop;
	(pc) =	sbr.ind lr, $3  }
0x3a: {  	_ = 	snop  }
0x3b: {  	_ = 	snop  }
0x3c: {  	p2 =	seq.s32 s10, $0x1;
	s10 =	sld [smem:$0x3FB9]  }
0x3d: {  	_ =	shalt  }
0x3e: {  	_ =	shalt  }
0x3f: {  	_ =	shalt  }
0x40: {  	_ =	shalt  }
0x41: {  	_ =	shalt  }
0x42: {  	_ =	shalt  }
0x43: {  	_ =	shalt  }
0x44: {  	_ =	shalt  }
0x45: {  	_ =	shalt  }
0x46: {  	_ =	shalt  }
0x47: {  	_ =	shalt  }
0x48: {  	_ =	shalt  }
0x49: {  	_ =	shalt  }
0x4a: {  	_ =	shalt  }
0x4b: {  	_ =	shalt  }
0x4c: {  	_ =	shalt  }
0x4d: {  	_ =	shalt  }
0x4e: {  	_ =	shalt  }
0x4f: {  	_ =	shalt  }
0x50: {  	_ =	shalt  }
0x51: {  	_ =	shalt  }
0x52: {  	_ =	shalt  }
0x53: {  	_ =	shalt  }
0x54: {  	_ =	shalt  }
0x55: {  	_ =	shalt  }
0x56: {  	_ =	shalt  }
0x57: {  	_ =	shalt  }
0x58: {  	_ =	shalt  }
0x59: {  	_ =	shalt  }
0x5a: {  	_ =	shalt  }
0x5b: {  	_ =	shalt  }
0x5c: {  	_ =	shalt  }
0x5d: {  	_ =	shalt  }
0x5e: {  	_ =	shalt  }
0x5f: {  	_ =	shalt  }
0x60: {  	_ =	shalt  }
0x61: {  	_ =	shalt  }
0x62: {  	_ =	shalt  }
0x63: {  	_ =	shalt  }
0x64: {  	_ =	shalt  }
0x65: {  	_ =	shalt  }
0x66: {  	_ =	shalt  }
0x67: {  	_ =	shalt  }
0x68: {  	_ =	shalt  }
0x69: {  	_ =	shalt  }
0x6a: {  	_ =	shalt  }
0x6b: {  	_ =	shalt  }
0x6c: {  	_ =	shalt  }
0x6d: {  	_ =	shalt  }
0x6e: {  	_ =	shalt  }
0x6f: {  	_ =	shalt  }
0x70: {  	_ =	shalt  }
0x71: {  	_ =	shalt  }
0x72: {  	_ =	shalt  }
0x73: {  	_ =	shalt  }
0x74: {  	_ =	shalt  }
0x75: {  	_ =	shalt  }
0x76: {  	_ =	shalt  }
0x77: {  	_ =	shalt  }
0x78: {  	_ =	shalt  }
0x79: {  	_ =	shalt  }
0x7a: {  	_ =	shalt  }
0x7b: {  	_ =	shalt  }
0x7c: {  	_ =	shalt  }
0x7d: {  	_ =	shalt  }
0x7e: {  	_ =	shalt  }
0x7f: {  	_ =	shalt  }
0x80: {  	_ =	shalt  }
0x81: {  	_ =	shalt  }
0x82: {  	_ =	shalt  }
0x83: {  	_ =	shalt  }
0x84: {  	_ =	shalt  }
0x85: {  	_ =	shalt  }
0x86: {  	_ =	shalt  }
0x87: {  	_ =	shalt  }
.Lfunc_end0:
.L_simem_size_0:
called_computation.4_lowered:
.L_overlay_start_0:
0x88: {  	s2 =	sld [smem:$0x3FD9]  }
0x89: {  	s3 =	sld [smem:$0x3FFE];
	_ =	sdelay $0x1  }
0x8a: {  	s1 =	srdreg.scid  }
0x8b: {  	s0 =	sand.u32 $0x1, s1  }
0x8c: {  	s16 =	sshll.u32 s0, $0xA;
	s2 =	sadd.s32 s3, s2  }
0x8d: {  	s2 =	sadd.s32 s2, s16  }
0x8e: {  	[smem:$0x3FC5] =	sst s2  }
0x8f: {  	_ = 	snop  }
0x90: {  	(tm) =	ssettm $0x1  }
0x91: {  	s17 =	sld [smem:$0x3FFB];
	_ =	sdelay $0x3  }
0x92: {  	_ =	strace s17  }
0x93: {  	s2 =	sld [smem:$0x3FFC];
	_ =	sdelay $0x3  }
0x94: {  	_ =	strace s2  }
0x95: {  	s2 =	sld [smem:$0x3FFD];
	_ =	sdelay $0x3  }
0x96: {  	_ =	strace s2  }
0x97: {  	_ =	strace $0x8FFFFFFF  }
0x98: {  	s18 =	sld [smem:$0x3FDB];
	_ =	sdelay $0x1  }
0x99: {  	s19 =	simm.s32 $_scs_section_size  }
0x9a: {  	s4 =	simm.s32 $_size__tile_overlayer_lowered;
	s5 =	simm.s32 $_tile_overlayer_lowered  }
0x9b: {  	s22 =	simm.s32 $0x1BFF;
	s21 =	sshll.u32 s5, $0x1;
	s2 =	sadd.s32 s19, s18  }
0x9c: {  	s6 =	simm.s32 $0x0;
	s20 =	sshll.u32 s4, $0x1;
	s4 =	sadd.s32 s21, s2  }
0x9d: {  	[timem:s6], [sflag:s22] =	dma.local [hbm:s4], s20  }
0x9e: {  	_ =	swait.ge [sflag:s22], s20  }
0x9f: {  	s3 =	ssub.s32 $0x0, s20;
	[sflag:s22] =	ssyncset.done $0x0  }
0xa0: {  	[sflag:s22] =	ssyncadd.s32 s3;
	_ =	sdelay $0x1  }
0xa1: {  	s23 =	simm.s32 $0x1B8B  }
0xa2: {  	_ =	swait.ge [sflag:s23], $0x1  }
0xa3: {  	[sflag:s23] =	ssyncset.done $0x0  }
0xa4: {  	s25 =	simm.s32 $0x1B8E;
	s24 =	sld [smem:$0x3FFE];
	[sflag:s23] =	ssyncadd.s32 $0xFFFFFFFF  }
0xa5: {  	s26 =	simm.s32 $execute0_lowered;
	[smem:$0x3FD2] =	sst s25  }
0xa6: {  	s4 =	sshll.u32 s26, $0x1;
	_ =	strace $0x80000052;
	[dreg:$0x1] =	wrdreg $0xFFFFFFFF  }
0xa7: {  	s28 =	simm.s32 $_size_execute0_lowered;
	s2 =	sadd.s32 s2, s4;
	[dreg:$0x0] =	wrdreg $0x0  }
0xa8: {  	s4 =	sshll.u32 s28, $0x1;
	[dreg:$0x2] =	wrdreg s2  }
0xa9: {  	[dreg:$0x3] =	wrdreg s4  }
0xaa: {  	[dreg:$0x4] =	wrdreg $0xC0  }
0xab: {  	_ =	task [dreg:s6], $0x5FFFF  }
0xac: {  	[dreg:$0x1] =	wrdreg $0xFFFFFFFF  }
0xad: {  	[dreg:$0x0] =	wrdreg $0x60  }
0xae: {  	[dreg:$0x2] =	wrdreg s24  }
0xaf: {  	[dreg:$0x3] =	wrdreg $0xB8000  }
0xb0: {  	[dreg:$0x4] =	wrdreg $0x9  }
0xb1: {  	_ =	task.clear_ibuf [dreg:s6], $0x5FFFF;
	_ =	strace $0x90000052  }
0xb2: {  	s29 =	simm.s32 $0x9;
	_ =	strace $0x80000054  }
0xb3: {  	_ =	swait.ge [sflag:s29], $0x1  }
0xb4: {  	[sflag:s29] =	ssyncadd.s32 $0xFFFFFFFF  }
0xb5: {  	_ =	strace $0x90000054  }
0xb6: {  	_ =	sfence  }
0xb7: {  	s30 =	sld [smem:$0x0];
	_ =	sdelay $0x2  }
0xb8: {  	s31 =	sshll.u32 s1, $0xD;
	s1 =	sshrl.u32 s1, $0x2  }
0xb9: {  	s3 =	sand.u32 $0x4000, s31;
	s1 =	sadd.s32 s1, s30  }
0xba: {  	s0 =	sor.u32 s3, s0;
	s1 =	sshll.u32 s1, $0x11  }
0xbb: {  	s0 =	sor.u32 s1, s0  }
0xbc: {  	s0 =	sadd.s32 $0x8F2B, s0  }
0xbd: {  	[sflag:s0] =	ssyncadd.remote.s32 $0x1  }
0xbe: {  	_ =	sfence.sel $0xFFFF  }
0xbf: {  	[dreg:$0x0] =	wrdreg $0xFFFFFFFF;
	(pc) =	sbr.abs _section_cstart, $3  }
0xc0: {  	[dreg:$0x1] =	wrdreg $0xFFFFFFFF  }
0xc1: {  	_ =	task.clear_ibuf [dreg:s6], $0x2FFFF;
	_ =	strace $0x9FFFFFFF  }
0xc2: {  	(tm) =	ssettm $0x7FFFFFFF  }
0xc3: {  	_ =	shalt  }
tec
execute0_lowered:
.L_overlay_start_1:
0x0: {  	(tag) =	ssettag $0x1  }
0x1: {  	s0 =	rddreg [dreg:$0x0]  }
0x2: {  	s2 =	rddreg [dreg:$0x1]  }
0x3: {  	s3 =	simm.s32 $0x0;
	s10 =	stileid.u32;
	s4 =	srdreg.scid  }
0x4: {  	s14 =	simm.s32 $0x2;
	s15 =	simm.s32 $0x7800;
	s16 =	simm.s32 $0x80  }
0x5: {  	s17 =	simm.s32 $0x4F00;
	s18 =	simm.s32 $0x1;
	s19 =	simm.s32 $0x4F80  }
0x6: {  	s20 =	simm.s32 $0x5000;
	s22 =	simm.s32 $0x0;
	[smem:$0x7FF] =	sst s3  }
0x7: {  	s1 =	smul.u32 $0x13C00, s10;
	s6 =	sand.u32 $0x1, s4;
	s8 =	sshll.u32 s10, $0x1  }
0x8: {  	s4 =	sadd.s32 $0x15A00, s0;
	s28 =	smul.u32 $0x4F000, s10;
	s31 =	sshll.u32 s10, $0x6  }
0x9: {  	_ =	strace $0x80000053;
	s7 =	smul.u32 $0x13C000, s6;
	s8 =	sor.u32 s6, s8  }
0xa: {  	s6 =	ssub.s32 $0x2, s6;
	s5 =	sshrl.u32 s1, $0x3;
	s26 =	smul.u32 $0x4F0, s8  }
0xb: {  	s29 =	sshrl.u32 s6, $0x1;
	s30 =	sshrl.u32 s28, $0x2;
	s9 =	sadd.s32 s5, s0  }
0xc: {  	s5 =	sadd.s32 $0x16000, s0;
	s1 =	sadd.s32 s1, s7;
	s12 =	ssub.s32 s6, s29  }
0xd: {  	s13 =	sadd.s32 s30, s2;
	s7 =	sor.u32 $0x1C02, s31;
	s1 =	sshrl.u32 s1, $0x3  }
0xe: {  	s6 =	sadd.s32 $0x16800, s9;
	s1 =	sadd.s32 s1, s0;
	s0 =	sadd.s32 s26, s0  }
0xf: {  	v0 =	vlaneseq.u32;
	s12 =	smax.u32 s12, $0x1;
	s13 =	sshrl.u32 s13, $0x3;
	s8 =	sadd.s32 $0xBC00, s0  }
0x10: {  	v0 =	vor.u32 $0x2710, v0;
	s9 =	sadd.s32 $0x1E00, s0;
	s10 =	sadd.s32 $0x3E000, s1;
	s11 =	sadd.s32 $0x8D000, s0  }
.LBB2_1:
0x11: {  	[spmem:s13], [sflag:s7] =	dma.local [hbm:s6], $0x2780  }
0x12: {  	_ =	swait.ge [sflag:s14], $0x2780  }
0x13: {  	[sflag:s14] =	ssyncset.done $0x0  }
0x14: {  	[sflag:s14] =	ssyncadd.s32 $0xFFFFD880  }
0x15: {  	[tilespmem:s3], [sflag:$0x2] =	stream.linear.gather [hbm4b:s8+s3], $0x2780, $0x38;
	[tilespmem:$0x1F400] =	vst v63  }
0x16: {  	_ =	swait.ge [sflag:s14], $0x2780  }
0x17: {  	[sflag:s14] =	ssyncset.done $0x0  }
0x18: {  	s23 =	simm.s32 $0x2780;
	[sflag:s14] =	ssyncadd.s32 $0xFFFFD880  }
0x19: {  	[tilespmem:s23], [sflag:$0x2] =	stream.linear.gather [hbm4b:s9+s3], $0x2780, $0x38;
	[tilespmem:$0x1F400] =	vst v63  }
0x1a: {  	_ =	swait.ge [sflag:s14], $0x2780  }
0x1b: {  	[sflag:s14] =	ssyncset.done $0x0  }
0x1c: {  	[sflag:s14] =	ssyncadd.s32 $0xFFFFD880  }
0x1d: {  	[tilespmem:s15], [sflag:$0x2] =	stream.linear.gather [hbm4b:s5+s3], $0x4000, $0x38;
	[tilespmem:$0x1F400] =	vst v63  }
0x1e: {  	_ =	swait.ge [sflag:s14], $0x4000  }
0x1f: {  	[sflag:s14] =	ssyncset.done $0x0  }
0x20: {  	s24 =	simm.s32 $0x5080;
	s25 =	simm.s32 $0x0;
	[sflag:s14] =	ssyncadd.s32 $0xFFFFC000  }
0x21: {  	s26 =	simm.s32 $0x0;
	s28 =	simm.s32 $0x0;
	[bflag:$0x0] =	sbarrier.arrive $0xFFFF  }
.LBB2_2:
0x22: {  	s0 =	sshll.u32 s28, $0x7  }
0x23: {  	[tilespmem:s17], [sflag:$0x1] =	stream.indirect.gather [hbm4b:s4+s16], $0x1, s0, s16, $0xb8;
	[tilespmem:$0x1F400] =	vst v63  }
0x24: {  	_ =	swait.ge [sflag:s18], $0x80  }
0x25: {  	[sflag:s18] =	ssyncset.done $0x0  }
0x26: {  	v2 =	vmov s23;
	s0 =	sadd.s32 $0x2780, s0;
	[sflag:s18] =	ssyncadd.s32 $0xFFFFFF80  }
0x27: {  	[tilespmem:s19], [sflag:$0x1] =	stream.indirect.gather [hbm4b:s4+s16], $0x1, s0, s16, $0xb8;
	[tilespmem:$0x1F400] =	vst v63  }
0x28: {  	_ =	swait.ge [sflag:s18], $0x80  }
0x29: {  	v3 =	vmov s25;
	[sflag:s18] =	ssyncset.done $0x0  }
0x2a: {  	s21 =	simm.s32 $0x0;
	[sflag:s18] =	ssyncadd.s32 $0xFFFFFF80  }
0x2b: {  	s1 =	smulhi.u32 $0x24924925, s28;
	v4 =	vld.idx.msk [tilespmem:v2+s21+$0x0 ss:$0x1], $0xffff  }
0x2c: {  	v5 =	vld [tilespmem:s21+$0x4F80]  }
0x2d: {  	s29 =	ssub.s32 s28, s1;
	v6 =	vld [tilespmem:s21+$0x4F00]  }
0x2e: {  	s29 =	sshrl.u32 s29, $0x1;
	v7 =	vld.idx.msk [tilespmem:v3+s21+$0x0 ss:$0x1], $0xffff  }
0x2f: {  	s1 =	sadd.s32 s1, s29  }
0x30: {  	s1 =	sshrl.u32 s1, $0x2  }
0x31: {  	s1 =	smul.u32 $0x70, s1  }
0x32: {  	v1 =	vmov s24;
	vm0 =	vgt.s32 v6, $0x0;
	vm1 =	vgt.s32 v5, $0x0  }
0x33: {  	s1 =	ssub.s32 s26, s1;
	vm2 =	vne.s32 v7, v4;
	vm0 =	vmand vm0, vm1  }
0x34: {  	v5 =	vadd.s32 s1, v0;
	vm0 =	vmand vm0, vm2  }
0x35: {  	v6 =	vsel vm0, v7, v5  }
0x36: {  	v4 =	vsel vm0, v4, v5;
	[tilespmem:s21+$0x5000] =	vst v6  }
0x37: {  	s29 =	simm.s32 $0x10;
	[tilespmem:v1+s21+$0x0 ss:$0x1] =	vst.idx.msk $0xffff, v4  }
0x38: {  	s31 =	sadd.s32 $0x1, s28;
	v4 =	vld.idx.msk [tilespmem:v2+s29+$0x0 ss:$0x1], $0xffff  }
0x39: {  	s1 =	smulhi.u32 $0x24924925, s31;
	v5 =	vld.idx.msk [tilespmem:v3+s29+$0x0 ss:$0x1], $0xffff  }
0x3a: {  	s30 =	smov.u32 s26;
	s0 =	simm.s32 $0x80;
	v6 =	vld [tilespmem:s29+$0x4F80]  }
.LBB2_3:
0x3b: {  	p0 =	sne.s32 s0, $0x1C0;
	s21 =	ssub.s32 s31, s1;
	v7 =	vld [tilespmem:s29+$0x4F00]  }
0x3c: {  	s21 =	sshrl.u32 s21, $0x1  }
0x3d: {  	s1 =	sadd.s32 s1, s21  }
0x3e: {  	s1 =	sshrl.u32 s1, $0x2  }
0x3f: {  	s1 =	smul.u32 $0x70, s1  }
0x40: {  	s30 =	sadd.s32 $0x10, s30;
	vm1 =	vgt.s32 v6, $0x0;
	vm0 =	vgt.s32 v7, $0x0  }
0x41: {  	vm2 =	vne.s32 v5, v4;
	s1 =	ssub.s32 s30, s1;
	vm0 =	vmand vm0, vm1  }
0x42: {  	vm0 =	vmand vm0, vm2;
	v6 =	vadd.s32 s1, v0  }
0x43: {  	v5 =	vsel vm0, v5, v6  }
.Ltmp0:
0x44: {  	v4 =	vsel vm0, v4, v6;
	[tilespmem:s29+$0x5000] =	vst v5;
	(pc) =	sbr.rel @p0 .LBB2_3-.Ltmp0, $4  }
0x45: {  	[tilespmem:v1+s29+$0x0 ss:$0x1] =	vst.idx.msk $0xffff, v4;
	s29 =	sshra.s32 s0, $0x2  }
0x46: {  	s31 =	sadd.s32 $0x1, s31;
	v4 =	vld.idx.msk [tilespmem:v2+s29+$0x0 ss:$0x1], $0xffff  }
0x47: {  	s1 =	smulhi.u32 $0x24924925, s31;
	v5 =	vld.idx.msk [tilespmem:v3+s29+$0x0 ss:$0x1], $0xffff  }
0x48: {  	s0 =	sadd.s32 $0x40, s0;
	v6 =	vld [tilespmem:s29+$0x4F80]  }
0x49: {  	s0 =	ssub.s32 s31, s1;
	v2 =	vld [tilespmem:s29+$0x4F00]  }
0x4a: {  	s0 =	sshrl.u32 s0, $0x1  }
0x4b: {  	s0 =	sadd.s32 s1, s0  }
0x4c: {  	s0 =	sshrl.u32 s0, $0x2  }
0x4d: {  	s0 =	smul.u32 $0x70, s0  }
0x4e: {  	s31 =	sadd.s32 $0x10, s30;
	vm1 =	vgt.s32 v6, $0x0;
	vm0 =	vgt.s32 v2, $0x0  }
0x4f: {  	vm2 =	vne.s32 v5, v4;
	s0 =	ssub.s32 s31, s0;
	vm0 =	vmand vm0, vm1  }
0x50: {  	vm0 =	vmand vm0, vm2;
	v2 =	vadd.s32 s0, v0  }
0x51: {  	s28 =	sadd.s32 $0x1, s28;
	v3 =	vsel vm0, v5, v2  }
0x52: {  	p0 =	sne.s32 s28, $0x4F;
	v2 =	vsel vm0, v4, v2;
	[tilespmem:s29+$0x5000] =	vst v3  }
.Ltmp1:
0x53: {  	[tilespmem:v1+s29+$0x0 ss:$0x1] =	vst.idx.msk $0xffff, v2;
	(pc) =	sbr.rel @p0 .LBB2_2-.Ltmp1, $4  }
0x54: {  	[spmem:s2] =	stream.indirect.scatter.add.f32 [tilespmem:s15], [sflag:$0x2], $0x80, s20, s16, $0xb8;
	[tilespmem:$0x1F400] =	vst v63  }
0x55: {  	_ =	swait.ge [sflag:s14], $0x4000  }
0x56: {  	s26 =	sadd.s32 $0x10, s26;
	s25 =	sadd.s32 $0x80, s25;
	[sflag:s14] =	ssyncset.done $0x0  }
0x57: {  	s23 =	sadd.s32 $0x80, s23;
	s24 =	sadd.s32 $0x80, s24;
	[sflag:s14] =	ssyncadd.s32 $0xFFFFC000  }
0x58: {  	[bflag:$0x0] =	sbarrier.arrive $0xFFFF  }
0x59: {  	[hbm:s10], [sflag:s7] =	dma.local [spmem:s13], $0x2780  }
0x5a: {  	s22 =	sadd.s32 $0x1, s22;
	_ =	swait.ge [sflag:s14], $0x2780  }
0x5b: {  	p0 =	sne.s32 s22, s12;
	[sflag:s14] =	ssyncset.done $0x0  }
.Ltmp2:
0x5c: {  	s0 =	simm.s32 $0x5080;
	[sflag:s14] =	ssyncadd.s32 $0xFFFFD880;
	(pc) =	sbr.rel @p0 .LBB2_1-.Ltmp2, $4  }
0x5d: {  	[hbm4b:s11+s3] =	stream.linear.scatter [tilespmem:s0], [sflag:$0x2], $0x2780, $0x38;
	[tilespmem:$0x1F400] =	vst v63  }
0x5e: {  	_ =	swait.ge [sflag:s14], $0x2780  }
0x5f: {  	[sflag:s14] =	ssyncset.done $0x0  }
0x60: {  	[sflag:s14] =	ssyncadd.s32 $0xFFFFD880  }
0x61: {  	_ =	sfence.sel $0x180000  }
0x62: {  	[bflag:$0x0] =	sbarrier.arrive $0xFFFF  }
0x63: {  	_ =	strace $0x90000053  }
0x64: {  	s0 =	stileid.u32;
	[bflag:$0x2] =	sbarrier.arrive $0xFFFF  }
0x65: {  	p0 =	sne.s32 s0, $0x0;
	s0 =	rddreg [dreg:$0x2]  }
0x66: {  	s0 =	sadd.s32 @!p0 $0x100000, s0  }
0x67: {  	[sflag:s0] =	ssyncadd.tile.s32 @!p0 $0x1;
	_ =	shalt  }
.Lfunc_end2:
_tile_overlayer_lowered:
.L_overlay_start_2:
0x68: {  	(tag) =	ssettag $0x2  }
0x69: {  	s0 =	rddreg [dreg:$0x0];
	s2 =	stileid.u32  }
0x6a: {  	s1 =	rddreg [dreg:$0x1];
	p0 =	sne.s32 s2, $0x0  }
0x6b: {  	s3 =	rddreg [dreg:$0x2];
	[bflag:$0x3] =	sbarrier.arrive $0xFFFF;
	s2 =	simm.s32 @!p0 $0x1C02  }
0x6c: {  	[timem:s3], [sflag:s2] =	dma.local @!p0 [hbm:s0], s1  }
0x6d: {  	s0 =	simm.s32 @!p0 $0x2  }
0x6e: {  	_ =	swait.ge @!p0 [sflag:s0], s1  }
0x6f: {  	s1 =	ssub.s32 @!p0 $0x0, s1;
	[sflag:s0] =	ssyncset.done @!p0 $0x0  }
0x70: {  	[sflag:s0] =	ssyncadd.s32 @!p0 s1  }
0x71: {  	[bflag:$0x3] =	sbarrier.arrive $0xFFFF  }
0x72: {  	_ =	shalt  }

// kernel: kernel.29.cloned.1.call-start
scs
__scs_entry_jumppad:
0x0: {  	(pc) =	sbr.rel $0x88, $3  }
0x1: {  	(tag) =	ssettag $0x0;
	lr =	simm.s32 $0x1  }
0x2: {  	[smem:$0x3F9E] =	sst lr;
	_ =	strace $0xD0000000  }
0x3: {  	_ = 	snop  }
0x4: {  	_ = 	snop  }
0x5: {  	_ = 	snop  }
0x6: {  	_ = 	snop  }
0x7: {  	_ = 	snop  }
__scs_overlays_trampoline_lowered:
0x8: {  	[smem:$0x3FAD] =	sst s0  }
0x9: {  	[smem:$0x3FAE] =	sst s1  }
0xa: {  	[smem:$0x3FAF] =	sst s2  }
0xb: {  	[smem:$0x3FB0] =	sst s3  }
0xc: {  	[smem:$0x3FB1] =	sst s4  }
0xd: {  	[smem:$0x3FB2] =	sst s5  }
0xe: {  	[smem:$0x3FB3] =	sst s6  }
0xf: {  	[smem:$0x3FB4] =	sst s7  }
0x10: {  	[smem:$0x3FB5] =	sst s8  }
0x11: {  	[smem:$0x3FB6] =	sst s9;
	s0 =	simm.s32 @!p0 $0x0  }
0x12: {  	s1 =	sld [smem:$0x3F9C];
	s0 =	simm.s32 @p0 $0x1  }
0x13: {  	[smem:$0x3FB7] =	sst s0;
	s0 =	simm.s32 @!p1 $0x0  }
0x14: {  	s2 =	sld [smem:$0x3F9B];
	s0 =	simm.s32 @p1 $0x1  }
0x15: {  	[smem:$0x3FB8] =	sst s0;
	s0 =	simm.s32 @!p2 $0x0  }
0x16: {  	s3 =	sld [smem:$0x3FDB];
	s0 =	simm.s32 @p2 $0x1  }
0x17: {  	s4 =	simm.s32 $0x1BF5;
	[smem:$0x3FBA] =	sst s0  }
0x18: {  	s0 =	sld [smem:$0x3F9D];
	_ =	swait.ge [sflag:s4], $0x0  }
0x19: {  	s7 =	sld [smem:$0x3F9E]  }
0x1a: {  	s8 =	sadd.s32 $0xFFFFE003, lr  }
0x1b: {  	s9 =	sadd.s32 $0xFFFFFEF7, lr;
	s5 =	simm.s32 $0xFFFFFFFF;
	p2 =	slt.u32 s8, $0xFFFFF086  }
0x1c: {  	p1 =	slt.u32 s9, $0xF7A;
	s5 =	simm.s32 @!p2 $0x0  }
0x1d: {  	s5 =	simm.s32 @p1 $0x1;
	p0 =	seq.s32 s7, s2  }
0x1e: {  	s7 =	smul.u32 @!p0 $0xF7A, s2;
	p2 =	seq.s32 @!p0 s5, $0x0  }
0x1f: {  	s9 =	smul.u32 $0xF7A, s1;
	s8 =	simm.s32 @!p0 $0x1BF5;
	p2 =	por !p2, p0  }
0x20: {  	[sflag:s8] =	ssyncset.s32 @!p0 $0xFFFFF086;
	s6 =	sadd.s32 @!p0 s3, s7;
	s7 =	simm.s32 @!p0 $0x108  }
0x21: {  	s3 =	sadd.s32 s3, s9;
	s6 =	sadd.s32 @!p0 $0x88, s6;
	s7 =	simm.s32 @p2 $0x1082  }
0x22: {  	[simem:s7], [sflag:s8] =	dma.local @!p0 [hbm:s6], $0xF7A  }
0x23: {  	s9 =	sor.u32 $0xD0000000, s2;
	s6 =	simm.s32 $0x108;
	_ =	swait.ge @!p0 [sflag:s8], $0x0  }
0x24: {  	s3 =	sadd.s32 $0x88, s3;
	s6 =	simm.s32 @!p1 $0x1082;
	[sflag:s4] =	ssyncset.s32 $0xFFFFF086  }
0x25: {  	[simem:s6], [sflag:s4] =	dma.local [hbm:s3], $0xF7A  }
0x26: {  	[smem:$0x3F9E] =	sst s1;
	(tag) =	ssettag s2;
	_ =	strace s9  }
0x27: {  	s1 =	sld [smem:$0x3FAE]  }
0x28: {  	s2 =	sld [smem:$0x3FAF]  }
0x29: {  	s4 =	sld [smem:$0x3FB1]  }
0x2a: {  	p0 =	seq.s32 s5, $0x0;
	s5 =	sld [smem:$0x3FB2]  }
0x2b: {  	s6 =	sld [smem:$0x3FB3]  }
0x2c: {  	s7 =	sld [smem:$0x3FB4]  }
0x2d: {  	s3 =	simm.s32 $0x108;
	s8 =	sld [smem:$0x3FB5]  }
0x2e: {  	s3 =	simm.s32 @!p0 $0x1082;
	s9 =	sld [smem:$0x3FB6]  }
0x2f: {  	lr =	sadd.s32 s0, s3;
	s0 =	sld [smem:$0x3FAD]  }
0x30: {  	s3 =	sld [smem:$0x3FB0]  }
0x31: {  	[smem:$0x3FB9] =	sst s10  }
0x32: {  	s10 =	sld [smem:$0x3FB7];
	_ =	sdelay $0x3  }
0x33: {  	p0 =	seq.s32 s10, $0x1;
	s10 =	sld [smem:$0x3FB9];
	_ =	sdelay $0x3  }
0x34: {  	[smem:$0x3FB9] =	sst s10  }
0x35: {  	s10 =	sld [smem:$0x3FB8];
	_ =	sdelay $0x3  }
0x36: {  	p1 =	seq.s32 s10, $0x1;
	s10 =	sld [smem:$0x3FB9];
	_ =	sdelay $0x3  }
0x37: {  	[smem:$0x3FB9] =	sst s10  }
0x38: {  	s10 =	sld [smem:$0x3FBA]  }
0x39: {  	_ = 	snop;
	(pc) =	sbr.ind lr, $3  }
0x3a: {  	_ = 	snop  }
0x3b: {  	_ = 	snop  }
0x3c: {  	p2 =	seq.s32 s10, $0x1;
	s10 =	sld [smem:$0x3FB9]  }
0x3d: {  	_ =	shalt  }
0x3e: {  	_ =	shalt  }
0x3f: {  	_ =	shalt  }
0x40: {  	_ =	shalt  }
0x41: {  	_ =	shalt  }
0x42: {  	_ =	shalt  }
0x43: {  	_ =	shalt  }
0x44: {  	_ =	shalt  }
0x45: {  	_ =	shalt  }
0x46: {  	_ =	shalt  }
0x47: {  	_ =	shalt  }
0x48: {  	_ =	shalt  }
0x49: {  	_ =	shalt  }
0x4a: {  	_ =	shalt  }
0x4b: {  	_ =	shalt  }
0x4c: {  	_ =	shalt  }
0x4d: {  	_ =	shalt  }
0x4e: {  	_ =	shalt  }
0x4f: {  	_ =	shalt  }
0x50: {  	_ =	shalt  }
0x51: {  	_ =	shalt  }
0x52: {  	_ =	shalt  }
0x53: {  	_ =	shalt  }
0x54: {  	_ =	shalt  }
0x55: {  	_ =	shalt  }
0x56: {  	_ =	shalt  }
0x57: {  	_ =	shalt  }
0x58: {  	_ =	shalt  }
0x59: {  	_ =	shalt  }
0x5a: {  	_ =	shalt  }
0x5b: {  	_ =	shalt  }
0x5c: {  	_ =	shalt  }
0x5d: {  	_ =	shalt  }
0x5e: {  	_ =	shalt  }
0x5f: {  	_ =	shalt  }
0x60: {  	_ =	shalt  }
0x61: {  	_ =	shalt  }
0x62: {  	_ =	shalt  }
0x63: {  	_ =	shalt  }
0x64: {  	_ =	shalt  }
0x65: {  	_ =	shalt  }
0x66: {  	_ =	shalt  }
0x67: {  	_ =	shalt  }
0x68: {  	_ =	shalt  }
0x69: {  	_ =	shalt  }
0x6a: {  	_ =	shalt  }
0x6b: {  	_ =	shalt  }
0x6c: {  	_ =	shalt  }
0x6d: {  	_ =	shalt  }
0x6e: {  	_ =	shalt  }
0x6f: {  	_ =	shalt  }
0x70: {  	_ =	shalt  }
0x71: {  	_ =	shalt  }
0x72: {  	_ =	shalt  }
0x73: {  	_ =	shalt  }
0x74: {  	_ =	shalt  }
0x75: {  	_ =	shalt  }
0x76: {  	_ =	shalt  }
0x77: {  	_ =	shalt  }
0x78: {  	_ =	shalt  }
0x79: {  	_ =	shalt  }
0x7a: {  	_ =	shalt  }
0x7b: {  	_ =	shalt  }
0x7c: {  	_ =	shalt  }
0x7d: {  	_ =	shalt  }
0x7e: {  	_ =	shalt  }
0x7f: {  	_ =	shalt  }
0x80: {  	_ =	shalt  }
0x81: {  	_ =	shalt  }
0x82: {  	_ =	shalt  }
0x83: {  	_ =	shalt  }
0x84: {  	_ =	shalt  }
0x85: {  	_ =	shalt  }
0x86: {  	_ =	shalt  }
0x87: {  	_ =	shalt  }
.Lfunc_end0:
.L_simem_size_0:
called_computation.5_lowered:
.L_overlay_start_0:
0x88: {  	s2 =	sld [smem:$0x3FD9]  }
0x89: {  	s3 =	sld [smem:$0x3FFE];
	_ =	sdelay $0x1  }
0x8a: {  	s1 =	srdreg.scid  }
0x8b: {  	s0 =	sand.u32 $0x1, s1  }
0x8c: {  	s16 =	sshll.u32 s0, $0xA;
	s2 =	sadd.s32 s3, s2  }
0x8d: {  	s2 =	sadd.s32 s2, s16  }
0x8e: {  	[smem:$0x3FC5] =	sst s2  }
0x8f: {  	_ = 	snop  }
0x90: {  	(tm) =	ssettm $0x1  }
0x91: {  	s17 =	sld [smem:$0x3FFB];
	_ =	sdelay $0x3  }
0x92: {  	_ =	strace s17  }
0x93: {  	s2 =	sld [smem:$0x3FFC];
	_ =	sdelay $0x3  }
0x94: {  	_ =	strace s2  }
0x95: {  	s2 =	sld [smem:$0x3FFD];
	_ =	sdelay $0x3  }
0x96: {  	_ =	strace s2  }
0x97: {  	_ =	strace $0x8FFFFFFF  }
0x98: {  	s18 =	sld [smem:$0x3FDB];
	_ =	sdelay $0x1  }
0x99: {  	s19 =	simm.s32 $_scs_section_size  }
0x9a: {  	s4 =	simm.s32 $_size__tile_overlayer_lowered;
	s5 =	simm.s32 $_tile_overlayer_lowered  }
0x9b: {  	s22 =	simm.s32 $0x1BFF;
	s21 =	sshll.u32 s5, $0x1;
	s2 =	sadd.s32 s19, s18  }
0x9c: {  	s6 =	simm.s32 $0x0;
	s20 =	sshll.u32 s4, $0x1;
	s4 =	sadd.s32 s21, s2  }
0x9d: {  	[timem:s6], [sflag:s22] =	dma.local [hbm:s4], s20  }
0x9e: {  	_ =	swait.ge [sflag:s22], s20  }
0x9f: {  	s3 =	ssub.s32 $0x0, s20;
	[sflag:s22] =	ssyncset.done $0x0  }
0xa0: {  	[sflag:s22] =	ssyncadd.s32 s3;
	_ =	sdelay $0x1  }
0xa1: {  	s23 =	simm.s32 $0x1B8B  }
0xa2: {  	_ =	swait.ge [sflag:s23], $0x1  }
0xa3: {  	[sflag:s23] =	ssyncset.done $0x0  }
0xa4: {  	s25 =	simm.s32 $0x1B8E;
	s24 =	sld [smem:$0x3FFE];
	[sflag:s23] =	ssyncadd.s32 $0xFFFFFFFF  }
0xa5: {  	s26 =	simm.s32 $execute0_lowered;
	[smem:$0x3FD2] =	sst s25  }
0xa6: {  	s4 =	sshll.u32 s26, $0x1;
	_ =	strace $0x80000055;
	[dreg:$0x1] =	wrdreg $0xFFFFFFFF  }
0xa7: {  	s28 =	simm.s32 $_size_execute0_lowered;
	s2 =	sadd.s32 s2, s4;
	[dreg:$0x0] =	wrdreg $0x0  }
0xa8: {  	s4 =	sshll.u32 s28, $0x1;
	[dreg:$0x2] =	wrdreg s2  }
0xa9: {  	[dreg:$0x3] =	wrdreg s4  }
0xaa: {  	[dreg:$0x4] =	wrdreg $0xC0  }
0xab: {  	_ =	task [dreg:s6], $0x5FFFF  }
0xac: {  	[dreg:$0x1] =	wrdreg $0xFFFFFFFF  }
0xad: {  	[dreg:$0x0] =	wrdreg $0x60  }
0xae: {  	[dreg:$0x2] =	wrdreg s24  }
0xaf: {  	[dreg:$0x3] =	wrdreg $0x8F800  }
0xb0: {  	[dreg:$0x4] =	wrdreg $0x9  }
0xb1: {  	_ =	task.clear_ibuf [dreg:s6], $0x5FFFF;
	_ =	strace $0x90000055  }
0xb2: {  	s29 =	simm.s32 $0x9;
	_ =	strace $0x80000057  }
0xb3: {  	_ =	swait.ge [sflag:s29], $0x1  }
0xb4: {  	[sflag:s29] =	ssyncadd.s32 $0xFFFFFFFF  }
0xb5: {  	_ =	strace $0x90000057  }
0xb6: {  	_ =	sfence  }
0xb7: {  	s30 =	sld [smem:$0x0];
	_ =	sdelay $0x2  }
0xb8: {  	s31 =	sshll.u32 s1, $0xD;
	s1 =	sshrl.u32 s1, $0x2  }
0xb9: {  	s3 =	sand.u32 $0x4000, s31;
	s1 =	sadd.s32 s1, s30  }
0xba: {  	s0 =	sor.u32 s3, s0;
	s1 =	sshll.u32 s1, $0x11  }
0xbb: {  	s0 =	sor.u32 s1, s0  }
0xbc: {  	s0 =	sadd.s32 $0x8F2B, s0  }
0xbd: {  	[sflag:s0] =	ssyncadd.remote.s32 $0x1  }
0xbe: {  	_ =	sfence.sel $0xFFFF  }
0xbf: {  	[dreg:$0x0] =	wrdreg $0xFFFFFFFF;
	(pc) =	sbr.abs _section_cstart, $3  }
0xc0: {  	[dreg:$0x1] =	wrdreg $0xFFFFFFFF  }
0xc1: {  	_ =	task.clear_ibuf [dreg:s6], $0x2FFFF;
	_ =	strace $0x9FFFFFFF  }
0xc2: {  	(tm) =	ssettm $0x7FFFFFFF  }
0xc3: {  	_ =	shalt  }
tec
execute0_lowered:
.L_overlay_start_1:
0x0: {  	(tag) =	ssettag $0x1  }
0x1: {  	s1 =	srdreg.scid  }
0x2: {  	s0 =	stileid.u32;
	s6 =	rddreg [dreg:$0x0]  }
0x3: {  	s2 =	rddreg [dreg:$0x1];
	s3 =	simm.s32 $0x0;
	s14 =	simm.s32 $0x80  }
0x4: {  	s15 =	simm.s32 $0x4F80;
	s16 =	simm.s32 $0x1;
	s17 =	simm.s32 $0x4F00  }
0x5: {  	s18 =	simm.s32 $0x0;
	s5 =	sand.u32 $0x1, s1;
	s8 =	smul.u32 $0x13C00, s0  }
0x6: {  	s25 =	sshll.u32 s0, $0x1;
	[smem:$0x7FF] =	sst s3;
	s28 =	smul.u32 $0x4F000, s0  }
0x7: {  	s4 =	sadd.s32 $0x3E000, s6;
	s1 =	sor.u32 s5, s25;
	s9 =	smul.u32 $0x13C000, s5  }
0x8: {  	s31 =	sshll.u32 s0, $0x6;
	s5 =	ssub.s32 $0x2, s5;
	s7 =	smul.u32 $0x4F0, s1  }
0x9: {  	s1 =	rddreg [dreg:$0x2];
	_ =	strace $0x80000056;
	s26 =	sshrl.u32 s8, $0x3  }
0xa: {  	s29 =	sshrl.u32 s5, $0x1;
	s30 =	sshrl.u32 s28, $0x2;
	s8 =	sadd.s32 s8, s9  }
0xb: {  	s12 =	ssub.s32 s5, s29;
	s13 =	sadd.s32 s30, s2;
	s8 =	sshrl.u32 s8, $0x3  }
0xc: {  	s10 =	sadd.s32 s7, s6;
	s7 =	sadd.s32 s26, s6;
	s11 =	sadd.s32 s8, s6  }
0xd: {  	s5 =	sadd.s32 $0x16800, s7;
	s6 =	sor.u32 $0x1C02, s31;
	s7 =	sadd.s32 $0xBC00, s10  }
0xe: {  	s8 =	sadd.s32 $0x8D000, s10;
	s10 =	smax.u32 s12, $0x1;
	s12 =	simm.s32 $0x2  }
0xf: {  	s9 =	sadd.s32 $0x96E00, s11;
	s11 =	sshrl.u32 s13, $0x3;
	s13 =	simm.s32 $0x2780  }
.LBB2_1:
0x10: {  	[spmem:s11], [sflag:s6] =	dma.local [hbm:s5], $0x2780  }
0x11: {  	_ =	swait.ge [sflag:s12], $0x2780  }
0x12: {  	[sflag:s12] =	ssyncset.done $0x0  }
0x13: {  	[sflag:s12] =	ssyncadd.s32 $0xFFFFD880  }
0x14: {  	[tilespmem:s3], [sflag:$0x2] =	stream.linear.gather [hbm4b:s7+s3], $0x2780, $0x38;
	[tilespmem:$0x1CB80] =	vst v63  }
0x15: {  	_ =	swait.ge [sflag:s12], $0x2780  }
0x16: {  	[sflag:s12] =	ssyncset.done $0x0  }
0x17: {  	[sflag:s12] =	ssyncadd.s32 $0xFFFFD880  }
0x18: {  	[tilespmem:s13], [sflag:$0x2] =	stream.linear.gather [hbm4b:s8+s3], $0x2780, $0x38;
	[tilespmem:$0x1CB80] =	vst v63  }
0x19: {  	_ =	swait.ge [sflag:s12], $0x2780  }
0x1a: {  	[sflag:s12] =	ssyncset.done $0x0  }
0x1b: {  	[sflag:s12] =	ssyncadd.s32 $0xFFFFD880  }
0x1c: {  	s19 =	simm.s32 $0x0;
	[bflag:$0x0] =	sbarrier.arrive $0xFFFF  }
0x1d: {  	[tilespmem:s15], [sflag:$0x1] =	stream.indirect.gather [hbm4b:s4+s14], $0x80, s19, s14, $0xb8;
	[tilespmem:$0x1CB80] =	vst v63  }
0x1e: {  	_ =	swait.ge [sflag:s16], $0x4000  }
0x1f: {  	[sflag:s16] =	ssyncset.done $0x0  }
0x20: {  	[sflag:s16] =	ssyncadd.s32 $0xFFFFC000  }
0x21: {  	v0 =	vld [tilespmem:s19+$0x2780];
	_ =	sdelay $0x4  }
0x22: {  	[tilespmem:$0x4F00] =	vst v0  }
0x23: {  	v0 =	vld [tilespmem:s19+$0x2790];
	_ =	sdelay $0x4  }
0x24: {  	[tilespmem:$0x4F10] =	vst v0  }
0x25: {  	v0 =	vld [tilespmem:s19+$0x27A0];
	_ =	sdelay $0x4  }
0x26: {  	[tilespmem:$0x4F20] =	vst v0  }
0x27: {  	v0 =	vld [tilespmem:s19+$0x27B0];
	_ =	sdelay $0x4  }
0x28: {  	[tilespmem:$0x4F30] =	vst v0  }
0x29: {  	v0 =	vld [tilespmem:s19+$0x27C0];
	_ =	sdelay $0x4  }
0x2a: {  	[tilespmem:$0x4F40] =	vst v0  }
0x2b: {  	v0 =	vld [tilespmem:s19+$0x27D0];
	_ =	sdelay $0x4  }
0x2c: {  	[tilespmem:$0x4F50] =	vst v0  }
0x2d: {  	v0 =	vld [tilespmem:s19+$0x27E0];
	_ =	sdelay $0x4  }
0x2e: {  	[tilespmem:$0x4F60] =	vst v0  }
0x2f: {  	v0 =	vld [tilespmem:s19+$0x27F0];
	_ =	sdelay $0x4  }
0x30: {  	[tilespmem:$0x4F70] =	vst v0  }
0x31: {  	[spmem:s2] =	stream.indirect.scatter.add.f32 [tilespmem:s15], [sflag:$0x2], $0x80, s17, s14, $0xb8;
	[tilespmem:$0x1CB80] =	vst v63  }
0x32: {  	_ =	swait.ge [sflag:s12], $0x4000  }
0x33: {  	s22 =	simm.s32 $0x400;
	s19 =	simm.s32 $0x200;
	[sflag:s12] =	ssyncset.done $0x0  }
.LBB2_2:
0x34: {  	s21 =	sshra.s32 s19, $0x2  }
0x35: {  	[sflag:s12] =	ssyncadd.s32 $0xFFFFC000;
	s19 =	smov.u32 s22;
	s20 =	sadd.s32 $0x200, s22  }
0x36: {  	[tilespmem:s15], [sflag:$0x1] =	stream.indirect.gather [hbm4b:s4+s14], $0x80, s21, s14, $0xb8;
	[tilespmem:$0x1CB80] =	vst v63  }
0x37: {  	p0 =	sne.s32 s22, $0x9C00;
	_ =	swait.ge [sflag:s16], $0x4000  }
0x38: {  	[sflag:s16] =	ssyncset.done $0x0  }
0x39: {  	[sflag:s16] =	ssyncadd.s32 $0xFFFFC000  }
0x3a: {  	v0 =	vld [tilespmem:s21+$0x2780];
	_ =	sdelay $0x4  }
0x3b: {  	[tilespmem:$0x4F00] =	vst v0  }
0x3c: {  	v0 =	vld [tilespmem:s21+$0x2790];
	_ =	sdelay $0x4  }
0x3d: {  	[tilespmem:$0x4F10] =	vst v0  }
0x3e: {  	v0 =	vld [tilespmem:s21+$0x27A0];
	_ =	sdelay $0x4  }
0x3f: {  	[tilespmem:$0x4F20] =	vst v0  }
0x40: {  	v0 =	vld [tilespmem:s21+$0x27B0];
	_ =	sdelay $0x4  }
0x41: {  	[tilespmem:$0x4F30] =	vst v0  }
0x42: {  	v0 =	vld [tilespmem:s21+$0x27C0];
	_ =	sdelay $0x4  }
0x43: {  	[tilespmem:$0x4F40] =	vst v0  }
0x44: {  	v0 =	vld [tilespmem:s21+$0x27D0];
	_ =	sdelay $0x4  }
0x45: {  	[tilespmem:$0x4F50] =	vst v0  }
0x46: {  	v0 =	vld [tilespmem:s21+$0x27E0];
	_ =	sdelay $0x4  }
0x47: {  	[tilespmem:$0x4F60] =	vst v0  }
0x48: {  	v0 =	vld [tilespmem:s21+$0x27F0];
	_ =	sdelay $0x3  }
.Ltmp0:
0x49: {  	(pc) =	sbr.rel @p0 .LBB2_2-.Ltmp0, $4  }
0x4a: {  	[tilespmem:$0x4F70] =	vst v0  }
0x4b: {  	[spmem:s2] =	stream.indirect.scatter.add.f32 [tilespmem:s15], [sflag:$0x2], $0x80, s17, s14, $0xb8;
	[tilespmem:$0x1CB80] =	vst v63  }
0x4c: {  	_ =	swait.ge [sflag:s12], $0x4000  }
0x4d: {  	s22 =	smov.u32 s20;
	[sflag:s12] =	ssyncset.done $0x0  }
0x4e: {  	s19 =	sshra.s32 s19, $0x2;
	[sflag:s12] =	ssyncadd.s32 $0xFFFFC000  }
0x4f: {  	[tilespmem:s15], [sflag:$0x1] =	stream.indirect.gather [hbm4b:s4+s14], $0x80, s19, s14, $0xb8;
	[tilespmem:$0x1CB80] =	vst v63  }
0x50: {  	_ =	swait.ge [sflag:s16], $0x4000  }
0x51: {  	[sflag:s16] =	ssyncset.done $0x0  }
0x52: {  	[sflag:s16] =	ssyncadd.s32 $0xFFFFC000  }
0x53: {  	v0 =	vld [tilespmem:s19+$0x2780];
	_ =	sdelay $0x4  }
0x54: {  	[tilespmem:$0x4F00] =	vst v0  }
0x55: {  	v0 =	vld [tilespmem:s19+$0x2790];
	_ =	sdelay $0x4  }
0x56: {  	[tilespmem:$0x4F10] =	vst v0  }
0x57: {  	v0 =	vld [tilespmem:s19+$0x27A0];
	_ =	sdelay $0x4  }
0x58: {  	[tilespmem:$0x4F20] =	vst v0  }
0x59: {  	v0 =	vld [tilespmem:s19+$0x27B0];
	_ =	sdelay $0x4  }
0x5a: {  	[tilespmem:$0x4F30] =	vst v0  }
0x5b: {  	v0 =	vld [tilespmem:s19+$0x27C0];
	_ =	sdelay $0x4  }
0x5c: {  	[tilespmem:$0x4F40] =	vst v0  }
0x5d: {  	v0 =	vld [tilespmem:s19+$0x27D0];
	_ =	sdelay $0x4  }
0x5e: {  	[tilespmem:$0x4F50] =	vst v0  }
0x5f: {  	v0 =	vld [tilespmem:s19+$0x27E0];
	_ =	sdelay $0x4  }
0x60: {  	[tilespmem:$0x4F60] =	vst v0  }
0x61: {  	v0 =	vld [tilespmem:s19+$0x27F0];
	_ =	sdelay $0x4  }
0x62: {  	[tilespmem:$0x4F70] =	vst v0  }
0x63: {  	[spmem:s2] =	stream.indirect.scatter.add.f32 [tilespmem:s15], [sflag:$0x2], $0x80, s17, s14, $0xb8;
	[tilespmem:$0x1CB80] =	vst v63  }
0x64: {  	_ =	swait.ge [sflag:s12], $0x4000  }
0x65: {  	s18 =	sadd.s32 $0x1, s18;
	[sflag:s12] =	ssyncset.done $0x0  }
0x66: {  	p0 =	sne.s32 s18, s10;
	[sflag:s12] =	ssyncadd.s32 $0xFFFFC000  }
.Ltmp1:
0x67: {  	[bflag:$0x0] =	sbarrier.arrive $0xFFFF;
	(pc) =	sbr.rel @p0 .LBB2_1-.Ltmp1, $4  }
0x68: {  	[hbm:s9], [sflag:s6] =	dma.local [spmem:s11], $0x2780  }
0x69: {  	_ =	swait.ge [sflag:s12], $0x2780  }
0x6a: {  	[sflag:s12] =	ssyncset.done $0x0  }
0x6b: {  	[sflag:s12] =	ssyncadd.s32 $0xFFFFD880  }
0x6c: {  	_ =	sfence.sel $0x180000  }
0x6d: {  	[bflag:$0x0] =	sbarrier.arrive $0xFFFF  }
0x6e: {  	p0 =	sne.s32 s0, $0x0;
	_ =	strace $0x90000056  }
0x6f: {  	s0 =	sadd.s32 @!p0 $0x100000, s1;
	[bflag:$0x2] =	sbarrier.arrive $0xFFFF  }
0x70: {  	[sflag:s0] =	ssyncadd.tile.s32 @!p0 $0x1;
	_ =	shalt  }
.Lfunc_end2:
_tile_overlayer_lowered:
.L_overlay_start_2:
0x71: {  	(tag) =	ssettag $0x2  }
0x72: {  	s0 =	rddreg [dreg:$0x0];
	s2 =	stileid.u32  }
0x73: {  	s1 =	rddreg [dreg:$0x1];
	p0 =	sne.s32 s2, $0x0  }
0x74: {  	s3 =	rddreg [dreg:$0x2];
	[bflag:$0x3] =	sbarrier.arrive $0xFFFF;
	s2 =	simm.s32 @!p0 $0x1C02  }
0x75: {  	[timem:s3], [sflag:s2] =	dma.local @!p0 [hbm:s0], s1  }
0x76: {  	s0 =	simm.s32 @!p0 $0x2  }
0x77: {  	_ =	swait.ge @!p0 [sflag:s0], s1  }
0x78: {  	s1 =	ssub.s32 @!p0 $0x0, s1;
	[sflag:s0] =	ssyncset.done @!p0 $0x0  }
0x79: {  	[sflag:s0] =	ssyncadd.s32 @!p0 s1  }
0x7a: {  	[bflag:$0x3] =	sbarrier.arrive $0xFFFF  }
0x7b: {  	_ =	shalt  }

</sc_bundles>
